<compile_context>
chip_gen: v7x
topology: tpu7x:2x2x1
jax: 0.10.2.dev20260603
libtpu: 0.0.44.dev20260713+nightly
codegen_flags: <defaults>
</compile_context>

<pallas_src>
import functools

import jax
import jax.numpy as jnp
from jax import lax
from jax.experimental import pallas as pl
from jax.experimental.pallas import tpu as pltpu
from jax.experimental.pallas import tpu_sc as plsc

EMB = 128
EA = 16
ET = 16
N_NODES = 10000
N_EDGES = 320000

NC, NS, L = 2, 16, 16
NW = NC * NS
EDGES_PER_W = N_EDGES // NW
BLK = 80
NBLK = EDGES_PER_W // BLK
N_PAD = 10240
ROWS_PER_TILE = N_PAD // NS


def _p_matmul_body(h_ref, w_ref, o_ref):
    o_ref[...] = jnp.dot(h_ref[...], w_ref[...], preferred_element_type=jnp.float32)


def _e_matmul_body(ea_ref, et_ref, wa_ref, wt_ref, b_ref, o_ref):
    o_ref[...] = (
        jnp.dot(ea_ref[...], wa_ref[...], preferred_element_type=jnp.float32)
        + jnp.dot(et_ref[...], wt_ref[...], preferred_element_type=jnp.float32)
        + b_ref[...]
    )


def _finish_body(a0_ref, a1_ref, a2_ref, a3_ref, bc_ref, w_ref, bl_ref,
                 g_ref, be_ref, m_ref, o_ref):
    x = (a0_ref[0] + a0_ref[1] + a1_ref[0] + a1_ref[1]
         + a2_ref[0] + a2_ref[1] + a3_ref[0] + a3_ref[1] + bc_ref[...])
    y = jnp.dot(x, w_ref[...], preferred_element_type=jnp.float32) + bl_ref[...]
    mean = jnp.mean(y, axis=1, keepdims=True)
    var = jnp.mean((y - mean) ** 2, axis=1, keepdims=True)
    ln = (y - mean) / jnp.sqrt(var + 1e-5) * g_ref[...] + be_ref[...]
    act = jnp.maximum(ln, 0.0)
    o_ref[...] = act * m_ref[...] * (1.0 / 0.9)


def _make_sc_body(nblk):
  def _sc_body(p_hbm, e_hbm, idx_hbm, zeros_hbm, out_hbm,
               idx0, idx1, rows0, rows1, ev0, ev1, accum,
               isem0, isem1, gsem0, gsem1, esem0, esem1):
    c = lax.axis_index("c")
    s = lax.axis_index("s")
    wid = c * NS + s
    base = wid * (nblk * BLK)
    bbase = wid * nblk

    def issue_idx(k, idx_v, isem):
        pltpu.async_copy(idx_hbm.at[bbase + k], idx_v, isem)

    def wait_idx(idx_v, isem):
        pltpu.make_async_copy(idx_hbm.at[0], idx_v, isem).wait()

    def issue_data(k, idx_v, rows, ev, gsem, esem):
        off = pl.multiple_of(base + k * BLK, 8)
        pltpu.async_copy(p_hbm.at[idx_v.at[0]], rows, gsem)
        pltpu.async_copy(e_hbm.at[pl.ds(off, BLK)], ev, esem)

    def process(k, idx_v, rows, ev, isem, gsem, esem):
        pltpu.make_async_copy(p_hbm.at[idx_v.at[0]], rows, gsem).wait()
        pltpu.make_async_copy(e_hbm.at[pl.ds(0, BLK)], ev, esem).wait()

        @pl.loop(0, BLK)
        def _row(i):
            for j in range(EMB // L):
                sl = pl.ds(j * L, L)
                rows[i, sl] = jnp.maximum(rows[i, sl] + ev[i, sl], 0.0)

        pltpu.sync_copy(rows, accum.at[idx_v.at[1]], add=True)

        @pl.when(k + 2 < nblk)
        def _():
            issue_idx(k + 2, idx_v, isem)
            wait_idx(idx_v, isem)
            issue_data(k + 2, idx_v, rows, ev, gsem, esem)

    issue_idx(0, idx0, isem0)
    issue_idx(1, idx1, isem1)
    stripe = pl.ds(s * ROWS_PER_TILE, ROWS_PER_TILE)
    pltpu.sync_copy(zeros_hbm.at[stripe], accum.at[stripe])
    wait_idx(idx0, isem0)
    issue_data(0, idx0, rows0, ev0, gsem0, esem0)
    wait_idx(idx1, isem1)
    issue_data(1, idx1, rows1, ev1, gsem1, esem1)
    plsc.subcore_barrier()

    @pl.loop(0, nblk // 2)
    def _pair(j):
        process(2 * j, idx0, rows0, ev0, isem0, gsem0, esem0)
        process(2 * j + 1, idx1, rows1, ev1, isem1, gsem1, esem1)

    if nblk % 2:
        process(nblk - 1, idx0, rows0, ev0, isem0, gsem0, esem0)

    plsc.subcore_barrier()
    pltpu.sync_copy(accum.at[stripe], out_hbm.at[c, stripe])

  return _sc_body


def _make_sc_scatter(nblk):
  return functools.partial(
    pl.kernel,
    out_type=jax.ShapeDtypeStruct((NC, N_PAD, EMB), jnp.float32),
    mesh=plsc.VectorSubcoreMesh(
        core_axis_name="c", subcore_axis_name="s", num_cores=NC, num_subcores=NS
    ),
    scratch_types=[
        pltpu.VMEM((2, BLK), jnp.int32),
        pltpu.VMEM((2, BLK), jnp.int32),
        pltpu.VMEM((BLK, EMB), jnp.float32),
        pltpu.VMEM((BLK, EMB), jnp.float32),
        pltpu.VMEM((BLK, EMB), jnp.float32),
        pltpu.VMEM((BLK, EMB), jnp.float32),
        pltpu.VMEM_SHARED((N_PAD, EMB), jnp.float32),
        pltpu.SemaphoreType.DMA,
        pltpu.SemaphoreType.DMA,
        pltpu.SemaphoreType.DMA,
        pltpu.SemaphoreType.DMA,
        pltpu.SemaphoreType.DMA,
        pltpu.SemaphoreType.DMA,
    ],
)(_make_sc_body(nblk))


SPLITS = (31, 32, 31, 31)
assert sum(SPLITS) == NBLK


@functools.lru_cache(maxsize=None)
def _sc_scatters():
    return tuple(_make_sc_scatter(n) for n in SPLITS)


def kernel(hidden, edge_index, edge_attr, edge_time_emb, boundary_condition,
           W_msg, b_msg, W_lin, b_lin, gamma, beta):
    f32 = jnp.float32
    idx_pairs = edge_index.astype(jnp.int32).reshape(2, NW * NBLK, BLK).transpose(1, 0, 2)
    W_h = W_msg[:EMB]
    W_a = W_msg[EMB:EMB + EA]
    W_t = W_msg[EMB + EA:]

    p_rows = 2000
    P = pl.pallas_call(
        _p_matmul_body,
        grid=(N_NODES // p_rows,),
        in_specs=[
            pl.BlockSpec((p_rows, EMB), lambda i: (i, 0)),
            pl.BlockSpec((EMB, EMB), lambda i: (0, 0)),
        ],
        out_specs=pl.BlockSpec((p_rows, EMB), lambda i: (i, 0)),
        out_shape=jax.ShapeDtypeStruct((N_NODES, EMB), f32),
    )(hidden, W_h)

    def _eterm(ea, et, n):
        e_rows = n // 10
        return pl.pallas_call(
            _e_matmul_body,
            grid=(n // e_rows,),
            in_specs=[
                pl.BlockSpec((e_rows, EA), lambda i: (i, 0)),
                pl.BlockSpec((e_rows, ET), lambda i: (i, 0)),
                pl.BlockSpec((EA, EMB), lambda i: (0, 0)),
                pl.BlockSpec((ET, EMB), lambda i: (0, 0)),
                pl.BlockSpec((1, EMB), lambda i: (0, 0)),
            ],
            out_specs=pl.BlockSpec((e_rows, EMB), lambda i: (i, 0)),
            out_shape=jax.ShapeDtypeStruct((n, EMB), f32),
        )(ea, et, W_a, W_t, b_msg.reshape(1, EMB))

    zeros = jnp.zeros((N_PAD, EMB), f32)
    accs = []
    e0 = 0
    for spl, scat in zip(SPLITS, _sc_scatters()):
        n_e = spl * BLK * NW
        et = _eterm(edge_attr[e0:e0 + n_e], edge_time_emb[e0:e0 + n_e], n_e)
        b0 = e0 // BLK
        accs.append(scat(P, et, idx_pairs[b0:b0 + n_e // BLK], zeros))
        e0 += n_e

    keep = jax.random.bernoulli(jax.random.key(42), 0.9, (N_NODES, EMB)).astype(f32)

    o_rows = 2000
    out = pl.pallas_call(
        _finish_body,
        grid=(N_NODES // o_rows,),
        in_specs=[
            pl.BlockSpec((NC, o_rows, EMB), lambda i: (0, i, 0)),
            pl.BlockSpec((NC, o_rows, EMB), lambda i: (0, i, 0)),
            pl.BlockSpec((NC, o_rows, EMB), lambda i: (0, i, 0)),
            pl.BlockSpec((NC, o_rows, EMB), lambda i: (0, i, 0)),
            pl.BlockSpec((o_rows, EMB), lambda i: (i, 0)),
            pl.BlockSpec((EMB, EMB), lambda i: (0, 0)),
            pl.BlockSpec((1, EMB), lambda i: (0, 0)),
            pl.BlockSpec((1, EMB), lambda i: (0, 0)),
            pl.BlockSpec((1, EMB), lambda i: (0, 0)),
            pl.BlockSpec((o_rows, EMB), lambda i: (i, 0)),
        ],
        out_specs=pl.BlockSpec((o_rows, EMB), lambda i: (i, 0)),
        out_shape=jax.ShapeDtypeStruct((N_NODES, EMB), f32),
    )(*accs, boundary_condition, W_lin, b_lin.reshape(1, EMB),
      gamma.reshape(1, EMB), beta.reshape(1, EMB), keep)
    return out

# --- scband reference (transcript-rebuilt; emitter-appended) ---
"""Pipeline reference for scband-tsarlayer-41807211659339 (READ-ONLY COPY).

The authoritative reference and input builder live on the scoring server;
editing this copy changes nothing except your own understanding.
"""

import jax, jax.numpy as jnp
import numpy as np

EMB_DIM = 128
EDGE_ATTR = 16
EDGE_TIME = 16
N_NODES = 10000
N_EDGES = 320000


def setup_inputs(seed: int = 0) -> dict:
    key = jax.random.key(seed)
    ks = jax.random.split(key, 12)
    hidden = jax.random.normal(ks[0], (N_NODES, EMB_DIM), dtype=jnp.float32)
    edge_index = jax.random.randint(ks[1], (2, N_EDGES), 0, N_NODES, dtype=jnp.int64)
    edge_attr = jax.random.normal(ks[2], (N_EDGES, EDGE_ATTR), dtype=jnp.float32)
    edge_time_emb = jax.random.normal(ks[3], (N_EDGES, EDGE_TIME), dtype=jnp.float32)
    boundary_condition = jax.random.normal(ks[4], (N_NODES, EMB_DIM), dtype=jnp.float32)
    fan_in_msg = EMB_DIM + EDGE_ATTR + EDGE_TIME
    W_msg = jax.random.normal(ks[5], (fan_in_msg, EMB_DIM), dtype=jnp.float32) * (1.0 / np.sqrt(fan_in_msg))
    b_msg = jnp.zeros((EMB_DIM,), dtype=jnp.float32)
    W_lin = jax.random.normal(ks[6], (EMB_DIM, EMB_DIM), dtype=jnp.float32) * (1.0 / np.sqrt(EMB_DIM))
    b_lin = jnp.zeros((EMB_DIM,), dtype=jnp.float32)
    gamma = jnp.ones((EMB_DIM,), dtype=jnp.float32)
    beta = jnp.zeros((EMB_DIM,), dtype=jnp.float32)
    return {"hidden": hidden, "edge_index": edge_index, "edge_attr": edge_attr,
            "edge_time_emb": edge_time_emb, "boundary_condition": boundary_condition,
            "W_msg": W_msg, "b_msg": b_msg, "W_lin": W_lin, "b_lin": b_lin,
            "gamma": gamma, "beta": beta}


def reference(hidden, edge_index, edge_attr, edge_time_emb, boundary_condition,
              W_msg, b_msg, W_lin, b_lin, gamma, beta):
    num_nodes = hidden.shape[0]
    # gather source node features per edge
    msg = jnp.take(hidden, edge_index[0], axis=0)
    msg = jnp.concatenate([msg, edge_attr, edge_time_emb], axis=1)
    msg = jax.nn.relu(msg @ W_msg + b_msg)
    # augment messages with self-loop boundary condition
    msg_aug = jnp.concatenate([msg, boundary_condition], axis=0)
    self_loop_index = jnp.arange(num_nodes, dtype=edge_index.dtype)
    idx_aug = jnp.concatenate([edge_index[1], self_loop_index], axis=0)
    out = jax.ops.segment_sum(msg_aug, idx_aug, num_segments=num_nodes)
    out = out @ W_lin + b_lin
    # layer norm
    mean = jnp.mean(out, axis=-1, keepdims=True)
    var = jnp.mean((out - mean) ** 2, axis=-1, keepdims=True)
    ln = (out - mean) / jnp.sqrt(var + 1e-5) * gamma + beta
    act = jax.nn.relu(ln)
    # dropout p=0.1, training=True (deterministic key for reference)
    keep = jax.random.bernoulli(jax.random.key(42), 0.9, act.shape)
    return jnp.where(keep, act / 0.9, 0.0)

if __name__ == "__main__":
    import jax
    _d = setup_inputs()
    print(jax.jit(kernel)(*tuple(_d.values())))

</pallas_src>

<mosaic_0001>
#map = affine_map<(d0, d1) -> (0, 0)>
#map1 = affine_map<(d0, d1) -> (0, 0, 0)>
module attributes {stable_mosaic.version = 14 : i64} {
  func.func @_sc_body(%arg0: i32, %arg1: i32, %arg2: memref<10000x128xf32, #tpu.memory_space<hbm>>, %arg3: memref<79360x128xf32, #tpu.memory_space<hbm>>, %arg4: memref<992x2x80xi32, #tpu.memory_space<hbm>>, %arg5: memref<10240x128xf32, #tpu.memory_space<hbm>>, %arg6: memref<2x10240x128xf32, #tpu.memory_space<hbm>>, %arg7: memref<2x80xi32, #tpu.memory_space<vmem>>, %arg8: memref<2x80xi32, #tpu.memory_space<vmem>>, %arg9: memref<80x128xf32, #tpu.memory_space<vmem>>, %arg10: memref<80x128xf32, #tpu.memory_space<vmem>>, %arg11: memref<80x128xf32, #tpu.memory_space<vmem>>, %arg12: memref<80x128xf32, #tpu.memory_space<vmem>>, %arg13: memref<10240x128xf32, #tpu.memory_space<vmem_shared>>, %arg14: memref<!tpu.dma_semaphore, #tpu.memory_space<semaphore_mem>>, %arg15: memref<!tpu.dma_semaphore, #tpu.memory_space<semaphore_mem>>, %arg16: memref<!tpu.dma_semaphore, #tpu.memory_space<semaphore_mem>>, %arg17: memref<!tpu.dma_semaphore, #tpu.memory_space<semaphore_mem>>, %arg18: memref<!tpu.dma_semaphore, #tpu.memory_space<semaphore_mem>>, %arg19: memref<!tpu.dma_semaphore, #tpu.memory_space<semaphore_mem>>) attributes {dimension_semantics = [#tpu.dimension_semantics<core_parallel>, #tpu.dimension_semantics<subcore_parallel>], iteration_bounds = array<i64: 2, 16>, scalar_prefetch = 0 : i64, scratch_operands = 13 : i64, tpu.core_type = #tpu.core_type<sc_vector_subcore>, window_params = [{transform_indices = #map}, {transform_indices = #map}, {transform_indices = #map1}, {transform_indices = #map}, {transform_indices = #map1}]} {
    %mul3A = arith.constant 16 : i32
    %mul3A_0 = arith.muli %arg0, %mul3A : i32
    %add3A = arith.addi %mul3A_0, %arg1 : i32
    %mul3A_1 = arith.constant 2480 : i32
    %mul3A_2 = arith.muli %add3A, %mul3A_1 : i32
    %mul3A_3 = arith.constant 31 : i32
    %mul3A_4 = arith.muli %add3A, %mul3A_3 : i32
    %add3A_5 = arith.constant 0 : i32
    %add3A_6 = arith.addi %mul3A_4, %add3A_5 : i32
    %dma_start3A = arith.constant 0 : i32
    %dma_start3A_7 = arith.constant 0 : i32
    %dma_start3A_8 = tpu.memref_slice %arg4[%add3A_6, %dma_start3A, %dma_start3A_7] : memref<992x2x80xi32, #tpu.memory_space<hbm>> -> memref<1x2x80xi32, #tpu.memory_space<hbm>>
    %dma_start3A_9 = tpu.memref_squeeze %dma_start3A_8 : memref<1x2x80xi32, #tpu.memory_space<hbm>> -> memref<2x80xi32, #tpu.memory_space<hbm>>
    %dma_start3A_10 = arith.constant 0 : i32
    %dma_start3A_11 = arith.constant 0 : i32
    %dma_start3A_12 = tpu.memref_slice %arg4[%add3A_6, %dma_start3A_10, %dma_start3A_11] : memref<992x2x80xi32, #tpu.memory_space<hbm>> -> memref<1x2x80xi32, #tpu.memory_space<hbm>>
    %dma_start3A_13 = tpu.memref_squeeze %dma_start3A_12 : memref<1x2x80xi32, #tpu.memory_space<hbm>> -> memref<2x80xi32, #tpu.memory_space<hbm>>
    tpu.enqueue_dma source(%dma_start3A_13 : memref<2x80xi32, #tpu.memory_space<hbm>>) target(%arg7 : memref<2x80xi32, #tpu.memory_space<vmem>>) target_semaphore(%arg14 : memref<!tpu.dma_semaphore, #tpu.memory_space<semaphore_mem>>)
    %add3A_14 = arith.constant 1 : i32
    %add3A_15 = arith.addi %mul3A_4, %add3A_14 : i32
    %dma_start3A_16 = arith.constant 0 : i32
    %dma_start3A_17 = arith.constant 0 : i32
    %dma_start3A_18 = tpu.memref_slice %arg4[%add3A_15, %dma_start3A_16, %dma_start3A_17] : memref<992x2x80xi32, #tpu.memory_space<hbm>> -> memref<1x2x80xi32, #tpu.memory_space<hbm>>
    %dma_start3A_19 = tpu.memref_squeeze %dma_start3A_18 : memref<1x2x80xi32, #tpu.memory_space<hbm>> -> memref<2x80xi32, #tpu.memory_space<hbm>>
    %dma_start3A_20 = arith.constant 0 : i32
    %dma_start3A_21 = arith.constant 0 : i32
    %dma_start3A_22 = tpu.memref_slice %arg4[%add3A_15, %dma_start3A_20, %dma_start3A_21] : memref<992x2x80xi32, #tpu.memory_space<hbm>> -> memref<1x2x80xi32, #tpu.memory_space<hbm>>
    %dma_start3A_23 = tpu.memref_squeeze %dma_start3A_22 : memref<1x2x80xi32, #tpu.memory_space<hbm>> -> memref<2x80xi32, #tpu.memory_space<hbm>>
    tpu.enqueue_dma source(%dma_start3A_23 : memref<2x80xi32, #tpu.memory_space<hbm>>) target(%arg8 : memref<2x80xi32, #tpu.memory_space<vmem>>) target_semaphore(%arg15 : memref<!tpu.dma_semaphore, #tpu.memory_space<semaphore_mem>>)
    %mul3A_24 = arith.constant 640 : i32
    %mul3A_25 = arith.muli %arg1, %mul3A_24 : i32
    "tpu.region"() ({
      %run_scoped3A_93 = tpu.sem_alloc : memref<!tpu.dma_semaphore, #tpu.memory_space<semaphore_mem>>
      %dma_start3A_94 = arith.constant 0 : i32
      %dma_start3A_95 = tpu.memref_slice %arg13[%mul3A_25, %dma_start3A_94] : memref<10240x128xf32, #tpu.memory_space<vmem_shared>> -> memref<640x128xf32, #tpu.memory_space<vmem_shared>>
      %dma_start3A_96 = arith.constant 0 : i32
      %dma_start3A_97 = tpu.memref_slice %arg5[%mul3A_25, %dma_start3A_96] : memref<10240x128xf32, #tpu.memory_space<hbm>> -> memref<640x128xf32, #tpu.memory_space<hbm>>
      tpu.enqueue_dma source(%dma_start3A_97 : memref<640x128xf32, #tpu.memory_space<hbm>>) target(%dma_start3A_95 : memref<640x128xf32, #tpu.memory_space<vmem_shared>>) target_semaphore(%run_scoped3A_93 : memref<!tpu.dma_semaphore, #tpu.memory_space<semaphore_mem>>)
      %dma_wait3A_98 = arith.constant 0 : i32
      %dma_wait3A_99 = tpu.memref_slice %arg13[%mul3A_25, %dma_wait3A_98] : memref<10240x128xf32, #tpu.memory_space<vmem_shared>> -> memref<640x128xf32, #tpu.memory_space<vmem_shared>>
      %dma_wait3A_100 = arith.constant 0 : i32
      %dma_wait3A_101 = tpu.memref_slice %arg5[%mul3A_25, %dma_wait3A_100] : memref<10240x128xf32, #tpu.memory_space<hbm>> -> memref<640x128xf32, #tpu.memory_space<hbm>>
      tpu.wait_dma2 semaphore(%run_scoped3A_93 : memref<!tpu.dma_semaphore, #tpu.memory_space<semaphore_mem>>) src(%dma_wait3A_101 : memref<640x128xf32, #tpu.memory_space<hbm>>) dst(%dma_wait3A_99 : memref<640x128xf32, #tpu.memory_space<vmem_shared>>)
      tpu.yield
    }) : () -> ()
    %dma_wait3A = arith.constant 0 : i32
    %dma_wait3A_26 = arith.constant 0 : i32
    %dma_wait3A_27 = arith.constant 0 : i32
    %dma_wait3A_28 = tpu.memref_slice %arg4[%dma_wait3A, %dma_wait3A_26, %dma_wait3A_27] : memref<992x2x80xi32, #tpu.memory_space<hbm>> -> memref<1x2x80xi32, #tpu.memory_space<hbm>>
    %dma_wait3A_29 = tpu.memref_squeeze %dma_wait3A_28 : memref<1x2x80xi32, #tpu.memory_space<hbm>> -> memref<2x80xi32, #tpu.memory_space<hbm>>
    %dma_wait3A_30 = arith.constant 0 : i32
    %dma_wait3A_31 = arith.constant 0 : i32
    %dma_wait3A_32 = tpu.memref_slice %arg4[%dma_wait3A, %dma_wait3A_30, %dma_wait3A_31] : memref<992x2x80xi32, #tpu.memory_space<hbm>> -> memref<1x2x80xi32, #tpu.memory_space<hbm>>
    %dma_wait3A_33 = tpu.memref_squeeze %dma_wait3A_32 : memref<1x2x80xi32, #tpu.memory_space<hbm>> -> memref<2x80xi32, #tpu.memory_space<hbm>>
    tpu.wait_dma2 semaphore(%arg14 : memref<!tpu.dma_semaphore, #tpu.memory_space<semaphore_mem>>) src(%dma_wait3A_33 : memref<2x80xi32, #tpu.memory_space<hbm>>) dst(%arg7 : memref<2x80xi32, #tpu.memory_space<vmem>>)
    %add3A_34 = arith.constant 0 : i32
    %add3A_35 = arith.addi %mul3A_2, %add3A_34 : i32
    %multiple_of3A = tpu.assume_multiple %add3A_35, 8 : i32
    %dma_start3A_36 = arith.constant 0 : i32
    %dma_start3A_37 = arith.constant 0 : i32
    %dma_start3A_38 = tpu.memref_slice %arg7[%dma_start3A_36, %dma_start3A_37] : memref<2x80xi32, #tpu.memory_space<vmem>> -> memref<1x80xi32, #tpu.memory_space<vmem>>
    %dma_start3A_39 = tpu.memref_squeeze %dma_start3A_38 : memref<1x80xi32, #tpu.memory_space<vmem>> -> memref<80xi32, #tpu.memory_space<vmem>>
    %dma_start3A_40 = arith.constant 0 : i32
    %dma_start3A_41 = arith.constant 0 : i32
    %dma_start3A_42 = tpu.memref_slice %arg2[%dma_start3A_40, %dma_start3A_41] : memref<10000x128xf32, #tpu.memory_space<hbm>> -> memref<10000x128xf32, #tpu.memory_space<hbm>>
    tpu.enqueue_indirect_dma source(%dma_start3A_42 : memref<10000x128xf32, #tpu.memory_space<hbm>>) target(%arg9 : memref<80x128xf32, #tpu.memory_space<vmem>>) offsets(%dma_start3A_39 : memref<80xi32, #tpu.memory_space<vmem>>) semaphore(%arg16 : memref<!tpu.dma_semaphore, #tpu.memory_space<semaphore_mem>>)
    %dma_start3A_43 = arith.constant 0 : i32
    %dma_start3A_44 = tpu.memref_slice %arg3[%multiple_of3A, %dma_start3A_43] : memref<79360x128xf32, #tpu.memory_space<hbm>> -> memref<80x128xf32, #tpu.memory_space<hbm>>
    %dma_start3A_45 = arith.constant 0 : i32
    %dma_start3A_46 = tpu.memref_slice %arg3[%multiple_of3A, %dma_start3A_45] : memref<79360x128xf32, #tpu.memory_space<hbm>> -> memref<80x128xf32, #tpu.memory_space<hbm>>
    tpu.enqueue_dma source(%dma_start3A_46 : memref<80x128xf32, #tpu.memory_space<hbm>>) target(%arg11 : memref<80x128xf32, #tpu.memory_space<vmem>>) target_semaphore(%arg18 : memref<!tpu.dma_semaphore, #tpu.memory_space<semaphore_mem>>)
    %dma_wait3A_47 = arith.constant 0 : i32
    %dma_wait3A_48 = arith.constant 0 : i32
    %dma_wait3A_49 = arith.constant 0 : i32
    %dma_wait3A_50 = tpu.memref_slice %arg4[%dma_wait3A_47, %dma_wait3A_48, %dma_wait3A_49] : memref<992x2x80xi32, #tpu.memory_space<hbm>> -> memref<1x2x80xi32, #tpu.memory_space<hbm>>
    %dma_wait3A_51 = tpu.memref_squeeze %dma_wait3A_50 : memref<1x2x80xi32, #tpu.memory_space<hbm>> -> memref<2x80xi32, #tpu.memory_space<hbm>>
    %dma_wait3A_52 = arith.constant 0 : i32
    %dma_wait3A_53 = arith.constant 0 : i32
    %dma_wait3A_54 = tpu.memref_slice %arg4[%dma_wait3A_47, %dma_wait3A_52, %dma_wait3A_53] : memref<992x2x80xi32, #tpu.memory_space<hbm>> -> memref<1x2x80xi32, #tpu.memory_space<hbm>>
    %dma_wait3A_55 = tpu.memref_squeeze %dma_wait3A_54 : memref<1x2x80xi32, #tpu.memory_space<hbm>> -> memref<2x80xi32, #tpu.memory_space<hbm>>
    tpu.wait_dma2 semaphore(%arg15 : memref<!tpu.dma_semaphore, #tpu.memory_space<semaphore_mem>>) src(%dma_wait3A_55 : memref<2x80xi32, #tpu.memory_space<hbm>>) dst(%arg8 : memref<2x80xi32, #tpu.memory_space<vmem>>)
    %add3A_56 = arith.constant 80 : i32
    %add3A_57 = arith.addi %mul3A_2, %add3A_56 : i32
    %multiple_of3A_58 = tpu.assume_multiple %add3A_57, 8 : i32
    %dma_start3A_59 = arith.constant 0 : i32
    %dma_start3A_60 = arith.constant 0 : i32
    %dma_start3A_61 = tpu.memref_slice %arg8[%dma_start3A_59, %dma_start3A_60] : memref<2x80xi32, #tpu.memory_space<vmem>> -> memref<1x80xi32, #tpu.memory_space<vmem>>
    %dma_start3A_62 = tpu.memref_squeeze %dma_start3A_61 : memref<1x80xi32, #tpu.memory_space<vmem>> -> memref<80xi32, #tpu.memory_space<vmem>>
    %dma_start3A_63 = arith.constant 0 : i32
    %dma_start3A_64 = arith.constant 0 : i32
    %dma_start3A_65 = tpu.memref_slice %arg2[%dma_start3A_63, %dma_start3A_64] : memref<10000x128xf32, #tpu.memory_space<hbm>> -> memref<10000x128xf32, #tpu.memory_space<hbm>>
    tpu.enqueue_indirect_dma source(%dma_start3A_65 : memref<10000x128xf32, #tpu.memory_space<hbm>>) target(%arg10 : memref<80x128xf32, #tpu.memory_space<vmem>>) offsets(%dma_start3A_62 : memref<80xi32, #tpu.memory_space<vmem>>) semaphore(%arg17 : memref<!tpu.dma_semaphore, #tpu.memory_space<semaphore_mem>>)
    %dma_start3A_66 = arith.constant 0 : i32
    %dma_start3A_67 = tpu.memref_slice %arg3[%multiple_of3A_58, %dma_start3A_66] : memref<79360x128xf32, #tpu.memory_space<hbm>> -> memref<80x128xf32, #tpu.memory_space<hbm>>
    %dma_start3A_68 = arith.constant 0 : i32
    %dma_start3A_69 = tpu.memref_slice %arg3[%multiple_of3A_58, %dma_start3A_68] : memref<79360x128xf32, #tpu.memory_space<hbm>> -> memref<80x128xf32, #tpu.memory_space<hbm>>
    tpu.enqueue_dma source(%dma_start3A_69 : memref<80x128xf32, #tpu.memory_space<hbm>>) target(%arg12 : memref<80x128xf32, #tpu.memory_space<vmem>>) target_semaphore(%arg19 : memref<!tpu.dma_semaphore, #tpu.memory_space<semaphore_mem>>)
    %barrier3A = arith.constant 0 : index
    tpu.barrier barrier_id(%barrier3A)
    %scan3A = arith.constant 0 : i32
    %scan3A_70 = arith.constant 15 : i32
    %scan3A_71 = arith.addi %scan3A, %scan3A_70 : i32
    %scan3A_72 = arith.constant 1 : i32
    scf.for %scan3A_93 = %scan3A to %scan3A_71 step %scan3A_72  : i32 {
      %mul3A_94 = arith.constant 1 : i32
      %mul3A_95 = arith.muli %scan3A_93, %mul3A_94 : i32
      %add3A_96 = arith.constant 0 : i32
      %add3A_97 = arith.addi %add3A_96, %mul3A_95 : i32
      %mul3A_98 = arith.constant 2 : i32
      %mul3A_99 = arith.muli %mul3A_98, %add3A_97 : i32
      %dma_wait3A_100 = arith.constant 0 : i32
      %dma_wait3A_101 = arith.constant 0 : i32
      %dma_wait3A_102 = tpu.memref_slice %arg7[%dma_wait3A_100, %dma_wait3A_101] : memref<2x80xi32, #tpu.memory_space<vmem>> -> memref<1x80xi32, #tpu.memory_space<vmem>>
      %dma_wait3A_103 = tpu.memref_squeeze %dma_wait3A_102 : memref<1x80xi32, #tpu.memory_space<vmem>> -> memref<80xi32, #tpu.memory_space<vmem>>
      %dma_wait3A_104 = arith.constant 0 : i32
      %dma_wait3A_105 = arith.constant 0 : i32
      %dma_wait3A_106 = tpu.memref_slice %arg2[%dma_wait3A_104, %dma_wait3A_105] : memref<10000x128xf32, #tpu.memory_space<hbm>> -> memref<10000x128xf32, #tpu.memory_space<hbm>>
      tpu.wait_indirect_dma semaphore(%arg16 : memref<!tpu.dma_semaphore, #tpu.memory_space<semaphore_mem>>) src(%dma_wait3A_106 : memref<10000x128xf32, #tpu.memory_space<hbm>>) dst(%arg9 : memref<80x128xf32, #tpu.memory_space<vmem>>)
      %dma_wait3A_107 = arith.constant 0 : i32
      %dma_wait3A_108 = arith.constant 0 : i32
      %dma_wait3A_109 = tpu.memref_slice %arg3[%dma_wait3A_107, %dma_wait3A_108] : memref<79360x128xf32, #tpu.memory_space<hbm>> -> memref<80x128xf32, #tpu.memory_space<hbm>>
      %dma_wait3A_110 = arith.constant 0 : i32
      %dma_wait3A_111 = arith.constant 0 : i32
      %dma_wait3A_112 = tpu.memref_slice %arg3[%dma_wait3A_110, %dma_wait3A_111] : memref<79360x128xf32, #tpu.memory_space<hbm>> -> memref<80x128xf32, #tpu.memory_space<hbm>>
      tpu.wait_dma2 semaphore(%arg18 : memref<!tpu.dma_semaphore, #tpu.memory_space<semaphore_mem>>) src(%dma_wait3A_112 : memref<80x128xf32, #tpu.memory_space<hbm>>) dst(%arg11 : memref<80x128xf32, #tpu.memory_space<vmem>>)
      %scan3A_113 = arith.constant 0 : i32
      %scan3A_114 = arith.constant 80 : i32
      %scan3A_115 = arith.addi %scan3A_113, %scan3A_114 : i32
      %scan3A_116 = arith.constant 1 : i32
      scf.for %scan3A_153 = %scan3A_113 to %scan3A_115 step %scan3A_116  : i32 {
        %mul3A_154 = arith.constant 1 : i32
        %mul3A_155 = arith.muli %scan3A_153, %mul3A_154 : i32
        %add3A_156 = arith.constant 0 : i32
        %add3A_157 = arith.addi %add3A_156, %mul3A_155 : i32
        %get3A = arith.index_cast %add3A_157 : i32 to index
        %get3A_158 = arith.constant 0 : index
        %get3A_159 = tpu.vector_load %arg9[%get3A, %get3A_158] {strides = array<i32>} : memref<80x128xf32, #tpu.memory_space<vmem>>, vector<1x16xf32>,
        %get3A_160 = vector.shape_cast %get3A_159 : vector<1x16xf32> to vector<16xf32>
        %get3A_161 = arith.index_cast %add3A_157 : i32 to index
        %get3A_162 = arith.constant 0 : index
        %get3A_163 = tpu.vector_load %arg11[%get3A_161, %get3A_162] {strides = array<i32>} : memref<80x128xf32, #tpu.memory_space<vmem>>, vector<1x16xf32>,
        %get3A_164 = vector.shape_cast %get3A_163 : vector<1x16xf32> to vector<16xf32>
        %add3A_165 = arith.addf %get3A_160, %get3A_164 : vector<16xf32>
        %max3A = arith.constant 0.000000e+00 : f32
        %max3A_166 = vector.broadcast %max3A : f32 to vector<16xf32>
        %max3A_167 = arith.maximumf %add3A_165, %max3A_166 : vector<16xf32>
        %swap3A = arith.index_cast %add3A_157 : i32 to index
        %swap3A_168 = arith.constant 0 : index
        %swap3A_169 = tpu.vector_load %arg9[%swap3A, %swap3A_168] {strides = array<i32>} : memref<80x128xf32, #tpu.memory_space<vmem>>, vector<1x16xf32>,
        %swap3A_170 = vector.shape_cast %swap3A_169 : vector<1x16xf32> to vector<16xf32>
        %swap3A_171 = vector.shape_cast %max3A_167 : vector<16xf32> to vector<1x16xf32>
        tpu.vector_store %arg9[%swap3A, %swap3A_168], %swap3A_171 {strides = array<i32>} : memref<80x128xf32, #tpu.memory_space<vmem>>, vector<1x16xf32>,
        %get3A_172 = arith.index_cast %add3A_157 : i32 to index
        %get3A_173 = arith.constant 16 : index
        %get3A_174 = tpu.vector_load %arg9[%get3A_172, %get3A_173] {strides = array<i32>} : memref<80x128xf32, #tpu.memory_space<vmem>>, vector<1x16xf32>,
        %get3A_175 = vector.shape_cast %get3A_174 : vector<1x16xf32> to vector<16xf32>
        %get3A_176 = arith.index_cast %add3A_157 : i32 to index
        %get3A_177 = arith.constant 16 : index
        %get3A_178 = tpu.vector_load %arg11[%get3A_176, %get3A_177] {strides = array<i32>} : memref<80x128xf32, #tpu.memory_space<vmem>>, vector<1x16xf32>,
        %get3A_179 = vector.shape_cast %get3A_178 : vector<1x16xf32> to vector<16xf32>
        %add3A_180 = arith.addf %get3A_175, %get3A_179 : vector<16xf32>
        %max3A_181 = arith.constant 0.000000e+00 : f32
        %max3A_182 = vector.broadcast %max3A_181 : f32 to vector<16xf32>
        %max3A_183 = arith.maximumf %add3A_180, %max3A_182 : vector<16xf32>
        %swap3A_184 = arith.index_cast %add3A_157 : i32 to index
        %swap3A_185 = arith.constant 16 : index
        %swap3A_186 = tpu.vector_load %arg9[%swap3A_184, %swap3A_185] {strides = array<i32>} : memref<80x128xf32, #tpu.memory_space<vmem>>, vector<1x16xf32>,
        %swap3A_187 = vector.shape_cast %swap3A_186 : vector<1x16xf32> to vector<16xf32>
        %swap3A_188 = vector.shape_cast %max3A_183 : vector<16xf32> to vector<1x16xf32>
        tpu.vector_store %arg9[%swap3A_184, %swap3A_185], %swap3A_188 {strides = array<i32>} : memref<80x128xf32, #tpu.memory_space<vmem>>, vector<1x16xf32>,
        %get3A_189 = arith.index_cast %add3A_157 : i32 to index
        %get3A_190 = arith.constant 32 : index
        %get3A_191 = tpu.vector_load %arg9[%get3A_189, %get3A_190] {strides = array<i32>} : memref<80x128xf32, #tpu.memory_space<vmem>>, vector<1x16xf32>,
        %get3A_192 = vector.shape_cast %get3A_191 : vector<1x16xf32> to vector<16xf32>
        %get3A_193 = arith.index_cast %add3A_157 : i32 to index
        %get3A_194 = arith.constant 32 : index
        %get3A_195 = tpu.vector_load %arg11[%get3A_193, %get3A_194] {strides = array<i32>} : memref<80x128xf32, #tpu.memory_space<vmem>>, vector<1x16xf32>,
        %get3A_196 = vector.shape_cast %get3A_195 : vector<1x16xf32> to vector<16xf32>
        %add3A_197 = arith.addf %get3A_192, %get3A_196 : vector<16xf32>
        %max3A_198 = arith.constant 0.000000e+00 : f32
        %max3A_199 = vector.broadcast %max3A_198 : f32 to vector<16xf32>
        %max3A_200 = arith.maximumf %add3A_197, %max3A_199 : vector<16xf32>
        %swap3A_201 = arith.index_cast %add3A_157 : i32 to index
        %swap3A_202 = arith.constant 32 : index
        %swap3A_203 = tpu.vector_load %arg9[%swap3A_201, %swap3A_202] {strides = array<i32>} : memref<80x128xf32, #tpu.memory_space<vmem>>, vector<1x16xf32>,
        %swap3A_204 = vector.shape_cast %swap3A_203 : vector<1x16xf32> to vector<16xf32>
        %swap3A_205 = vector.shape_cast %max3A_200 : vector<16xf32> to vector<1x16xf32>
        tpu.vector_store %arg9[%swap3A_201, %swap3A_202], %swap3A_205 {strides = array<i32>} : memref<80x128xf32, #tpu.memory_space<vmem>>, vector<1x16xf32>,
        %get3A_206 = arith.index_cast %add3A_157 : i32 to index
        %get3A_207 = arith.constant 48 : index
        %get3A_208 = tpu.vector_load %arg9[%get3A_206, %get3A_207] {strides = array<i32>} : memref<80x128xf32, #tpu.memory_space<vmem>>, vector<1x16xf32>,
        %get3A_209 = vector.shape_cast %get3A_208 : vector<1x16xf32> to vector<16xf32>
        %get3A_210 = arith.index_cast %add3A_157 : i32 to index
        %get3A_211 = arith.constant 48 : index
        %get3A_212 = tpu.vector_load %arg11[%get3A_210, %get3A_211] {strides = array<i32>} : memref<80x128xf32, #tpu.memory_space<vmem>>, vector<1x16xf32>,
        %get3A_213 = vector.shape_cast %get3A_212 : vector<1x16xf32> to vector<16xf32>
        %add3A_214 = arith.addf %get3A_209, %get3A_213 : vector<16xf32>
        %max3A_215 = arith.constant 0.000000e+00 : f32
        %max3A_216 = vector.broadcast %max3A_215 : f32 to vector<16xf32>
        %max3A_217 = arith.maximumf %add3A_214, %max3A_216 : vector<16xf32>
        %swap3A_218 = arith.index_cast %add3A_157 : i32 to index
        %swap3A_219 = arith.constant 48 : index
        %swap3A_220 = tpu.vector_load %arg9[%swap3A_218, %swap3A_219] {strides = array<i32>} : memref<80x128xf32, #tpu.memory_space<vmem>>, vector<1x16xf32>,
        %swap3A_221 = vector.shape_cast %swap3A_220 : vector<1x16xf32> to vector<16xf32>
        %swap3A_222 = vector.shape_cast %max3A_217 : vector<16xf32> to vector<1x16xf32>
        tpu.vector_store %arg9[%swap3A_218, %swap3A_219], %swap3A_222 {strides = array<i32>} : memref<80x128xf32, #tpu.memory_space<vmem>>, vector<1x16xf32>,
        %get3A_223 = arith.index_cast %add3A_157 : i32 to index
        %get3A_224 = arith.constant 64 : index
        %get3A_225 = tpu.vector_load %arg9[%get3A_223, %get3A_224] {strides = array<i32>} : memref<80x128xf32, #tpu.memory_space<vmem>>, vector<1x16xf32>,
        %get3A_226 = vector.shape_cast %get3A_225 : vector<1x16xf32> to vector<16xf32>
        %get3A_227 = arith.index_cast %add3A_157 : i32 to index
        %get3A_228 = arith.constant 64 : index
        %get3A_229 = tpu.vector_load %arg11[%get3A_227, %get3A_228] {strides = array<i32>} : memref<80x128xf32, #tpu.memory_space<vmem>>, vector<1x16xf32>,
        %get3A_230 = vector.shape_cast %get3A_229 : vector<1x16xf32> to vector<16xf32>
        %add3A_231 = arith.addf %get3A_226, %get3A_230 : vector<16xf32>
        %max3A_232 = arith.constant 0.000000e+00 : f32
        %max3A_233 = vector.broadcast %max3A_232 : f32 to vector<16xf32>
        %max3A_234 = arith.maximumf %add3A_231, %max3A_233 : vector<16xf32>
        %swap3A_235 = arith.index_cast %add3A_157 : i32 to index
        %swap3A_236 = arith.constant 64 : index
        %swap3A_237 = tpu.vector_load %arg9[%swap3A_235, %swap3A_236] {strides = array<i32>} : memref<80x128xf32, #tpu.memory_space<vmem>>, vector<1x16xf32>,
        %swap3A_238 = vector.shape_cast %swap3A_237 : vector<1x16xf32> to vector<16xf32>
        %swap3A_239 = vector.shape_cast %max3A_234 : vector<16xf32> to vector<1x16xf32>
        tpu.vector_store %arg9[%swap3A_235, %swap3A_236], %swap3A_239 {strides = array<i32>} : memref<80x128xf32, #tpu.memory_space<vmem>>, vector<1x16xf32>,
        %get3A_240 = arith.index_cast %add3A_157 : i32 to index
        %get3A_241 = arith.constant 80 : index
        %get3A_242 = tpu.vector_load %arg9[%get3A_240, %get3A_241] {strides = array<i32>} : memref<80x128xf32, #tpu.memory_space<vmem>>, vector<1x16xf32>,
        %get3A_243 = vector.shape_cast %get3A_242 : vector<1x16xf32> to vector<16xf32>
        %get3A_244 = arith.index_cast %add3A_157 : i32 to index
        %get3A_245 = arith.constant 80 : index
        %get3A_246 = tpu.vector_load %arg11[%get3A_244, %get3A_245] {strides = array<i32>} : memref<80x128xf32, #tpu.memory_space<vmem>>, vector<1x16xf32>,
        %get3A_247 = vector.shape_cast %get3A_246 : vector<1x16xf32> to vector<16xf32>
        %add3A_248 = arith.addf %get3A_243, %get3A_247 : vector<16xf32>
        %max3A_249 = arith.constant 0.000000e+00 : f32
        %max3A_250 = vector.broadcast %max3A_249 : f32 to vector<16xf32>
        %max3A_251 = arith.maximumf %add3A_248, %max3A_250 : vector<16xf32>
        %swap3A_252 = arith.index_cast %add3A_157 : i32 to index
        %swap3A_253 = arith.constant 80 : index
        %swap3A_254 = tpu.vector_load %arg9[%swap3A_252, %swap3A_253] {strides = array<i32>} : memref<80x128xf32, #tpu.memory_space<vmem>>, vector<1x16xf32>,
        %swap3A_255 = vector.shape_cast %swap3A_254 : vector<1x16xf32> to vector<16xf32>
        %swap3A_256 = vector.shape_cast %max3A_251 : vector<16xf32> to vector<1x16xf32>
        tpu.vector_store %arg9[%swap3A_252, %swap3A_253], %swap3A_256 {strides = array<i32>} : memref<80x128xf32, #tpu.memory_space<vmem>>, vector<1x16xf32>,
        %get3A_257 = arith.index_cast %add3A_157 : i32 to index
        %get3A_258 = arith.constant 96 : index
        %get3A_259 = tpu.vector_load %arg9[%get3A_257, %get3A_258] {strides = array<i32>} : memref<80x128xf32, #tpu.memory_space<vmem>>, vector<1x16xf32>,
        %get3A_260 = vector.shape_cast %get3A_259 : vector<1x16xf32> to vector<16xf32>
        %get3A_261 = arith.index_cast %add3A_157 : i32 to index
        %get3A_262 = arith.constant 96 : index
        %get3A_263 = tpu.vector_load %arg11[%get3A_261, %get3A_262] {strides = array<i32>} : memref<80x128xf32, #tpu.memory_space<vmem>>, vector<1x16xf32>,
        %get3A_264 = vector.shape_cast %get3A_263 : vector<1x16xf32> to vector<16xf32>
        %add3A_265 = arith.addf %get3A_260, %get3A_264 : vector<16xf32>
        %max3A_266 = arith.constant 0.000000e+00 : f32
        %max3A_267 = vector.broadcast %max3A_266 : f32 to vector<16xf32>
        %max3A_268 = arith.maximumf %add3A_265, %max3A_267 : vector<16xf32>
        %swap3A_269 = arith.index_cast %add3A_157 : i32 to index
        %swap3A_270 = arith.constant 96 : index
        %swap3A_271 = tpu.vector_load %arg9[%swap3A_269, %swap3A_270] {strides = array<i32>} : memref<80x128xf32, #tpu.memory_space<vmem>>, vector<1x16xf32>,
        %swap3A_272 = vector.shape_cast %swap3A_271 : vector<1x16xf32> to vector<16xf32>
        %swap3A_273 = vector.shape_cast %max3A_268 : vector<16xf32> to vector<1x16xf32>
        tpu.vector_store %arg9[%swap3A_269, %swap3A_270], %swap3A_273 {strides = array<i32>} : memref<80x128xf32, #tpu.memory_space<vmem>>, vector<1x16xf32>,
        %get3A_274 = arith.index_cast %add3A_157 : i32 to index
        %get3A_275 = arith.constant 112 : index
        %get3A_276 = tpu.vector_load %arg9[%get3A_274, %get3A_275] {strides = array<i32>} : memref<80x128xf32, #tpu.memory_space<vmem>>, vector<1x16xf32>,
        %get3A_277 = vector.shape_cast %get3A_276 : vector<1x16xf32> to vector<16xf32>
        %get3A_278 = arith.index_cast %add3A_157 : i32 to index
        %get3A_279 = arith.constant 112 : index
        %get3A_280 = tpu.vector_load %arg11[%get3A_278, %get3A_279] {strides = array<i32>} : memref<80x128xf32, #tpu.memory_space<vmem>>, vector<1x16xf32>,
        %get3A_281 = vector.shape_cast %get3A_280 : vector<1x16xf32> to vector<16xf32>
        %add3A_282 = arith.addf %get3A_277, %get3A_281 : vector<16xf32>
        %max3A_283 = arith.constant 0.000000e+00 : f32
        %max3A_284 = vector.broadcast %max3A_283 : f32 to vector<16xf32>
        %max3A_285 = arith.maximumf %add3A_282, %max3A_284 : vector<16xf32>
        %swap3A_286 = arith.index_cast %add3A_157 : i32 to index
        %swap3A_287 = arith.constant 112 : index
        %swap3A_288 = tpu.vector_load %arg9[%swap3A_286, %swap3A_287] {strides = array<i32>} : memref<80x128xf32, #tpu.memory_space<vmem>>, vector<1x16xf32>,
        %swap3A_289 = vector.shape_cast %swap3A_288 : vector<1x16xf32> to vector<16xf32>
        %swap3A_290 = vector.shape_cast %max3A_285 : vector<16xf32> to vector<1x16xf32>
        tpu.vector_store %arg9[%swap3A_286, %swap3A_287], %swap3A_290 {strides = array<i32>} : memref<80x128xf32, #tpu.memory_space<vmem>>, vector<1x16xf32>,
      }
      %scan3A_117 = arith.constant 80 : i32
      %run_scoped3A_118 = arith.constant 1 : i32
      "tpu.region"() ({
        %run_scoped3A_153 = tpu.sem_alloc : memref<!tpu.dma_semaphore, #tpu.memory_space<semaphore_mem>>
        %dma_start3A_154 = arith.constant 0 : i32
        %dma_start3A_155 = tpu.memref_slice %arg7[%run_scoped3A_118, %dma_start3A_154] : memref<2x80xi32, #tpu.memory_space<vmem>> -> memref<1x80xi32, #tpu.memory_space<vmem>>
        %dma_start3A_156 = tpu.memref_squeeze %dma_start3A_155 : memref<1x80xi32, #tpu.memory_space<vmem>> -> memref<80xi32, #tpu.memory_space<vmem>>
        %dma_start3A_157 = arith.constant 0 : i32
        %dma_start3A_158 = arith.constant 0 : i32
        %dma_start3A_159 = tpu.memref_slice %arg13[%dma_start3A_157, %dma_start3A_158] : memref<10240x128xf32, #tpu.memory_space<vmem_shared>> -> memref<10240x128xf32, #tpu.memory_space<vmem_shared>>
        tpu.enqueue_indirect_dma source(%arg9 : memref<80x128xf32, #tpu.memory_space<vmem>>) target(%dma_start3A_159 : memref<10240x128xf32, #tpu.memory_space<vmem_shared>>) offsets(%dma_start3A_156 : memref<80xi32, #tpu.memory_space<vmem>>) semaphore(%run_scoped3A_153 : memref<!tpu.dma_semaphore, #tpu.memory_space<semaphore_mem>>) {add = true}
        %dma_wait3A_160 = arith.constant 0 : i32
        %dma_wait3A_161 = tpu.memref_slice %arg7[%run_scoped3A_118, %dma_wait3A_160] : memref<2x80xi32, #tpu.memory_space<vmem>> -> memref<1x80xi32, #tpu.memory_space<vmem>>
        %dma_wait3A_162 = tpu.memref_squeeze %dma_wait3A_161 : memref<1x80xi32, #tpu.memory_space<vmem>> -> memref<80xi32, #tpu.memory_space<vmem>>
        %dma_wait3A_163 = arith.constant 0 : i32
        %dma_wait3A_164 = arith.constant 0 : i32
        %dma_wait3A_165 = tpu.memref_slice %arg13[%dma_wait3A_163, %dma_wait3A_164] : memref<10240x128xf32, #tpu.memory_space<vmem_shared>> -> memref<10240x128xf32, #tpu.memory_space<vmem_shared>>
        tpu.wait_indirect_dma semaphore(%run_scoped3A_153 : memref<!tpu.dma_semaphore, #tpu.memory_space<semaphore_mem>>) src(%arg9 : memref<80x128xf32, #tpu.memory_space<vmem>>) dst(%dma_wait3A_165 : memref<10240x128xf32, #tpu.memory_space<vmem_shared>>)
        tpu.yield
      }) : () -> ()
      %add3A_119 = arith.constant 2 : i32
      %add3A_120 = arith.addi %mul3A_99, %add3A_119 : i32
      %lt3A = arith.constant 31 : i32
      %lt3A_121 = arith.cmpi slt, %add3A_120, %lt3A : i32
      %convert_element_type3A = arith.extui %lt3A_121 : i1 to i32
      %cond3A = arith.constant 0 : i32
      %cond3A_122 = arith.cmpi ne, %convert_element_type3A, %cond3A : i32
      scf.if %cond3A_122 {
        %add3A_153 = arith.constant 2 : i32
        %add3A_154 = arith.addi %mul3A_99, %add3A_153 : i32
        %add3A_155 = arith.addi %mul3A_4, %add3A_154 : i32
        %dma_start3A_156 = arith.constant 0 : i32
        %dma_start3A_157 = arith.constant 0 : i32
        %dma_start3A_158 = tpu.memref_slice %arg4[%add3A_155, %dma_start3A_156, %dma_start3A_157] : memref<992x2x80xi32, #tpu.memory_space<hbm>> -> memref<1x2x80xi32, #tpu.memory_space<hbm>>
        %dma_start3A_159 = tpu.memref_squeeze %dma_start3A_158 : memref<1x2x80xi32, #tpu.memory_space<hbm>> -> memref<2x80xi32, #tpu.memory_space<hbm>>
        %dma_start3A_160 = arith.constant 0 : i32
        %dma_start3A_161 = arith.constant 0 : i32
        %dma_start3A_162 = tpu.memref_slice %arg4[%add3A_155, %dma_start3A_160, %dma_start3A_161] : memref<992x2x80xi32, #tpu.memory_space<hbm>> -> memref<1x2x80xi32, #tpu.memory_space<hbm>>
        %dma_start3A_163 = tpu.memref_squeeze %dma_start3A_162 : memref<1x2x80xi32, #tpu.memory_space<hbm>> -> memref<2x80xi32, #tpu.memory_space<hbm>>
        tpu.enqueue_dma source(%dma_start3A_163 : memref<2x80xi32, #tpu.memory_space<hbm>>) target(%arg7 : memref<2x80xi32, #tpu.memory_space<vmem>>) target_semaphore(%arg14 : memref<!tpu.dma_semaphore, #tpu.memory_space<semaphore_mem>>)
        %dma_wait3A_164 = arith.constant 0 : i32
        %dma_wait3A_165 = arith.constant 0 : i32
        %dma_wait3A_166 = arith.constant 0 : i32
        %dma_wait3A_167 = tpu.memref_slice %arg4[%dma_wait3A_164, %dma_wait3A_165, %dma_wait3A_166] : memref<992x2x80xi32, #tpu.memory_space<hbm>> -> memref<1x2x80xi32, #tpu.memory_space<hbm>>
        %dma_wait3A_168 = tpu.memref_squeeze %dma_wait3A_167 : memref<1x2x80xi32, #tpu.memory_space<hbm>> -> memref<2x80xi32, #tpu.memory_space<hbm>>
        %dma_wait3A_169 = arith.constant 0 : i32
        %dma_wait3A_170 = arith.constant 0 : i32
        %dma_wait3A_171 = tpu.memref_slice %arg4[%dma_wait3A_164, %dma_wait3A_169, %dma_wait3A_170] : memref<992x2x80xi32, #tpu.memory_space<hbm>> -> memref<1x2x80xi32, #tpu.memory_space<hbm>>
        %dma_wait3A_172 = tpu.memref_squeeze %dma_wait3A_171 : memref<1x2x80xi32, #tpu.memory_space<hbm>> -> memref<2x80xi32, #tpu.memory_space<hbm>>
        tpu.wait_dma2 semaphore(%arg14 : memref<!tpu.dma_semaphore, #tpu.memory_space<semaphore_mem>>) src(%dma_wait3A_172 : memref<2x80xi32, #tpu.memory_space<hbm>>) dst(%arg7 : memref<2x80xi32, #tpu.memory_space<vmem>>)
        %add3A_173 = arith.constant 2 : i32
        %add3A_174 = arith.addi %mul3A_99, %add3A_173 : i32
        %mul3A_175 = arith.constant 80 : i32
        %mul3A_176 = arith.muli %add3A_174, %mul3A_175 : i32
        %add3A_177 = arith.addi %mul3A_2, %mul3A_176 : i32
        %multiple_of3A_178 = tpu.assume_multiple %add3A_177, 8 : i32
        %dma_start3A_179 = arith.constant 0 : i32
        %dma_start3A_180 = arith.constant 0 : i32
        %dma_start3A_181 = tpu.memref_slice %arg7[%dma_start3A_179, %dma_start3A_180] : memref<2x80xi32, #tpu.memory_space<vmem>> -> memref<1x80xi32, #tpu.memory_space<vmem>>
        %dma_start3A_182 = tpu.memref_squeeze %dma_start3A_181 : memref<1x80xi32, #tpu.memory_space<vmem>> -> memref<80xi32, #tpu.memory_space<vmem>>
        %dma_start3A_183 = arith.constant 0 : i32
        %dma_start3A_184 = arith.constant 0 : i32
        %dma_start3A_185 = tpu.memref_slice %arg2[%dma_start3A_183, %dma_start3A_184] : memref<10000x128xf32, #tpu.memory_space<hbm>> -> memref<10000x128xf32, #tpu.memory_space<hbm>>
        tpu.enqueue_indirect_dma source(%dma_start3A_185 : memref<10000x128xf32, #tpu.memory_space<hbm>>) target(%arg9 : memref<80x128xf32, #tpu.memory_space<vmem>>) offsets(%dma_start3A_182 : memref<80xi32, #tpu.memory_space<vmem>>) semaphore(%arg16 : memref<!tpu.dma_semaphore, #tpu.memory_space<semaphore_mem>>)
        %dma_start3A_186 = arith.constant 0 : i32
        %dma_start3A_187 = tpu.memref_slice %arg3[%multiple_of3A_178, %dma_start3A_186] : memref<79360x128xf32, #tpu.memory_space<hbm>> -> memref<80x128xf32, #tpu.memory_space<hbm>>
        %dma_start3A_188 = arith.constant 0 : i32
        %dma_start3A_189 = tpu.memref_slice %arg3[%multiple_of3A_178, %dma_start3A_188] : memref<79360x128xf32, #tpu.memory_space<hbm>> -> memref<80x128xf32, #tpu.memory_space<hbm>>
        tpu.enqueue_dma source(%dma_start3A_189 : memref<80x128xf32, #tpu.memory_space<hbm>>) target(%arg11 : memref<80x128xf32, #tpu.memory_space<vmem>>) target_semaphore(%arg18 : memref<!tpu.dma_semaphore, #tpu.memory_space<semaphore_mem>>)
      } else {
      }
      %mul3A_123 = arith.constant 2 : i32
      %mul3A_124 = arith.muli %mul3A_123, %add3A_97 : i32
      %add3A_125 = arith.constant 1 : i32
      %add3A_126 = arith.addi %mul3A_124, %add3A_125 : i32
      %dma_wait3A_127 = arith.constant 0 : i32
      %dma_wait3A_128 = arith.constant 0 : i32
      %dma_wait3A_129 = tpu.memref_slice %arg8[%dma_wait3A_127, %dma_wait3A_128] : memref<2x80xi32, #tpu.memory_space<vmem>> -> memref<1x80xi32, #tpu.memory_space<vmem>>
      %dma_wait3A_130 = tpu.memref_squeeze %dma_wait3A_129 : memref<1x80xi32, #tpu.memory_space<vmem>> -> memref<80xi32, #tpu.memory_space<vmem>>
      %dma_wait3A_131 = arith.constant 0 : i32
      %dma_wait3A_132 = arith.constant 0 : i32
      %dma_wait3A_133 = tpu.memref_slice %arg2[%dma_wait3A_131, %dma_wait3A_132] : memref<10000x128xf32, #tpu.memory_space<hbm>> -> memref<10000x128xf32, #tpu.memory_space<hbm>>
      tpu.wait_indirect_dma semaphore(%arg17 : memref<!tpu.dma_semaphore, #tpu.memory_space<semaphore_mem>>) src(%dma_wait3A_133 : memref<10000x128xf32, #tpu.memory_space<hbm>>) dst(%arg10 : memref<80x128xf32, #tpu.memory_space<vmem>>)
      %dma_wait3A_134 = arith.constant 0 : i32
      %dma_wait3A_135 = arith.constant 0 : i32
      %dma_wait3A_136 = tpu.memref_slice %arg3[%dma_wait3A_134, %dma_wait3A_135] : memref<79360x128xf32, #tpu.memory_space<hbm>> -> memref<80x128xf32, #tpu.memory_space<hbm>>
      %dma_wait3A_137 = arith.constant 0 : i32
      %dma_wait3A_138 = arith.constant 0 : i32
      %dma_wait3A_139 = tpu.memref_slice %arg3[%dma_wait3A_137, %dma_wait3A_138] : memref<79360x128xf32, #tpu.memory_space<hbm>> -> memref<80x128xf32, #tpu.memory_space<hbm>>
      tpu.wait_dma2 semaphore(%arg19 : memref<!tpu.dma_semaphore, #tpu.memory_space<semaphore_mem>>) src(%dma_wait3A_139 : memref<80x128xf32, #tpu.memory_space<hbm>>) dst(%arg12 : memref<80x128xf32, #tpu.memory_space<vmem>>)
      %scan3A_140 = arith.constant 0 : i32
      %scan3A_141 = arith.constant 80 : i32
      %scan3A_142 = arith.addi %scan3A_140, %scan3A_141 : i32
      %scan3A_143 = arith.constant 1 : i32
      scf.for %scan3A_153 = %scan3A_140 to %scan3A_142 step %scan3A_143  : i32 {
        %mul3A_154 = arith.constant 1 : i32
        %mul3A_155 = arith.muli %scan3A_153, %mul3A_154 : i32
        %add3A_156 = arith.constant 0 : i32
        %add3A_157 = arith.addi %add3A_156, %mul3A_155 : i32
        %get3A = arith.index_cast %add3A_157 : i32 to index
        %get3A_158 = arith.constant 0 : index
        %get3A_159 = tpu.vector_load %arg10[%get3A, %get3A_158] {strides = array<i32>} : memref<80x128xf32, #tpu.memory_space<vmem>>, vector<1x16xf32>,
        %get3A_160 = vector.shape_cast %get3A_159 : vector<1x16xf32> to vector<16xf32>
        %get3A_161 = arith.index_cast %add3A_157 : i32 to index
        %get3A_162 = arith.constant 0 : index
        %get3A_163 = tpu.vector_load %arg12[%get3A_161, %get3A_162] {strides = array<i32>} : memref<80x128xf32, #tpu.memory_space<vmem>>, vector<1x16xf32>,
        %get3A_164 = vector.shape_cast %get3A_163 : vector<1x16xf32> to vector<16xf32>
        %add3A_165 = arith.addf %get3A_160, %get3A_164 : vector<16xf32>
        %max3A = arith.constant 0.000000e+00 : f32
        %max3A_166 = vector.broadcast %max3A : f32 to vector<16xf32>
        %max3A_167 = arith.maximumf %add3A_165, %max3A_166 : vector<16xf32>
        %swap3A = arith.index_cast %add3A_157 : i32 to index
        %swap3A_168 = arith.constant 0 : index
        %swap3A_169 = tpu.vector_load %arg10[%swap3A, %swap3A_168] {strides = array<i32>} : memref<80x128xf32, #tpu.memory_space<vmem>>, vector<1x16xf32>,
        %swap3A_170 = vector.shape_cast %swap3A_169 : vector<1x16xf32> to vector<16xf32>
        %swap3A_171 = vector.shape_cast %max3A_167 : vector<16xf32> to vector<1x16xf32>
        tpu.vector_store %arg10[%swap3A, %swap3A_168], %swap3A_171 {strides = array<i32>} : memref<80x128xf32, #tpu.memory_space<vmem>>, vector<1x16xf32>,
        %get3A_172 = arith.index_cast %add3A_157 : i32 to index
        %get3A_173 = arith.constant 16 : index
        %get3A_174 = tpu.vector_load %arg10[%get3A_172, %get3A_173] {strides = array<i32>} : memref<80x128xf32, #tpu.memory_space<vmem>>, vector<1x16xf32>,
        %get3A_175 = vector.shape_cast %get3A_174 : vector<1x16xf32> to vector<16xf32>
        %get3A_176 = arith.index_cast %add3A_157 : i32 to index
        %get3A_177 = arith.constant 16 : index
        %get3A_178 = tpu.vector_load %arg12[%get3A_176, %get3A_177] {strides = array<i32>} : memref<80x128xf32, #tpu.memory_space<vmem>>, vector<1x16xf32>,
        %get3A_179 = vector.shape_cast %get3A_178 : vector<1x16xf32> to vector<16xf32>
        %add3A_180 = arith.addf %get3A_175, %get3A_179 : vector<16xf32>
        %max3A_181 = arith.constant 0.000000e+00 : f32
        %max3A_182 = vector.broadcast %max3A_181 : f32 to vector<16xf32>
        %max3A_183 = arith.maximumf %add3A_180, %max3A_182 : vector<16xf32>
        %swap3A_184 = arith.index_cast %add3A_157 : i32 to index
        %swap3A_185 = arith.constant 16 : index
        %swap3A_186 = tpu.vector_load %arg10[%swap3A_184, %swap3A_185] {strides = array<i32>} : memref<80x128xf32, #tpu.memory_space<vmem>>, vector<1x16xf32>,
        %swap3A_187 = vector.shape_cast %swap3A_186 : vector<1x16xf32> to vector<16xf32>
        %swap3A_188 = vector.shape_cast %max3A_183 : vector<16xf32> to vector<1x16xf32>
        tpu.vector_store %arg10[%swap3A_184, %swap3A_185], %swap3A_188 {strides = array<i32>} : memref<80x128xf32, #tpu.memory_space<vmem>>, vector<1x16xf32>,
        %get3A_189 = arith.index_cast %add3A_157 : i32 to index
        %get3A_190 = arith.constant 32 : index
        %get3A_191 = tpu.vector_load %arg10[%get3A_189, %get3A_190] {strides = array<i32>} : memref<80x128xf32, #tpu.memory_space<vmem>>, vector<1x16xf32>,
        %get3A_192 = vector.shape_cast %get3A_191 : vector<1x16xf32> to vector<16xf32>
        %get3A_193 = arith.index_cast %add3A_157 : i32 to index
        %get3A_194 = arith.constant 32 : index
        %get3A_195 = tpu.vector_load %arg12[%get3A_193, %get3A_194] {strides = array<i32>} : memref<80x128xf32, #tpu.memory_space<vmem>>, vector<1x16xf32>,
        %get3A_196 = vector.shape_cast %get3A_195 : vector<1x16xf32> to vector<16xf32>
        %add3A_197 = arith.addf %get3A_192, %get3A_196 : vector<16xf32>
        %max3A_198 = arith.constant 0.000000e+00 : f32
        %max3A_199 = vector.broadcast %max3A_198 : f32 to vector<16xf32>
        %max3A_200 = arith.maximumf %add3A_197, %max3A_199 : vector<16xf32>
        %swap3A_201 = arith.index_cast %add3A_157 : i32 to index
        %swap3A_202 = arith.constant 32 : index
        %swap3A_203 = tpu.vector_load %arg10[%swap3A_201, %swap3A_202] {strides = array<i32>} : memref<80x128xf32, #tpu.memory_space<vmem>>, vector<1x16xf32>,
        %swap3A_204 = vector.shape_cast %swap3A_203 : vector<1x16xf32> to vector<16xf32>
        %swap3A_205 = vector.shape_cast %max3A_200 : vector<16xf32> to vector<1x16xf32>
        tpu.vector_store %arg10[%swap3A_201, %swap3A_202], %swap3A_205 {strides = array<i32>} : memref<80x128xf32, #tpu.memory_space<vmem>>, vector<1x16xf32>,
        %get3A_206 = arith.index_cast %add3A_157 : i32 to index
        %get3A_207 = arith.constant 48 : index
        %get3A_208 = tpu.vector_load %arg10[%get3A_206, %get3A_207] {strides = array<i32>} : memref<80x128xf32, #tpu.memory_space<vmem>>, vector<1x16xf32>,
        %get3A_209 = vector.shape_cast %get3A_208 : vector<1x16xf32> to vector<16xf32>
        %get3A_210 = arith.index_cast %add3A_157 : i32 to index
        %get3A_211 = arith.constant 48 : index
        %get3A_212 = tpu.vector_load %arg12[%get3A_210, %get3A_211] {strides = array<i32>} : memref<80x128xf32, #tpu.memory_space<vmem>>, vector<1x16xf32>,
        %get3A_213 = vector.shape_cast %get3A_212 : vector<1x16xf32> to vector<16xf32>
        %add3A_214 = arith.addf %get3A_209, %get3A_213 : vector<16xf32>
        %max3A_215 = arith.constant 0.000000e+00 : f32
        %max3A_216 = vector.broadcast %max3A_215 : f32 to vector<16xf32>
        %max3A_217 = arith.maximumf %add3A_214, %max3A_216 : vector<16xf32>
        %swap3A_218 = arith.index_cast %add3A_157 : i32 to index
        %swap3A_219 = arith.constant 48 : index
        %swap3A_220 = tpu.vector_load %arg10[%swap3A_218, %swap3A_219] {strides = array<i32>} : memref<80x128xf32, #tpu.memory_space<vmem>>, vector<1x16xf32>,
        %swap3A_221 = vector.shape_cast %swap3A_220 : vector<1x16xf32> to vector<16xf32>
        %swap3A_222 = vector.shape_cast %max3A_217 : vector<16xf32> to vector<1x16xf32>
        tpu.vector_store %arg10[%swap3A_218, %swap3A_219], %swap3A_222 {strides = array<i32>} : memref<80x128xf32, #tpu.memory_space<vmem>>, vector<1x16xf32>,
        %get3A_223 = arith.index_cast %add3A_157 : i32 to index
        %get3A_224 = arith.constant 64 : index
        %get3A_225 = tpu.vector_load %arg10[%get3A_223, %get3A_224] {strides = array<i32>} : memref<80x128xf32, #tpu.memory_space<vmem>>, vector<1x16xf32>,
        %get3A_226 = vector.shape_cast %get3A_225 : vector<1x16xf32> to vector<16xf32>
        %get3A_227 = arith.index_cast %add3A_157 : i32 to index
        %get3A_228 = arith.constant 64 : index
        %get3A_229 = tpu.vector_load %arg12[%get3A_227, %get3A_228] {strides = array<i32>} : memref<80x128xf32, #tpu.memory_space<vmem>>, vector<1x16xf32>,
        %get3A_230 = vector.shape_cast %get3A_229 : vector<1x16xf32> to vector<16xf32>
        %add3A_231 = arith.addf %get3A_226, %get3A_230 : vector<16xf32>
        %max3A_232 = arith.constant 0.000000e+00 : f32
        %max3A_233 = vector.broadcast %max3A_232 : f32 to vector<16xf32>
        %max3A_234 = arith.maximumf %add3A_231, %max3A_233 : vector<16xf32>
        %swap3A_235 = arith.index_cast %add3A_157 : i32 to index
        %swap3A_236 = arith.constant 64 : index
        %swap3A_237 = tpu.vector_load %arg10[%swap3A_235, %swap3A_236] {strides = array<i32>} : memref<80x128xf32, #tpu.memory_space<vmem>>, vector<1x16xf32>,
        %swap3A_238 = vector.shape_cast %swap3A_237 : vector<1x16xf32> to vector<16xf32>
        %swap3A_239 = vector.shape_cast %max3A_234 : vector<16xf32> to vector<1x16xf32>
        tpu.vector_store %arg10[%swap3A_235, %swap3A_236], %swap3A_239 {strides = array<i32>} : memref<80x128xf32, #tpu.memory_space<vmem>>, vector<1x16xf32>,
        %get3A_240 = arith.index_cast %add3A_157 : i32 to index
        %get3A_241 = arith.constant 80 : index
        %get3A_242 = tpu.vector_load %arg10[%get3A_240, %get3A_241] {strides = array<i32>} : memref<80x128xf32, #tpu.memory_space<vmem>>, vector<1x16xf32>,
        %get3A_243 = vector.shape_cast %get3A_242 : vector<1x16xf32> to vector<16xf32>
        %get3A_244 = arith.index_cast %add3A_157 : i32 to index
        %get3A_245 = arith.constant 80 : index
        %get3A_246 = tpu.vector_load %arg12[%get3A_244, %get3A_245] {strides = array<i32>} : memref<80x128xf32, #tpu.memory_space<vmem>>, vector<1x16xf32>,
        %get3A_247 = vector.shape_cast %get3A_246 : vector<1x16xf32> to vector<16xf32>
        %add3A_248 = arith.addf %get3A_243, %get3A_247 : vector<16xf32>
        %max3A_249 = arith.constant 0.000000e+00 : f32
        %max3A_250 = vector.broadcast %max3A_249 : f32 to vector<16xf32>
        %max3A_251 = arith.maximumf %add3A_248, %max3A_250 : vector<16xf32>
        %swap3A_252 = arith.index_cast %add3A_157 : i32 to index
        %swap3A_253 = arith.constant 80 : index
        %swap3A_254 = tpu.vector_load %arg10[%swap3A_252, %swap3A_253] {strides = array<i32>} : memref<80x128xf32, #tpu.memory_space<vmem>>, vector<1x16xf32>,
        %swap3A_255 = vector.shape_cast %swap3A_254 : vector<1x16xf32> to vector<16xf32>
        %swap3A_256 = vector.shape_cast %max3A_251 : vector<16xf32> to vector<1x16xf32>
        tpu.vector_store %arg10[%swap3A_252, %swap3A_253], %swap3A_256 {strides = array<i32>} : memref<80x128xf32, #tpu.memory_space<vmem>>, vector<1x16xf32>,
        %get3A_257 = arith.index_cast %add3A_157 : i32 to index
        %get3A_258 = arith.constant 96 : index
        %get3A_259 = tpu.vector_load %arg10[%get3A_257, %get3A_258] {strides = array<i32>} : memref<80x128xf32, #tpu.memory_space<vmem>>, vector<1x16xf32>,
        %get3A_260 = vector.shape_cast %get3A_259 : vector<1x16xf32> to vector<16xf32>
        %get3A_261 = arith.index_cast %add3A_157 : i32 to index
        %get3A_262 = arith.constant 96 : index
        %get3A_263 = tpu.vector_load %arg12[%get3A_261, %get3A_262] {strides = array<i32>} : memref<80x128xf32, #tpu.memory_space<vmem>>, vector<1x16xf32>,
        %get3A_264 = vector.shape_cast %get3A_263 : vector<1x16xf32> to vector<16xf32>
        %add3A_265 = arith.addf %get3A_260, %get3A_264 : vector<16xf32>
        %max3A_266 = arith.constant 0.000000e+00 : f32
        %max3A_267 = vector.broadcast %max3A_266 : f32 to vector<16xf32>
        %max3A_268 = arith.maximumf %add3A_265, %max3A_267 : vector<16xf32>
        %swap3A_269 = arith.index_cast %add3A_157 : i32 to index
        %swap3A_270 = arith.constant 96 : index
        %swap3A_271 = tpu.vector_load %arg10[%swap3A_269, %swap3A_270] {strides = array<i32>} : memref<80x128xf32, #tpu.memory_space<vmem>>, vector<1x16xf32>,
        %swap3A_272 = vector.shape_cast %swap3A_271 : vector<1x16xf32> to vector<16xf32>
        %swap3A_273 = vector.shape_cast %max3A_268 : vector<16xf32> to vector<1x16xf32>
        tpu.vector_store %arg10[%swap3A_269, %swap3A_270], %swap3A_273 {strides = array<i32>} : memref<80x128xf32, #tpu.memory_space<vmem>>, vector<1x16xf32>,
        %get3A_274 = arith.index_cast %add3A_157 : i32 to index
        %get3A_275 = arith.constant 112 : index
        %get3A_276 = tpu.vector_load %arg10[%get3A_274, %get3A_275] {strides = array<i32>} : memref<80x128xf32, #tpu.memory_space<vmem>>, vector<1x16xf32>,
        %get3A_277 = vector.shape_cast %get3A_276 : vector<1x16xf32> to vector<16xf32>
        %get3A_278 = arith.index_cast %add3A_157 : i32 to index
        %get3A_279 = arith.constant 112 : index
        %get3A_280 = tpu.vector_load %arg12[%get3A_278, %get3A_279] {strides = array<i32>} : memref<80x128xf32, #tpu.memory_space<vmem>>, vector<1x16xf32>,
        %get3A_281 = vector.shape_cast %get3A_280 : vector<1x16xf32> to vector<16xf32>
        %add3A_282 = arith.addf %get3A_277, %get3A_281 : vector<16xf32>
        %max3A_283 = arith.constant 0.000000e+00 : f32
        %max3A_284 = vector.broadcast %max3A_283 : f32 to vector<16xf32>
        %max3A_285 = arith.maximumf %add3A_282, %max3A_284 : vector<16xf32>
        %swap3A_286 = arith.index_cast %add3A_157 : i32 to index
        %swap3A_287 = arith.constant 112 : index
        %swap3A_288 = tpu.vector_load %arg10[%swap3A_286, %swap3A_287] {strides = array<i32>} : memref<80x128xf32, #tpu.memory_space<vmem>>, vector<1x16xf32>,
        %swap3A_289 = vector.shape_cast %swap3A_288 : vector<1x16xf32> to vector<16xf32>
        %swap3A_290 = vector.shape_cast %max3A_285 : vector<16xf32> to vector<1x16xf32>
        tpu.vector_store %arg10[%swap3A_286, %swap3A_287], %swap3A_290 {strides = array<i32>} : memref<80x128xf32, #tpu.memory_space<vmem>>, vector<1x16xf32>,
      }
      %scan3A_144 = arith.constant 80 : i32
      %run_scoped3A_145 = arith.constant 1 : i32
      "tpu.region"() ({
        %run_scoped3A_153 = tpu.sem_alloc : memref<!tpu.dma_semaphore, #tpu.memory_space<semaphore_mem>>
        %dma_start3A_154 = arith.constant 0 : i32
        %dma_start3A_155 = tpu.memref_slice %arg8[%run_scoped3A_145, %dma_start3A_154] : memref<2x80xi32, #tpu.memory_space<vmem>> -> memref<1x80xi32, #tpu.memory_space<vmem>>
        %dma_start3A_156 = tpu.memref_squeeze %dma_start3A_155 : memref<1x80xi32, #tpu.memory_space<vmem>> -> memref<80xi32, #tpu.memory_space<vmem>>
        %dma_start3A_157 = arith.constant 0 : i32
        %dma_start3A_158 = arith.constant 0 : i32
        %dma_start3A_159 = tpu.memref_slice %arg13[%dma_start3A_157, %dma_start3A_158] : memref<10240x128xf32, #tpu.memory_space<vmem_shared>> -> memref<10240x128xf32, #tpu.memory_space<vmem_shared>>
        tpu.enqueue_indirect_dma source(%arg10 : memref<80x128xf32, #tpu.memory_space<vmem>>) target(%dma_start3A_159 : memref<10240x128xf32, #tpu.memory_space<vmem_shared>>) offsets(%dma_start3A_156 : memref<80xi32, #tpu.memory_space<vmem>>) semaphore(%run_scoped3A_153 : memref<!tpu.dma_semaphore, #tpu.memory_space<semaphore_mem>>) {add = true}
        %dma_wait3A_160 = arith.constant 0 : i32
        %dma_wait3A_161 = tpu.memref_slice %arg8[%run_scoped3A_145, %dma_wait3A_160] : memref<2x80xi32, #tpu.memory_space<vmem>> -> memref<1x80xi32, #tpu.memory_space<vmem>>
        %dma_wait3A_162 = tpu.memref_squeeze %dma_wait3A_161 : memref<1x80xi32, #tpu.memory_space<vmem>> -> memref<80xi32, #tpu.memory_space<vmem>>
        %dma_wait3A_163 = arith.constant 0 : i32
        %dma_wait3A_164 = arith.constant 0 : i32
        %dma_wait3A_165 = tpu.memref_slice %arg13[%dma_wait3A_163, %dma_wait3A_164] : memref<10240x128xf32, #tpu.memory_space<vmem_shared>> -> memref<10240x128xf32, #tpu.memory_space<vmem_shared>>
        tpu.wait_indirect_dma semaphore(%run_scoped3A_153 : memref<!tpu.dma_semaphore, #tpu.memory_space<semaphore_mem>>) src(%arg10 : memref<80x128xf32, #tpu.memory_space<vmem>>) dst(%dma_wait3A_165 : memref<10240x128xf32, #tpu.memory_space<vmem_shared>>)
        tpu.yield
      }) : () -> ()
      %add3A_146 = arith.constant 2 : i32
      %add3A_147 = arith.addi %add3A_126, %add3A_146 : i32
      %lt3A_148 = arith.constant 31 : i32
      %lt3A_149 = arith.cmpi slt, %add3A_147, %lt3A_148 : i32
      %convert_element_type3A_150 = arith.extui %lt3A_149 : i1 to i32
      %cond3A_151 = arith.constant 0 : i32
      %cond3A_152 = arith.cmpi ne, %convert_element_type3A_150, %cond3A_151 : i32
      scf.if %cond3A_152 {
        %add3A_153 = arith.constant 2 : i32
        %add3A_154 = arith.addi %add3A_126, %add3A_153 : i32
        %add3A_155 = arith.addi %mul3A_4, %add3A_154 : i32
        %dma_start3A_156 = arith.constant 0 : i32
        %dma_start3A_157 = arith.constant 0 : i32
        %dma_start3A_158 = tpu.memref_slice %arg4[%add3A_155, %dma_start3A_156, %dma_start3A_157] : memref<992x2x80xi32, #tpu.memory_space<hbm>> -> memref<1x2x80xi32, #tpu.memory_space<hbm>>
        %dma_start3A_159 = tpu.memref_squeeze %dma_start3A_158 : memref<1x2x80xi32, #tpu.memory_space<hbm>> -> memref<2x80xi32, #tpu.memory_space<hbm>>
        %dma_start3A_160 = arith.constant 0 : i32
        %dma_start3A_161 = arith.constant 0 : i32
        %dma_start3A_162 = tpu.memref_slice %arg4[%add3A_155, %dma_start3A_160, %dma_start3A_161] : memref<992x2x80xi32, #tpu.memory_space<hbm>> -> memref<1x2x80xi32, #tpu.memory_space<hbm>>
        %dma_start3A_163 = tpu.memref_squeeze %dma_start3A_162 : memref<1x2x80xi32, #tpu.memory_space<hbm>> -> memref<2x80xi32, #tpu.memory_space<hbm>>
        tpu.enqueue_dma source(%dma_start3A_163 : memref<2x80xi32, #tpu.memory_space<hbm>>) target(%arg8 : memref<2x80xi32, #tpu.memory_space<vmem>>) target_semaphore(%arg15 : memref<!tpu.dma_semaphore, #tpu.memory_space<semaphore_mem>>)
        %dma_wait3A_164 = arith.constant 0 : i32
        %dma_wait3A_165 = arith.constant 0 : i32
        %dma_wait3A_166 = arith.constant 0 : i32
        %dma_wait3A_167 = tpu.memref_slice %arg4[%dma_wait3A_164, %dma_wait3A_165, %dma_wait3A_166] : memref<992x2x80xi32, #tpu.memory_space<hbm>> -> memref<1x2x80xi32, #tpu.memory_space<hbm>>
        %dma_wait3A_168 = tpu.memref_squeeze %dma_wait3A_167 : memref<1x2x80xi32, #tpu.memory_space<hbm>> -> memref<2x80xi32, #tpu.memory_space<hbm>>
        %dma_wait3A_169 = arith.constant 0 : i32
        %dma_wait3A_170 = arith.constant 0 : i32
        %dma_wait3A_171 = tpu.memref_slice %arg4[%dma_wait3A_164, %dma_wait3A_169, %dma_wait3A_170] : memref<992x2x80xi32, #tpu.memory_space<hbm>> -> memref<1x2x80xi32, #tpu.memory_space<hbm>>
        %dma_wait3A_172 = tpu.memref_squeeze %dma_wait3A_171 : memref<1x2x80xi32, #tpu.memory_space<hbm>> -> memref<2x80xi32, #tpu.memory_space<hbm>>
        tpu.wait_dma2 semaphore(%arg15 : memref<!tpu.dma_semaphore, #tpu.memory_space<semaphore_mem>>) src(%dma_wait3A_172 : memref<2x80xi32, #tpu.memory_space<hbm>>) dst(%arg8 : memref<2x80xi32, #tpu.memory_space<vmem>>)
        %add3A_173 = arith.constant 2 : i32
        %add3A_174 = arith.addi %add3A_126, %add3A_173 : i32
        %mul3A_175 = arith.constant 80 : i32
        %mul3A_176 = arith.muli %add3A_174, %mul3A_175 : i32
        %add3A_177 = arith.addi %mul3A_2, %mul3A_176 : i32
        %multiple_of3A_178 = tpu.assume_multiple %add3A_177, 8 : i32
        %dma_start3A_179 = arith.constant 0 : i32
        %dma_start3A_180 = arith.constant 0 : i32
        %dma_start3A_181 = tpu.memref_slice %arg8[%dma_start3A_179, %dma_start3A_180] : memref<2x80xi32, #tpu.memory_space<vmem>> -> memref<1x80xi32, #tpu.memory_space<vmem>>
        %dma_start3A_182 = tpu.memref_squeeze %dma_start3A_181 : memref<1x80xi32, #tpu.memory_space<vmem>> -> memref<80xi32, #tpu.memory_space<vmem>>
        %dma_start3A_183 = arith.constant 0 : i32
        %dma_start3A_184 = arith.constant 0 : i32
        %dma_start3A_185 = tpu.memref_slice %arg2[%dma_start3A_183, %dma_start3A_184] : memref<10000x128xf32, #tpu.memory_space<hbm>> -> memref<10000x128xf32, #tpu.memory_space<hbm>>
        tpu.enqueue_indirect_dma source(%dma_start3A_185 : memref<10000x128xf32, #tpu.memory_space<hbm>>) target(%arg10 : memref<80x128xf32, #tpu.memory_space<vmem>>) offsets(%dma_start3A_182 : memref<80xi32, #tpu.memory_space<vmem>>) semaphore(%arg17 : memref<!tpu.dma_semaphore, #tpu.memory_space<semaphore_mem>>)
        %dma_start3A_186 = arith.constant 0 : i32
        %dma_start3A_187 = tpu.memref_slice %arg3[%multiple_of3A_178, %dma_start3A_186] : memref<79360x128xf32, #tpu.memory_space<hbm>> -> memref<80x128xf32, #tpu.memory_space<hbm>>
        %dma_start3A_188 = arith.constant 0 : i32
        %dma_start3A_189 = tpu.memref_slice %arg3[%multiple_of3A_178, %dma_start3A_188] : memref<79360x128xf32, #tpu.memory_space<hbm>> -> memref<80x128xf32, #tpu.memory_space<hbm>>
        tpu.enqueue_dma source(%dma_start3A_189 : memref<80x128xf32, #tpu.memory_space<hbm>>) target(%arg12 : memref<80x128xf32, #tpu.memory_space<vmem>>) target_semaphore(%arg19 : memref<!tpu.dma_semaphore, #tpu.memory_space<semaphore_mem>>)
      } else {
      }
    }
    %scan3A_73 = arith.constant 15 : i32
    %dma_wait3A_74 = arith.constant 0 : i32
    %dma_wait3A_75 = arith.constant 0 : i32
    %dma_wait3A_76 = tpu.memref_slice %arg7[%dma_wait3A_74, %dma_wait3A_75] : memref<2x80xi32, #tpu.memory_space<vmem>> -> memref<1x80xi32, #tpu.memory_space<vmem>>
    %dma_wait3A_77 = tpu.memref_squeeze %dma_wait3A_76 : memref<1x80xi32, #tpu.memory_space<vmem>> -> memref<80xi32, #tpu.memory_space<vmem>>
    %dma_wait3A_78 = arith.constant 0 : i32
    %dma_wait3A_79 = arith.constant 0 : i32
    %dma_wait3A_80 = tpu.memref_slice %arg2[%dma_wait3A_78, %dma_wait3A_79] : memref<10000x128xf32, #tpu.memory_space<hbm>> -> memref<10000x128xf32, #tpu.memory_space<hbm>>
    tpu.wait_indirect_dma semaphore(%arg16 : memref<!tpu.dma_semaphore, #tpu.memory_space<semaphore_mem>>) src(%dma_wait3A_80 : memref<10000x128xf32, #tpu.memory_space<hbm>>) dst(%arg9 : memref<80x128xf32, #tpu.memory_space<vmem>>)
    %dma_wait3A_81 = arith.constant 0 : i32
    %dma_wait3A_82 = arith.constant 0 : i32
    %dma_wait3A_83 = tpu.memref_slice %arg3[%dma_wait3A_81, %dma_wait3A_82] : memref<79360x128xf32, #tpu.memory_space<hbm>> -> memref<80x128xf32, #tpu.memory_space<hbm>>
    %dma_wait3A_84 = arith.constant 0 : i32
    %dma_wait3A_85 = arith.constant 0 : i32
    %dma_wait3A_86 = tpu.memref_slice %arg3[%dma_wait3A_84, %dma_wait3A_85] : memref<79360x128xf32, #tpu.memory_space<hbm>> -> memref<80x128xf32, #tpu.memory_space<hbm>>
    tpu.wait_dma2 semaphore(%arg18 : memref<!tpu.dma_semaphore, #tpu.memory_space<semaphore_mem>>) src(%dma_wait3A_86 : memref<80x128xf32, #tpu.memory_space<hbm>>) dst(%arg11 : memref<80x128xf32, #tpu.memory_space<vmem>>)
    %scan3A_87 = arith.constant 0 : i32
    %scan3A_88 = arith.constant 80 : i32
    %scan3A_89 = arith.addi %scan3A_87, %scan3A_88 : i32
    %scan3A_90 = arith.constant 1 : i32
    scf.for %scan3A_93 = %scan3A_87 to %scan3A_89 step %scan3A_90  : i32 {
      %mul3A_94 = arith.constant 1 : i32
      %mul3A_95 = arith.muli %scan3A_93, %mul3A_94 : i32
      %add3A_96 = arith.constant 0 : i32
      %add3A_97 = arith.addi %add3A_96, %mul3A_95 : i32
      %get3A = arith.index_cast %add3A_97 : i32 to index
      %get3A_98 = arith.constant 0 : index
      %get3A_99 = tpu.vector_load %arg9[%get3A, %get3A_98] {strides = array<i32>} : memref<80x128xf32, #tpu.memory_space<vmem>>, vector<1x16xf32>,
      %get3A_100 = vector.shape_cast %get3A_99 : vector<1x16xf32> to vector<16xf32>
      %get3A_101 = arith.index_cast %add3A_97 : i32 to index
      %get3A_102 = arith.constant 0 : index
      %get3A_103 = tpu.vector_load %arg11[%get3A_101, %get3A_102] {strides = array<i32>} : memref<80x128xf32, #tpu.memory_space<vmem>>, vector<1x16xf32>,
      %get3A_104 = vector.shape_cast %get3A_103 : vector<1x16xf32> to vector<16xf32>
      %add3A_105 = arith.addf %get3A_100, %get3A_104 : vector<16xf32>
      %max3A = arith.constant 0.000000e+00 : f32
      %max3A_106 = vector.broadcast %max3A : f32 to vector<16xf32>
      %max3A_107 = arith.maximumf %add3A_105, %max3A_106 : vector<16xf32>
      %swap3A = arith.index_cast %add3A_97 : i32 to index
      %swap3A_108 = arith.constant 0 : index
      %swap3A_109 = tpu.vector_load %arg9[%swap3A, %swap3A_108] {strides = array<i32>} : memref<80x128xf32, #tpu.memory_space<vmem>>, vector<1x16xf32>,
      %swap3A_110 = vector.shape_cast %swap3A_109 : vector<1x16xf32> to vector<16xf32>
      %swap3A_111 = vector.shape_cast %max3A_107 : vector<16xf32> to vector<1x16xf32>
      tpu.vector_store %arg9[%swap3A, %swap3A_108], %swap3A_111 {strides = array<i32>} : memref<80x128xf32, #tpu.memory_space<vmem>>, vector<1x16xf32>,
      %get3A_112 = arith.index_cast %add3A_97 : i32 to index
      %get3A_113 = arith.constant 16 : index
      %get3A_114 = tpu.vector_load %arg9[%get3A_112, %get3A_113] {strides = array<i32>} : memref<80x128xf32, #tpu.memory_space<vmem>>, vector<1x16xf32>,
      %get3A_115 = vector.shape_cast %get3A_114 : vector<1x16xf32> to vector<16xf32>
      %get3A_116 = arith.index_cast %add3A_97 : i32 to index
      %get3A_117 = arith.constant 16 : index
      %get3A_118 = tpu.vector_load %arg11[%get3A_116, %get3A_117] {strides = array<i32>} : memref<80x128xf32, #tpu.memory_space<vmem>>, vector<1x16xf32>,
      %get3A_119 = vector.shape_cast %get3A_118 : vector<1x16xf32> to vector<16xf32>
      %add3A_120 = arith.addf %get3A_115, %get3A_119 : vector<16xf32>
      %max3A_121 = arith.constant 0.000000e+00 : f32
      %max3A_122 = vector.broadcast %max3A_121 : f32 to vector<16xf32>
      %max3A_123 = arith.maximumf %add3A_120, %max3A_122 : vector<16xf32>
      %swap3A_124 = arith.index_cast %add3A_97 : i32 to index
      %swap3A_125 = arith.constant 16 : index
      %swap3A_126 = tpu.vector_load %arg9[%swap3A_124, %swap3A_125] {strides = array<i32>} : memref<80x128xf32, #tpu.memory_space<vmem>>, vector<1x16xf32>,
      %swap3A_127 = vector.shape_cast %swap3A_126 : vector<1x16xf32> to vector<16xf32>
      %swap3A_128 = vector.shape_cast %max3A_123 : vector<16xf32> to vector<1x16xf32>
      tpu.vector_store %arg9[%swap3A_124, %swap3A_125], %swap3A_128 {strides = array<i32>} : memref<80x128xf32, #tpu.memory_space<vmem>>, vector<1x16xf32>,
      %get3A_129 = arith.index_cast %add3A_97 : i32 to index
      %get3A_130 = arith.constant 32 : index
      %get3A_131 = tpu.vector_load %arg9[%get3A_129, %get3A_130] {strides = array<i32>} : memref<80x128xf32, #tpu.memory_space<vmem>>, vector<1x16xf32>,
      %get3A_132 = vector.shape_cast %get3A_131 : vector<1x16xf32> to vector<16xf32>
      %get3A_133 = arith.index_cast %add3A_97 : i32 to index
      %get3A_134 = arith.constant 32 : index
      %get3A_135 = tpu.vector_load %arg11[%get3A_133, %get3A_134] {strides = array<i32>} : memref<80x128xf32, #tpu.memory_space<vmem>>, vector<1x16xf32>,
      %get3A_136 = vector.shape_cast %get3A_135 : vector<1x16xf32> to vector<16xf32>
      %add3A_137 = arith.addf %get3A_132, %get3A_136 : vector<16xf32>
      %max3A_138 = arith.constant 0.000000e+00 : f32
      %max3A_139 = vector.broadcast %max3A_138 : f32 to vector<16xf32>
      %max3A_140 = arith.maximumf %add3A_137, %max3A_139 : vector<16xf32>
      %swap3A_141 = arith.index_cast %add3A_97 : i32 to index
      %swap3A_142 = arith.constant 32 : index
      %swap3A_143 = tpu.vector_load %arg9[%swap3A_141, %swap3A_142] {strides = array<i32>} : memref<80x128xf32, #tpu.memory_space<vmem>>, vector<1x16xf32>,
      %swap3A_144 = vector.shape_cast %swap3A_143 : vector<1x16xf32> to vector<16xf32>
      %swap3A_145 = vector.shape_cast %max3A_140 : vector<16xf32> to vector<1x16xf32>
      tpu.vector_store %arg9[%swap3A_141, %swap3A_142], %swap3A_145 {strides = array<i32>} : memref<80x128xf32, #tpu.memory_space<vmem>>, vector<1x16xf32>,
      %get3A_146 = arith.index_cast %add3A_97 : i32 to index
      %get3A_147 = arith.constant 48 : index
      %get3A_148 = tpu.vector_load %arg9[%get3A_146, %get3A_147] {strides = array<i32>} : memref<80x128xf32, #tpu.memory_space<vmem>>, vector<1x16xf32>,
      %get3A_149 = vector.shape_cast %get3A_148 : vector<1x16xf32> to vector<16xf32>
      %get3A_150 = arith.index_cast %add3A_97 : i32 to index
      %get3A_151 = arith.constant 48 : index
      %get3A_152 = tpu.vector_load %arg11[%get3A_150, %get3A_151] {strides = array<i32>} : memref<80x128xf32, #tpu.memory_space<vmem>>, vector<1x16xf32>,
      %get3A_153 = vector.shape_cast %get3A_152 : vector<1x16xf32> to vector<16xf32>
      %add3A_154 = arith.addf %get3A_149, %get3A_153 : vector<16xf32>
      %max3A_155 = arith.constant 0.000000e+00 : f32
      %max3A_156 = vector.broadcast %max3A_155 : f32 to vector<16xf32>
      %max3A_157 = arith.maximumf %add3A_154, %max3A_156 : vector<16xf32>
      %swap3A_158 = arith.index_cast %add3A_97 : i32 to index
      %swap3A_159 = arith.constant 48 : index
      %swap3A_160 = tpu.vector_load %arg9[%swap3A_158, %swap3A_159] {strides = array<i32>} : memref<80x128xf32, #tpu.memory_space<vmem>>, vector<1x16xf32>,
      %swap3A_161 = vector.shape_cast %swap3A_160 : vector<1x16xf32> to vector<16xf32>
      %swap3A_162 = vector.shape_cast %max3A_157 : vector<16xf32> to vector<1x16xf32>
      tpu.vector_store %arg9[%swap3A_158, %swap3A_159], %swap3A_162 {strides = array<i32>} : memref<80x128xf32, #tpu.memory_space<vmem>>, vector<1x16xf32>,
      %get3A_163 = arith.index_cast %add3A_97 : i32 to index
      %get3A_164 = arith.constant 64 : index
      %get3A_165 = tpu.vector_load %arg9[%get3A_163, %get3A_164] {strides = array<i32>} : memref<80x128xf32, #tpu.memory_space<vmem>>, vector<1x16xf32>,
      %get3A_166 = vector.shape_cast %get3A_165 : vector<1x16xf32> to vector<16xf32>
      %get3A_167 = arith.index_cast %add3A_97 : i32 to index
      %get3A_168 = arith.constant 64 : index
      %get3A_169 = tpu.vector_load %arg11[%get3A_167, %get3A_168] {strides = array<i32>} : memref<80x128xf32, #tpu.memory_space<vmem>>, vector<1x16xf32>,
      %get3A_170 = vector.shape_cast %get3A_169 : vector<1x16xf32> to vector<16xf32>
      %add3A_171 = arith.addf %get3A_166, %get3A_170 : vector<16xf32>
      %max3A_172 = arith.constant 0.000000e+00 : f32
      %max3A_173 = vector.broadcast %max3A_172 : f32 to vector<16xf32>
      %max3A_174 = arith.maximumf %add3A_171, %max3A_173 : vector<16xf32>
      %swap3A_175 = arith.index_cast %add3A_97 : i32 to index
      %swap3A_176 = arith.constant 64 : index
      %swap3A_177 = tpu.vector_load %arg9[%swap3A_175, %swap3A_176] {strides = array<i32>} : memref<80x128xf32, #tpu.memory_space<vmem>>, vector<1x16xf32>,
      %swap3A_178 = vector.shape_cast %swap3A_177 : vector<1x16xf32> to vector<16xf32>
      %swap3A_179 = vector.shape_cast %max3A_174 : vector<16xf32> to vector<1x16xf32>
      tpu.vector_store %arg9[%swap3A_175, %swap3A_176], %swap3A_179 {strides = array<i32>} : memref<80x128xf32, #tpu.memory_space<vmem>>, vector<1x16xf32>,
      %get3A_180 = arith.index_cast %add3A_97 : i32 to index
      %get3A_181 = arith.constant 80 : index
      %get3A_182 = tpu.vector_load %arg9[%get3A_180, %get3A_181] {strides = array<i32>} : memref<80x128xf32, #tpu.memory_space<vmem>>, vector<1x16xf32>,
      %get3A_183 = vector.shape_cast %get3A_182 : vector<1x16xf32> to vector<16xf32>
      %get3A_184 = arith.index_cast %add3A_97 : i32 to index
      %get3A_185 = arith.constant 80 : index
      %get3A_186 = tpu.vector_load %arg11[%get3A_184, %get3A_185] {strides = array<i32>} : memref<80x128xf32, #tpu.memory_space<vmem>>, vector<1x16xf32>,
      %get3A_187 = vector.shape_cast %get3A_186 : vector<1x16xf32> to vector<16xf32>
      %add3A_188 = arith.addf %get3A_183, %get3A_187 : vector<16xf32>
      %max3A_189 = arith.constant 0.000000e+00 : f32
      %max3A_190 = vector.broadcast %max3A_189 : f32 to vector<16xf32>
      %max3A_191 = arith.maximumf %add3A_188, %max3A_190 : vector<16xf32>
      %swap3A_192 = arith.index_cast %add3A_97 : i32 to index
      %swap3A_193 = arith.constant 80 : index
      %swap3A_194 = tpu.vector_load %arg9[%swap3A_192, %swap3A_193] {strides = array<i32>} : memref<80x128xf32, #tpu.memory_space<vmem>>, vector<1x16xf32>,
      %swap3A_195 = vector.shape_cast %swap3A_194 : vector<1x16xf32> to vector<16xf32>
      %swap3A_196 = vector.shape_cast %max3A_191 : vector<16xf32> to vector<1x16xf32>
      tpu.vector_store %arg9[%swap3A_192, %swap3A_193], %swap3A_196 {strides = array<i32>} : memref<80x128xf32, #tpu.memory_space<vmem>>, vector<1x16xf32>,
      %get3A_197 = arith.index_cast %add3A_97 : i32 to index
      %get3A_198 = arith.constant 96 : index
      %get3A_199 = tpu.vector_load %arg9[%get3A_197, %get3A_198] {strides = array<i32>} : memref<80x128xf32, #tpu.memory_space<vmem>>, vector<1x16xf32>,
      %get3A_200 = vector.shape_cast %get3A_199 : vector<1x16xf32> to vector<16xf32>
      %get3A_201 = arith.index_cast %add3A_97 : i32 to index
      %get3A_202 = arith.constant 96 : index
      %get3A_203 = tpu.vector_load %arg11[%get3A_201, %get3A_202] {strides = array<i32>} : memref<80x128xf32, #tpu.memory_space<vmem>>, vector<1x16xf32>,
      %get3A_204 = vector.shape_cast %get3A_203 : vector<1x16xf32> to vector<16xf32>
      %add3A_205 = arith.addf %get3A_200, %get3A_204 : vector<16xf32>
      %max3A_206 = arith.constant 0.000000e+00 : f32
      %max3A_207 = vector.broadcast %max3A_206 : f32 to vector<16xf32>
      %max3A_208 = arith.maximumf %add3A_205, %max3A_207 : vector<16xf32>
      %swap3A_209 = arith.index_cast %add3A_97 : i32 to index
      %swap3A_210 = arith.constant 96 : index
      %swap3A_211 = tpu.vector_load %arg9[%swap3A_209, %swap3A_210] {strides = array<i32>} : memref<80x128xf32, #tpu.memory_space<vmem>>, vector<1x16xf32>,
      %swap3A_212 = vector.shape_cast %swap3A_211 : vector<1x16xf32> to vector<16xf32>
      %swap3A_213 = vector.shape_cast %max3A_208 : vector<16xf32> to vector<1x16xf32>
      tpu.vector_store %arg9[%swap3A_209, %swap3A_210], %swap3A_213 {strides = array<i32>} : memref<80x128xf32, #tpu.memory_space<vmem>>, vector<1x16xf32>,
      %get3A_214 = arith.index_cast %add3A_97 : i32 to index
      %get3A_215 = arith.constant 112 : index
      %get3A_216 = tpu.vector_load %arg9[%get3A_214, %get3A_215] {strides = array<i32>} : memref<80x128xf32, #tpu.memory_space<vmem>>, vector<1x16xf32>,
      %get3A_217 = vector.shape_cast %get3A_216 : vector<1x16xf32> to vector<16xf32>
      %get3A_218 = arith.index_cast %add3A_97 : i32 to index
      %get3A_219 = arith.constant 112 : index
      %get3A_220 = tpu.vector_load %arg11[%get3A_218, %get3A_219] {strides = array<i32>} : memref<80x128xf32, #tpu.memory_space<vmem>>, vector<1x16xf32>,
      %get3A_221 = vector.shape_cast %get3A_220 : vector<1x16xf32> to vector<16xf32>
      %add3A_222 = arith.addf %get3A_217, %get3A_221 : vector<16xf32>
      %max3A_223 = arith.constant 0.000000e+00 : f32
      %max3A_224 = vector.broadcast %max3A_223 : f32 to vector<16xf32>
      %max3A_225 = arith.maximumf %add3A_222, %max3A_224 : vector<16xf32>
      %swap3A_226 = arith.index_cast %add3A_97 : i32 to index
      %swap3A_227 = arith.constant 112 : index
      %swap3A_228 = tpu.vector_load %arg9[%swap3A_226, %swap3A_227] {strides = array<i32>} : memref<80x128xf32, #tpu.memory_space<vmem>>, vector<1x16xf32>,
      %swap3A_229 = vector.shape_cast %swap3A_228 : vector<1x16xf32> to vector<16xf32>
      %swap3A_230 = vector.shape_cast %max3A_225 : vector<16xf32> to vector<1x16xf32>
      tpu.vector_store %arg9[%swap3A_226, %swap3A_227], %swap3A_230 {strides = array<i32>} : memref<80x128xf32, #tpu.memory_space<vmem>>, vector<1x16xf32>,
    }
    %scan3A_91 = arith.constant 80 : i32
    %run_scoped3A = arith.constant 1 : i32
    "tpu.region"() ({
      %run_scoped3A_93 = tpu.sem_alloc : memref<!tpu.dma_semaphore, #tpu.memory_space<semaphore_mem>>
      %dma_start3A_94 = arith.constant 0 : i32
      %dma_start3A_95 = tpu.memref_slice %arg7[%run_scoped3A, %dma_start3A_94] : memref<2x80xi32, #tpu.memory_space<vmem>> -> memref<1x80xi32, #tpu.memory_space<vmem>>
      %dma_start3A_96 = tpu.memref_squeeze %dma_start3A_95 : memref<1x80xi32, #tpu.memory_space<vmem>> -> memref<80xi32, #tpu.memory_space<vmem>>
      %dma_start3A_97 = arith.constant 0 : i32
      %dma_start3A_98 = arith.constant 0 : i32
      %dma_start3A_99 = tpu.memref_slice %arg13[%dma_start3A_97, %dma_start3A_98] : memref<10240x128xf32, #tpu.memory_space<vmem_shared>> -> memref<10240x128xf32, #tpu.memory_space<vmem_shared>>
      tpu.enqueue_indirect_dma source(%arg9 : memref<80x128xf32, #tpu.memory_space<vmem>>) target(%dma_start3A_99 : memref<10240x128xf32, #tpu.memory_space<vmem_shared>>) offsets(%dma_start3A_96 : memref<80xi32, #tpu.memory_space<vmem>>) semaphore(%run_scoped3A_93 : memref<!tpu.dma_semaphore, #tpu.memory_space<semaphore_mem>>) {add = true}
      %dma_wait3A_100 = arith.constant 0 : i32
      %dma_wait3A_101 = tpu.memref_slice %arg7[%run_scoped3A, %dma_wait3A_100] : memref<2x80xi32, #tpu.memory_space<vmem>> -> memref<1x80xi32, #tpu.memory_space<vmem>>
      %dma_wait3A_102 = tpu.memref_squeeze %dma_wait3A_101 : memref<1x80xi32, #tpu.memory_space<vmem>> -> memref<80xi32, #tpu.memory_space<vmem>>
      %dma_wait3A_103 = arith.constant 0 : i32
      %dma_wait3A_104 = arith.constant 0 : i32
      %dma_wait3A_105 = tpu.memref_slice %arg13[%dma_wait3A_103, %dma_wait3A_104] : memref<10240x128xf32, #tpu.memory_space<vmem_shared>> -> memref<10240x128xf32, #tpu.memory_space<vmem_shared>>
      tpu.wait_indirect_dma semaphore(%run_scoped3A_93 : memref<!tpu.dma_semaphore, #tpu.memory_space<semaphore_mem>>) src(%arg9 : memref<80x128xf32, #tpu.memory_space<vmem>>) dst(%dma_wait3A_105 : memref<10240x128xf32, #tpu.memory_space<vmem_shared>>)
      tpu.yield
    }) : () -> ()
    %barrier3A_92 = arith.constant 0 : index
    tpu.barrier barrier_id(%barrier3A_92)
    "tpu.region"() ({
      %run_scoped3A_93 = tpu.sem_alloc : memref<!tpu.dma_semaphore, #tpu.memory_space<semaphore_mem>>
      %dma_start3A_94 = arith.constant 0 : i32
      %dma_start3A_95 = tpu.memref_slice %arg6[%arg0, %mul3A_25, %dma_start3A_94] : memref<2x10240x128xf32, #tpu.memory_space<hbm>> -> memref<1x640x128xf32, #tpu.memory_space<hbm>>
      %dma_start3A_96 = tpu.memref_squeeze %dma_start3A_95 : memref<1x640x128xf32, #tpu.memory_space<hbm>> -> memref<640x128xf32, #tpu.memory_space<hbm>>
      %dma_start3A_97 = arith.constant 0 : i32
      %dma_start3A_98 = tpu.memref_slice %arg13[%mul3A_25, %dma_start3A_97] : memref<10240x128xf32, #tpu.memory_space<vmem_shared>> -> memref<640x128xf32, #tpu.memory_space<vmem_shared>>
      tpu.enqueue_dma source(%dma_start3A_98 : memref<640x128xf32, #tpu.memory_space<vmem_shared>>) target(%dma_start3A_96 : memref<640x128xf32, #tpu.memory_space<hbm>>) target_semaphore(%run_scoped3A_93 : memref<!tpu.dma_semaphore, #tpu.memory_space<semaphore_mem>>)
      %dma_wait3A_99 = arith.constant 0 : i32
      %dma_wait3A_100 = tpu.memref_slice %arg6[%arg0, %mul3A_25, %dma_wait3A_99] : memref<2x10240x128xf32, #tpu.memory_space<hbm>> -> memref<1x640x128xf32, #tpu.memory_space<hbm>>
      %dma_wait3A_101 = tpu.memref_squeeze %dma_wait3A_100 : memref<1x640x128xf32, #tpu.memory_space<hbm>> -> memref<640x128xf32, #tpu.memory_space<hbm>>
      %dma_wait3A_102 = arith.constant 0 : i32
      %dma_wait3A_103 = tpu.memref_slice %arg13[%mul3A_25, %dma_wait3A_102] : memref<10240x128xf32, #tpu.memory_space<vmem_shared>> -> memref<640x128xf32, #tpu.memory_space<vmem_shared>>
      tpu.wait_dma2 semaphore(%run_scoped3A_93 : memref<!tpu.dma_semaphore, #tpu.memory_space<semaphore_mem>>) src(%dma_wait3A_103 : memref<640x128xf32, #tpu.memory_space<vmem_shared>>) dst(%dma_wait3A_101 : memref<640x128xf32, #tpu.memory_space<hbm>>)
      tpu.yield
    }) : () -> ()
    return
  }
}

#map = affine_map<(d0, d1) -> (0, 0)>
#map1 = affine_map<(d0, d1) -> (0, 0, 0)>
module attributes {stable_mosaic.version = 14 : i64} {
  func.func @_sc_body(%arg0: i32, %arg1: i32, %arg2: memref<10000x128xf32, #tpu.memory_space<hbm>>, %arg3: memref<79360x128xf32, #tpu.memory_space<hbm>>, %arg4: memref<992x2x80xi32, #tpu.memory_space<hbm>>, %arg5: memref<10240x128xf32, #tpu.memory_space<hbm>>, %arg6: memref<2x10240x128xf32, #tpu.memory_space<hbm>>, %arg7: memref<2x80xi32, #tpu.memory_space<vmem>>, %arg8: memref<2x80xi32, #tpu.memory_space<vmem>>, %arg9: memref<80x128xf32, #tpu.memory_space<vmem>>, %arg10: memref<80x128xf32, #tpu.memory_space<vmem>>, %arg11: memref<80x128xf32, #tpu.memory_space<vmem>>, %arg12: memref<80x128xf32, #tpu.memory_space<vmem>>, %arg13: memref<10240x128xf32, #tpu.memory_space<vmem_shared>>, %arg14: memref<!tpu.dma_semaphore, #tpu.memory_space<semaphore_mem>>, %arg15: memref<!tpu.dma_semaphore, #tpu.memory_space<semaphore_mem>>, %arg16: memref<!tpu.dma_semaphore, #tpu.memory_space<semaphore_mem>>, %arg17: memref<!tpu.dma_semaphore, #tpu.memory_space<semaphore_mem>>, %arg18: memref<!tpu.dma_semaphore, #tpu.memory_space<semaphore_mem>>, %arg19: memref<!tpu.dma_semaphore, #tpu.memory_space<semaphore_mem>>) attributes {dimension_semantics = [#tpu.dimension_semantics<core_parallel>, #tpu.dimension_semantics<subcore_parallel>], iteration_bounds = array<i64: 2, 16>, scalar_prefetch = 0 : i64, scratch_operands = 13 : i64, tpu.core_type = #tpu.core_type<sc_vector_subcore>, window_params = [{transform_indices = #map}, {transform_indices = #map}, {transform_indices = #map1}, {transform_indices = #map}, {transform_indices = #map1}]} {
    %mul3A = arith.constant 16 : i32
    %mul3A_0 = arith.muli %arg0, %mul3A : i32
    %add3A = arith.addi %mul3A_0, %arg1 : i32
    %mul3A_1 = arith.constant 2480 : i32
    %mul3A_2 = arith.muli %add3A, %mul3A_1 : i32
    %mul3A_3 = arith.constant 31 : i32
    %mul3A_4 = arith.muli %add3A, %mul3A_3 : i32
    %add3A_5 = arith.constant 0 : i32
    %add3A_6 = arith.addi %mul3A_4, %add3A_5 : i32
    %dma_start3A = arith.constant 0 : i32
    %dma_start3A_7 = arith.constant 0 : i32
    %dma_start3A_8 = tpu.memref_slice %arg4[%add3A_6, %dma_start3A, %dma_start3A_7] : memref<992x2x80xi32, #tpu.memory_space<hbm>> -> memref<1x2x80xi32, #tpu.memory_space<hbm>>
    %dma_start3A_9 = tpu.memref_squeeze %dma_start3A_8 : memref<1x2x80xi32, #tpu.memory_space<hbm>> -> memref<2x80xi32, #tpu.memory_space<hbm>>
    %dma_start3A_10 = arith.constant 0 : i32
    %dma_start3A_11 = arith.constant 0 : i32
    %dma_start3A_12 = tpu.memref_slice %arg4[%add3A_6, %dma_start3A_10, %dma_start3A_11] : memref<992x2x80xi32, #tpu.memory_space<hbm>> -> memref<1x2x80xi32, #tpu.memory_space<hbm>>
    %dma_start3A_13 = tpu.memref_squeeze %dma_start3A_12 : memref<1x2x80xi32, #tpu.memory_space<hbm>> -> memref<2x80xi32, #tpu.memory_space<hbm>>
    tpu.enqueue_dma source(%dma_start3A_13 : memref<2x80xi32, #tpu.memory_space<hbm>>) target(%arg7 : memref<2x80xi32, #tpu.memory_space<vmem>>) target_semaphore(%arg14 : memref<!tpu.dma_semaphore, #tpu.memory_space<semaphore_mem>>)
    %add3A_14 = arith.constant 1 : i32
    %add3A_15 = arith.addi %mul3A_4, %add3A_14 : i32
    %dma_start3A_16 = arith.constant 0 : i32
    %dma_start3A_17 = arith.constant 0 : i32
    %dma_start3A_18 = tpu.memref_slice %arg4[%add3A_15, %dma_start3A_16, %dma_start3A_17] : memref<992x2x80xi32, #tpu.memory_space<hbm>> -> memref<1x2x80xi32, #tpu.memory_space<hbm>>
    %dma_start3A_19 = tpu.memref_squeeze %dma_start3A_18 : memref<1x2x80xi32, #tpu.memory_space<hbm>> -> memref<2x80xi32, #tpu.memory_space<hbm>>
    %dma_start3A_20 = arith.constant 0 : i32
    %dma_start3A_21 = arith.constant 0 : i32
    %dma_start3A_22 = tpu.memref_slice %arg4[%add3A_15, %dma_start3A_20, %dma_start3A_21] : memref<992x2x80xi32, #tpu.memory_space<hbm>> -> memref<1x2x80xi32, #tpu.memory_space<hbm>>
    %dma_start3A_23 = tpu.memref_squeeze %dma_start3A_22 : memref<1x2x80xi32, #tpu.memory_space<hbm>> -> memref<2x80xi32, #tpu.memory_space<hbm>>
    tpu.enqueue_dma source(%dma_start3A_23 : memref<2x80xi32, #tpu.memory_space<hbm>>) target(%arg8 : memref<2x80xi32, #tpu.memory_space<vmem>>) target_semaphore(%arg15 : memref<!tpu.dma_semaphore, #tpu.memory_space<semaphore_mem>>)
    %mul3A_24 = arith.constant 640 : i32
    %mul3A_25 = arith.muli %arg1, %mul3A_24 : i32
    "tpu.region"() ({
      %run_scoped3A_93 = tpu.sem_alloc : memref<!tpu.dma_semaphore, #tpu.memory_space<semaphore_mem>>
      %dma_start3A_94 = arith.constant 0 : i32
      %dma_start3A_95 = tpu.memref_slice %arg13[%mul3A_25, %dma_start3A_94] : memref<10240x128xf32, #tpu.memory_space<vmem_shared>> -> memref<640x128xf32, #tpu.memory_space<vmem_shared>>
      %dma_start3A_96 = arith.constant 0 : i32
      %dma_start3A_97 = tpu.memref_slice %arg5[%mul3A_25, %dma_start3A_96] : memref<10240x128xf32, #tpu.memory_space<hbm>> -> memref<640x128xf32, #tpu.memory_space<hbm>>
      tpu.enqueue_dma source(%dma_start3A_97 : memref<640x128xf32, #tpu.memory_space<hbm>>) target(%dma_start3A_95 : memref<640x128xf32, #tpu.memory_space<vmem_shared>>) target_semaphore(%run_scoped3A_93 : memref<!tpu.dma_semaphore, #tpu.memory_space<semaphore_mem>>)
      %dma_wait3A_98 = arith.constant 0 : i32
      %dma_wait3A_99 = tpu.memref_slice %arg13[%mul3A_25, %dma_wait3A_98] : memref<10240x128xf32, #tpu.memory_space<vmem_shared>> -> memref<640x128xf32, #tpu.memory_space<vmem_shared>>
      %dma_wait3A_100 = arith.constant 0 : i32
      %dma_wait3A_101 = tpu.memref_slice %arg5[%mul3A_25, %dma_wait3A_100] : memref<10240x128xf32, #tpu.memory_space<hbm>> -> memref<640x128xf32, #tpu.memory_space<hbm>>
      tpu.wait_dma2 semaphore(%run_scoped3A_93 : memref<!tpu.dma_semaphore, #tpu.memory_space<semaphore_mem>>) src(%dma_wait3A_101 : memref<640x128xf32, #tpu.memory_space<hbm>>) dst(%dma_wait3A_99 : memref<640x128xf32, #tpu.memory_space<vmem_shared>>)
      tpu.yield
    }) : () -> ()
    %dma_wait3A = arith.constant 0 : i32
    %dma_wait3A_26 = arith.constant 0 : i32
    %dma_wait3A_27 = arith.constant 0 : i32
    %dma_wait3A_28 = tpu.memref_slice %arg4[%dma_wait3A, %dma_wait3A_26, %dma_wait3A_27] : memref<992x2x80xi32, #tpu.memory_space<hbm>> -> memref<1x2x80xi32, #tpu.memory_space<hbm>>
    %dma_wait3A_29 = tpu.memref_squeeze %dma_wait3A_28 : memref<1x2x80xi32, #tpu.memory_space<hbm>> -> memref<2x80xi32, #tpu.memory_space<hbm>>
    %dma_wait3A_30 = arith.constant 0 : i32
    %dma_wait3A_31 = arith.constant 0 : i32
    %dma_wait3A_32 = tpu.memref_slice %arg4[%dma_wait3A, %dma_wait3A_30, %dma_wait3A_31] : memref<992x2x80xi32, #tpu.memory_space<hbm>> -> memref<1x2x80xi32, #tpu.memory_space<hbm>>
    %dma_wait3A_33 = tpu.memref_squeeze %dma_wait3A_32 : memref<1x2x80xi32, #tpu.memory_space<hbm>> -> memref<2x80xi32, #tpu.memory_space<hbm>>
    tpu.wait_dma2 semaphore(%arg14 : memref<!tpu.dma_semaphore, #tpu.memory_space<semaphore_mem>>) src(%dma_wait3A_33 : memref<2x80xi32, #tpu.memory_space<hbm>>) dst(%arg7 : memref<2x80xi32, #tpu.memory_space<vmem>>)
    %add3A_34 = arith.constant 0 : i32
    %add3A_35 = arith.addi %mul3A_2, %add3A_34 : i32
    %multiple_of3A = tpu.assume_multiple %add3A_35, 8 : i32
    %dma_start3A_36 = arith.constant 0 : i32
    %dma_start3A_37 = arith.constant 0 : i32
    %dma_start3A_38 = tpu.memref_slice %arg7[%dma_start3A_36, %dma_start3A_37] : memref<2x80xi32, #tpu.memory_space<vmem>> -> memref<1x80xi32, #tpu.memory_space<vmem>>
    %dma_start3A_39 = tpu.memref_squeeze %dma_start3A_38 : memref<1x80xi32, #tpu.memory_space<vmem>> -> memref<80xi32, #tpu.memory_space<vmem>>
    %dma_start3A_40 = arith.constant 0 : i32
    %dma_start3A_41 = arith.constant 0 : i32
    %dma_start3A_42 = tpu.memref_slice %arg2[%dma_start3A_40, %dma_start3A_41] : memref<10000x128xf32, #tpu.memory_space<hbm>> -> memref<10000x128xf32, #tpu.memory_space<hbm>>
    tpu.enqueue_indirect_dma source(%dma_start3A_42 : memref<10000x128xf32, #tpu.memory_space<hbm>>) target(%arg9 : memref<80x128xf32, #tpu.memory_space<vmem>>) offsets(%dma_start3A_39 : memref<80xi32, #tpu.memory_space<vmem>>) semaphore(%arg16 : memref<!tpu.dma_semaphore, #tpu.memory_space<semaphore_mem>>)
    %dma_start3A_43 = arith.constant 0 : i32
    %dma_start3A_44 = tpu.memref_slice %arg3[%multiple_of3A, %dma_start3A_43] : memref<79360x128xf32, #tpu.memory_space<hbm>> -> memref<80x128xf32, #tpu.memory_space<hbm>>
    %dma_start3A_45 = arith.constant 0 : i32
    %dma_start3A_46 = tpu.memref_slice %arg3[%multiple_of3A, %dma_start3A_45] : memref<79360x128xf32, #tpu.memory_space<hbm>> -> memref<80x128xf32, #tpu.memory_space<hbm>>
    tpu.enqueue_dma source(%dma_start3A_46 : memref<80x128xf32, #tpu.memory_space<hbm>>) target(%arg11 : memref<80x128xf32, #tpu.memory_space<vmem>>) target_semaphore(%arg18 : memref<!tpu.dma_semaphore, #tpu.memory_space<semaphore_mem>>)
    %dma_wait3A_47 = arith.constant 0 : i32
    %dma_wait3A_48 = arith.constant 0 : i32
    %dma_wait3A_49 = arith.constant 0 : i32
    %dma_wait3A_50 = tpu.memref_slice %arg4[%dma_wait3A_47, %dma_wait3A_48, %dma_wait3A_49] : memref<992x2x80xi32, #tpu.memory_space<hbm>> -> memref<1x2x80xi32, #tpu.memory_space<hbm>>
    %dma_wait3A_51 = tpu.memref_squeeze %dma_wait3A_50 : memref<1x2x80xi32, #tpu.memory_space<hbm>> -> memref<2x80xi32, #tpu.memory_space<hbm>>
    %dma_wait3A_52 = arith.constant 0 : i32
    %dma_wait3A_53 = arith.constant 0 : i32
    %dma_wait3A_54 = tpu.memref_slice %arg4[%dma_wait3A_47, %dma_wait3A_52, %dma_wait3A_53] : memref<992x2x80xi32, #tpu.memory_space<hbm>> -> memref<1x2x80xi32, #tpu.memory_space<hbm>>
    %dma_wait3A_55 = tpu.memref_squeeze %dma_wait3A_54 : memref<1x2x80xi32, #tpu.memory_space<hbm>> -> memref<2x80xi32, #tpu.memory_space<hbm>>
    tpu.wait_dma2 semaphore(%arg15 : memref<!tpu.dma_semaphore, #tpu.memory_space<semaphore_mem>>) src(%dma_wait3A_55 : memref<2x80xi32, #tpu.memory_space<hbm>>) dst(%arg8 : memref<2x80xi32, #tpu.memory_space<vmem>>)
    %add3A_56 = arith.constant 80 : i32
    %add3A_57 = arith.addi %mul3A_2, %add3A_56 : i32
    %multiple_of3A_58 = tpu.assume_multiple %add3A_57, 8 : i32
    %dma_start3A_59 = arith.constant 0 : i32
    %dma_start3A_60 = arith.constant 0 : i32
    %dma_start3A_61 = tpu.memref_slice %arg8[%dma_start3A_59, %dma_start3A_60] : memref<2x80xi32, #tpu.memory_space<vmem>> -> memref<1x80xi32, #tpu.memory_space<vmem>>
    %dma_start3A_62 = tpu.memref_squeeze %dma_start3A_61 : memref<1x80xi32, #tpu.memory_space<vmem>> -> memref<80xi32, #tpu.memory_space<vmem>>
    %dma_start3A_63 = arith.constant 0 : i32
    %dma_start3A_64 = arith.constant 0 : i32
    %dma_start3A_65 = tpu.memref_slice %arg2[%dma_start3A_63, %dma_start3A_64] : memref<10000x128xf32, #tpu.memory_space<hbm>> -> memref<10000x128xf32, #tpu.memory_space<hbm>>
    tpu.enqueue_indirect_dma source(%dma_start3A_65 : memref<10000x128xf32, #tpu.memory_space<hbm>>) target(%arg10 : memref<80x128xf32, #tpu.memory_space<vmem>>) offsets(%dma_start3A_62 : memref<80xi32, #tpu.memory_space<vmem>>) semaphore(%arg17 : memref<!tpu.dma_semaphore, #tpu.memory_space<semaphore_mem>>)
    %dma_start3A_66 = arith.constant 0 : i32
    %dma_start3A_67 = tpu.memref_slice %arg3[%multiple_of3A_58, %dma_start3A_66] : memref<79360x128xf32, #tpu.memory_space<hbm>> -> memref<80x128xf32, #tpu.memory_space<hbm>>
    %dma_start3A_68 = arith.constant 0 : i32
    %dma_start3A_69 = tpu.memref_slice %arg3[%multiple_of3A_58, %dma_start3A_68] : memref<79360x128xf32, #tpu.memory_space<hbm>> -> memref<80x128xf32, #tpu.memory_space<hbm>>
    tpu.enqueue_dma source(%dma_start3A_69 : memref<80x128xf32, #tpu.memory_space<hbm>>) target(%arg12 : memref<80x128xf32, #tpu.memory_space<vmem>>) target_semaphore(%arg19 : memref<!tpu.dma_semaphore, #tpu.memory_space<semaphore_mem>>)
    %barrier3A = arith.constant 0 : index
    tpu.barrier barrier_id(%barrier3A)
    %scan3A = arith.constant 0 : i32
    %scan3A_70 = arith.constant 15 : i32
    %scan3A_71 = arith.addi %scan3A, %scan3A_70 : i32
    %scan3A_72 = arith.constant 1 : i32
    scf.for %scan3A_93 = %scan3A to %scan3A_71 step %scan3A_72  : i32 {
      %mul3A_94 = arith.constant 1 : i32
      %mul3A_95 = arith.muli %scan3A_93, %mul3A_94 : i32
      %add3A_96 = arith.constant 0 : i32
      %add3A_97 = arith.addi %add3A_96, %mul3A_95 : i32
      %mul3A_98 = arith.constant 2 : i32
      %mul3A_99 = arith.muli %mul3A_98, %add3A_97 : i32
      %dma_wait3A_100 = arith.constant 0 : i32
      %dma_wait3A_101 = arith.constant 0 : i32
      %dma_wait3A_102 = tpu.memref_slice %arg7[%dma_wait3A_100, %dma_wait3A_101] : memref<2x80xi32, #tpu.memory_space<vmem>> -> memref<1x80xi32, #tpu.memory_space<vmem>>
      %dma_wait3A_103 = tpu.memref_squeeze %dma_wait3A_102 : memref<1x80xi32, #tpu.memory_space<vmem>> -> memref<80xi32, #tpu.memory_space<vmem>>
      %dma_wait3A_104 = arith.constant 0 : i32
      %dma_wait3A_105 = arith.constant 0 : i32
      %dma_wait3A_106 = tpu.memref_slice %arg2[%dma_wait3A_104, %dma_wait3A_105] : memref<10000x128xf32, #tpu.memory_space<hbm>> -> memref<10000x128xf32, #tpu.memory_space<hbm>>
      tpu.wait_indirect_dma semaphore(%arg16 : memref<!tpu.dma_semaphore, #tpu.memory_space<semaphore_mem>>) src(%dma_wait3A_106 : memref<10000x128xf32, #tpu.memory_space<hbm>>) dst(%arg9 : memref<80x128xf32, #tpu.memory_space<vmem>>)
      %dma_wait3A_107 = arith.constant 0 : i32
      %dma_wait3A_108 = arith.constant 0 : i32
      %dma_wait3A_109 = tpu.memref_slice %arg3[%dma_wait3A_107, %dma_wait3A_108] : memref<79360x128xf32, #tpu.memory_space<hbm>> -> memref<80x128xf32, #tpu.memory_space<hbm>>
      %dma_wait3A_110 = arith.constant 0 : i32
      %dma_wait3A_111 = arith.constant 0 : i32
      %dma_wait3A_112 = tpu.memref_slice %arg3[%dma_wait3A_110, %dma_wait3A_111] : memref<79360x128xf32, #tpu.memory_space<hbm>> -> memref<80x128xf32, #tpu.memory_space<hbm>>
      tpu.wait_dma2 semaphore(%arg18 : memref<!tpu.dma_semaphore, #tpu.memory_space<semaphore_mem>>) src(%dma_wait3A_112 : memref<80x128xf32, #tpu.memory_space<hbm>>) dst(%arg11 : memref<80x128xf32, #tpu.memory_space<vmem>>)
      %scan3A_113 = arith.constant 0 : i32
      %scan3A_114 = arith.constant 80 : i32
      %scan3A_115 = arith.addi %scan3A_113, %scan3A_114 : i32
      %scan3A_116 = arith.constant 1 : i32
      scf.for %scan3A_153 = %scan3A_113 to %scan3A_115 step %scan3A_116  : i32 {
        %mul3A_154 = arith.constant 1 : i32
        %mul3A_155 = arith.muli %scan3A_153, %mul3A_154 : i32
        %add3A_156 = arith.constant 0 : i32
        %add3A_157 = arith.addi %add3A_156, %mul3A_155 : i32
        %get3A = arith.index_cast %add3A_157 : i32 to index
        %get3A_158 = arith.constant 0 : index
        %get3A_159 = tpu.vector_load %arg9[%get3A, %get3A_158] {strides = array<i32>} : memref<80x128xf32, #tpu.memory_space<vmem>>, vector<1x16xf32>,
        %get3A_160 = vector.shape_cast %get3A_159 : vector<1x16xf32> to vector<16xf32>
        %get3A_161 = arith.index_cast %add3A_157 : i32 to index
        %get3A_162 = arith.constant 0 : index
        %get3A_163 = tpu.vector_load %arg11[%get3A_161, %get3A_162] {strides = array<i32>} : memref<80x128xf32, #tpu.memory_space<vmem>>, vector<1x16xf32>,
        %get3A_164 = vector.shape_cast %get3A_163 : vector<1x16xf32> to vector<16xf32>
        %add3A_165 = arith.addf %get3A_160, %get3A_164 : vector<16xf32>
        %max3A = arith.constant 0.000000e+00 : f32
        %max3A_166 = vector.broadcast %max3A : f32 to vector<16xf32>
        %max3A_167 = arith.maximumf %add3A_165, %max3A_166 : vector<16xf32>
        %swap3A = arith.index_cast %add3A_157 : i32 to index
        %swap3A_168 = arith.constant 0 : index
        %swap3A_169 = tpu.vector_load %arg9[%swap3A, %swap3A_168] {strides = array<i32>} : memref<80x128xf32, #tpu.memory_space<vmem>>, vector<1x16xf32>,
        %swap3A_170 = vector.shape_cast %swap3A_169 : vector<1x16xf32> to vector<16xf32>
        %swap3A_171 = vector.shape_cast %max3A_167 : vector<16xf32> to vector<1x16xf32>
        tpu.vector_store %arg9[%swap3A, %swap3A_168], %swap3A_171 {strides = array<i32>} : memref<80x128xf32, #tpu.memory_space<vmem>>, vector<1x16xf32>,
        %get3A_172 = arith.index_cast %add3A_157 : i32 to index
        %get3A_173 = arith.constant 16 : index
        %get3A_174 = tpu.vector_load %arg9[%get3A_172, %get3A_173] {strides = array<i32>} : memref<80x128xf32, #tpu.memory_space<vmem>>, vector<1x16xf32>,
        %get3A_175 = vector.shape_cast %get3A_174 : vector<1x16xf32> to vector<16xf32>
        %get3A_176 = arith.index_cast %add3A_157 : i32 to index
        %get3A_177 = arith.constant 16 : index
        %get3A_178 = tpu.vector_load %arg11[%get3A_176, %get3A_177] {strides = array<i32>} : memref<80x128xf32, #tpu.memory_space<vmem>>, vector<1x16xf32>,
        %get3A_179 = vector.shape_cast %get3A_178 : vector<1x16xf32> to vector<16xf32>
        %add3A_180 = arith.addf %get3A_175, %get3A_179 : vector<16xf32>
        %max3A_181 = arith.constant 0.000000e+00 : f32
        %max3A_182 = vector.broadcast %max3A_181 : f32 to vector<16xf32>
        %max3A_183 = arith.maximumf %add3A_180, %max3A_182 : vector<16xf32>
        %swap3A_184 = arith.index_cast %add3A_157 : i32 to index
        %swap3A_185 = arith.constant 16 : index
        %swap3A_186 = tpu.vector_load %arg9[%swap3A_184, %swap3A_185] {strides = array<i32>} : memref<80x128xf32, #tpu.memory_space<vmem>>, vector<1x16xf32>,
        %swap3A_187 = vector.shape_cast %swap3A_186 : vector<1x16xf32> to vector<16xf32>
        %swap3A_188 = vector.shape_cast %max3A_183 : vector<16xf32> to vector<1x16xf32>
        tpu.vector_store %arg9[%swap3A_184, %swap3A_185], %swap3A_188 {strides = array<i32>} : memref<80x128xf32, #tpu.memory_space<vmem>>, vector<1x16xf32>,
        %get3A_189 = arith.index_cast %add3A_157 : i32 to index
        %get3A_190 = arith.constant 32 : index
        %get3A_191 = tpu.vector_load %arg9[%get3A_189, %get3A_190] {strides = array<i32>} : memref<80x128xf32, #tpu.memory_space<vmem>>, vector<1x16xf32>,
        %get3A_192 = vector.shape_cast %get3A_191 : vector<1x16xf32> to vector<16xf32>
        %get3A_193 = arith.index_cast %add3A_157 : i32 to index
        %get3A_194 = arith.constant 32 : index
        %get3A_195 = tpu.vector_load %arg11[%get3A_193, %get3A_194] {strides = array<i32>} : memref<80x128xf32, #tpu.memory_space<vmem>>, vector<1x16xf32>,
        %get3A_196 = vector.shape_cast %get3A_195 : vector<1x16xf32> to vector<16xf32>
        %add3A_197 = arith.addf %get3A_192, %get3A_196 : vector<16xf32>
        %max3A_198 = arith.constant 0.000000e+00 : f32
        %max3A_199 = vector.broadcast %max3A_198 : f32 to vector<16xf32>
        %max3A_200 = arith.maximumf %add3A_197, %max3A_199 : vector<16xf32>
        %swap3A_201 = arith.index_cast %add3A_157 : i32 to index
        %swap3A_202 = arith.constant 32 : index
        %swap3A_203 = tpu.vector_load %arg9[%swap3A_201, %swap3A_202] {strides = array<i32>} : memref<80x128xf32, #tpu.memory_space<vmem>>, vector<1x16xf32>,
        %swap3A_204 = vector.shape_cast %swap3A_203 : vector<1x16xf32> to vector<16xf32>
        %swap3A_205 = vector.shape_cast %max3A_200 : vector<16xf32> to vector<1x16xf32>
        tpu.vector_store %arg9[%swap3A_201, %swap3A_202], %swap3A_205 {strides = array<i32>} : memref<80x128xf32, #tpu.memory_space<vmem>>, vector<1x16xf32>,
        %get3A_206 = arith.index_cast %add3A_157 : i32 to index
        %get3A_207 = arith.constant 48 : index
        %get3A_208 = tpu.vector_load %arg9[%get3A_206, %get3A_207] {strides = array<i32>} : memref<80x128xf32, #tpu.memory_space<vmem>>, vector<1x16xf32>,
        %get3A_209 = vector.shape_cast %get3A_208 : vector<1x16xf32> to vector<16xf32>
        %get3A_210 = arith.index_cast %add3A_157 : i32 to index
        %get3A_211 = arith.constant 48 : index
        %get3A_212 = tpu.vector_load %arg11[%get3A_210, %get3A_211] {strides = array<i32>} : memref<80x128xf32, #tpu.memory_space<vmem>>, vector<1x16xf32>,
        %get3A_213 = vector.shape_cast %get3A_212 : vector<1x16xf32> to vector<16xf32>
        %add3A_214 = arith.addf %get3A_209, %get3A_213 : vector<16xf32>
        %max3A_215 = arith.constant 0.000000e+00 : f32
        %max3A_216 = vector.broadcast %max3A_215 : f32 to vector<16xf32>
        %max3A_217 = arith.maximumf %add3A_214, %max3A_216 : vector<16xf32>
        %swap3A_218 = arith.index_cast %add3A_157 : i32 to index
        %swap3A_219 = arith.constant 48 : index
        %swap3A_220 = tpu.vector_load %arg9[%swap3A_218, %swap3A_219] {strides = array<i32>} : memref<80x128xf32, #tpu.memory_space<vmem>>, vector<1x16xf32>,
        %swap3A_221 = vector.shape_cast %swap3A_220 : vector<1x16xf32> to vector<16xf32>
        %swap3A_222 = vector.shape_cast %max3A_217 : vector<16xf32> to vector<1x16xf32>
        tpu.vector_store %arg9[%swap3A_218, %swap3A_219], %swap3A_222 {strides = array<i32>} : memref<80x128xf32, #tpu.memory_space<vmem>>, vector<1x16xf32>,
        %get3A_223 = arith.index_cast %add3A_157 : i32 to index
        %get3A_224 = arith.constant 64 : index
        %get3A_225 = tpu.vector_load %arg9[%get3A_223, %get3A_224] {strides = array<i32>} : memref<80x128xf32, #tpu.memory_space<vmem>>, vector<1x16xf32>,
        %get3A_226 = vector.shape_cast %get3A_225 : vector<1x16xf32> to vector<16xf32>
        %get3A_227 = arith.index_cast %add3A_157 : i32 to index
        %get3A_228 = arith.constant 64 : index
        %get3A_229 = tpu.vector_load %arg11[%get3A_227, %get3A_228] {strides = array<i32>} : memref<80x128xf32, #tpu.memory_space<vmem>>, vector<1x16xf32>,
        %get3A_230 = vector.shape_cast %get3A_229 : vector<1x16xf32> to vector<16xf32>
        %add3A_231 = arith.addf %get3A_226, %get3A_230 : vector<16xf32>
        %max3A_232 = arith.constant 0.000000e+00 : f32
        %max3A_233 = vector.broadcast %max3A_232 : f32 to vector<16xf32>
        %max3A_234 = arith.maximumf %add3A_231, %max3A_233 : vector<16xf32>
        %swap3A_235 = arith.index_cast %add3A_157 : i32 to index
        %swap3A_236 = arith.constant 64 : index
        %swap3A_237 = tpu.vector_load %arg9[%swap3A_235, %swap3A_236] {strides = array<i32>} : memref<80x128xf32, #tpu.memory_space<vmem>>, vector<1x16xf32>,
        %swap3A_238 = vector.shape_cast %swap3A_237 : vector<1x16xf32> to vector<16xf32>
        %swap3A_239 = vector.shape_cast %max3A_234 : vector<16xf32> to vector<1x16xf32>
        tpu.vector_store %arg9[%swap3A_235, %swap3A_236], %swap3A_239 {strides = array<i32>} : memref<80x128xf32, #tpu.memory_space<vmem>>, vector<1x16xf32>,
        %get3A_240 = arith.index_cast %add3A_157 : i32 to index
        %get3A_241 = arith.constant 80 : index
        %get3A_242 = tpu.vector_load %arg9[%get3A_240, %get3A_241] {strides = array<i32>} : memref<80x128xf32, #tpu.memory_space<vmem>>, vector<1x16xf32>,
        %get3A_243 = vector.shape_cast %get3A_242 : vector<1x16xf32> to vector<16xf32>
        %get3A_244 = arith.index_cast %add3A_157 : i32 to index
        %get3A_245 = arith.constant 80 : index
        %get3A_246 = tpu.vector_load %arg11[%get3A_244, %get3A_245] {strides = array<i32>} : memref<80x128xf32, #tpu.memory_space<vmem>>, vector<1x16xf32>,
        %get3A_247 = vector.shape_cast %get3A_246 : vector<1x16xf32> to vector<16xf32>
        %add3A_248 = arith.addf %get3A_243, %get3A_247 : vector<16xf32>
        %max3A_249 = arith.constant 0.000000e+00 : f32
        %max3A_250 = vector.broadcast %max3A_249 : f32 to vector<16xf32>
        %max3A_251 = arith.maximumf %add3A_248, %max3A_250 : vector<16xf32>
        %swap3A_252 = arith.index_cast %add3A_157 : i32 to index
        %swap3A_253 = arith.constant 80 : index
        %swap3A_254 = tpu.vector_load %arg9[%swap3A_252, %swap3A_253] {strides = array<i32>} : memref<80x128xf32, #tpu.memory_space<vmem>>, vector<1x16xf32>,
        %swap3A_255 = vector.shape_cast %swap3A_254 : vector<1x16xf32> to vector<16xf32>
        %swap3A_256 = vector.shape_cast %max3A_251 : vector<16xf32> to vector<1x16xf32>
        tpu.vector_store %arg9[%swap3A_252, %swap3A_253], %swap3A_256 {strides = array<i32>} : memref<80x128xf32, #tpu.memory_space<vmem>>, vector<1x16xf32>,
        %get3A_257 = arith.index_cast %add3A_157 : i32 to index
        %get3A_258 = arith.constant 96 : index
        %get3A_259 = tpu.vector_load %arg9[%get3A_257, %get3A_258] {strides = array<i32>} : memref<80x128xf32, #tpu.memory_space<vmem>>, vector<1x16xf32>,
        %get3A_260 = vector.shape_cast %get3A_259 : vector<1x16xf32> to vector<16xf32>
        %get3A_261 = arith.index_cast %add3A_157 : i32 to index
        %get3A_262 = arith.constant 96 : index
        %get3A_263 = tpu.vector_load %arg11[%get3A_261, %get3A_262] {strides = array<i32>} : memref<80x128xf32, #tpu.memory_space<vmem>>, vector<1x16xf32>,
        %get3A_264 = vector.shape_cast %get3A_263 : vector<1x16xf32> to vector<16xf32>
        %add3A_265 = arith.addf %get3A_260, %get3A_264 : vector<16xf32>
        %max3A_266 = arith.constant 0.000000e+00 : f32
        %max3A_267 = vector.broadcast %max3A_266 : f32 to vector<16xf32>
        %max3A_268 = arith.maximumf %add3A_265, %max3A_267 : vector<16xf32>
        %swap3A_269 = arith.index_cast %add3A_157 : i32 to index
        %swap3A_270 = arith.constant 96 : index
        %swap3A_271 = tpu.vector_load %arg9[%swap3A_269, %swap3A_270] {strides = array<i32>} : memref<80x128xf32, #tpu.memory_space<vmem>>, vector<1x16xf32>,
        %swap3A_272 = vector.shape_cast %swap3A_271 : vector<1x16xf32> to vector<16xf32>
        %swap3A_273 = vector.shape_cast %max3A_268 : vector<16xf32> to vector<1x16xf32>
        tpu.vector_store %arg9[%swap3A_269, %swap3A_270], %swap3A_273 {strides = array<i32>} : memref<80x128xf32, #tpu.memory_space<vmem>>, vector<1x16xf32>,
        %get3A_274 = arith.index_cast %add3A_157 : i32 to index
        %get3A_275 = arith.constant 112 : index
        %get3A_276 = tpu.vector_load %arg9[%get3A_274, %get3A_275] {strides = array<i32>} : memref<80x128xf32, #tpu.memory_space<vmem>>, vector<1x16xf32>,
        %get3A_277 = vector.shape_cast %get3A_276 : vector<1x16xf32> to vector<16xf32>
        %get3A_278 = arith.index_cast %add3A_157 : i32 to index
        %get3A_279 = arith.constant 112 : index
        %get3A_280 = tpu.vector_load %arg11[%get3A_278, %get3A_279] {strides = array<i32>} : memref<80x128xf32, #tpu.memory_space<vmem>>, vector<1x16xf32>,
        %get3A_281 = vector.shape_cast %get3A_280 : vector<1x16xf32> to vector<16xf32>
        %add3A_282 = arith.addf %get3A_277, %get3A_281 : vector<16xf32>
        %max3A_283 = arith.constant 0.000000e+00 : f32
        %max3A_284 = vector.broadcast %max3A_283 : f32 to vector<16xf32>
        %max3A_285 = arith.maximumf %add3A_282, %max3A_284 : vector<16xf32>
        %swap3A_286 = arith.index_cast %add3A_157 : i32 to index
        %swap3A_287 = arith.constant 112 : index
        %swap3A_288 = tpu.vector_load %arg9[%swap3A_286, %swap3A_287] {strides = array<i32>} : memref<80x128xf32, #tpu.memory_space<vmem>>, vector<1x16xf32>,
        %swap3A_289 = vector.shape_cast %swap3A_288 : vector<1x16xf32> to vector<16xf32>
        %swap3A_290 = vector.shape_cast %max3A_285 : vector<16xf32> to vector<1x16xf32>
        tpu.vector_store %arg9[%swap3A_286, %swap3A_287], %swap3A_290 {strides = array<i32>} : memref<80x128xf32, #tpu.memory_space<vmem>>, vector<1x16xf32>,
      }
      %scan3A_117 = arith.constant 80 : i32
      %run_scoped3A_118 = arith.constant 1 : i32
      "tpu.region"() ({
        %run_scoped3A_153 = tpu.sem_alloc : memref<!tpu.dma_semaphore, #tpu.memory_space<semaphore_mem>>
        %dma_start3A_154 = arith.constant 0 : i32
        %dma_start3A_155 = tpu.memref_slice %arg7[%run_scoped3A_118, %dma_start3A_154] : memref<2x80xi32, #tpu.memory_space<vmem>> -> memref<1x80xi32, #tpu.memory_space<vmem>>
        %dma_start3A_156 = tpu.memref_squeeze %dma_start3A_155 : memref<1x80xi32, #tpu.memory_space<vmem>> -> memref<80xi32, #tpu.memory_space<vmem>>
        %dma_start3A_157 = arith.constant 0 : i32
        %dma_start3A_158 = arith.constant 0 : i32
        %dma_start3A_159 = tpu.memref_slice %arg13[%dma_start3A_157, %dma_start3A_158] : memref<10240x128xf32, #tpu.memory_space<vmem_shared>> -> memref<10240x128xf32, #tpu.memory_space<vmem_shared>>
        tpu.enqueue_indirect_dma source(%arg9 : memref<80x128xf32, #tpu.memory_space<vmem>>) target(%dma_start3A_159 : memref<10240x128xf32, #tpu.memory_space<vmem_shared>>) offsets(%dma_start3A_156 : memref<80xi32, #tpu.memory_space<vmem>>) semaphore(%run_scoped3A_153 : memref<!tpu.dma_semaphore, #tpu.memory_space<semaphore_mem>>) {add = true}
        %dma_wait3A_160 = arith.constant 0 : i32
        %dma_wait3A_161 = tpu.memref_slice %arg7[%run_scoped3A_118, %dma_wait3A_160] : memref<2x80xi32, #tpu.memory_space<vmem>> -> memref<1x80xi32, #tpu.memory_space<vmem>>
        %dma_wait3A_162 = tpu.memref_squeeze %dma_wait3A_161 : memref<1x80xi32, #tpu.memory_space<vmem>> -> memref<80xi32, #tpu.memory_space<vmem>>
        %dma_wait3A_163 = arith.constant 0 : i32
        %dma_wait3A_164 = arith.constant 0 : i32
        %dma_wait3A_165 = tpu.memref_slice %arg13[%dma_wait3A_163, %dma_wait3A_164] : memref<10240x128xf32, #tpu.memory_space<vmem_shared>> -> memref<10240x128xf32, #tpu.memory_space<vmem_shared>>
        tpu.wait_indirect_dma semaphore(%run_scoped3A_153 : memref<!tpu.dma_semaphore, #tpu.memory_space<semaphore_mem>>) src(%arg9 : memref<80x128xf32, #tpu.memory_space<vmem>>) dst(%dma_wait3A_165 : memref<10240x128xf32, #tpu.memory_space<vmem_shared>>)
        tpu.yield
      }) : () -> ()
      %add3A_119 = arith.constant 2 : i32
      %add3A_120 = arith.addi %mul3A_99, %add3A_119 : i32
      %lt3A = arith.constant 31 : i32
      %lt3A_121 = arith.cmpi slt, %add3A_120, %lt3A : i32
      %convert_element_type3A = arith.extui %lt3A_121 : i1 to i32
      %cond3A = arith.constant 0 : i32
      %cond3A_122 = arith.cmpi ne, %convert_element_type3A, %cond3A : i32
      scf.if %cond3A_122 {
        %add3A_153 = arith.constant 2 : i32
        %add3A_154 = arith.addi %mul3A_99, %add3A_153 : i32
        %add3A_155 = arith.addi %mul3A_4, %add3A_154 : i32
        %dma_start3A_156 = arith.constant 0 : i32
        %dma_start3A_157 = arith.constant 0 : i32
        %dma_start3A_158 = tpu.memref_slice %arg4[%add3A_155, %dma_start3A_156, %dma_start3A_157] : memref<992x2x80xi32, #tpu.memory_space<hbm>> -> memref<1x2x80xi32, #tpu.memory_space<hbm>>
        %dma_start3A_159 = tpu.memref_squeeze %dma_start3A_158 : memref<1x2x80xi32, #tpu.memory_space<hbm>> -> memref<2x80xi32, #tpu.memory_space<hbm>>
        %dma_start3A_160 = arith.constant 0 : i32
        %dma_start3A_161 = arith.constant 0 : i32
        %dma_start3A_162 = tpu.memref_slice %arg4[%add3A_155, %dma_start3A_160, %dma_start3A_161] : memref<992x2x80xi32, #tpu.memory_space<hbm>> -> memref<1x2x80xi32, #tpu.memory_space<hbm>>
        %dma_start3A_163 = tpu.memref_squeeze %dma_start3A_162 : memref<1x2x80xi32, #tpu.memory_space<hbm>> -> memref<2x80xi32, #tpu.memory_space<hbm>>
        tpu.enqueue_dma source(%dma_start3A_163 : memref<2x80xi32, #tpu.memory_space<hbm>>) target(%arg7 : memref<2x80xi32, #tpu.memory_space<vmem>>) target_semaphore(%arg14 : memref<!tpu.dma_semaphore, #tpu.memory_space<semaphore_mem>>)
        %dma_wait3A_164 = arith.constant 0 : i32
        %dma_wait3A_165 = arith.constant 0 : i32
        %dma_wait3A_166 = arith.constant 0 : i32
        %dma_wait3A_167 = tpu.memref_slice %arg4[%dma_wait3A_164, %dma_wait3A_165, %dma_wait3A_166] : memref<992x2x80xi32, #tpu.memory_space<hbm>> -> memref<1x2x80xi32, #tpu.memory_space<hbm>>
        %dma_wait3A_168 = tpu.memref_squeeze %dma_wait3A_167 : memref<1x2x80xi32, #tpu.memory_space<hbm>> -> memref<2x80xi32, #tpu.memory_space<hbm>>
        %dma_wait3A_169 = arith.constant 0 : i32
        %dma_wait3A_170 = arith.constant 0 : i32
        %dma_wait3A_171 = tpu.memref_slice %arg4[%dma_wait3A_164, %dma_wait3A_169, %dma_wait3A_170] : memref<992x2x80xi32, #tpu.memory_space<hbm>> -> memref<1x2x80xi32, #tpu.memory_space<hbm>>
        %dma_wait3A_172 = tpu.memref_squeeze %dma_wait3A_171 : memref<1x2x80xi32, #tpu.memory_space<hbm>> -> memref<2x80xi32, #tpu.memory_space<hbm>>
        tpu.wait_dma2 semaphore(%arg14 : memref<!tpu.dma_semaphore, #tpu.memory_space<semaphore_mem>>) src(%dma_wait3A_172 : memref<2x80xi32, #tpu.memory_space<hbm>>) dst(%arg7 : memref<2x80xi32, #tpu.memory_space<vmem>>)
        %add3A_173 = arith.constant 2 : i32
        %add3A_174 = arith.addi %mul3A_99, %add3A_173 : i32
        %mul3A_175 = arith.constant 80 : i32
        %mul3A_176 = arith.muli %add3A_174, %mul3A_175 : i32
        %add3A_177 = arith.addi %mul3A_2, %mul3A_176 : i32
        %multiple_of3A_178 = tpu.assume_multiple %add3A_177, 8 : i32
        %dma_start3A_179 = arith.constant 0 : i32
        %dma_start3A_180 = arith.constant 0 : i32
        %dma_start3A_181 = tpu.memref_slice %arg7[%dma_start3A_179, %dma_start3A_180] : memref<2x80xi32, #tpu.memory_space<vmem>> -> memref<1x80xi32, #tpu.memory_space<vmem>>
        %dma_start3A_182 = tpu.memref_squeeze %dma_start3A_181 : memref<1x80xi32, #tpu.memory_space<vmem>> -> memref<80xi32, #tpu.memory_space<vmem>>
        %dma_start3A_183 = arith.constant 0 : i32
        %dma_start3A_184 = arith.constant 0 : i32
        %dma_start3A_185 = tpu.memref_slice %arg2[%dma_start3A_183, %dma_start3A_184] : memref<10000x128xf32, #tpu.memory_space<hbm>> -> memref<10000x128xf32, #tpu.memory_space<hbm>>
        tpu.enqueue_indirect_dma source(%dma_start3A_185 : memref<10000x128xf32, #tpu.memory_space<hbm>>) target(%arg9 : memref<80x128xf32, #tpu.memory_space<vmem>>) offsets(%dma_start3A_182 : memref<80xi32, #tpu.memory_space<vmem>>) semaphore(%arg16 : memref<!tpu.dma_semaphore, #tpu.memory_space<semaphore_mem>>)
        %dma_start3A_186 = arith.constant 0 : i32
        %dma_start3A_187 = tpu.memref_slice %arg3[%multiple_of3A_178, %dma_start3A_186] : memref<79360x128xf32, #tpu.memory_space<hbm>> -> memref<80x128xf32, #tpu.memory_space<hbm>>
        %dma_start3A_188 = arith.constant 0 : i32
        %dma_start3A_189 = tpu.memref_slice %arg3[%multiple_of3A_178, %dma_start3A_188] : memref<79360x128xf32, #tpu.memory_space<hbm>> -> memref<80x128xf32, #tpu.memory_space<hbm>>
        tpu.enqueue_dma source(%dma_start3A_189 : memref<80x128xf32, #tpu.memory_space<hbm>>) target(%arg11 : memref<80x128xf32, #tpu.memory_space<vmem>>) target_semaphore(%arg18 : memref<!tpu.dma_semaphore, #tpu.memory_space<semaphore_mem>>)
      } else {
      }
      %mul3A_123 = arith.constant 2 : i32
      %mul3A_124 = arith.muli %mul3A_123, %add3A_97 : i32
      %add3A_125 = arith.constant 1 : i32
      %add3A_126 = arith.addi %mul3A_124, %add3A_125 : i32
      %dma_wait3A_127 = arith.constant 0 : i32
      %dma_wait3A_128 = arith.constant 0 : i32
      %dma_wait3A_129 = tpu.memref_slice %arg8[%dma_wait3A_127, %dma_wait3A_128] : memref<2x80xi32, #tpu.memory_space<vmem>> -> memref<1x80xi32, #tpu.memory_space<vmem>>
      %dma_wait3A_130 = tpu.memref_squeeze %dma_wait3A_129 : memref<1x80xi32, #tpu.memory_space<vmem>> -> memref<80xi32, #tpu.memory_space<vmem>>
      %dma_wait3A_131 = arith.constant 0 : i32
      %dma_wait3A_132 = arith.constant 0 : i32
      %dma_wait3A_133 = tpu.memref_slice %arg2[%dma_wait3A_131, %dma_wait3A_132] : memref<10000x128xf32, #tpu.memory_space<hbm>> -> memref<10000x128xf32, #tpu.memory_space<hbm>>
      tpu.wait_indirect_dma semaphore(%arg17 : memref<!tpu.dma_semaphore, #tpu.memory_space<semaphore_mem>>) src(%dma_wait3A_133 : memref<10000x128xf32, #tpu.memory_space<hbm>>) dst(%arg10 : memref<80x128xf32, #tpu.memory_space<vmem>>)
      %dma_wait3A_134 = arith.constant 0 : i32
      %dma_wait3A_135 = arith.constant 0 : i32
      %dma_wait3A_136 = tpu.memref_slice %arg3[%dma_wait3A_134, %dma_wait3A_135] : memref<79360x128xf32, #tpu.memory_space<hbm>> -> memref<80x128xf32, #tpu.memory_space<hbm>>
      %dma_wait3A_137 = arith.constant 0 : i32
      %dma_wait3A_138 = arith.constant 0 : i32
      %dma_wait3A_139 = tpu.memref_slice %arg3[%dma_wait3A_137, %dma_wait3A_138] : memref<79360x128xf32, #tpu.memory_space<hbm>> -> memref<80x128xf32, #tpu.memory_space<hbm>>
      tpu.wait_dma2 semaphore(%arg19 : memref<!tpu.dma_semaphore, #tpu.memory_space<semaphore_mem>>) src(%dma_wait3A_139 : memref<80x128xf32, #tpu.memory_space<hbm>>) dst(%arg12 : memref<80x128xf32, #tpu.memory_space<vmem>>)
      %scan3A_140 = arith.constant 0 : i32
      %scan3A_141 = arith.constant 80 : i32
      %scan3A_142 = arith.addi %scan3A_140, %scan3A_141 : i32
      %scan3A_143 = arith.constant 1 : i32
      scf.for %scan3A_153 = %scan3A_140 to %scan3A_142 step %scan3A_143  : i32 {
        %mul3A_154 = arith.constant 1 : i32
        %mul3A_155 = arith.muli %scan3A_153, %mul3A_154 : i32
        %add3A_156 = arith.constant 0 : i32
        %add3A_157 = arith.addi %add3A_156, %mul3A_155 : i32
        %get3A = arith.index_cast %add3A_157 : i32 to index
        %get3A_158 = arith.constant 0 : index
        %get3A_159 = tpu.vector_load %arg10[%get3A, %get3A_158] {strides = array<i32>} : memref<80x128xf32, #tpu.memory_space<vmem>>, vector<1x16xf32>,
        %get3A_160 = vector.shape_cast %get3A_159 : vector<1x16xf32> to vector<16xf32>
        %get3A_161 = arith.index_cast %add3A_157 : i32 to index
        %get3A_162 = arith.constant 0 : index
        %get3A_163 = tpu.vector_load %arg12[%get3A_161, %get3A_162] {strides = array<i32>} : memref<80x128xf32, #tpu.memory_space<vmem>>, vector<1x16xf32>,
        %get3A_164 = vector.shape_cast %get3A_163 : vector<1x16xf32> to vector<16xf32>
        %add3A_165 = arith.addf %get3A_160, %get3A_164 : vector<16xf32>
        %max3A = arith.constant 0.000000e+00 : f32
        %max3A_166 = vector.broadcast %max3A : f32 to vector<16xf32>
        %max3A_167 = arith.maximumf %add3A_165, %max3A_166 : vector<16xf32>
        %swap3A = arith.index_cast %add3A_157 : i32 to index
        %swap3A_168 = arith.constant 0 : index
        %swap3A_169 = tpu.vector_load %arg10[%swap3A, %swap3A_168] {strides = array<i32>} : memref<80x128xf32, #tpu.memory_space<vmem>>, vector<1x16xf32>,
        %swap3A_170 = vector.shape_cast %swap3A_169 : vector<1x16xf32> to vector<16xf32>
        %swap3A_171 = vector.shape_cast %max3A_167 : vector<16xf32> to vector<1x16xf32>
        tpu.vector_store %arg10[%swap3A, %swap3A_168], %swap3A_171 {strides = array<i32>} : memref<80x128xf32, #tpu.memory_space<vmem>>, vector<1x16xf32>,
        %get3A_172 = arith.index_cast %add3A_157 : i32 to index
        %get3A_173 = arith.constant 16 : index
        %get3A_174 = tpu.vector_load %arg10[%get3A_172, %get3A_173] {strides = array<i32>} : memref<80x128xf32, #tpu.memory_space<vmem>>, vector<1x16xf32>,
        %get3A_175 = vector.shape_cast %get3A_174 : vector<1x16xf32> to vector<16xf32>
        %get3A_176 = arith.index_cast %add3A_157 : i32 to index
        %get3A_177 = arith.constant 16 : index
        %get3A_178 = tpu.vector_load %arg12[%get3A_176, %get3A_177] {strides = array<i32>} : memref<80x128xf32, #tpu.memory_space<vmem>>, vector<1x16xf32>,
        %get3A_179 = vector.shape_cast %get3A_178 : vector<1x16xf32> to vector<16xf32>
        %add3A_180 = arith.addf %get3A_175, %get3A_179 : vector<16xf32>
        %max3A_181 = arith.constant 0.000000e+00 : f32
        %max3A_182 = vector.broadcast %max3A_181 : f32 to vector<16xf32>
        %max3A_183 = arith.maximumf %add3A_180, %max3A_182 : vector<16xf32>
        %swap3A_184 = arith.index_cast %add3A_157 : i32 to index
        %swap3A_185 = arith.constant 16 : index
        %swap3A_186 = tpu.vector_load %arg10[%swap3A_184, %swap3A_185] {strides = array<i32>} : memref<80x128xf32, #tpu.memory_space<vmem>>, vector<1x16xf32>,
        %swap3A_187 = vector.shape_cast %swap3A_186 : vector<1x16xf32> to vector<16xf32>
        %swap3A_188 = vector.shape_cast %max3A_183 : vector<16xf32> to vector<1x16xf32>
        tpu.vector_store %arg10[%swap3A_184, %swap3A_185], %swap3A_188 {strides = array<i32>} : memref<80x128xf32, #tpu.memory_space<vmem>>, vector<1x16xf32>,
        %get3A_189 = arith.index_cast %add3A_157 : i32 to index
        %get3A_190 = arith.constant 32 : index
        %get3A_191 = tpu.vector_load %arg10[%get3A_189, %get3A_190] {strides = array<i32>} : memref<80x128xf32, #tpu.memory_space<vmem>>, vector<1x16xf32>,
        %get3A_192 = vector.shape_cast %get3A_191 : vector<1x16xf32> to vector<16xf32>
        %get3A_193 = arith.index_cast %add3A_157 : i32 to index
        %get3A_194 = arith.constant 32 : index
        %get3A_195 = tpu.vector_load %arg12[%get3A_193, %get3A_194] {strides = array<i32>} : memref<80x128xf32, #tpu.memory_space<vmem>>, vector<1x16xf32>,
        %get3A_196 = vector.shape_cast %get3A_195 : vector<1x16xf32> to vector<16xf32>
        %add3A_197 = arith.addf %get3A_192, %get3A_196 : vector<16xf32>
        %max3A_198 = arith.constant 0.000000e+00 : f32
        %max3A_199 = vector.broadcast %max3A_198 : f32 to vector<16xf32>
        %max3A_200 = arith.maximumf %add3A_197, %max3A_199 : vector<16xf32>
        %swap3A_201 = arith.index_cast %add3A_157 : i32 to index
        %swap3A_202 = arith.constant 32 : index
        %swap3A_203 = tpu.vector_load %arg10[%swap3A_201, %swap3A_202] {strides = array<i32>} : memref<80x128xf32, #tpu.memory_space<vmem>>, vector<1x16xf32>,
        %swap3A_204 = vector.shape_cast %swap3A_203 : vector<1x16xf32> to vector<16xf32>
        %swap3A_205 = vector.shape_cast %max3A_200 : vector<16xf32> to vector<1x16xf32>
        tpu.vector_store %arg10[%swap3A_201, %swap3A_202], %swap3A_205 {strides = array<i32>} : memref<80x128xf32, #tpu.memory_space<vmem>>, vector<1x16xf32>,
        %get3A_206 = arith.index_cast %add3A_157 : i32 to index
        %get3A_207 = arith.constant 48 : index
        %get3A_208 = tpu.vector_load %arg10[%get3A_206, %get3A_207] {strides = array<i32>} : memref<80x128xf32, #tpu.memory_space<vmem>>, vector<1x16xf32>,
        %get3A_209 = vector.shape_cast %get3A_208 : vector<1x16xf32> to vector<16xf32>
        %get3A_210 = arith.index_cast %add3A_157 : i32 to index
        %get3A_211 = arith.constant 48 : index
        %get3A_212 = tpu.vector_load %arg12[%get3A_210, %get3A_211] {strides = array<i32>} : memref<80x128xf32, #tpu.memory_space<vmem>>, vector<1x16xf32>,
        %get3A_213 = vector.shape_cast %get3A_212 : vector<1x16xf32> to vector<16xf32>
        %add3A_214 = arith.addf %get3A_209, %get3A_213 : vector<16xf32>
        %max3A_215 = arith.constant 0.000000e+00 : f32
        %max3A_216 = vector.broadcast %max3A_215 : f32 to vector<16xf32>
        %max3A_217 = arith.maximumf %add3A_214, %max3A_216 : vector<16xf32>
        %swap3A_218 = arith.index_cast %add3A_157 : i32 to index
        %swap3A_219 = arith.constant 48 : index
        %swap3A_220 = tpu.vector_load %arg10[%swap3A_218, %swap3A_219] {strides = array<i32>} : memref<80x128xf32, #tpu.memory_space<vmem>>, vector<1x16xf32>,
        %swap3A_221 = vector.shape_cast %swap3A_220 : vector<1x16xf32> to vector<16xf32>
        %swap3A_222 = vector.shape_cast %max3A_217 : vector<16xf32> to vector<1x16xf32>
        tpu.vector_store %arg10[%swap3A_218, %swap3A_219], %swap3A_222 {strides = array<i32>} : memref<80x128xf32, #tpu.memory_space<vmem>>, vector<1x16xf32>,
        %get3A_223 = arith.index_cast %add3A_157 : i32 to index
        %get3A_224 = arith.constant 64 : index
        %get3A_225 = tpu.vector_load %arg10[%get3A_223, %get3A_224] {strides = array<i32>} : memref<80x128xf32, #tpu.memory_space<vmem>>, vector<1x16xf32>,
        %get3A_226 = vector.shape_cast %get3A_225 : vector<1x16xf32> to vector<16xf32>
        %get3A_227 = arith.index_cast %add3A_157 : i32 to index
        %get3A_228 = arith.constant 64 : index
        %get3A_229 = tpu.vector_load %arg12[%get3A_227, %get3A_228] {strides = array<i32>} : memref<80x128xf32, #tpu.memory_space<vmem>>, vector<1x16xf32>,
        %get3A_230 = vector.shape_cast %get3A_229 : vector<1x16xf32> to vector<16xf32>
        %add3A_231 = arith.addf %get3A_226, %get3A_230 : vector<16xf32>
        %max3A_232 = arith.constant 0.000000e+00 : f32
        %max3A_233 = vector.broadcast %max3A_232 : f32 to vector<16xf32>
        %max3A_234 = arith.maximumf %add3A_231, %max3A_233 : vector<16xf32>
        %swap3A_235 = arith.index_cast %add3A_157 : i32 to index
        %swap3A_236 = arith.constant 64 : index
        %swap3A_237 = tpu.vector_load %arg10[%swap3A_235, %swap3A_236] {strides = array<i32>} : memref<80x128xf32, #tpu.memory_space<vmem>>, vector<1x16xf32>,
        %swap3A_238 = vector.shape_cast %swap3A_237 : vector<1x16xf32> to vector<16xf32>
        %swap3A_239 = vector.shape_cast %max3A_234 : vector<16xf32> to vector<1x16xf32>
        tpu.vector_store %arg10[%swap3A_235, %swap3A_236], %swap3A_239 {strides = array<i32>} : memref<80x128xf32, #tpu.memory_space<vmem>>, vector<1x16xf32>,
        %get3A_240 = arith.index_cast %add3A_157 : i32 to index
        %get3A_241 = arith.constant 80 : index
        %get3A_242 = tpu.vector_load %arg10[%get3A_240, %get3A_241] {strides = array<i32>} : memref<80x128xf32, #tpu.memory_space<vmem>>, vector<1x16xf32>,
        %get3A_243 = vector.shape_cast %get3A_242 : vector<1x16xf32> to vector<16xf32>
        %get3A_244 = arith.index_cast %add3A_157 : i32 to index
        %get3A_245 = arith.constant 80 : index
        %get3A_246 = tpu.vector_load %arg12[%get3A_244, %get3A_245] {strides = array<i32>} : memref<80x128xf32, #tpu.memory_space<vmem>>, vector<1x16xf32>,
        %get3A_247 = vector.shape_cast %get3A_246 : vector<1x16xf32> to vector<16xf32>
        %add3A_248 = arith.addf %get3A_243, %get3A_247 : vector<16xf32>
        %max3A_249 = arith.constant 0.000000e+00 : f32
        %max3A_250 = vector.broadcast %max3A_249 : f32 to vector<16xf32>
        %max3A_251 = arith.maximumf %add3A_248, %max3A_250 : vector<16xf32>
        %swap3A_252 = arith.index_cast %add3A_157 : i32 to index
        %swap3A_253 = arith.constant 80 : index
        %swap3A_254 = tpu.vector_load %arg10[%swap3A_252, %swap3A_253] {strides = array<i32>} : memref<80x128xf32, #tpu.memory_space<vmem>>, vector<1x16xf32>,
        %swap3A_255 = vector.shape_cast %swap3A_254 : vector<1x16xf32> to vector<16xf32>
        %swap3A_256 = vector.shape_cast %max3A_251 : vector<16xf32> to vector<1x16xf32>
        tpu.vector_store %arg10[%swap3A_252, %swap3A_253], %swap3A_256 {strides = array<i32>} : memref<80x128xf32, #tpu.memory_space<vmem>>, vector<1x16xf32>,
        %get3A_257 = arith.index_cast %add3A_157 : i32 to index
        %get3A_258 = arith.constant 96 : index
        %get3A_259 = tpu.vector_load %arg10[%get3A_257, %get3A_258] {strides = array<i32>} : memref<80x128xf32, #tpu.memory_space<vmem>>, vector<1x16xf32>,
        %get3A_260 = vector.shape_cast %get3A_259 : vector<1x16xf32> to vector<16xf32>
        %get3A_261 = arith.index_cast %add3A_157 : i32 to index
        %get3A_262 = arith.constant 96 : index
        %get3A_263 = tpu.vector_load %arg12[%get3A_261, %get3A_262] {strides = array<i32>} : memref<80x128xf32, #tpu.memory_space<vmem>>, vector<1x16xf32>,
        %get3A_264 = vector.shape_cast %get3A_263 : vector<1x16xf32> to vector<16xf32>
        %add3A_265 = arith.addf %get3A_260, %get3A_264 : vector<16xf32>
        %max3A_266 = arith.constant 0.000000e+00 : f32
        %max3A_267 = vector.broadcast %max3A_266 : f32 to vector<16xf32>
        %max3A_268 = arith.maximumf %add3A_265, %max3A_267 : vector<16xf32>
        %swap3A_269 = arith.index_cast %add3A_157 : i32 to index
        %swap3A_270 = arith.constant 96 : index
        %swap3A_271 = tpu.vector_load %arg10[%swap3A_269, %swap3A_270] {strides = array<i32>} : memref<80x128xf32, #tpu.memory_space<vmem>>, vector<1x16xf32>,
        %swap3A_272 = vector.shape_cast %swap3A_271 : vector<1x16xf32> to vector<16xf32>
        %swap3A_273 = vector.shape_cast %max3A_268 : vector<16xf32> to vector<1x16xf32>
        tpu.vector_store %arg10[%swap3A_269, %swap3A_270], %swap3A_273 {strides = array<i32>} : memref<80x128xf32, #tpu.memory_space<vmem>>, vector<1x16xf32>,
        %get3A_274 = arith.index_cast %add3A_157 : i32 to index
        %get3A_275 = arith.constant 112 : index
        %get3A_276 = tpu.vector_load %arg10[%get3A_274, %get3A_275] {strides = array<i32>} : memref<80x128xf32, #tpu.memory_space<vmem>>, vector<1x16xf32>,
        %get3A_277 = vector.shape_cast %get3A_276 : vector<1x16xf32> to vector<16xf32>
        %get3A_278 = arith.index_cast %add3A_157 : i32 to index
        %get3A_279 = arith.constant 112 : index
        %get3A_280 = tpu.vector_load %arg12[%get3A_278, %get3A_279] {strides = array<i32>} : memref<80x128xf32, #tpu.memory_space<vmem>>, vector<1x16xf32>,
        %get3A_281 = vector.shape_cast %get3A_280 : vector<1x16xf32> to vector<16xf32>
        %add3A_282 = arith.addf %get3A_277, %get3A_281 : vector<16xf32>
        %max3A_283 = arith.constant 0.000000e+00 : f32
        %max3A_284 = vector.broadcast %max3A_283 : f32 to vector<16xf32>
        %max3A_285 = arith.maximumf %add3A_282, %max3A_284 : vector<16xf32>
        %swap3A_286 = arith.index_cast %add3A_157 : i32 to index
        %swap3A_287 = arith.constant 112 : index
        %swap3A_288 = tpu.vector_load %arg10[%swap3A_286, %swap3A_287] {strides = array<i32>} : memref<80x128xf32, #tpu.memory_space<vmem>>, vector<1x16xf32>,
        %swap3A_289 = vector.shape_cast %swap3A_288 : vector<1x16xf32> to vector<16xf32>
        %swap3A_290 = vector.shape_cast %max3A_285 : vector<16xf32> to vector<1x16xf32>
        tpu.vector_store %arg10[%swap3A_286, %swap3A_287], %swap3A_290 {strides = array<i32>} : memref<80x128xf32, #tpu.memory_space<vmem>>, vector<1x16xf32>,
      }
      %scan3A_144 = arith.constant 80 : i32
      %run_scoped3A_145 = arith.constant 1 : i32
      "tpu.region"() ({
        %run_scoped3A_153 = tpu.sem_alloc : memref<!tpu.dma_semaphore, #tpu.memory_space<semaphore_mem>>
        %dma_start3A_154 = arith.constant 0 : i32
        %dma_start3A_155 = tpu.memref_slice %arg8[%run_scoped3A_145, %dma_start3A_154] : memref<2x80xi32, #tpu.memory_space<vmem>> -> memref<1x80xi32, #tpu.memory_space<vmem>>
        %dma_start3A_156 = tpu.memref_squeeze %dma_start3A_155 : memref<1x80xi32, #tpu.memory_space<vmem>> -> memref<80xi32, #tpu.memory_space<vmem>>
        %dma_start3A_157 = arith.constant 0 : i32
        %dma_start3A_158 = arith.constant 0 : i32
        %dma_start3A_159 = tpu.memref_slice %arg13[%dma_start3A_157, %dma_start3A_158] : memref<10240x128xf32, #tpu.memory_space<vmem_shared>> -> memref<10240x128xf32, #tpu.memory_space<vmem_shared>>
        tpu.enqueue_indirect_dma source(%arg10 : memref<80x128xf32, #tpu.memory_space<vmem>>) target(%dma_start3A_159 : memref<10240x128xf32, #tpu.memory_space<vmem_shared>>) offsets(%dma_start3A_156 : memref<80xi32, #tpu.memory_space<vmem>>) semaphore(%run_scoped3A_153 : memref<!tpu.dma_semaphore, #tpu.memory_space<semaphore_mem>>) {add = true}
        %dma_wait3A_160 = arith.constant 0 : i32
        %dma_wait3A_161 = tpu.memref_slice %arg8[%run_scoped3A_145, %dma_wait3A_160] : memref<2x80xi32, #tpu.memory_space<vmem>> -> memref<1x80xi32, #tpu.memory_space<vmem>>
        %dma_wait3A_162 = tpu.memref_squeeze %dma_wait3A_161 : memref<1x80xi32, #tpu.memory_space<vmem>> -> memref<80xi32, #tpu.memory_space<vmem>>
        %dma_wait3A_163 = arith.constant 0 : i32
        %dma_wait3A_164 = arith.constant 0 : i32
        %dma_wait3A_165 = tpu.memref_slice %arg13[%dma_wait3A_163, %dma_wait3A_164] : memref<10240x128xf32, #tpu.memory_space<vmem_shared>> -> memref<10240x128xf32, #tpu.memory_space<vmem_shared>>
        tpu.wait_indirect_dma semaphore(%run_scoped3A_153 : memref<!tpu.dma_semaphore, #tpu.memory_space<semaphore_mem>>) src(%arg10 : memref<80x128xf32, #tpu.memory_space<vmem>>) dst(%dma_wait3A_165 : memref<10240x128xf32, #tpu.memory_space<vmem_shared>>)
        tpu.yield
      }) : () -> ()
      %add3A_146 = arith.constant 2 : i32
      %add3A_147 = arith.addi %add3A_126, %add3A_146 : i32
      %lt3A_148 = arith.constant 31 : i32
      %lt3A_149 = arith.cmpi slt, %add3A_147, %lt3A_148 : i32
      %convert_element_type3A_150 = arith.extui %lt3A_149 : i1 to i32
      %cond3A_151 = arith.constant 0 : i32
      %cond3A_152 = arith.cmpi ne, %convert_element_type3A_150, %cond3A_151 : i32
      scf.if %cond3A_152 {
        %add3A_153 = arith.constant 2 : i32
        %add3A_154 = arith.addi %add3A_126, %add3A_153 : i32
        %add3A_155 = arith.addi %mul3A_4, %add3A_154 : i32
        %dma_start3A_156 = arith.constant 0 : i32
        %dma_start3A_157 = arith.constant 0 : i32
        %dma_start3A_158 = tpu.memref_slice %arg4[%add3A_155, %dma_start3A_156, %dma_start3A_157] : memref<992x2x80xi32, #tpu.memory_space<hbm>> -> memref<1x2x80xi32, #tpu.memory_space<hbm>>
        %dma_start3A_159 = tpu.memref_squeeze %dma_start3A_158 : memref<1x2x80xi32, #tpu.memory_space<hbm>> -> memref<2x80xi32, #tpu.memory_space<hbm>>
        %dma_start3A_160 = arith.constant 0 : i32
        %dma_start3A_161 = arith.constant 0 : i32
        %dma_start3A_162 = tpu.memref_slice %arg4[%add3A_155, %dma_start3A_160, %dma_start3A_161] : memref<992x2x80xi32, #tpu.memory_space<hbm>> -> memref<1x2x80xi32, #tpu.memory_space<hbm>>
        %dma_start3A_163 = tpu.memref_squeeze %dma_start3A_162 : memref<1x2x80xi32, #tpu.memory_space<hbm>> -> memref<2x80xi32, #tpu.memory_space<hbm>>
        tpu.enqueue_dma source(%dma_start3A_163 : memref<2x80xi32, #tpu.memory_space<hbm>>) target(%arg8 : memref<2x80xi32, #tpu.memory_space<vmem>>) target_semaphore(%arg15 : memref<!tpu.dma_semaphore, #tpu.memory_space<semaphore_mem>>)
        %dma_wait3A_164 = arith.constant 0 : i32
        %dma_wait3A_165 = arith.constant 0 : i32
        %dma_wait3A_166 = arith.constant 0 : i32
        %dma_wait3A_167 = tpu.memref_slice %arg4[%dma_wait3A_164, %dma_wait3A_165, %dma_wait3A_166] : memref<992x2x80xi32, #tpu.memory_space<hbm>> -> memref<1x2x80xi32, #tpu.memory_space<hbm>>
        %dma_wait3A_168 = tpu.memref_squeeze %dma_wait3A_167 : memref<1x2x80xi32, #tpu.memory_space<hbm>> -> memref<2x80xi32, #tpu.memory_space<hbm>>
        %dma_wait3A_169 = arith.constant 0 : i32
        %dma_wait3A_170 = arith.constant 0 : i32
        %dma_wait3A_171 = tpu.memref_slice %arg4[%dma_wait3A_164, %dma_wait3A_169, %dma_wait3A_170] : memref<992x2x80xi32, #tpu.memory_space<hbm>> -> memref<1x2x80xi32, #tpu.memory_space<hbm>>
        %dma_wait3A_172 = tpu.memref_squeeze %dma_wait3A_171 : memref<1x2x80xi32, #tpu.memory_space<hbm>> -> memref<2x80xi32, #tpu.memory_space<hbm>>
        tpu.wait_dma2 semaphore(%arg15 : memref<!tpu.dma_semaphore, #tpu.memory_space<semaphore_mem>>) src(%dma_wait3A_172 : memref<2x80xi32, #tpu.memory_space<hbm>>) dst(%arg8 : memref<2x80xi32, #tpu.memory_space<vmem>>)
        %add3A_173 = arith.constant 2 : i32
        %add3A_174 = arith.addi %add3A_126, %add3A_173 : i32
        %mul3A_175 = arith.constant 80 : i32
        %mul3A_176 = arith.muli %add3A_174, %mul3A_175 : i32
        %add3A_177 = arith.addi %mul3A_2, %mul3A_176 : i32
        %multiple_of3A_178 = tpu.assume_multiple %add3A_177, 8 : i32
        %dma_start3A_179 = arith.constant 0 : i32
        %dma_start3A_180 = arith.constant 0 : i32
        %dma_start3A_181 = tpu.memref_slice %arg8[%dma_start3A_179, %dma_start3A_180] : memref<2x80xi32, #tpu.memory_space<vmem>> -> memref<1x80xi32, #tpu.memory_space<vmem>>
        %dma_start3A_182 = tpu.memref_squeeze %dma_start3A_181 : memref<1x80xi32, #tpu.memory_space<vmem>> -> memref<80xi32, #tpu.memory_space<vmem>>
        %dma_start3A_183 = arith.constant 0 : i32
        %dma_start3A_184 = arith.constant 0 : i32
        %dma_start3A_185 = tpu.memref_slice %arg2[%dma_start3A_183, %dma_start3A_184] : memref<10000x128xf32, #tpu.memory_space<hbm>> -> memref<10000x128xf32, #tpu.memory_space<hbm>>
        tpu.enqueue_indirect_dma source(%dma_start3A_185 : memref<10000x128xf32, #tpu.memory_space<hbm>>) target(%arg10 : memref<80x128xf32, #tpu.memory_space<vmem>>) offsets(%dma_start3A_182 : memref<80xi32, #tpu.memory_space<vmem>>) semaphore(%arg17 : memref<!tpu.dma_semaphore, #tpu.memory_space<semaphore_mem>>)
        %dma_start3A_186 = arith.constant 0 : i32
        %dma_start3A_187 = tpu.memref_slice %arg3[%multiple_of3A_178, %dma_start3A_186] : memref<79360x128xf32, #tpu.memory_space<hbm>> -> memref<80x128xf32, #tpu.memory_space<hbm>>
        %dma_start3A_188 = arith.constant 0 : i32
        %dma_start3A_189 = tpu.memref_slice %arg3[%multiple_of3A_178, %dma_start3A_188] : memref<79360x128xf32, #tpu.memory_space<hbm>> -> memref<80x128xf32, #tpu.memory_space<hbm>>
        tpu.enqueue_dma source(%dma_start3A_189 : memref<80x128xf32, #tpu.memory_space<hbm>>) target(%arg12 : memref<80x128xf32, #tpu.memory_space<vmem>>) target_semaphore(%arg19 : memref<!tpu.dma_semaphore, #tpu.memory_space<semaphore_mem>>)
      } else {
      }
    }
    %scan3A_73 = arith.constant 15 : i32
    %dma_wait3A_74 = arith.constant 0 : i32
    %dma_wait3A_75 = arith.constant 0 : i32
    %dma_wait3A_76 = tpu.memref_slice %arg7[%dma_wait3A_74, %dma_wait3A_75] : memref<2x80xi32, #tpu.memory_space<vmem>> -> memref<1x80xi32, #tpu.memory_space<vmem>>
    %dma_wait3A_77 = tpu.memref_squeeze %dma_wait3A_76 : memref<1x80xi32, #tpu.memory_space<vmem>> -> memref<80xi32, #tpu.memory_space<vmem>>
    %dma_wait3A_78 = arith.constant 0 : i32
    %dma_wait3A_79 = arith.constant 0 : i32
    %dma_wait3A_80 = tpu.memref_slice %arg2[%dma_wait3A_78, %dma_wait3A_79] : memref<10000x128xf32, #tpu.memory_space<hbm>> -> memref<10000x128xf32, #tpu.memory_space<hbm>>
    tpu.wait_indirect_dma semaphore(%arg16 : memref<!tpu.dma_semaphore, #tpu.memory_space<semaphore_mem>>) src(%dma_wait3A_80 : memref<10000x128xf32, #tpu.memory_space<hbm>>) dst(%arg9 : memref<80x128xf32, #tpu.memory_space<vmem>>)
    %dma_wait3A_81 = arith.constant 0 : i32
    %dma_wait3A_82 = arith.constant 0 : i32
    %dma_wait3A_83 = tpu.memref_slice %arg3[%dma_wait3A_81, %dma_wait3A_82] : memref<79360x128xf32, #tpu.memory_space<hbm>> -> memref<80x128xf32, #tpu.memory_space<hbm>>
    %dma_wait3A_84 = arith.constant 0 : i32
    %dma_wait3A_85 = arith.constant 0 : i32
    %dma_wait3A_86 = tpu.memref_slice %arg3[%dma_wait3A_84, %dma_wait3A_85] : memref<79360x128xf32, #tpu.memory_space<hbm>> -> memref<80x128xf32, #tpu.memory_space<hbm>>
    tpu.wait_dma2 semaphore(%arg18 : memref<!tpu.dma_semaphore, #tpu.memory_space<semaphore_mem>>) src(%dma_wait3A_86 : memref<80x128xf32, #tpu.memory_space<hbm>>) dst(%arg11 : memref<80x128xf32, #tpu.memory_space<vmem>>)
    %scan3A_87 = arith.constant 0 : i32
    %scan3A_88 = arith.constant 80 : i32
    %scan3A_89 = arith.addi %scan3A_87, %scan3A_88 : i32
    %scan3A_90 = arith.constant 1 : i32
    scf.for %scan3A_93 = %scan3A_87 to %scan3A_89 step %scan3A_90  : i32 {
      %mul3A_94 = arith.constant 1 : i32
      %mul3A_95 = arith.muli %scan3A_93, %mul3A_94 : i32
      %add3A_96 = arith.constant 0 : i32
      %add3A_97 = arith.addi %add3A_96, %mul3A_95 : i32
      %get3A = arith.index_cast %add3A_97 : i32 to index
      %get3A_98 = arith.constant 0 : index
      %get3A_99 = tpu.vector_load %arg9[%get3A, %get3A_98] {strides = array<i32>} : memref<80x128xf32, #tpu.memory_space<vmem>>, vector<1x16xf32>,
      %get3A_100 = vector.shape_cast %get3A_99 : vector<1x16xf32> to vector<16xf32>
      %get3A_101 = arith.index_cast %add3A_97 : i32 to index
      %get3A_102 = arith.constant 0 : index
      %get3A_103 = tpu.vector_load %arg11[%get3A_101, %get3A_102] {strides = array<i32>} : memref<80x128xf32, #tpu.memory_space<vmem>>, vector<1x16xf32>,
      %get3A_104 = vector.shape_cast %get3A_103 : vector<1x16xf32> to vector<16xf32>
      %add3A_105 = arith.addf %get3A_100, %get3A_104 : vector<16xf32>
      %max3A = arith.constant 0.000000e+00 : f32
      %max3A_106 = vector.broadcast %max3A : f32 to vector<16xf32>
      %max3A_107 = arith.maximumf %add3A_105, %max3A_106 : vector<16xf32>
      %swap3A = arith.index_cast %add3A_97 : i32 to index
      %swap3A_108 = arith.constant 0 : index
      %swap3A_109 = tpu.vector_load %arg9[%swap3A, %swap3A_108] {strides = array<i32>} : memref<80x128xf32, #tpu.memory_space<vmem>>, vector<1x16xf32>,
      %swap3A_110 = vector.shape_cast %swap3A_109 : vector<1x16xf32> to vector<16xf32>
      %swap3A_111 = vector.shape_cast %max3A_107 : vector<16xf32> to vector<1x16xf32>
      tpu.vector_store %arg9[%swap3A, %swap3A_108], %swap3A_111 {strides = array<i32>} : memref<80x128xf32, #tpu.memory_space<vmem>>, vector<1x16xf32>,
      %get3A_112 = arith.index_cast %add3A_97 : i32 to index
      %get3A_113 = arith.constant 16 : index
      %get3A_114 = tpu.vector_load %arg9[%get3A_112, %get3A_113] {strides = array<i32>} : memref<80x128xf32, #tpu.memory_space<vmem>>, vector<1x16xf32>,
      %get3A_115 = vector.shape_cast %get3A_114 : vector<1x16xf32> to vector<16xf32>
      %get3A_116 = arith.index_cast %add3A_97 : i32 to index
      %get3A_117 = arith.constant 16 : index
      %get3A_118 = tpu.vector_load %arg11[%get3A_116, %get3A_117] {strides = array<i32>} : memref<80x128xf32, #tpu.memory_space<vmem>>, vector<1x16xf32>,
      %get3A_119 = vector.shape_cast %get3A_118 : vector<1x16xf32> to vector<16xf32>
      %add3A_120 = arith.addf %get3A_115, %get3A_119 : vector<16xf32>
      %max3A_121 = arith.constant 0.000000e+00 : f32
      %max3A_122 = vector.broadcast %max3A_121 : f32 to vector<16xf32>
      %max3A_123 = arith.maximumf %add3A_120, %max3A_122 : vector<16xf32>
      %swap3A_124 = arith.index_cast %add3A_97 : i32 to index
      %swap3A_125 = arith.constant 16 : index
      %swap3A_126 = tpu.vector_load %arg9[%swap3A_124, %swap3A_125] {strides = array<i32>} : memref<80x128xf32, #tpu.memory_space<vmem>>, vector<1x16xf32>,
      %swap3A_127 = vector.shape_cast %swap3A_126 : vector<1x16xf32> to vector<16xf32>
      %swap3A_128 = vector.shape_cast %max3A_123 : vector<16xf32> to vector<1x16xf32>
      tpu.vector_store %arg9[%swap3A_124, %swap3A_125], %swap3A_128 {strides = array<i32>} : memref<80x128xf32, #tpu.memory_space<vmem>>, vector<1x16xf32>,
      %get3A_129 = arith.index_cast %add3A_97 : i32 to index
      %get3A_130 = arith.constant 32 : index
      %get3A_131 = tpu.vector_load %arg9[%get3A_129, %get3A_130] {strides = array<i32>} : memref<80x128xf32, #tpu.memory_space<vmem>>, vector<1x16xf32>,
      %get3A_132 = vector.shape_cast %get3A_131 : vector<1x16xf32> to vector<16xf32>
      %get3A_133 = arith.index_cast %add3A_97 : i32 to index
      %get3A_134 = arith.constant 32 : index
      %get3A_135 = tpu.vector_load %arg11[%get3A_133, %get3A_134] {strides = array<i32>} : memref<80x128xf32, #tpu.memory_space<vmem>>, vector<1x16xf32>,
      %get3A_136 = vector.shape_cast %get3A_135 : vector<1x16xf32> to vector<16xf32>
      %add3A_137 = arith.addf %get3A_132, %get3A_136 : vector<16xf32>
      %max3A_138 = arith.constant 0.000000e+00 : f32
      %max3A_139 = vector.broadcast %max3A_138 : f32 to vector<16xf32>
      %max3A_140 = arith.maximumf %add3A_137, %max3A_139 : vector<16xf32>
      %swap3A_141 = arith.index_cast %add3A_97 : i32 to index
      %swap3A_142 = arith.constant 32 : index
      %swap3A_143 = tpu.vector_load %arg9[%swap3A_141, %swap3A_142] {strides = array<i32>} : memref<80x128xf32, #tpu.memory_space<vmem>>, vector<1x16xf32>,
      %swap3A_144 = vector.shape_cast %swap3A_143 : vector<1x16xf32> to vector<16xf32>
      %swap3A_145 = vector.shape_cast %max3A_140 : vector<16xf32> to vector<1x16xf32>
      tpu.vector_store %arg9[%swap3A_141, %swap3A_142], %swap3A_145 {strides = array<i32>} : memref<80x128xf32, #tpu.memory_space<vmem>>, vector<1x16xf32>,
      %get3A_146 = arith.index_cast %add3A_97 : i32 to index
      %get3A_147 = arith.constant 48 : index
      %get3A_148 = tpu.vector_load %arg9[%get3A_146, %get3A_147] {strides = array<i32>} : memref<80x128xf32, #tpu.memory_space<vmem>>, vector<1x16xf32>,
      %get3A_149 = vector.shape_cast %get3A_148 : vector<1x16xf32> to vector<16xf32>
      %get3A_150 = arith.index_cast %add3A_97 : i32 to index
      %get3A_151 = arith.constant 48 : index
      %get3A_152 = tpu.vector_load %arg11[%get3A_150, %get3A_151] {strides = array<i32>} : memref<80x128xf32, #tpu.memory_space<vmem>>, vector<1x16xf32>,
      %get3A_153 = vector.shape_cast %get3A_152 : vector<1x16xf32> to vector<16xf32>
      %add3A_154 = arith.addf %get3A_149, %get3A_153 : vector<16xf32>
      %max3A_155 = arith.constant 0.000000e+00 : f32
      %max3A_156 = vector.broadcast %max3A_155 : f32 to vector<16xf32>
      %max3A_157 = arith.maximumf %add3A_154, %max3A_156 : vector<16xf32>
      %swap3A_158 = arith.index_cast %add3A_97 : i32 to index
      %swap3A_159 = arith.constant 48 : index
      %swap3A_160 = tpu.vector_load %arg9[%swap3A_158, %swap3A_159] {strides = array<i32>} : memref<80x128xf32, #tpu.memory_space<vmem>>, vector<1x16xf32>,
      %swap3A_161 = vector.shape_cast %swap3A_160 : vector<1x16xf32> to vector<16xf32>
      %swap3A_162 = vector.shape_cast %max3A_157 : vector<16xf32> to vector<1x16xf32>
      tpu.vector_store %arg9[%swap3A_158, %swap3A_159], %swap3A_162 {strides = array<i32>} : memref<80x128xf32, #tpu.memory_space<vmem>>, vector<1x16xf32>,
      %get3A_163 = arith.index_cast %add3A_97 : i32 to index
      %get3A_164 = arith.constant 64 : index
      %get3A_165 = tpu.vector_load %arg9[%get3A_163, %get3A_164] {strides = array<i32>} : memref<80x128xf32, #tpu.memory_space<vmem>>, vector<1x16xf32>,
      %get3A_166 = vector.shape_cast %get3A_165 : vector<1x16xf32> to vector<16xf32>
      %get3A_167 = arith.index_cast %add3A_97 : i32 to index
      %get3A_168 = arith.constant 64 : index
      %get3A_169 = tpu.vector_load %arg11[%get3A_167, %get3A_168] {strides = array<i32>} : memref<80x128xf32, #tpu.memory_space<vmem>>, vector<1x16xf32>,
      %get3A_170 = vector.shape_cast %get3A_169 : vector<1x16xf32> to vector<16xf32>
      %add3A_171 = arith.addf %get3A_166, %get3A_170 : vector<16xf32>
      %max3A_172 = arith.constant 0.000000e+00 : f32
      %max3A_173 = vector.broadcast %max3A_172 : f32 to vector<16xf32>
      %max3A_174 = arith.maximumf %add3A_171, %max3A_173 : vector<16xf32>
      %swap3A_175 = arith.index_cast %add3A_97 : i32 to index
      %swap3A_176 = arith.constant 64 : index
      %swap3A_177 = tpu.vector_load %arg9[%swap3A_175, %swap3A_176] {strides = array<i32>} : memref<80x128xf32, #tpu.memory_space<vmem>>, vector<1x16xf32>,
      %swap3A_178 = vector.shape_cast %swap3A_177 : vector<1x16xf32> to vector<16xf32>
      %swap3A_179 = vector.shape_cast %max3A_174 : vector<16xf32> to vector<1x16xf32>
      tpu.vector_store %arg9[%swap3A_175, %swap3A_176], %swap3A_179 {strides = array<i32>} : memref<80x128xf32, #tpu.memory_space<vmem>>, vector<1x16xf32>,
      %get3A_180 = arith.index_cast %add3A_97 : i32 to index
      %get3A_181 = arith.constant 80 : index
      %get3A_182 = tpu.vector_load %arg9[%get3A_180, %get3A_181] {strides = array<i32>} : memref<80x128xf32, #tpu.memory_space<vmem>>, vector<1x16xf32>,
      %get3A_183 = vector.shape_cast %get3A_182 : vector<1x16xf32> to vector<16xf32>
      %get3A_184 = arith.index_cast %add3A_97 : i32 to index
      %get3A_185 = arith.constant 80 : index
      %get3A_186 = tpu.vector_load %arg11[%get3A_184, %get3A_185] {strides = array<i32>} : memref<80x128xf32, #tpu.memory_space<vmem>>, vector<1x16xf32>,
      %get3A_187 = vector.shape_cast %get3A_186 : vector<1x16xf32> to vector<16xf32>
      %add3A_188 = arith.addf %get3A_183, %get3A_187 : vector<16xf32>
      %max3A_189 = arith.constant 0.000000e+00 : f32
      %max3A_190 = vector.broadcast %max3A_189 : f32 to vector<16xf32>
      %max3A_191 = arith.maximumf %add3A_188, %max3A_190 : vector<16xf32>
      %swap3A_192 = arith.index_cast %add3A_97 : i32 to index
      %swap3A_193 = arith.constant 80 : index
      %swap3A_194 = tpu.vector_load %arg9[%swap3A_192, %swap3A_193] {strides = array<i32>} : memref<80x128xf32, #tpu.memory_space<vmem>>, vector<1x16xf32>,
      %swap3A_195 = vector.shape_cast %swap3A_194 : vector<1x16xf32> to vector<16xf32>
      %swap3A_196 = vector.shape_cast %max3A_191 : vector<16xf32> to vector<1x16xf32>
      tpu.vector_store %arg9[%swap3A_192, %swap3A_193], %swap3A_196 {strides = array<i32>} : memref<80x128xf32, #tpu.memory_space<vmem>>, vector<1x16xf32>,
      %get3A_197 = arith.index_cast %add3A_97 : i32 to index
      %get3A_198 = arith.constant 96 : index
      %get3A_199 = tpu.vector_load %arg9[%get3A_197, %get3A_198] {strides = array<i32>} : memref<80x128xf32, #tpu.memory_space<vmem>>, vector<1x16xf32>,
      %get3A_200 = vector.shape_cast %get3A_199 : vector<1x16xf32> to vector<16xf32>
      %get3A_201 = arith.index_cast %add3A_97 : i32 to index
      %get3A_202 = arith.constant 96 : index
      %get3A_203 = tpu.vector_load %arg11[%get3A_201, %get3A_202] {strides = array<i32>} : memref<80x128xf32, #tpu.memory_space<vmem>>, vector<1x16xf32>,
      %get3A_204 = vector.shape_cast %get3A_203 : vector<1x16xf32> to vector<16xf32>
      %add3A_205 = arith.addf %get3A_200, %get3A_204 : vector<16xf32>
      %max3A_206 = arith.constant 0.000000e+00 : f32
      %max3A_207 = vector.broadcast %max3A_206 : f32 to vector<16xf32>
      %max3A_208 = arith.maximumf %add3A_205, %max3A_207 : vector<16xf32>
      %swap3A_209 = arith.index_cast %add3A_97 : i32 to index
      %swap3A_210 = arith.constant 96 : index
      %swap3A_211 = tpu.vector_load %arg9[%swap3A_209, %swap3A_210] {strides = array<i32>} : memref<80x128xf32, #tpu.memory_space<vmem>>, vector<1x16xf32>,
      %swap3A_212 = vector.shape_cast %swap3A_211 : vector<1x16xf32> to vector<16xf32>
      %swap3A_213 = vector.shape_cast %max3A_208 : vector<16xf32> to vector<1x16xf32>
      tpu.vector_store %arg9[%swap3A_209, %swap3A_210], %swap3A_213 {strides = array<i32>} : memref<80x128xf32, #tpu.memory_space<vmem>>, vector<1x16xf32>,
      %get3A_214 = arith.index_cast %add3A_97 : i32 to index
      %get3A_215 = arith.constant 112 : index
      %get3A_216 = tpu.vector_load %arg9[%get3A_214, %get3A_215] {strides = array<i32>} : memref<80x128xf32, #tpu.memory_space<vmem>>, vector<1x16xf32>,
      %get3A_217 = vector.shape_cast %get3A_216 : vector<1x16xf32> to vector<16xf32>
      %get3A_218 = arith.index_cast %add3A_97 : i32 to index
      %get3A_219 = arith.constant 112 : index
      %get3A_220 = tpu.vector_load %arg11[%get3A_218, %get3A_219] {strides = array<i32>} : memref<80x128xf32, #tpu.memory_space<vmem>>, vector<1x16xf32>,
      %get3A_221 = vector.shape_cast %get3A_220 : vector<1x16xf32> to vector<16xf32>
      %add3A_222 = arith.addf %get3A_217, %get3A_221 : vector<16xf32>
      %max3A_223 = arith.constant 0.000000e+00 : f32
      %max3A_224 = vector.broadcast %max3A_223 : f32 to vector<16xf32>
      %max3A_225 = arith.maximumf %add3A_222, %max3A_224 : vector<16xf32>
      %swap3A_226 = arith.index_cast %add3A_97 : i32 to index
      %swap3A_227 = arith.constant 112 : index
      %swap3A_228 = tpu.vector_load %arg9[%swap3A_226, %swap3A_227] {strides = array<i32>} : memref<80x128xf32, #tpu.memory_space<vmem>>, vector<1x16xf32>,
      %swap3A_229 = vector.shape_cast %swap3A_228 : vector<1x16xf32> to vector<16xf32>
      %swap3A_230 = vector.shape_cast %max3A_225 : vector<16xf32> to vector<1x16xf32>
      tpu.vector_store %arg9[%swap3A_226, %swap3A_227], %swap3A_230 {strides = array<i32>} : memref<80x128xf32, #tpu.memory_space<vmem>>, vector<1x16xf32>,
    }
    %scan3A_91 = arith.constant 80 : i32
    %run_scoped3A = arith.constant 1 : i32
    "tpu.region"() ({
      %run_scoped3A_93 = tpu.sem_alloc : memref<!tpu.dma_semaphore, #tpu.memory_space<semaphore_mem>>
      %dma_start3A_94 = arith.constant 0 : i32
      %dma_start3A_95 = tpu.memref_slice %arg7[%run_scoped3A, %dma_start3A_94] : memref<2x80xi32, #tpu.memory_space<vmem>> -> memref<1x80xi32, #tpu.memory_space<vmem>>
      %dma_start3A_96 = tpu.memref_squeeze %dma_start3A_95 : memref<1x80xi32, #tpu.memory_space<vmem>> -> memref<80xi32, #tpu.memory_space<vmem>>
      %dma_start3A_97 = arith.constant 0 : i32
      %dma_start3A_98 = arith.constant 0 : i32
      %dma_start3A_99 = tpu.memref_slice %arg13[%dma_start3A_97, %dma_start3A_98] : memref<10240x128xf32, #tpu.memory_space<vmem_shared>> -> memref<10240x128xf32, #tpu.memory_space<vmem_shared>>
      tpu.enqueue_indirect_dma source(%arg9 : memref<80x128xf32, #tpu.memory_space<vmem>>) target(%dma_start3A_99 : memref<10240x128xf32, #tpu.memory_space<vmem_shared>>) offsets(%dma_start3A_96 : memref<80xi32, #tpu.memory_space<vmem>>) semaphore(%run_scoped3A_93 : memref<!tpu.dma_semaphore, #tpu.memory_space<semaphore_mem>>) {add = true}
      %dma_wait3A_100 = arith.constant 0 : i32
      %dma_wait3A_101 = tpu.memref_slice %arg7[%run_scoped3A, %dma_wait3A_100] : memref<2x80xi32, #tpu.memory_space<vmem>> -> memref<1x80xi32, #tpu.memory_space<vmem>>
      %dma_wait3A_102 = tpu.memref_squeeze %dma_wait3A_101 : memref<1x80xi32, #tpu.memory_space<vmem>> -> memref<80xi32, #tpu.memory_space<vmem>>
      %dma_wait3A_103 = arith.constant 0 : i32
      %dma_wait3A_104 = arith.constant 0 : i32
      %dma_wait3A_105 = tpu.memref_slice %arg13[%dma_wait3A_103, %dma_wait3A_104] : memref<10240x128xf32, #tpu.memory_space<vmem_shared>> -> memref<10240x128xf32, #tpu.memory_space<vmem_shared>>
      tpu.wait_indirect_dma semaphore(%run_scoped3A_93 : memref<!tpu.dma_semaphore, #tpu.memory_space<semaphore_mem>>) src(%arg9 : memref<80x128xf32, #tpu.memory_space<vmem>>) dst(%dma_wait3A_105 : memref<10240x128xf32, #tpu.memory_space<vmem_shared>>)
      tpu.yield
    }) : () -> ()
    %barrier3A_92 = arith.constant 0 : index
    tpu.barrier barrier_id(%barrier3A_92)
    "tpu.region"() ({
      %run_scoped3A_93 = tpu.sem_alloc : memref<!tpu.dma_semaphore, #tpu.memory_space<semaphore_mem>>
      %dma_start3A_94 = arith.constant 0 : i32
      %dma_start3A_95 = tpu.memref_slice %arg6[%arg0, %mul3A_25, %dma_start3A_94] : memref<2x10240x128xf32, #tpu.memory_space<hbm>> -> memref<1x640x128xf32, #tpu.memory_space<hbm>>
      %dma_start3A_96 = tpu.memref_squeeze %dma_start3A_95 : memref<1x640x128xf32, #tpu.memory_space<hbm>> -> memref<640x128xf32, #tpu.memory_space<hbm>>
      %dma_start3A_97 = arith.constant 0 : i32
      %dma_start3A_98 = tpu.memref_slice %arg13[%mul3A_25, %dma_start3A_97] : memref<10240x128xf32, #tpu.memory_space<vmem_shared>> -> memref<640x128xf32, #tpu.memory_space<vmem_shared>>
      tpu.enqueue_dma source(%dma_start3A_98 : memref<640x128xf32, #tpu.memory_space<vmem_shared>>) target(%dma_start3A_96 : memref<640x128xf32, #tpu.memory_space<hbm>>) target_semaphore(%run_scoped3A_93 : memref<!tpu.dma_semaphore, #tpu.memory_space<semaphore_mem>>)
      %dma_wait3A_99 = arith.constant 0 : i32
      %dma_wait3A_100 = tpu.memref_slice %arg6[%arg0, %mul3A_25, %dma_wait3A_99] : memref<2x10240x128xf32, #tpu.memory_space<hbm>> -> memref<1x640x128xf32, #tpu.memory_space<hbm>>
      %dma_wait3A_101 = tpu.memref_squeeze %dma_wait3A_100 : memref<1x640x128xf32, #tpu.memory_space<hbm>> -> memref<640x128xf32, #tpu.memory_space<hbm>>
      %dma_wait3A_102 = arith.constant 0 : i32
      %dma_wait3A_103 = tpu.memref_slice %arg13[%mul3A_25, %dma_wait3A_102] : memref<10240x128xf32, #tpu.memory_space<vmem_shared>> -> memref<640x128xf32, #tpu.memory_space<vmem_shared>>
      tpu.wait_dma2 semaphore(%run_scoped3A_93 : memref<!tpu.dma_semaphore, #tpu.memory_space<semaphore_mem>>) src(%dma_wait3A_103 : memref<640x128xf32, #tpu.memory_space<vmem_shared>>) dst(%dma_wait3A_101 : memref<640x128xf32, #tpu.memory_space<hbm>>)
      tpu.yield
    }) : () -> ()
    return
  }
}

#map = affine_map<(d0, d1) -> (0, 0)>
#map1 = affine_map<(d0, d1) -> (0, 0, 0)>
module attributes {stable_mosaic.version = 14 : i64} {
  func.func @_sc_body(%arg0: i32, %arg1: i32, %arg2: memref<10000x128xf32, #tpu.memory_space<hbm>>, %arg3: memref<81920x128xf32, #tpu.memory_space<hbm>>, %arg4: memref<1024x2x80xi32, #tpu.memory_space<hbm>>, %arg5: memref<10240x128xf32, #tpu.memory_space<hbm>>, %arg6: memref<2x10240x128xf32, #tpu.memory_space<hbm>>, %arg7: memref<2x80xi32, #tpu.memory_space<vmem>>, %arg8: memref<2x80xi32, #tpu.memory_space<vmem>>, %arg9: memref<80x128xf32, #tpu.memory_space<vmem>>, %arg10: memref<80x128xf32, #tpu.memory_space<vmem>>, %arg11: memref<80x128xf32, #tpu.memory_space<vmem>>, %arg12: memref<80x128xf32, #tpu.memory_space<vmem>>, %arg13: memref<10240x128xf32, #tpu.memory_space<vmem_shared>>, %arg14: memref<!tpu.dma_semaphore, #tpu.memory_space<semaphore_mem>>, %arg15: memref<!tpu.dma_semaphore, #tpu.memory_space<semaphore_mem>>, %arg16: memref<!tpu.dma_semaphore, #tpu.memory_space<semaphore_mem>>, %arg17: memref<!tpu.dma_semaphore, #tpu.memory_space<semaphore_mem>>, %arg18: memref<!tpu.dma_semaphore, #tpu.memory_space<semaphore_mem>>, %arg19: memref<!tpu.dma_semaphore, #tpu.memory_space<semaphore_mem>>) attributes {dimension_semantics = [#tpu.dimension_semantics<core_parallel>, #tpu.dimension_semantics<subcore_parallel>], iteration_bounds = array<i64: 2, 16>, scalar_prefetch = 0 : i64, scratch_operands = 13 : i64, tpu.core_type = #tpu.core_type<sc_vector_subcore>, window_params = [{transform_indices = #map}, {transform_indices = #map}, {transform_indices = #map1}, {transform_indices = #map}, {transform_indices = #map1}]} {
    %mul3A = arith.constant 16 : i32
    %mul3A_0 = arith.muli %arg0, %mul3A : i32
    %add3A = arith.addi %mul3A_0, %arg1 : i32
    %mul3A_1 = arith.constant 2560 : i32
    %mul3A_2 = arith.muli %add3A, %mul3A_1 : i32
    %mul3A_3 = arith.constant 32 : i32
    %mul3A_4 = arith.muli %add3A, %mul3A_3 : i32
    %add3A_5 = arith.constant 0 : i32
    %add3A_6 = arith.addi %mul3A_4, %add3A_5 : i32
    %dma_start3A = arith.constant 0 : i32
    %dma_start3A_7 = arith.constant 0 : i32
    %dma_start3A_8 = tpu.memref_slice %arg4[%add3A_6, %dma_start3A, %dma_start3A_7] : memref<1024x2x80xi32, #tpu.memory_space<hbm>> -> memref<1x2x80xi32, #tpu.memory_space<hbm>>
    %dma_start3A_9 = tpu.memref_squeeze %dma_start3A_8 : memref<1x2x80xi32, #tpu.memory_space<hbm>> -> memref<2x80xi32, #tpu.memory_space<hbm>>
    %dma_start3A_10 = arith.constant 0 : i32
    %dma_start3A_11 = arith.constant 0 : i32
    %dma_start3A_12 = tpu.memref_slice %arg4[%add3A_6, %dma_start3A_10, %dma_start3A_11] : memref<1024x2x80xi32, #tpu.memory_space<hbm>> -> memref<1x2x80xi32, #tpu.memory_space<hbm>>
    %dma_start3A_13 = tpu.memref_squeeze %dma_start3A_12 : memref<1x2x80xi32, #tpu.memory_space<hbm>> -> memref<2x80xi32, #tpu.memory_space<hbm>>
    tpu.enqueue_dma source(%dma_start3A_13 : memref<2x80xi32, #tpu.memory_space<hbm>>) target(%arg7 : memref<2x80xi32, #tpu.memory_space<vmem>>) target_semaphore(%arg14 : memref<!tpu.dma_semaphore, #tpu.memory_space<semaphore_mem>>)
    %add3A_14 = arith.constant 1 : i32
    %add3A_15 = arith.addi %mul3A_4, %add3A_14 : i32
    %dma_start3A_16 = arith.constant 0 : i32
    %dma_start3A_17 = arith.constant 0 : i32
    %dma_start3A_18 = tpu.memref_slice %arg4[%add3A_15, %dma_start3A_16, %dma_start3A_17] : memref<1024x2x80xi32, #tpu.memory_space<hbm>> -> memref<1x2x80xi32, #tpu.memory_space<hbm>>
    %dma_start3A_19 = tpu.memref_squeeze %dma_start3A_18 : memref<1x2x80xi32, #tpu.memory_space<hbm>> -> memref<2x80xi32, #tpu.memory_space<hbm>>
    %dma_start3A_20 = arith.constant 0 : i32
    %dma_start3A_21 = arith.constant 0 : i32
    %dma_start3A_22 = tpu.memref_slice %arg4[%add3A_15, %dma_start3A_20, %dma_start3A_21] : memref<1024x2x80xi32, #tpu.memory_space<hbm>> -> memref<1x2x80xi32, #tpu.memory_space<hbm>>
    %dma_start3A_23 = tpu.memref_squeeze %dma_start3A_22 : memref<1x2x80xi32, #tpu.memory_space<hbm>> -> memref<2x80xi32, #tpu.memory_space<hbm>>
    tpu.enqueue_dma source(%dma_start3A_23 : memref<2x80xi32, #tpu.memory_space<hbm>>) target(%arg8 : memref<2x80xi32, #tpu.memory_space<vmem>>) target_semaphore(%arg15 : memref<!tpu.dma_semaphore, #tpu.memory_space<semaphore_mem>>)
    %mul3A_24 = arith.constant 640 : i32
    %mul3A_25 = arith.muli %arg1, %mul3A_24 : i32
    "tpu.region"() ({
      %run_scoped3A = tpu.sem_alloc : memref<!tpu.dma_semaphore, #tpu.memory_space<semaphore_mem>>
      %dma_start3A_75 = arith.constant 0 : i32
      %dma_start3A_76 = tpu.memref_slice %arg13[%mul3A_25, %dma_start3A_75] : memref<10240x128xf32, #tpu.memory_space<vmem_shared>> -> memref<640x128xf32, #tpu.memory_space<vmem_shared>>
      %dma_start3A_77 = arith.constant 0 : i32
      %dma_start3A_78 = tpu.memref_slice %arg5[%mul3A_25, %dma_start3A_77] : memref<10240x128xf32, #tpu.memory_space<hbm>> -> memref<640x128xf32, #tpu.memory_space<hbm>>
      tpu.enqueue_dma source(%dma_start3A_78 : memref<640x128xf32, #tpu.memory_space<hbm>>) target(%dma_start3A_76 : memref<640x128xf32, #tpu.memory_space<vmem_shared>>) target_semaphore(%run_scoped3A : memref<!tpu.dma_semaphore, #tpu.memory_space<semaphore_mem>>)
      %dma_wait3A_79 = arith.constant 0 : i32
      %dma_wait3A_80 = tpu.memref_slice %arg13[%mul3A_25, %dma_wait3A_79] : memref<10240x128xf32, #tpu.memory_space<vmem_shared>> -> memref<640x128xf32, #tpu.memory_space<vmem_shared>>
      %dma_wait3A_81 = arith.constant 0 : i32
      %dma_wait3A_82 = tpu.memref_slice %arg5[%mul3A_25, %dma_wait3A_81] : memref<10240x128xf32, #tpu.memory_space<hbm>> -> memref<640x128xf32, #tpu.memory_space<hbm>>
      tpu.wait_dma2 semaphore(%run_scoped3A : memref<!tpu.dma_semaphore, #tpu.memory_space<semaphore_mem>>) src(%dma_wait3A_82 : memref<640x128xf32, #tpu.memory_space<hbm>>) dst(%dma_wait3A_80 : memref<640x128xf32, #tpu.memory_space<vmem_shared>>)
      tpu.yield
    }) : () -> ()
    %dma_wait3A = arith.constant 0 : i32
    %dma_wait3A_26 = arith.constant 0 : i32
    %dma_wait3A_27 = arith.constant 0 : i32
    %dma_wait3A_28 = tpu.memref_slice %arg4[%dma_wait3A, %dma_wait3A_26, %dma_wait3A_27] : memref<1024x2x80xi32, #tpu.memory_space<hbm>> -> memref<1x2x80xi32, #tpu.memory_space<hbm>>
    %dma_wait3A_29 = tpu.memref_squeeze %dma_wait3A_28 : memref<1x2x80xi32, #tpu.memory_space<hbm>> -> memref<2x80xi32, #tpu.memory_space<hbm>>
    %dma_wait3A_30 = arith.constant 0 : i32
    %dma_wait3A_31 = arith.constant 0 : i32
    %dma_wait3A_32 = tpu.memref_slice %arg4[%dma_wait3A, %dma_wait3A_30, %dma_wait3A_31] : memref<1024x2x80xi32, #tpu.memory_space<hbm>> -> memref<1x2x80xi32, #tpu.memory_space<hbm>>
    %dma_wait3A_33 = tpu.memref_squeeze %dma_wait3A_32 : memref<1x2x80xi32, #tpu.memory_space<hbm>> -> memref<2x80xi32, #tpu.memory_space<hbm>>
    tpu.wait_dma2 semaphore(%arg14 : memref<!tpu.dma_semaphore, #tpu.memory_space<semaphore_mem>>) src(%dma_wait3A_33 : memref<2x80xi32, #tpu.memory_space<hbm>>) dst(%arg7 : memref<2x80xi32, #tpu.memory_space<vmem>>)
    %add3A_34 = arith.constant 0 : i32
    %add3A_35 = arith.addi %mul3A_2, %add3A_34 : i32
    %multiple_of3A = tpu.assume_multiple %add3A_35, 8 : i32
    %dma_start3A_36 = arith.constant 0 : i32
    %dma_start3A_37 = arith.constant 0 : i32
    %dma_start3A_38 = tpu.memref_slice %arg7[%dma_start3A_36, %dma_start3A_37] : memref<2x80xi32, #tpu.memory_space<vmem>> -> memref<1x80xi32, #tpu.memory_space<vmem>>
    %dma_start3A_39 = tpu.memref_squeeze %dma_start3A_38 : memref<1x80xi32, #tpu.memory_space<vmem>> -> memref<80xi32, #tpu.memory_space<vmem>>
    %dma_start3A_40 = arith.constant 0 : i32
    %dma_start3A_41 = arith.constant 0 : i32
    %dma_start3A_42 = tpu.memref_slice %arg2[%dma_start3A_40, %dma_start3A_41] : memref<10000x128xf32, #tpu.memory_space<hbm>> -> memref<10000x128xf32, #tpu.memory_space<hbm>>
    tpu.enqueue_indirect_dma source(%dma_start3A_42 : memref<10000x128xf32, #tpu.memory_space<hbm>>) target(%arg9 : memref<80x128xf32, #tpu.memory_space<vmem>>) offsets(%dma_start3A_39 : memref<80xi32, #tpu.memory_space<vmem>>) semaphore(%arg16 : memref<!tpu.dma_semaphore, #tpu.memory_space<semaphore_mem>>)
    %dma_start3A_43 = arith.constant 0 : i32
    %dma_start3A_44 = tpu.memref_slice %arg3[%multiple_of3A, %dma_start3A_43] : memref<81920x128xf32, #tpu.memory_space<hbm>> -> memref<80x128xf32, #tpu.memory_space<hbm>>
    %dma_start3A_45 = arith.constant 0 : i32
    %dma_start3A_46 = tpu.memref_slice %arg3[%multiple_of3A, %dma_start3A_45] : memref<81920x128xf32, #tpu.memory_space<hbm>> -> memref<80x128xf32, #tpu.memory_space<hbm>>
    tpu.enqueue_dma source(%dma_start3A_46 : memref<80x128xf32, #tpu.memory_space<hbm>>) target(%arg11 : memref<80x128xf32, #tpu.memory_space<vmem>>) target_semaphore(%arg18 : memref<!tpu.dma_semaphore, #tpu.memory_space<semaphore_mem>>)
    %dma_wait3A_47 = arith.constant 0 : i32
    %dma_wait3A_48 = arith.constant 0 : i32
    %dma_wait3A_49 = arith.constant 0 : i32
    %dma_wait3A_50 = tpu.memref_slice %arg4[%dma_wait3A_47, %dma_wait3A_48, %dma_wait3A_49] : memref<1024x2x80xi32, #tpu.memory_space<hbm>> -> memref<1x2x80xi32, #tpu.memory_space<hbm>>
    %dma_wait3A_51 = tpu.memref_squeeze %dma_wait3A_50 : memref<1x2x80xi32, #tpu.memory_space<hbm>> -> memref<2x80xi32, #tpu.memory_space<hbm>>
    %dma_wait3A_52 = arith.constant 0 : i32
    %dma_wait3A_53 = arith.constant 0 : i32
    %dma_wait3A_54 = tpu.memref_slice %arg4[%dma_wait3A_47, %dma_wait3A_52, %dma_wait3A_53] : memref<1024x2x80xi32, #tpu.memory_space<hbm>> -> memref<1x2x80xi32, #tpu.memory_space<hbm>>
    %dma_wait3A_55 = tpu.memref_squeeze %dma_wait3A_54 : memref<1x2x80xi32, #tpu.memory_space<hbm>> -> memref<2x80xi32, #tpu.memory_space<hbm>>
    tpu.wait_dma2 semaphore(%arg15 : memref<!tpu.dma_semaphore, #tpu.memory_space<semaphore_mem>>) src(%dma_wait3A_55 : memref<2x80xi32, #tpu.memory_space<hbm>>) dst(%arg8 : memref<2x80xi32, #tpu.memory_space<vmem>>)
    %add3A_56 = arith.constant 80 : i32
    %add3A_57 = arith.addi %mul3A_2, %add3A_56 : i32
    %multiple_of3A_58 = tpu.assume_multiple %add3A_57, 8 : i32
    %dma_start3A_59 = arith.constant 0 : i32
    %dma_start3A_60 = arith.constant 0 : i32
    %dma_start3A_61 = tpu.memref_slice %arg8[%dma_start3A_59, %dma_start3A_60] : memref<2x80xi32, #tpu.memory_space<vmem>> -> memref<1x80xi32, #tpu.memory_space<vmem>>
    %dma_start3A_62 = tpu.memref_squeeze %dma_start3A_61 : memref<1x80xi32, #tpu.memory_space<vmem>> -> memref<80xi32, #tpu.memory_space<vmem>>
    %dma_start3A_63 = arith.constant 0 : i32
    %dma_start3A_64 = arith.constant 0 : i32
    %dma_start3A_65 = tpu.memref_slice %arg2[%dma_start3A_63, %dma_start3A_64] : memref<10000x128xf32, #tpu.memory_space<hbm>> -> memref<10000x128xf32, #tpu.memory_space<hbm>>
    tpu.enqueue_indirect_dma source(%dma_start3A_65 : memref<10000x128xf32, #tpu.memory_space<hbm>>) target(%arg10 : memref<80x128xf32, #tpu.memory_space<vmem>>) offsets(%dma_start3A_62 : memref<80xi32, #tpu.memory_space<vmem>>) semaphore(%arg17 : memref<!tpu.dma_semaphore, #tpu.memory_space<semaphore_mem>>)
    %dma_start3A_66 = arith.constant 0 : i32
    %dma_start3A_67 = tpu.memref_slice %arg3[%multiple_of3A_58, %dma_start3A_66] : memref<81920x128xf32, #tpu.memory_space<hbm>> -> memref<80x128xf32, #tpu.memory_space<hbm>>
    %dma_start3A_68 = arith.constant 0 : i32
    %dma_start3A_69 = tpu.memref_slice %arg3[%multiple_of3A_58, %dma_start3A_68] : memref<81920x128xf32, #tpu.memory_space<hbm>> -> memref<80x128xf32, #tpu.memory_space<hbm>>
    tpu.enqueue_dma source(%dma_start3A_69 : memref<80x128xf32, #tpu.memory_space<hbm>>) target(%arg12 : memref<80x128xf32, #tpu.memory_space<vmem>>) target_semaphore(%arg19 : memref<!tpu.dma_semaphore, #tpu.memory_space<semaphore_mem>>)
    %barrier3A = arith.constant 0 : index
    tpu.barrier barrier_id(%barrier3A)
    %scan3A = arith.constant 0 : i32
    %scan3A_70 = arith.constant 16 : i32
    %scan3A_71 = arith.addi %scan3A, %scan3A_70 : i32
    %scan3A_72 = arith.constant 1 : i32
    scf.for %scan3A_75 = %scan3A to %scan3A_71 step %scan3A_72  : i32 {
      %mul3A_76 = arith.constant 1 : i32
      %mul3A_77 = arith.muli %scan3A_75, %mul3A_76 : i32
      %add3A_78 = arith.constant 0 : i32
      %add3A_79 = arith.addi %add3A_78, %mul3A_77 : i32
      %mul3A_80 = arith.constant 2 : i32
      %mul3A_81 = arith.muli %mul3A_80, %add3A_79 : i32
      %dma_wait3A_82 = arith.constant 0 : i32
      %dma_wait3A_83 = arith.constant 0 : i32
      %dma_wait3A_84 = tpu.memref_slice %arg7[%dma_wait3A_82, %dma_wait3A_83] : memref<2x80xi32, #tpu.memory_space<vmem>> -> memref<1x80xi32, #tpu.memory_space<vmem>>
      %dma_wait3A_85 = tpu.memref_squeeze %dma_wait3A_84 : memref<1x80xi32, #tpu.memory_space<vmem>> -> memref<80xi32, #tpu.memory_space<vmem>>
      %dma_wait3A_86 = arith.constant 0 : i32
      %dma_wait3A_87 = arith.constant 0 : i32
      %dma_wait3A_88 = tpu.memref_slice %arg2[%dma_wait3A_86, %dma_wait3A_87] : memref<10000x128xf32, #tpu.memory_space<hbm>> -> memref<10000x128xf32, #tpu.memory_space<hbm>>
      tpu.wait_indirect_dma semaphore(%arg16 : memref<!tpu.dma_semaphore, #tpu.memory_space<semaphore_mem>>) src(%dma_wait3A_88 : memref<10000x128xf32, #tpu.memory_space<hbm>>) dst(%arg9 : memref<80x128xf32, #tpu.memory_space<vmem>>)
      %dma_wait3A_89 = arith.constant 0 : i32
      %dma_wait3A_90 = arith.constant 0 : i32
      %dma_wait3A_91 = tpu.memref_slice %arg3[%dma_wait3A_89, %dma_wait3A_90] : memref<81920x128xf32, #tpu.memory_space<hbm>> -> memref<80x128xf32, #tpu.memory_space<hbm>>
      %dma_wait3A_92 = arith.constant 0 : i32
      %dma_wait3A_93 = arith.constant 0 : i32
      %dma_wait3A_94 = tpu.memref_slice %arg3[%dma_wait3A_92, %dma_wait3A_93] : memref<81920x128xf32, #tpu.memory_space<hbm>> -> memref<80x128xf32, #tpu.memory_space<hbm>>
      tpu.wait_dma2 semaphore(%arg18 : memref<!tpu.dma_semaphore, #tpu.memory_space<semaphore_mem>>) src(%dma_wait3A_94 : memref<80x128xf32, #tpu.memory_space<hbm>>) dst(%arg11 : memref<80x128xf32, #tpu.memory_space<vmem>>)
      %scan3A_95 = arith.constant 0 : i32
      %scan3A_96 = arith.constant 80 : i32
      %scan3A_97 = arith.addi %scan3A_95, %scan3A_96 : i32
      %scan3A_98 = arith.constant 1 : i32
      scf.for %scan3A_134 = %scan3A_95 to %scan3A_97 step %scan3A_98  : i32 {
        %mul3A_135 = arith.constant 1 : i32
        %mul3A_136 = arith.muli %scan3A_134, %mul3A_135 : i32
        %add3A_137 = arith.constant 0 : i32
        %add3A_138 = arith.addi %add3A_137, %mul3A_136 : i32
        %get3A = arith.index_cast %add3A_138 : i32 to index
        %get3A_139 = arith.constant 0 : index
        %get3A_140 = tpu.vector_load %arg9[%get3A, %get3A_139] {strides = array<i32>} : memref<80x128xf32, #tpu.memory_space<vmem>>, vector<1x16xf32>,
        %get3A_141 = vector.shape_cast %get3A_140 : vector<1x16xf32> to vector<16xf32>
        %get3A_142 = arith.index_cast %add3A_138 : i32 to index
        %get3A_143 = arith.constant 0 : index
        %get3A_144 = tpu.vector_load %arg11[%get3A_142, %get3A_143] {strides = array<i32>} : memref<80x128xf32, #tpu.memory_space<vmem>>, vector<1x16xf32>,
        %get3A_145 = vector.shape_cast %get3A_144 : vector<1x16xf32> to vector<16xf32>
        %add3A_146 = arith.addf %get3A_141, %get3A_145 : vector<16xf32>
        %max3A = arith.constant 0.000000e+00 : f32
        %max3A_147 = vector.broadcast %max3A : f32 to vector<16xf32>
        %max3A_148 = arith.maximumf %add3A_146, %max3A_147 : vector<16xf32>
        %swap3A = arith.index_cast %add3A_138 : i32 to index
        %swap3A_149 = arith.constant 0 : index
        %swap3A_150 = tpu.vector_load %arg9[%swap3A, %swap3A_149] {strides = array<i32>} : memref<80x128xf32, #tpu.memory_space<vmem>>, vector<1x16xf32>,
        %swap3A_151 = vector.shape_cast %swap3A_150 : vector<1x16xf32> to vector<16xf32>
        %swap3A_152 = vector.shape_cast %max3A_148 : vector<16xf32> to vector<1x16xf32>
        tpu.vector_store %arg9[%swap3A, %swap3A_149], %swap3A_152 {strides = array<i32>} : memref<80x128xf32, #tpu.memory_space<vmem>>, vector<1x16xf32>,
        %get3A_153 = arith.index_cast %add3A_138 : i32 to index
        %get3A_154 = arith.constant 16 : index
        %get3A_155 = tpu.vector_load %arg9[%get3A_153, %get3A_154] {strides = array<i32>} : memref<80x128xf32, #tpu.memory_space<vmem>>, vector<1x16xf32>,
        %get3A_156 = vector.shape_cast %get3A_155 : vector<1x16xf32> to vector<16xf32>
        %get3A_157 = arith.index_cast %add3A_138 : i32 to index
        %get3A_158 = arith.constant 16 : index
        %get3A_159 = tpu.vector_load %arg11[%get3A_157, %get3A_158] {strides = array<i32>} : memref<80x128xf32, #tpu.memory_space<vmem>>, vector<1x16xf32>,
        %get3A_160 = vector.shape_cast %get3A_159 : vector<1x16xf32> to vector<16xf32>
        %add3A_161 = arith.addf %get3A_156, %get3A_160 : vector<16xf32>
        %max3A_162 = arith.constant 0.000000e+00 : f32
        %max3A_163 = vector.broadcast %max3A_162 : f32 to vector<16xf32>
        %max3A_164 = arith.maximumf %add3A_161, %max3A_163 : vector<16xf32>
        %swap3A_165 = arith.index_cast %add3A_138 : i32 to index
        %swap3A_166 = arith.constant 16 : index
        %swap3A_167 = tpu.vector_load %arg9[%swap3A_165, %swap3A_166] {strides = array<i32>} : memref<80x128xf32, #tpu.memory_space<vmem>>, vector<1x16xf32>,
        %swap3A_168 = vector.shape_cast %swap3A_167 : vector<1x16xf32> to vector<16xf32>
        %swap3A_169 = vector.shape_cast %max3A_164 : vector<16xf32> to vector<1x16xf32>
        tpu.vector_store %arg9[%swap3A_165, %swap3A_166], %swap3A_169 {strides = array<i32>} : memref<80x128xf32, #tpu.memory_space<vmem>>, vector<1x16xf32>,
        %get3A_170 = arith.index_cast %add3A_138 : i32 to index
        %get3A_171 = arith.constant 32 : index
        %get3A_172 = tpu.vector_load %arg9[%get3A_170, %get3A_171] {strides = array<i32>} : memref<80x128xf32, #tpu.memory_space<vmem>>, vector<1x16xf32>,
        %get3A_173 = vector.shape_cast %get3A_172 : vector<1x16xf32> to vector<16xf32>
        %get3A_174 = arith.index_cast %add3A_138 : i32 to index
        %get3A_175 = arith.constant 32 : index
        %get3A_176 = tpu.vector_load %arg11[%get3A_174, %get3A_175] {strides = array<i32>} : memref<80x128xf32, #tpu.memory_space<vmem>>, vector<1x16xf32>,
        %get3A_177 = vector.shape_cast %get3A_176 : vector<1x16xf32> to vector<16xf32>
        %add3A_178 = arith.addf %get3A_173, %get3A_177 : vector<16xf32>
        %max3A_179 = arith.constant 0.000000e+00 : f32
        %max3A_180 = vector.broadcast %max3A_179 : f32 to vector<16xf32>
        %max3A_181 = arith.maximumf %add3A_178, %max3A_180 : vector<16xf32>
        %swap3A_182 = arith.index_cast %add3A_138 : i32 to index
        %swap3A_183 = arith.constant 32 : index
        %swap3A_184 = tpu.vector_load %arg9[%swap3A_182, %swap3A_183] {strides = array<i32>} : memref<80x128xf32, #tpu.memory_space<vmem>>, vector<1x16xf32>,
        %swap3A_185 = vector.shape_cast %swap3A_184 : vector<1x16xf32> to vector<16xf32>
        %swap3A_186 = vector.shape_cast %max3A_181 : vector<16xf32> to vector<1x16xf32>
        tpu.vector_store %arg9[%swap3A_182, %swap3A_183], %swap3A_186 {strides = array<i32>} : memref<80x128xf32, #tpu.memory_space<vmem>>, vector<1x16xf32>,
        %get3A_187 = arith.index_cast %add3A_138 : i32 to index
        %get3A_188 = arith.constant 48 : index
        %get3A_189 = tpu.vector_load %arg9[%get3A_187, %get3A_188] {strides = array<i32>} : memref<80x128xf32, #tpu.memory_space<vmem>>, vector<1x16xf32>,
        %get3A_190 = vector.shape_cast %get3A_189 : vector<1x16xf32> to vector<16xf32>
        %get3A_191 = arith.index_cast %add3A_138 : i32 to index
        %get3A_192 = arith.constant 48 : index
        %get3A_193 = tpu.vector_load %arg11[%get3A_191, %get3A_192] {strides = array<i32>} : memref<80x128xf32, #tpu.memory_space<vmem>>, vector<1x16xf32>,
        %get3A_194 = vector.shape_cast %get3A_193 : vector<1x16xf32> to vector<16xf32>
        %add3A_195 = arith.addf %get3A_190, %get3A_194 : vector<16xf32>
        %max3A_196 = arith.constant 0.000000e+00 : f32
        %max3A_197 = vector.broadcast %max3A_196 : f32 to vector<16xf32>
        %max3A_198 = arith.maximumf %add3A_195, %max3A_197 : vector<16xf32>
        %swap3A_199 = arith.index_cast %add3A_138 : i32 to index
        %swap3A_200 = arith.constant 48 : index
        %swap3A_201 = tpu.vector_load %arg9[%swap3A_199, %swap3A_200] {strides = array<i32>} : memref<80x128xf32, #tpu.memory_space<vmem>>, vector<1x16xf32>,
        %swap3A_202 = vector.shape_cast %swap3A_201 : vector<1x16xf32> to vector<16xf32>
        %swap3A_203 = vector.shape_cast %max3A_198 : vector<16xf32> to vector<1x16xf32>
        tpu.vector_store %arg9[%swap3A_199, %swap3A_200], %swap3A_203 {strides = array<i32>} : memref<80x128xf32, #tpu.memory_space<vmem>>, vector<1x16xf32>,
        %get3A_204 = arith.index_cast %add3A_138 : i32 to index
        %get3A_205 = arith.constant 64 : index
        %get3A_206 = tpu.vector_load %arg9[%get3A_204, %get3A_205] {strides = array<i32>} : memref<80x128xf32, #tpu.memory_space<vmem>>, vector<1x16xf32>,
        %get3A_207 = vector.shape_cast %get3A_206 : vector<1x16xf32> to vector<16xf32>
        %get3A_208 = arith.index_cast %add3A_138 : i32 to index
        %get3A_209 = arith.constant 64 : index
        %get3A_210 = tpu.vector_load %arg11[%get3A_208, %get3A_209] {strides = array<i32>} : memref<80x128xf32, #tpu.memory_space<vmem>>, vector<1x16xf32>,
        %get3A_211 = vector.shape_cast %get3A_210 : vector<1x16xf32> to vector<16xf32>
        %add3A_212 = arith.addf %get3A_207, %get3A_211 : vector<16xf32>
        %max3A_213 = arith.constant 0.000000e+00 : f32
        %max3A_214 = vector.broadcast %max3A_213 : f32 to vector<16xf32>
        %max3A_215 = arith.maximumf %add3A_212, %max3A_214 : vector<16xf32>
        %swap3A_216 = arith.index_cast %add3A_138 : i32 to index
        %swap3A_217 = arith.constant 64 : index
        %swap3A_218 = tpu.vector_load %arg9[%swap3A_216, %swap3A_217] {strides = array<i32>} : memref<80x128xf32, #tpu.memory_space<vmem>>, vector<1x16xf32>,
        %swap3A_219 = vector.shape_cast %swap3A_218 : vector<1x16xf32> to vector<16xf32>
        %swap3A_220 = vector.shape_cast %max3A_215 : vector<16xf32> to vector<1x16xf32>
        tpu.vector_store %arg9[%swap3A_216, %swap3A_217], %swap3A_220 {strides = array<i32>} : memref<80x128xf32, #tpu.memory_space<vmem>>, vector<1x16xf32>,
        %get3A_221 = arith.index_cast %add3A_138 : i32 to index
        %get3A_222 = arith.constant 80 : index
        %get3A_223 = tpu.vector_load %arg9[%get3A_221, %get3A_222] {strides = array<i32>} : memref<80x128xf32, #tpu.memory_space<vmem>>, vector<1x16xf32>,
        %get3A_224 = vector.shape_cast %get3A_223 : vector<1x16xf32> to vector<16xf32>
        %get3A_225 = arith.index_cast %add3A_138 : i32 to index
        %get3A_226 = arith.constant 80 : index
        %get3A_227 = tpu.vector_load %arg11[%get3A_225, %get3A_226] {strides = array<i32>} : memref<80x128xf32, #tpu.memory_space<vmem>>, vector<1x16xf32>,
        %get3A_228 = vector.shape_cast %get3A_227 : vector<1x16xf32> to vector<16xf32>
        %add3A_229 = arith.addf %get3A_224, %get3A_228 : vector<16xf32>
        %max3A_230 = arith.constant 0.000000e+00 : f32
        %max3A_231 = vector.broadcast %max3A_230 : f32 to vector<16xf32>
        %max3A_232 = arith.maximumf %add3A_229, %max3A_231 : vector<16xf32>
        %swap3A_233 = arith.index_cast %add3A_138 : i32 to index
        %swap3A_234 = arith.constant 80 : index
        %swap3A_235 = tpu.vector_load %arg9[%swap3A_233, %swap3A_234] {strides = array<i32>} : memref<80x128xf32, #tpu.memory_space<vmem>>, vector<1x16xf32>,
        %swap3A_236 = vector.shape_cast %swap3A_235 : vector<1x16xf32> to vector<16xf32>
        %swap3A_237 = vector.shape_cast %max3A_232 : vector<16xf32> to vector<1x16xf32>
        tpu.vector_store %arg9[%swap3A_233, %swap3A_234], %swap3A_237 {strides = array<i32>} : memref<80x128xf32, #tpu.memory_space<vmem>>, vector<1x16xf32>,
        %get3A_238 = arith.index_cast %add3A_138 : i32 to index
        %get3A_239 = arith.constant 96 : index
        %get3A_240 = tpu.vector_load %arg9[%get3A_238, %get3A_239] {strides = array<i32>} : memref<80x128xf32, #tpu.memory_space<vmem>>, vector<1x16xf32>,
        %get3A_241 = vector.shape_cast %get3A_240 : vector<1x16xf32> to vector<16xf32>
        %get3A_242 = arith.index_cast %add3A_138 : i32 to index
        %get3A_243 = arith.constant 96 : index
        %get3A_244 = tpu.vector_load %arg11[%get3A_242, %get3A_243] {strides = array<i32>} : memref<80x128xf32, #tpu.memory_space<vmem>>, vector<1x16xf32>,
        %get3A_245 = vector.shape_cast %get3A_244 : vector<1x16xf32> to vector<16xf32>
        %add3A_246 = arith.addf %get3A_241, %get3A_245 : vector<16xf32>
        %max3A_247 = arith.constant 0.000000e+00 : f32
        %max3A_248 = vector.broadcast %max3A_247 : f32 to vector<16xf32>
        %max3A_249 = arith.maximumf %add3A_246, %max3A_248 : vector<16xf32>
        %swap3A_250 = arith.index_cast %add3A_138 : i32 to index
        %swap3A_251 = arith.constant 96 : index
        %swap3A_252 = tpu.vector_load %arg9[%swap3A_250, %swap3A_251] {strides = array<i32>} : memref<80x128xf32, #tpu.memory_space<vmem>>, vector<1x16xf32>,
        %swap3A_253 = vector.shape_cast %swap3A_252 : vector<1x16xf32> to vector<16xf32>
        %swap3A_254 = vector.shape_cast %max3A_249 : vector<16xf32> to vector<1x16xf32>
        tpu.vector_store %arg9[%swap3A_250, %swap3A_251], %swap3A_254 {strides = array<i32>} : memref<80x128xf32, #tpu.memory_space<vmem>>, vector<1x16xf32>,
        %get3A_255 = arith.index_cast %add3A_138 : i32 to index
        %get3A_256 = arith.constant 112 : index
        %get3A_257 = tpu.vector_load %arg9[%get3A_255, %get3A_256] {strides = array<i32>} : memref<80x128xf32, #tpu.memory_space<vmem>>, vector<1x16xf32>,
        %get3A_258 = vector.shape_cast %get3A_257 : vector<1x16xf32> to vector<16xf32>
        %get3A_259 = arith.index_cast %add3A_138 : i32 to index
        %get3A_260 = arith.constant 112 : index
        %get3A_261 = tpu.vector_load %arg11[%get3A_259, %get3A_260] {strides = array<i32>} : memref<80x128xf32, #tpu.memory_space<vmem>>, vector<1x16xf32>,
        %get3A_262 = vector.shape_cast %get3A_261 : vector<1x16xf32> to vector<16xf32>
        %add3A_263 = arith.addf %get3A_258, %get3A_262 : vector<16xf32>
        %max3A_264 = arith.constant 0.000000e+00 : f32
        %max3A_265 = vector.broadcast %max3A_264 : f32 to vector<16xf32>
        %max3A_266 = arith.maximumf %add3A_263, %max3A_265 : vector<16xf32>
        %swap3A_267 = arith.index_cast %add3A_138 : i32 to index
        %swap3A_268 = arith.constant 112 : index
        %swap3A_269 = tpu.vector_load %arg9[%swap3A_267, %swap3A_268] {strides = array<i32>} : memref<80x128xf32, #tpu.memory_space<vmem>>, vector<1x16xf32>,
        %swap3A_270 = vector.shape_cast %swap3A_269 : vector<1x16xf32> to vector<16xf32>
        %swap3A_271 = vector.shape_cast %max3A_266 : vector<16xf32> to vector<1x16xf32>
        tpu.vector_store %arg9[%swap3A_267, %swap3A_268], %swap3A_271 {strides = array<i32>} : memref<80x128xf32, #tpu.memory_space<vmem>>, vector<1x16xf32>,
      }
      %scan3A_99 = arith.constant 80 : i32
      %run_scoped3A = arith.constant 1 : i32
      "tpu.region"() ({
        %run_scoped3A_134 = tpu.sem_alloc : memref<!tpu.dma_semaphore, #tpu.memory_space<semaphore_mem>>
        %dma_start3A_135 = arith.constant 0 : i32
        %dma_start3A_136 = tpu.memref_slice %arg7[%run_scoped3A, %dma_start3A_135] : memref<2x80xi32, #tpu.memory_space<vmem>> -> memref<1x80xi32, #tpu.memory_space<vmem>>
        %dma_start3A_137 = tpu.memref_squeeze %dma_start3A_136 : memref<1x80xi32, #tpu.memory_space<vmem>> -> memref<80xi32, #tpu.memory_space<vmem>>
        %dma_start3A_138 = arith.constant 0 : i32
        %dma_start3A_139 = arith.constant 0 : i32
        %dma_start3A_140 = tpu.memref_slice %arg13[%dma_start3A_138, %dma_start3A_139] : memref<10240x128xf32, #tpu.memory_space<vmem_shared>> -> memref<10240x128xf32, #tpu.memory_space<vmem_shared>>
        tpu.enqueue_indirect_dma source(%arg9 : memref<80x128xf32, #tpu.memory_space<vmem>>) target(%dma_start3A_140 : memref<10240x128xf32, #tpu.memory_space<vmem_shared>>) offsets(%dma_start3A_137 : memref<80xi32, #tpu.memory_space<vmem>>) semaphore(%run_scoped3A_134 : memref<!tpu.dma_semaphore, #tpu.memory_space<semaphore_mem>>) {add = true}
        %dma_wait3A_141 = arith.constant 0 : i32
        %dma_wait3A_142 = tpu.memref_slice %arg7[%run_scoped3A, %dma_wait3A_141] : memref<2x80xi32, #tpu.memory_space<vmem>> -> memref<1x80xi32, #tpu.memory_space<vmem>>
        %dma_wait3A_143 = tpu.memref_squeeze %dma_wait3A_142 : memref<1x80xi32, #tpu.memory_space<vmem>> -> memref<80xi32, #tpu.memory_space<vmem>>
        %dma_wait3A_144 = arith.constant 0 : i32
        %dma_wait3A_145 = arith.constant 0 : i32
        %dma_wait3A_146 = tpu.memref_slice %arg13[%dma_wait3A_144, %dma_wait3A_145] : memref<10240x128xf32, #tpu.memory_space<vmem_shared>> -> memref<10240x128xf32, #tpu.memory_space<vmem_shared>>
        tpu.wait_indirect_dma semaphore(%run_scoped3A_134 : memref<!tpu.dma_semaphore, #tpu.memory_space<semaphore_mem>>) src(%arg9 : memref<80x128xf32, #tpu.memory_space<vmem>>) dst(%dma_wait3A_146 : memref<10240x128xf32, #tpu.memory_space<vmem_shared>>)
        tpu.yield
      }) : () -> ()
      %add3A_100 = arith.constant 2 : i32
      %add3A_101 = arith.addi %mul3A_81, %add3A_100 : i32
      %lt3A = arith.constant 32 : i32
      %lt3A_102 = arith.cmpi slt, %add3A_101, %lt3A : i32
      %convert_element_type3A = arith.extui %lt3A_102 : i1 to i32
      %cond3A = arith.constant 0 : i32
      %cond3A_103 = arith.cmpi ne, %convert_element_type3A, %cond3A : i32
      scf.if %cond3A_103 {
        %add3A_134 = arith.constant 2 : i32
        %add3A_135 = arith.addi %mul3A_81, %add3A_134 : i32
        %add3A_136 = arith.addi %mul3A_4, %add3A_135 : i32
        %dma_start3A_137 = arith.constant 0 : i32
        %dma_start3A_138 = arith.constant 0 : i32
        %dma_start3A_139 = tpu.memref_slice %arg4[%add3A_136, %dma_start3A_137, %dma_start3A_138] : memref<1024x2x80xi32, #tpu.memory_space<hbm>> -> memref<1x2x80xi32, #tpu.memory_space<hbm>>
        %dma_start3A_140 = tpu.memref_squeeze %dma_start3A_139 : memref<1x2x80xi32, #tpu.memory_space<hbm>> -> memref<2x80xi32, #tpu.memory_space<hbm>>
        %dma_start3A_141 = arith.constant 0 : i32
        %dma_start3A_142 = arith.constant 0 : i32
        %dma_start3A_143 = tpu.memref_slice %arg4[%add3A_136, %dma_start3A_141, %dma_start3A_142] : memref<1024x2x80xi32, #tpu.memory_space<hbm>> -> memref<1x2x80xi32, #tpu.memory_space<hbm>>
        %dma_start3A_144 = tpu.memref_squeeze %dma_start3A_143 : memref<1x2x80xi32, #tpu.memory_space<hbm>> -> memref<2x80xi32, #tpu.memory_space<hbm>>
        tpu.enqueue_dma source(%dma_start3A_144 : memref<2x80xi32, #tpu.memory_space<hbm>>) target(%arg7 : memref<2x80xi32, #tpu.memory_space<vmem>>) target_semaphore(%arg14 : memref<!tpu.dma_semaphore, #tpu.memory_space<semaphore_mem>>)
        %dma_wait3A_145 = arith.constant 0 : i32
        %dma_wait3A_146 = arith.constant 0 : i32
        %dma_wait3A_147 = arith.constant 0 : i32
        %dma_wait3A_148 = tpu.memref_slice %arg4[%dma_wait3A_145, %dma_wait3A_146, %dma_wait3A_147] : memref<1024x2x80xi32, #tpu.memory_space<hbm>> -> memref<1x2x80xi32, #tpu.memory_space<hbm>>
        %dma_wait3A_149 = tpu.memref_squeeze %dma_wait3A_148 : memref<1x2x80xi32, #tpu.memory_space<hbm>> -> memref<2x80xi32, #tpu.memory_space<hbm>>
        %dma_wait3A_150 = arith.constant 0 : i32
        %dma_wait3A_151 = arith.constant 0 : i32
        %dma_wait3A_152 = tpu.memref_slice %arg4[%dma_wait3A_145, %dma_wait3A_150, %dma_wait3A_151] : memref<1024x2x80xi32, #tpu.memory_space<hbm>> -> memref<1x2x80xi32, #tpu.memory_space<hbm>>
        %dma_wait3A_153 = tpu.memref_squeeze %dma_wait3A_152 : memref<1x2x80xi32, #tpu.memory_space<hbm>> -> memref<2x80xi32, #tpu.memory_space<hbm>>
        tpu.wait_dma2 semaphore(%arg14 : memref<!tpu.dma_semaphore, #tpu.memory_space<semaphore_mem>>) src(%dma_wait3A_153 : memref<2x80xi32, #tpu.memory_space<hbm>>) dst(%arg7 : memref<2x80xi32, #tpu.memory_space<vmem>>)
        %add3A_154 = arith.constant 2 : i32
        %add3A_155 = arith.addi %mul3A_81, %add3A_154 : i32
        %mul3A_156 = arith.constant 80 : i32
        %mul3A_157 = arith.muli %add3A_155, %mul3A_156 : i32
        %add3A_158 = arith.addi %mul3A_2, %mul3A_157 : i32
        %multiple_of3A_159 = tpu.assume_multiple %add3A_158, 8 : i32
        %dma_start3A_160 = arith.constant 0 : i32
        %dma_start3A_161 = arith.constant 0 : i32
        %dma_start3A_162 = tpu.memref_slice %arg7[%dma_start3A_160, %dma_start3A_161] : memref<2x80xi32, #tpu.memory_space<vmem>> -> memref<1x80xi32, #tpu.memory_space<vmem>>
        %dma_start3A_163 = tpu.memref_squeeze %dma_start3A_162 : memref<1x80xi32, #tpu.memory_space<vmem>> -> memref<80xi32, #tpu.memory_space<vmem>>
        %dma_start3A_164 = arith.constant 0 : i32
        %dma_start3A_165 = arith.constant 0 : i32
        %dma_start3A_166 = tpu.memref_slice %arg2[%dma_start3A_164, %dma_start3A_165] : memref<10000x128xf32, #tpu.memory_space<hbm>> -> memref<10000x128xf32, #tpu.memory_space<hbm>>
        tpu.enqueue_indirect_dma source(%dma_start3A_166 : memref<10000x128xf32, #tpu.memory_space<hbm>>) target(%arg9 : memref<80x128xf32, #tpu.memory_space<vmem>>) offsets(%dma_start3A_163 : memref<80xi32, #tpu.memory_space<vmem>>) semaphore(%arg16 : memref<!tpu.dma_semaphore, #tpu.memory_space<semaphore_mem>>)
        %dma_start3A_167 = arith.constant 0 : i32
        %dma_start3A_168 = tpu.memref_slice %arg3[%multiple_of3A_159, %dma_start3A_167] : memref<81920x128xf32, #tpu.memory_space<hbm>> -> memref<80x128xf32, #tpu.memory_space<hbm>>
        %dma_start3A_169 = arith.constant 0 : i32
        %dma_start3A_170 = tpu.memref_slice %arg3[%multiple_of3A_159, %dma_start3A_169] : memref<81920x128xf32, #tpu.memory_space<hbm>> -> memref<80x128xf32, #tpu.memory_space<hbm>>
        tpu.enqueue_dma source(%dma_start3A_170 : memref<80x128xf32, #tpu.memory_space<hbm>>) target(%arg11 : memref<80x128xf32, #tpu.memory_space<vmem>>) target_semaphore(%arg18 : memref<!tpu.dma_semaphore, #tpu.memory_space<semaphore_mem>>)
      } else {
      }
      %mul3A_104 = arith.constant 2 : i32
      %mul3A_105 = arith.muli %mul3A_104, %add3A_79 : i32
      %add3A_106 = arith.constant 1 : i32
      %add3A_107 = arith.addi %mul3A_105, %add3A_106 : i32
      %dma_wait3A_108 = arith.constant 0 : i32
      %dma_wait3A_109 = arith.constant 0 : i32
      %dma_wait3A_110 = tpu.memref_slice %arg8[%dma_wait3A_108, %dma_wait3A_109] : memref<2x80xi32, #tpu.memory_space<vmem>> -> memref<1x80xi32, #tpu.memory_space<vmem>>
      %dma_wait3A_111 = tpu.memref_squeeze %dma_wait3A_110 : memref<1x80xi32, #tpu.memory_space<vmem>> -> memref<80xi32, #tpu.memory_space<vmem>>
      %dma_wait3A_112 = arith.constant 0 : i32
      %dma_wait3A_113 = arith.constant 0 : i32
      %dma_wait3A_114 = tpu.memref_slice %arg2[%dma_wait3A_112, %dma_wait3A_113] : memref<10000x128xf32, #tpu.memory_space<hbm>> -> memref<10000x128xf32, #tpu.memory_space<hbm>>
      tpu.wait_indirect_dma semaphore(%arg17 : memref<!tpu.dma_semaphore, #tpu.memory_space<semaphore_mem>>) src(%dma_wait3A_114 : memref<10000x128xf32, #tpu.memory_space<hbm>>) dst(%arg10 : memref<80x128xf32, #tpu.memory_space<vmem>>)
      %dma_wait3A_115 = arith.constant 0 : i32
      %dma_wait3A_116 = arith.constant 0 : i32
      %dma_wait3A_117 = tpu.memref_slice %arg3[%dma_wait3A_115, %dma_wait3A_116] : memref<81920x128xf32, #tpu.memory_space<hbm>> -> memref<80x128xf32, #tpu.memory_space<hbm>>
      %dma_wait3A_118 = arith.constant 0 : i32
      %dma_wait3A_119 = arith.constant 0 : i32
      %dma_wait3A_120 = tpu.memref_slice %arg3[%dma_wait3A_118, %dma_wait3A_119] : memref<81920x128xf32, #tpu.memory_space<hbm>> -> memref<80x128xf32, #tpu.memory_space<hbm>>
      tpu.wait_dma2 semaphore(%arg19 : memref<!tpu.dma_semaphore, #tpu.memory_space<semaphore_mem>>) src(%dma_wait3A_120 : memref<80x128xf32, #tpu.memory_space<hbm>>) dst(%arg12 : memref<80x128xf32, #tpu.memory_space<vmem>>)
      %scan3A_121 = arith.constant 0 : i32
      %scan3A_122 = arith.constant 80 : i32
      %scan3A_123 = arith.addi %scan3A_121, %scan3A_122 : i32
      %scan3A_124 = arith.constant 1 : i32
      scf.for %scan3A_134 = %scan3A_121 to %scan3A_123 step %scan3A_124  : i32 {
        %mul3A_135 = arith.constant 1 : i32
        %mul3A_136 = arith.muli %scan3A_134, %mul3A_135 : i32
        %add3A_137 = arith.constant 0 : i32
        %add3A_138 = arith.addi %add3A_137, %mul3A_136 : i32
        %get3A = arith.index_cast %add3A_138 : i32 to index
        %get3A_139 = arith.constant 0 : index
        %get3A_140 = tpu.vector_load %arg10[%get3A, %get3A_139] {strides = array<i32>} : memref<80x128xf32, #tpu.memory_space<vmem>>, vector<1x16xf32>,
        %get3A_141 = vector.shape_cast %get3A_140 : vector<1x16xf32> to vector<16xf32>
        %get3A_142 = arith.index_cast %add3A_138 : i32 to index
        %get3A_143 = arith.constant 0 : index
        %get3A_144 = tpu.vector_load %arg12[%get3A_142, %get3A_143] {strides = array<i32>} : memref<80x128xf32, #tpu.memory_space<vmem>>, vector<1x16xf32>,
        %get3A_145 = vector.shape_cast %get3A_144 : vector<1x16xf32> to vector<16xf32>
        %add3A_146 = arith.addf %get3A_141, %get3A_145 : vector<16xf32>
        %max3A = arith.constant 0.000000e+00 : f32
        %max3A_147 = vector.broadcast %max3A : f32 to vector<16xf32>
        %max3A_148 = arith.maximumf %add3A_146, %max3A_147 : vector<16xf32>
        %swap3A = arith.index_cast %add3A_138 : i32 to index
        %swap3A_149 = arith.constant 0 : index
        %swap3A_150 = tpu.vector_load %arg10[%swap3A, %swap3A_149] {strides = array<i32>} : memref<80x128xf32, #tpu.memory_space<vmem>>, vector<1x16xf32>,
        %swap3A_151 = vector.shape_cast %swap3A_150 : vector<1x16xf32> to vector<16xf32>
        %swap3A_152 = vector.shape_cast %max3A_148 : vector<16xf32> to vector<1x16xf32>
        tpu.vector_store %arg10[%swap3A, %swap3A_149], %swap3A_152 {strides = array<i32>} : memref<80x128xf32, #tpu.memory_space<vmem>>, vector<1x16xf32>,
        %get3A_153 = arith.index_cast %add3A_138 : i32 to index
        %get3A_154 = arith.constant 16 : index
        %get3A_155 = tpu.vector_load %arg10[%get3A_153, %get3A_154] {strides = array<i32>} : memref<80x128xf32, #tpu.memory_space<vmem>>, vector<1x16xf32>,
        %get3A_156 = vector.shape_cast %get3A_155 : vector<1x16xf32> to vector<16xf32>
        %get3A_157 = arith.index_cast %add3A_138 : i32 to index
        %get3A_158 = arith.constant 16 : index
        %get3A_159 = tpu.vector_load %arg12[%get3A_157, %get3A_158] {strides = array<i32>} : memref<80x128xf32, #tpu.memory_space<vmem>>, vector<1x16xf32>,
        %get3A_160 = vector.shape_cast %get3A_159 : vector<1x16xf32> to vector<16xf32>
        %add3A_161 = arith.addf %get3A_156, %get3A_160 : vector<16xf32>
        %max3A_162 = arith.constant 0.000000e+00 : f32
        %max3A_163 = vector.broadcast %max3A_162 : f32 to vector<16xf32>
        %max3A_164 = arith.maximumf %add3A_161, %max3A_163 : vector<16xf32>
        %swap3A_165 = arith.index_cast %add3A_138 : i32 to index
        %swap3A_166 = arith.constant 16 : index
        %swap3A_167 = tpu.vector_load %arg10[%swap3A_165, %swap3A_166] {strides = array<i32>} : memref<80x128xf32, #tpu.memory_space<vmem>>, vector<1x16xf32>,
        %swap3A_168 = vector.shape_cast %swap3A_167 : vector<1x16xf32> to vector<16xf32>
        %swap3A_169 = vector.shape_cast %max3A_164 : vector<16xf32> to vector<1x16xf32>
        tpu.vector_store %arg10[%swap3A_165, %swap3A_166], %swap3A_169 {strides = array<i32>} : memref<80x128xf32, #tpu.memory_space<vmem>>, vector<1x16xf32>,
        %get3A_170 = arith.index_cast %add3A_138 : i32 to index
        %get3A_171 = arith.constant 32 : index
        %get3A_172 = tpu.vector_load %arg10[%get3A_170, %get3A_171] {strides = array<i32>} : memref<80x128xf32, #tpu.memory_space<vmem>>, vector<1x16xf32>,
        %get3A_173 = vector.shape_cast %get3A_172 : vector<1x16xf32> to vector<16xf32>
        %get3A_174 = arith.index_cast %add3A_138 : i32 to index
        %get3A_175 = arith.constant 32 : index
        %get3A_176 = tpu.vector_load %arg12[%get3A_174, %get3A_175] {strides = array<i32>} : memref<80x128xf32, #tpu.memory_space<vmem>>, vector<1x16xf32>,
        %get3A_177 = vector.shape_cast %get3A_176 : vector<1x16xf32> to vector<16xf32>
        %add3A_178 = arith.addf %get3A_173, %get3A_177 : vector<16xf32>
        %max3A_179 = arith.constant 0.000000e+00 : f32
        %max3A_180 = vector.broadcast %max3A_179 : f32 to vector<16xf32>
        %max3A_181 = arith.maximumf %add3A_178, %max3A_180 : vector<16xf32>
        %swap3A_182 = arith.index_cast %add3A_138 : i32 to index
        %swap3A_183 = arith.constant 32 : index
        %swap3A_184 = tpu.vector_load %arg10[%swap3A_182, %swap3A_183] {strides = array<i32>} : memref<80x128xf32, #tpu.memory_space<vmem>>, vector<1x16xf32>,
        %swap3A_185 = vector.shape_cast %swap3A_184 : vector<1x16xf32> to vector<16xf32>
        %swap3A_186 = vector.shape_cast %max3A_181 : vector<16xf32> to vector<1x16xf32>
        tpu.vector_store %arg10[%swap3A_182, %swap3A_183], %swap3A_186 {strides = array<i32>} : memref<80x128xf32, #tpu.memory_space<vmem>>, vector<1x16xf32>,
        %get3A_187 = arith.index_cast %add3A_138 : i32 to index
        %get3A_188 = arith.constant 48 : index
        %get3A_189 = tpu.vector_load %arg10[%get3A_187, %get3A_188] {strides = array<i32>} : memref<80x128xf32, #tpu.memory_space<vmem>>, vector<1x16xf32>,
        %get3A_190 = vector.shape_cast %get3A_189 : vector<1x16xf32> to vector<16xf32>
        %get3A_191 = arith.index_cast %add3A_138 : i32 to index
        %get3A_192 = arith.constant 48 : index
        %get3A_193 = tpu.vector_load %arg12[%get3A_191, %get3A_192] {strides = array<i32>} : memref<80x128xf32, #tpu.memory_space<vmem>>, vector<1x16xf32>,
        %get3A_194 = vector.shape_cast %get3A_193 : vector<1x16xf32> to vector<16xf32>
        %add3A_195 = arith.addf %get3A_190, %get3A_194 : vector<16xf32>
        %max3A_196 = arith.constant 0.000000e+00 : f32
        %max3A_197 = vector.broadcast %max3A_196 : f32 to vector<16xf32>
        %max3A_198 = arith.maximumf %add3A_195, %max3A_197 : vector<16xf32>
        %swap3A_199 = arith.index_cast %add3A_138 : i32 to index
        %swap3A_200 = arith.constant 48 : index
        %swap3A_201 = tpu.vector_load %arg10[%swap3A_199, %swap3A_200] {strides = array<i32>} : memref<80x128xf32, #tpu.memory_space<vmem>>, vector<1x16xf32>,
        %swap3A_202 = vector.shape_cast %swap3A_201 : vector<1x16xf32> to vector<16xf32>
        %swap3A_203 = vector.shape_cast %max3A_198 : vector<16xf32> to vector<1x16xf32>
        tpu.vector_store %arg10[%swap3A_199, %swap3A_200], %swap3A_203 {strides = array<i32>} : memref<80x128xf32, #tpu.memory_space<vmem>>, vector<1x16xf32>,
        %get3A_204 = arith.index_cast %add3A_138 : i32 to index
        %get3A_205 = arith.constant 64 : index
        %get3A_206 = tpu.vector_load %arg10[%get3A_204, %get3A_205] {strides = array<i32>} : memref<80x128xf32, #tpu.memory_space<vmem>>, vector<1x16xf32>,
        %get3A_207 = vector.shape_cast %get3A_206 : vector<1x16xf32> to vector<16xf32>
        %get3A_208 = arith.index_cast %add3A_138 : i32 to index
        %get3A_209 = arith.constant 64 : index
        %get3A_210 = tpu.vector_load %arg12[%get3A_208, %get3A_209] {strides = array<i32>} : memref<80x128xf32, #tpu.memory_space<vmem>>, vector<1x16xf32>,
        %get3A_211 = vector.shape_cast %get3A_210 : vector<1x16xf32> to vector<16xf32>
        %add3A_212 = arith.addf %get3A_207, %get3A_211 : vector<16xf32>
        %max3A_213 = arith.constant 0.000000e+00 : f32
        %max3A_214 = vector.broadcast %max3A_213 : f32 to vector<16xf32>
        %max3A_215 = arith.maximumf %add3A_212, %max3A_214 : vector<16xf32>
        %swap3A_216 = arith.index_cast %add3A_138 : i32 to index
        %swap3A_217 = arith.constant 64 : index
        %swap3A_218 = tpu.vector_load %arg10[%swap3A_216, %swap3A_217] {strides = array<i32>} : memref<80x128xf32, #tpu.memory_space<vmem>>, vector<1x16xf32>,
        %swap3A_219 = vector.shape_cast %swap3A_218 : vector<1x16xf32> to vector<16xf32>
        %swap3A_220 = vector.shape_cast %max3A_215 : vector<16xf32> to vector<1x16xf32>
        tpu.vector_store %arg10[%swap3A_216, %swap3A_217], %swap3A_220 {strides = array<i32>} : memref<80x128xf32, #tpu.memory_space<vmem>>, vector<1x16xf32>,
        %get3A_221 = arith.index_cast %add3A_138 : i32 to index
        %get3A_222 = arith.constant 80 : index
        %get3A_223 = tpu.vector_load %arg10[%get3A_221, %get3A_222] {strides = array<i32>} : memref<80x128xf32, #tpu.memory_space<vmem>>, vector<1x16xf32>,
        %get3A_224 = vector.shape_cast %get3A_223 : vector<1x16xf32> to vector<16xf32>
        %get3A_225 = arith.index_cast %add3A_138 : i32 to index
        %get3A_226 = arith.constant 80 : index
        %get3A_227 = tpu.vector_load %arg12[%get3A_225, %get3A_226] {strides = array<i32>} : memref<80x128xf32, #tpu.memory_space<vmem>>, vector<1x16xf32>,
        %get3A_228 = vector.shape_cast %get3A_227 : vector<1x16xf32> to vector<16xf32>
        %add3A_229 = arith.addf %get3A_224, %get3A_228 : vector<16xf32>
        %max3A_230 = arith.constant 0.000000e+00 : f32
        %max3A_231 = vector.broadcast %max3A_230 : f32 to vector<16xf32>
        %max3A_232 = arith.maximumf %add3A_229, %max3A_231 : vector<16xf32>
        %swap3A_233 = arith.index_cast %add3A_138 : i32 to index
        %swap3A_234 = arith.constant 80 : index
        %swap3A_235 = tpu.vector_load %arg10[%swap3A_233, %swap3A_234] {strides = array<i32>} : memref<80x128xf32, #tpu.memory_space<vmem>>, vector<1x16xf32>,
        %swap3A_236 = vector.shape_cast %swap3A_235 : vector<1x16xf32> to vector<16xf32>
        %swap3A_237 = vector.shape_cast %max3A_232 : vector<16xf32> to vector<1x16xf32>
        tpu.vector_store %arg10[%swap3A_233, %swap3A_234], %swap3A_237 {strides = array<i32>} : memref<80x128xf32, #tpu.memory_space<vmem>>, vector<1x16xf32>,
        %get3A_238 = arith.index_cast %add3A_138 : i32 to index
        %get3A_239 = arith.constant 96 : index
        %get3A_240 = tpu.vector_load %arg10[%get3A_238, %get3A_239] {strides = array<i32>} : memref<80x128xf32, #tpu.memory_space<vmem>>, vector<1x16xf32>,
        %get3A_241 = vector.shape_cast %get3A_240 : vector<1x16xf32> to vector<16xf32>
        %get3A_242 = arith.index_cast %add3A_138 : i32 to index
        %get3A_243 = arith.constant 96 : index
        %get3A_244 = tpu.vector_load %arg12[%get3A_242, %get3A_243] {strides = array<i32>} : memref<80x128xf32, #tpu.memory_space<vmem>>, vector<1x16xf32>,
        %get3A_245 = vector.shape_cast %get3A_244 : vector<1x16xf32> to vector<16xf32>
        %add3A_246 = arith.addf %get3A_241, %get3A_245 : vector<16xf32>
        %max3A_247 = arith.constant 0.000000e+00 : f32
        %max3A_248 = vector.broadcast %max3A_247 : f32 to vector<16xf32>
        %max3A_249 = arith.maximumf %add3A_246, %max3A_248 : vector<16xf32>
        %swap3A_250 = arith.index_cast %add3A_138 : i32 to index
        %swap3A_251 = arith.constant 96 : index
        %swap3A_252 = tpu.vector_load %arg10[%swap3A_250, %swap3A_251] {strides = array<i32>} : memref<80x128xf32, #tpu.memory_space<vmem>>, vector<1x16xf32>,
        %swap3A_253 = vector.shape_cast %swap3A_252 : vector<1x16xf32> to vector<16xf32>
        %swap3A_254 = vector.shape_cast %max3A_249 : vector<16xf32> to vector<1x16xf32>
        tpu.vector_store %arg10[%swap3A_250, %swap3A_251], %swap3A_254 {strides = array<i32>} : memref<80x128xf32, #tpu.memory_space<vmem>>, vector<1x16xf32>,
        %get3A_255 = arith.index_cast %add3A_138 : i32 to index
        %get3A_256 = arith.constant 112 : index
        %get3A_257 = tpu.vector_load %arg10[%get3A_255, %get3A_256] {strides = array<i32>} : memref<80x128xf32, #tpu.memory_space<vmem>>, vector<1x16xf32>,
        %get3A_258 = vector.shape_cast %get3A_257 : vector<1x16xf32> to vector<16xf32>
        %get3A_259 = arith.index_cast %add3A_138 : i32 to index
        %get3A_260 = arith.constant 112 : index
        %get3A_261 = tpu.vector_load %arg12[%get3A_259, %get3A_260] {strides = array<i32>} : memref<80x128xf32, #tpu.memory_space<vmem>>, vector<1x16xf32>,
        %get3A_262 = vector.shape_cast %get3A_261 : vector<1x16xf32> to vector<16xf32>
        %add3A_263 = arith.addf %get3A_258, %get3A_262 : vector<16xf32>
        %max3A_264 = arith.constant 0.000000e+00 : f32
        %max3A_265 = vector.broadcast %max3A_264 : f32 to vector<16xf32>
        %max3A_266 = arith.maximumf %add3A_263, %max3A_265 : vector<16xf32>
        %swap3A_267 = arith.index_cast %add3A_138 : i32 to index
        %swap3A_268 = arith.constant 112 : index
        %swap3A_269 = tpu.vector_load %arg10[%swap3A_267, %swap3A_268] {strides = array<i32>} : memref<80x128xf32, #tpu.memory_space<vmem>>, vector<1x16xf32>,
        %swap3A_270 = vector.shape_cast %swap3A_269 : vector<1x16xf32> to vector<16xf32>
        %swap3A_271 = vector.shape_cast %max3A_266 : vector<16xf32> to vector<1x16xf32>
        tpu.vector_store %arg10[%swap3A_267, %swap3A_268], %swap3A_271 {strides = array<i32>} : memref<80x128xf32, #tpu.memory_space<vmem>>, vector<1x16xf32>,
      }
      %scan3A_125 = arith.constant 80 : i32
      %run_scoped3A_126 = arith.constant 1 : i32
      "tpu.region"() ({
        %run_scoped3A_134 = tpu.sem_alloc : memref<!tpu.dma_semaphore, #tpu.memory_space<semaphore_mem>>
        %dma_start3A_135 = arith.constant 0 : i32
        %dma_start3A_136 = tpu.memref_slice %arg8[%run_scoped3A_126, %dma_start3A_135] : memref<2x80xi32, #tpu.memory_space<vmem>> -> memref<1x80xi32, #tpu.memory_space<vmem>>
        %dma_start3A_137 = tpu.memref_squeeze %dma_start3A_136 : memref<1x80xi32, #tpu.memory_space<vmem>> -> memref<80xi32, #tpu.memory_space<vmem>>
        %dma_start3A_138 = arith.constant 0 : i32
        %dma_start3A_139 = arith.constant 0 : i32
        %dma_start3A_140 = tpu.memref_slice %arg13[%dma_start3A_138, %dma_start3A_139] : memref<10240x128xf32, #tpu.memory_space<vmem_shared>> -> memref<10240x128xf32, #tpu.memory_space<vmem_shared>>
        tpu.enqueue_indirect_dma source(%arg10 : memref<80x128xf32, #tpu.memory_space<vmem>>) target(%dma_start3A_140 : memref<10240x128xf32, #tpu.memory_space<vmem_shared>>) offsets(%dma_start3A_137 : memref<80xi32, #tpu.memory_space<vmem>>) semaphore(%run_scoped3A_134 : memref<!tpu.dma_semaphore, #tpu.memory_space<semaphore_mem>>) {add = true}
        %dma_wait3A_141 = arith.constant 0 : i32
        %dma_wait3A_142 = tpu.memref_slice %arg8[%run_scoped3A_126, %dma_wait3A_141] : memref<2x80xi32, #tpu.memory_space<vmem>> -> memref<1x80xi32, #tpu.memory_space<vmem>>
        %dma_wait3A_143 = tpu.memref_squeeze %dma_wait3A_142 : memref<1x80xi32, #tpu.memory_space<vmem>> -> memref<80xi32, #tpu.memory_space<vmem>>
        %dma_wait3A_144 = arith.constant 0 : i32
        %dma_wait3A_145 = arith.constant 0 : i32
        %dma_wait3A_146 = tpu.memref_slice %arg13[%dma_wait3A_144, %dma_wait3A_145] : memref<10240x128xf32, #tpu.memory_space<vmem_shared>> -> memref<10240x128xf32, #tpu.memory_space<vmem_shared>>
        tpu.wait_indirect_dma semaphore(%run_scoped3A_134 : memref<!tpu.dma_semaphore, #tpu.memory_space<semaphore_mem>>) src(%arg10 : memref<80x128xf32, #tpu.memory_space<vmem>>) dst(%dma_wait3A_146 : memref<10240x128xf32, #tpu.memory_space<vmem_shared>>)
        tpu.yield
      }) : () -> ()
      %add3A_127 = arith.constant 2 : i32
      %add3A_128 = arith.addi %add3A_107, %add3A_127 : i32
      %lt3A_129 = arith.constant 32 : i32
      %lt3A_130 = arith.cmpi slt, %add3A_128, %lt3A_129 : i32
      %convert_element_type3A_131 = arith.extui %lt3A_130 : i1 to i32
      %cond3A_132 = arith.constant 0 : i32
      %cond3A_133 = arith.cmpi ne, %convert_element_type3A_131, %cond3A_132 : i32
      scf.if %cond3A_133 {
        %add3A_134 = arith.constant 2 : i32
        %add3A_135 = arith.addi %add3A_107, %add3A_134 : i32
        %add3A_136 = arith.addi %mul3A_4, %add3A_135 : i32
        %dma_start3A_137 = arith.constant 0 : i32
        %dma_start3A_138 = arith.constant 0 : i32
        %dma_start3A_139 = tpu.memref_slice %arg4[%add3A_136, %dma_start3A_137, %dma_start3A_138] : memref<1024x2x80xi32, #tpu.memory_space<hbm>> -> memref<1x2x80xi32, #tpu.memory_space<hbm>>
        %dma_start3A_140 = tpu.memref_squeeze %dma_start3A_139 : memref<1x2x80xi32, #tpu.memory_space<hbm>> -> memref<2x80xi32, #tpu.memory_space<hbm>>
        %dma_start3A_141 = arith.constant 0 : i32
        %dma_start3A_142 = arith.constant 0 : i32
        %dma_start3A_143 = tpu.memref_slice %arg4[%add3A_136, %dma_start3A_141, %dma_start3A_142] : memref<1024x2x80xi32, #tpu.memory_space<hbm>> -> memref<1x2x80xi32, #tpu.memory_space<hbm>>
        %dma_start3A_144 = tpu.memref_squeeze %dma_start3A_143 : memref<1x2x80xi32, #tpu.memory_space<hbm>> -> memref<2x80xi32, #tpu.memory_space<hbm>>
        tpu.enqueue_dma source(%dma_start3A_144 : memref<2x80xi32, #tpu.memory_space<hbm>>) target(%arg8 : memref<2x80xi32, #tpu.memory_space<vmem>>) target_semaphore(%arg15 : memref<!tpu.dma_semaphore, #tpu.memory_space<semaphore_mem>>)
        %dma_wait3A_145 = arith.constant 0 : i32
        %dma_wait3A_146 = arith.constant 0 : i32
        %dma_wait3A_147 = arith.constant 0 : i32
        %dma_wait3A_148 = tpu.memref_slice %arg4[%dma_wait3A_145, %dma_wait3A_146, %dma_wait3A_147] : memref<1024x2x80xi32, #tpu.memory_space<hbm>> -> memref<1x2x80xi32, #tpu.memory_space<hbm>>
        %dma_wait3A_149 = tpu.memref_squeeze %dma_wait3A_148 : memref<1x2x80xi32, #tpu.memory_space<hbm>> -> memref<2x80xi32, #tpu.memory_space<hbm>>
        %dma_wait3A_150 = arith.constant 0 : i32
        %dma_wait3A_151 = arith.constant 0 : i32
        %dma_wait3A_152 = tpu.memref_slice %arg4[%dma_wait3A_145, %dma_wait3A_150, %dma_wait3A_151] : memref<1024x2x80xi32, #tpu.memory_space<hbm>> -> memref<1x2x80xi32, #tpu.memory_space<hbm>>
        %dma_wait3A_153 = tpu.memref_squeeze %dma_wait3A_152 : memref<1x2x80xi32, #tpu.memory_space<hbm>> -> memref<2x80xi32, #tpu.memory_space<hbm>>
        tpu.wait_dma2 semaphore(%arg15 : memref<!tpu.dma_semaphore, #tpu.memory_space<semaphore_mem>>) src(%dma_wait3A_153 : memref<2x80xi32, #tpu.memory_space<hbm>>) dst(%arg8 : memref<2x80xi32, #tpu.memory_space<vmem>>)
        %add3A_154 = arith.constant 2 : i32
        %add3A_155 = arith.addi %add3A_107, %add3A_154 : i32
        %mul3A_156 = arith.constant 80 : i32
        %mul3A_157 = arith.muli %add3A_155, %mul3A_156 : i32
        %add3A_158 = arith.addi %mul3A_2, %mul3A_157 : i32
        %multiple_of3A_159 = tpu.assume_multiple %add3A_158, 8 : i32
        %dma_start3A_160 = arith.constant 0 : i32
        %dma_start3A_161 = arith.constant 0 : i32
        %dma_start3A_162 = tpu.memref_slice %arg8[%dma_start3A_160, %dma_start3A_161] : memref<2x80xi32, #tpu.memory_space<vmem>> -> memref<1x80xi32, #tpu.memory_space<vmem>>
        %dma_start3A_163 = tpu.memref_squeeze %dma_start3A_162 : memref<1x80xi32, #tpu.memory_space<vmem>> -> memref<80xi32, #tpu.memory_space<vmem>>
        %dma_start3A_164 = arith.constant 0 : i32
        %dma_start3A_165 = arith.constant 0 : i32
        %dma_start3A_166 = tpu.memref_slice %arg2[%dma_start3A_164, %dma_start3A_165] : memref<10000x128xf32, #tpu.memory_space<hbm>> -> memref<10000x128xf32, #tpu.memory_space<hbm>>
        tpu.enqueue_indirect_dma source(%dma_start3A_166 : memref<10000x128xf32, #tpu.memory_space<hbm>>) target(%arg10 : memref<80x128xf32, #tpu.memory_space<vmem>>) offsets(%dma_start3A_163 : memref<80xi32, #tpu.memory_space<vmem>>) semaphore(%arg17 : memref<!tpu.dma_semaphore, #tpu.memory_space<semaphore_mem>>)
        %dma_start3A_167 = arith.constant 0 : i32
        %dma_start3A_168 = tpu.memref_slice %arg3[%multiple_of3A_159, %dma_start3A_167] : memref<81920x128xf32, #tpu.memory_space<hbm>> -> memref<80x128xf32, #tpu.memory_space<hbm>>
        %dma_start3A_169 = arith.constant 0 : i32
        %dma_start3A_170 = tpu.memref_slice %arg3[%multiple_of3A_159, %dma_start3A_169] : memref<81920x128xf32, #tpu.memory_space<hbm>> -> memref<80x128xf32, #tpu.memory_space<hbm>>
        tpu.enqueue_dma source(%dma_start3A_170 : memref<80x128xf32, #tpu.memory_space<hbm>>) target(%arg12 : memref<80x128xf32, #tpu.memory_space<vmem>>) target_semaphore(%arg19 : memref<!tpu.dma_semaphore, #tpu.memory_space<semaphore_mem>>)
      } else {
      }
    }
    %scan3A_73 = arith.constant 16 : i32
    %barrier3A_74 = arith.constant 0 : index
    tpu.barrier barrier_id(%barrier3A_74)
    "tpu.region"() ({
      %run_scoped3A = tpu.sem_alloc : memref<!tpu.dma_semaphore, #tpu.memory_space<semaphore_mem>>
      %dma_start3A_75 = arith.constant 0 : i32
      %dma_start3A_76 = tpu.memref_slice %arg6[%arg0, %mul3A_25, %dma_start3A_75] : memref<2x10240x128xf32, #tpu.memory_space<hbm>> -> memref<1x640x128xf32, #tpu.memory_space<hbm>>
      %dma_start3A_77 = tpu.memref_squeeze %dma_start3A_76 : memref<1x640x128xf32, #tpu.memory_space<hbm>> -> memref<640x128xf32, #tpu.memory_space<hbm>>
      %dma_start3A_78 = arith.constant 0 : i32
      %dma_start3A_79 = tpu.memref_slice %arg13[%mul3A_25, %dma_start3A_78] : memref<10240x128xf32, #tpu.memory_space<vmem_shared>> -> memref<640x128xf32, #tpu.memory_space<vmem_shared>>
      tpu.enqueue_dma source(%dma_start3A_79 : memref<640x128xf32, #tpu.memory_space<vmem_shared>>) target(%dma_start3A_77 : memref<640x128xf32, #tpu.memory_space<hbm>>) target_semaphore(%run_scoped3A : memref<!tpu.dma_semaphore, #tpu.memory_space<semaphore_mem>>)
      %dma_wait3A_80 = arith.constant 0 : i32
      %dma_wait3A_81 = tpu.memref_slice %arg6[%arg0, %mul3A_25, %dma_wait3A_80] : memref<2x10240x128xf32, #tpu.memory_space<hbm>> -> memref<1x640x128xf32, #tpu.memory_space<hbm>>
      %dma_wait3A_82 = tpu.memref_squeeze %dma_wait3A_81 : memref<1x640x128xf32, #tpu.memory_space<hbm>> -> memref<640x128xf32, #tpu.memory_space<hbm>>
      %dma_wait3A_83 = arith.constant 0 : i32
      %dma_wait3A_84 = tpu.memref_slice %arg13[%mul3A_25, %dma_wait3A_83] : memref<10240x128xf32, #tpu.memory_space<vmem_shared>> -> memref<640x128xf32, #tpu.memory_space<vmem_shared>>
      tpu.wait_dma2 semaphore(%run_scoped3A : memref<!tpu.dma_semaphore, #tpu.memory_space<semaphore_mem>>) src(%dma_wait3A_84 : memref<640x128xf32, #tpu.memory_space<vmem_shared>>) dst(%dma_wait3A_82 : memref<640x128xf32, #tpu.memory_space<hbm>>)
      tpu.yield
    }) : () -> ()
    return
  }
}

#map = affine_map<(d0, d1) -> (0, 0)>
#map1 = affine_map<(d0, d1) -> (0, 0, 0)>
module attributes {stable_mosaic.version = 14 : i64} {
  func.func @_sc_body(%arg0: i32, %arg1: i32, %arg2: memref<10000x128xf32, #tpu.memory_space<hbm>>, %arg3: memref<79360x128xf32, #tpu.memory_space<hbm>>, %arg4: memref<992x2x80xi32, #tpu.memory_space<hbm>>, %arg5: memref<10240x128xf32, #tpu.memory_space<hbm>>, %arg6: memref<2x10240x128xf32, #tpu.memory_space<hbm>>, %arg7: memref<2x80xi32, #tpu.memory_space<vmem>>, %arg8: memref<2x80xi32, #tpu.memory_space<vmem>>, %arg9: memref<80x128xf32, #tpu.memory_space<vmem>>, %arg10: memref<80x128xf32, #tpu.memory_space<vmem>>, %arg11: memref<80x128xf32, #tpu.memory_space<vmem>>, %arg12: memref<80x128xf32, #tpu.memory_space<vmem>>, %arg13: memref<10240x128xf32, #tpu.memory_space<vmem_shared>>, %arg14: memref<!tpu.dma_semaphore, #tpu.memory_space<semaphore_mem>>, %arg15: memref<!tpu.dma_semaphore, #tpu.memory_space<semaphore_mem>>, %arg16: memref<!tpu.dma_semaphore, #tpu.memory_space<semaphore_mem>>, %arg17: memref<!tpu.dma_semaphore, #tpu.memory_space<semaphore_mem>>, %arg18: memref<!tpu.dma_semaphore, #tpu.memory_space<semaphore_mem>>, %arg19: memref<!tpu.dma_semaphore, #tpu.memory_space<semaphore_mem>>) attributes {dimension_semantics = [#tpu.dimension_semantics<core_parallel>, #tpu.dimension_semantics<subcore_parallel>], iteration_bounds = array<i64: 2, 16>, scalar_prefetch = 0 : i64, scratch_operands = 13 : i64, tpu.core_type = #tpu.core_type<sc_vector_subcore>, window_params = [{transform_indices = #map}, {transform_indices = #map}, {transform_indices = #map1}, {transform_indices = #map}, {transform_indices = #map1}]} {
    %mul3A = arith.constant 16 : i32
    %mul3A_0 = arith.muli %arg0, %mul3A : i32
    %add3A = arith.addi %mul3A_0, %arg1 : i32
    %mul3A_1 = arith.constant 2480 : i32
    %mul3A_2 = arith.muli %add3A, %mul3A_1 : i32
    %mul3A_3 = arith.constant 31 : i32
    %mul3A_4 = arith.muli %add3A, %mul3A_3 : i32
    %add3A_5 = arith.constant 0 : i32
    %add3A_6 = arith.addi %mul3A_4, %add3A_5 : i32
    %dma_start3A = arith.constant 0 : i32
    %dma_start3A_7 = arith.constant 0 : i32
    %dma_start3A_8 = tpu.memref_slice %arg4[%add3A_6, %dma_start3A, %dma_start3A_7] : memref<992x2x80xi32, #tpu.memory_space<hbm>> -> memref<1x2x80xi32, #tpu.memory_space<hbm>>
    %dma_start3A_9 = tpu.memref_squeeze %dma_start3A_8 : memref<1x2x80xi32, #tpu.memory_space<hbm>> -> memref<2x80xi32, #tpu.memory_space<hbm>>
    %dma_start3A_10 = arith.constant 0 : i32
    %dma_start3A_11 = arith.constant 0 : i32
    %dma_start3A_12 = tpu.memref_slice %arg4[%add3A_6, %dma_start3A_10, %dma_start3A_11] : memref<992x2x80xi32, #tpu.memory_space<hbm>> -> memref<1x2x80xi32, #tpu.memory_space<hbm>>
    %dma_start3A_13 = tpu.memref_squeeze %dma_start3A_12 : memref<1x2x80xi32, #tpu.memory_space<hbm>> -> memref<2x80xi32, #tpu.memory_space<hbm>>
    tpu.enqueue_dma source(%dma_start3A_13 : memref<2x80xi32, #tpu.memory_space<hbm>>) target(%arg7 : memref<2x80xi32, #tpu.memory_space<vmem>>) target_semaphore(%arg14 : memref<!tpu.dma_semaphore, #tpu.memory_space<semaphore_mem>>)
    %add3A_14 = arith.constant 1 : i32
    %add3A_15 = arith.addi %mul3A_4, %add3A_14 : i32
    %dma_start3A_16 = arith.constant 0 : i32
    %dma_start3A_17 = arith.constant 0 : i32
    %dma_start3A_18 = tpu.memref_slice %arg4[%add3A_15, %dma_start3A_16, %dma_start3A_17] : memref<992x2x80xi32, #tpu.memory_space<hbm>> -> memref<1x2x80xi32, #tpu.memory_space<hbm>>
    %dma_start3A_19 = tpu.memref_squeeze %dma_start3A_18 : memref<1x2x80xi32, #tpu.memory_space<hbm>> -> memref<2x80xi32, #tpu.memory_space<hbm>>
    %dma_start3A_20 = arith.constant 0 : i32
    %dma_start3A_21 = arith.constant 0 : i32
    %dma_start3A_22 = tpu.memref_slice %arg4[%add3A_15, %dma_start3A_20, %dma_start3A_21] : memref<992x2x80xi32, #tpu.memory_space<hbm>> -> memref<1x2x80xi32, #tpu.memory_space<hbm>>
    %dma_start3A_23 = tpu.memref_squeeze %dma_start3A_22 : memref<1x2x80xi32, #tpu.memory_space<hbm>> -> memref<2x80xi32, #tpu.memory_space<hbm>>
    tpu.enqueue_dma source(%dma_start3A_23 : memref<2x80xi32, #tpu.memory_space<hbm>>) target(%arg8 : memref<2x80xi32, #tpu.memory_space<vmem>>) target_semaphore(%arg15 : memref<!tpu.dma_semaphore, #tpu.memory_space<semaphore_mem>>)
    %mul3A_24 = arith.constant 640 : i32
    %mul3A_25 = arith.muli %arg1, %mul3A_24 : i32
    "tpu.region"() ({
      %run_scoped3A_93 = tpu.sem_alloc : memref<!tpu.dma_semaphore, #tpu.memory_space<semaphore_mem>>
      %dma_start3A_94 = arith.constant 0 : i32
      %dma_start3A_95 = tpu.memref_slice %arg13[%mul3A_25, %dma_start3A_94] : memref<10240x128xf32, #tpu.memory_space<vmem_shared>> -> memref<640x128xf32, #tpu.memory_space<vmem_shared>>
      %dma_start3A_96 = arith.constant 0 : i32
      %dma_start3A_97 = tpu.memref_slice %arg5[%mul3A_25, %dma_start3A_96] : memref<10240x128xf32, #tpu.memory_space<hbm>> -> memref<640x128xf32, #tpu.memory_space<hbm>>
      tpu.enqueue_dma source(%dma_start3A_97 : memref<640x128xf32, #tpu.memory_space<hbm>>) target(%dma_start3A_95 : memref<640x128xf32, #tpu.memory_space<vmem_shared>>) target_semaphore(%run_scoped3A_93 : memref<!tpu.dma_semaphore, #tpu.memory_space<semaphore_mem>>)
      %dma_wait3A_98 = arith.constant 0 : i32
      %dma_wait3A_99 = tpu.memref_slice %arg13[%mul3A_25, %dma_wait3A_98] : memref<10240x128xf32, #tpu.memory_space<vmem_shared>> -> memref<640x128xf32, #tpu.memory_space<vmem_shared>>
      %dma_wait3A_100 = arith.constant 0 : i32
      %dma_wait3A_101 = tpu.memref_slice %arg5[%mul3A_25, %dma_wait3A_100] : memref<10240x128xf32, #tpu.memory_space<hbm>> -> memref<640x128xf32, #tpu.memory_space<hbm>>
      tpu.wait_dma2 semaphore(%run_scoped3A_93 : memref<!tpu.dma_semaphore, #tpu.memory_space<semaphore_mem>>) src(%dma_wait3A_101 : memref<640x128xf32, #tpu.memory_space<hbm>>) dst(%dma_wait3A_99 : memref<640x128xf32, #tpu.memory_space<vmem_shared>>)
      tpu.yield
    }) : () -> ()
    %dma_wait3A = arith.constant 0 : i32
    %dma_wait3A_26 = arith.constant 0 : i32
    %dma_wait3A_27 = arith.constant 0 : i32
    %dma_wait3A_28 = tpu.memref_slice %arg4[%dma_wait3A, %dma_wait3A_26, %dma_wait3A_27] : memref<992x2x80xi32, #tpu.memory_space<hbm>> -> memref<1x2x80xi32, #tpu.memory_space<hbm>>
    %dma_wait3A_29 = tpu.memref_squeeze %dma_wait3A_28 : memref<1x2x80xi32, #tpu.memory_space<hbm>> -> memref<2x80xi32, #tpu.memory_space<hbm>>
    %dma_wait3A_30 = arith.constant 0 : i32
    %dma_wait3A_31 = arith.constant 0 : i32
    %dma_wait3A_32 = tpu.memref_slice %arg4[%dma_wait3A, %dma_wait3A_30, %dma_wait3A_31] : memref<992x2x80xi32, #tpu.memory_space<hbm>> -> memref<1x2x80xi32, #tpu.memory_space<hbm>>
    %dma_wait3A_33 = tpu.memref_squeeze %dma_wait3A_32 : memref<1x2x80xi32, #tpu.memory_space<hbm>> -> memref<2x80xi32, #tpu.memory_space<hbm>>
    tpu.wait_dma2 semaphore(%arg14 : memref<!tpu.dma_semaphore, #tpu.memory_space<semaphore_mem>>) src(%dma_wait3A_33 : memref<2x80xi32, #tpu.memory_space<hbm>>) dst(%arg7 : memref<2x80xi32, #tpu.memory_space<vmem>>)
    %add3A_34 = arith.constant 0 : i32
    %add3A_35 = arith.addi %mul3A_2, %add3A_34 : i32
    %multiple_of3A = tpu.assume_multiple %add3A_35, 8 : i32
    %dma_start3A_36 = arith.constant 0 : i32
    %dma_start3A_37 = arith.constant 0 : i32
    %dma_start3A_38 = tpu.memref_slice %arg7[%dma_start3A_36, %dma_start3A_37] : memref<2x80xi32, #tpu.memory_space<vmem>> -> memref<1x80xi32, #tpu.memory_space<vmem>>
    %dma_start3A_39 = tpu.memref_squeeze %dma_start3A_38 : memref<1x80xi32, #tpu.memory_space<vmem>> -> memref<80xi32, #tpu.memory_space<vmem>>
    %dma_start3A_40 = arith.constant 0 : i32
    %dma_start3A_41 = arith.constant 0 : i32
    %dma_start3A_42 = tpu.memref_slice %arg2[%dma_start3A_40, %dma_start3A_41] : memref<10000x128xf32, #tpu.memory_space<hbm>> -> memref<10000x128xf32, #tpu.memory_space<hbm>>
    tpu.enqueue_indirect_dma source(%dma_start3A_42 : memref<10000x128xf32, #tpu.memory_space<hbm>>) target(%arg9 : memref<80x128xf32, #tpu.memory_space<vmem>>) offsets(%dma_start3A_39 : memref<80xi32, #tpu.memory_space<vmem>>) semaphore(%arg16 : memref<!tpu.dma_semaphore, #tpu.memory_space<semaphore_mem>>)
    %dma_start3A_43 = arith.constant 0 : i32
    %dma_start3A_44 = tpu.memref_slice %arg3[%multiple_of3A, %dma_start3A_43] : memref<79360x128xf32, #tpu.memory_space<hbm>> -> memref<80x128xf32, #tpu.memory_space<hbm>>
    %dma_start3A_45 = arith.constant 0 : i32
    %dma_start3A_46 = tpu.memref_slice %arg3[%multiple_of3A, %dma_start3A_45] : memref<79360x128xf32, #tpu.memory_space<hbm>> -> memref<80x128xf32, #tpu.memory_space<hbm>>
    tpu.enqueue_dma source(%dma_start3A_46 : memref<80x128xf32, #tpu.memory_space<hbm>>) target(%arg11 : memref<80x128xf32, #tpu.memory_space<vmem>>) target_semaphore(%arg18 : memref<!tpu.dma_semaphore, #tpu.memory_space<semaphore_mem>>)
    %dma_wait3A_47 = arith.constant 0 : i32
    %dma_wait3A_48 = arith.constant 0 : i32
    %dma_wait3A_49 = arith.constant 0 : i32
    %dma_wait3A_50 = tpu.memref_slice %arg4[%dma_wait3A_47, %dma_wait3A_48, %dma_wait3A_49] : memref<992x2x80xi32, #tpu.memory_space<hbm>> -> memref<1x2x80xi32, #tpu.memory_space<hbm>>
    %dma_wait3A_51 = tpu.memref_squeeze %dma_wait3A_50 : memref<1x2x80xi32, #tpu.memory_space<hbm>> -> memref<2x80xi32, #tpu.memory_space<hbm>>
    %dma_wait3A_52 = arith.constant 0 : i32
    %dma_wait3A_53 = arith.constant 0 : i32
    %dma_wait3A_54 = tpu.memref_slice %arg4[%dma_wait3A_47, %dma_wait3A_52, %dma_wait3A_53] : memref<992x2x80xi32, #tpu.memory_space<hbm>> -> memref<1x2x80xi32, #tpu.memory_space<hbm>>
    %dma_wait3A_55 = tpu.memref_squeeze %dma_wait3A_54 : memref<1x2x80xi32, #tpu.memory_space<hbm>> -> memref<2x80xi32, #tpu.memory_space<hbm>>
    tpu.wait_dma2 semaphore(%arg15 : memref<!tpu.dma_semaphore, #tpu.memory_space<semaphore_mem>>) src(%dma_wait3A_55 : memref<2x80xi32, #tpu.memory_space<hbm>>) dst(%arg8 : memref<2x80xi32, #tpu.memory_space<vmem>>)
    %add3A_56 = arith.constant 80 : i32
    %add3A_57 = arith.addi %mul3A_2, %add3A_56 : i32
    %multiple_of3A_58 = tpu.assume_multiple %add3A_57, 8 : i32
    %dma_start3A_59 = arith.constant 0 : i32
    %dma_start3A_60 = arith.constant 0 : i32
    %dma_start3A_61 = tpu.memref_slice %arg8[%dma_start3A_59, %dma_start3A_60] : memref<2x80xi32, #tpu.memory_space<vmem>> -> memref<1x80xi32, #tpu.memory_space<vmem>>
    %dma_start3A_62 = tpu.memref_squeeze %dma_start3A_61 : memref<1x80xi32, #tpu.memory_space<vmem>> -> memref<80xi32, #tpu.memory_space<vmem>>
    %dma_start3A_63 = arith.constant 0 : i32
    %dma_start3A_64 = arith.constant 0 : i32
    %dma_start3A_65 = tpu.memref_slice %arg2[%dma_start3A_63, %dma_start3A_64] : memref<10000x128xf32, #tpu.memory_space<hbm>> -> memref<10000x128xf32, #tpu.memory_space<hbm>>
    tpu.enqueue_indirect_dma source(%dma_start3A_65 : memref<10000x128xf32, #tpu.memory_space<hbm>>) target(%arg10 : memref<80x128xf32, #tpu.memory_space<vmem>>) offsets(%dma_start3A_62 : memref<80xi32, #tpu.memory_space<vmem>>) semaphore(%arg17 : memref<!tpu.dma_semaphore, #tpu.memory_space<semaphore_mem>>)
    %dma_start3A_66 = arith.constant 0 : i32
    %dma_start3A_67 = tpu.memref_slice %arg3[%multiple_of3A_58, %dma_start3A_66] : memref<79360x128xf32, #tpu.memory_space<hbm>> -> memref<80x128xf32, #tpu.memory_space<hbm>>
    %dma_start3A_68 = arith.constant 0 : i32
    %dma_start3A_69 = tpu.memref_slice %arg3[%multiple_of3A_58, %dma_start3A_68] : memref<79360x128xf32, #tpu.memory_space<hbm>> -> memref<80x128xf32, #tpu.memory_space<hbm>>
    tpu.enqueue_dma source(%dma_start3A_69 : memref<80x128xf32, #tpu.memory_space<hbm>>) target(%arg12 : memref<80x128xf32, #tpu.memory_space<vmem>>) target_semaphore(%arg19 : memref<!tpu.dma_semaphore, #tpu.memory_space<semaphore_mem>>)
    %barrier3A = arith.constant 0 : index
    tpu.barrier barrier_id(%barrier3A)
    %scan3A = arith.constant 0 : i32
    %scan3A_70 = arith.constant 15 : i32
    %scan3A_71 = arith.addi %scan3A, %scan3A_70 : i32
    %scan3A_72 = arith.constant 1 : i32
    scf.for %scan3A_93 = %scan3A to %scan3A_71 step %scan3A_72  : i32 {
      %mul3A_94 = arith.constant 1 : i32
      %mul3A_95 = arith.muli %scan3A_93, %mul3A_94 : i32
      %add3A_96 = arith.constant 0 : i32
      %add3A_97 = arith.addi %add3A_96, %mul3A_95 : i32
      %mul3A_98 = arith.constant 2 : i32
      %mul3A_99 = arith.muli %mul3A_98, %add3A_97 : i32
      %dma_wait3A_100 = arith.constant 0 : i32
      %dma_wait3A_101 = arith.constant 0 : i32
      %dma_wait3A_102 = tpu.memref_slice %arg7[%dma_wait3A_100, %dma_wait3A_101] : memref<2x80xi32, #tpu.memory_space<vmem>> -> memref<1x80xi32, #tpu.memory_space<vmem>>
      %dma_wait3A_103 = tpu.memref_squeeze %dma_wait3A_102 : memref<1x80xi32, #tpu.memory_space<vmem>> -> memref<80xi32, #tpu.memory_space<vmem>>
      %dma_wait3A_104 = arith.constant 0 : i32
      %dma_wait3A_105 = arith.constant 0 : i32
      %dma_wait3A_106 = tpu.memref_slice %arg2[%dma_wait3A_104, %dma_wait3A_105] : memref<10000x128xf32, #tpu.memory_space<hbm>> -> memref<10000x128xf32, #tpu.memory_space<hbm>>
      tpu.wait_indirect_dma semaphore(%arg16 : memref<!tpu.dma_semaphore, #tpu.memory_space<semaphore_mem>>) src(%dma_wait3A_106 : memref<10000x128xf32, #tpu.memory_space<hbm>>) dst(%arg9 : memref<80x128xf32, #tpu.memory_space<vmem>>)
      %dma_wait3A_107 = arith.constant 0 : i32
      %dma_wait3A_108 = arith.constant 0 : i32
      %dma_wait3A_109 = tpu.memref_slice %arg3[%dma_wait3A_107, %dma_wait3A_108] : memref<79360x128xf32, #tpu.memory_space<hbm>> -> memref<80x128xf32, #tpu.memory_space<hbm>>
      %dma_wait3A_110 = arith.constant 0 : i32
      %dma_wait3A_111 = arith.constant 0 : i32
      %dma_wait3A_112 = tpu.memref_slice %arg3[%dma_wait3A_110, %dma_wait3A_111] : memref<79360x128xf32, #tpu.memory_space<hbm>> -> memref<80x128xf32, #tpu.memory_space<hbm>>
      tpu.wait_dma2 semaphore(%arg18 : memref<!tpu.dma_semaphore, #tpu.memory_space<semaphore_mem>>) src(%dma_wait3A_112 : memref<80x128xf32, #tpu.memory_space<hbm>>) dst(%arg11 : memref<80x128xf32, #tpu.memory_space<vmem>>)
      %scan3A_113 = arith.constant 0 : i32
      %scan3A_114 = arith.constant 80 : i32
      %scan3A_115 = arith.addi %scan3A_113, %scan3A_114 : i32
      %scan3A_116 = arith.constant 1 : i32
      scf.for %scan3A_153 = %scan3A_113 to %scan3A_115 step %scan3A_116  : i32 {
        %mul3A_154 = arith.constant 1 : i32
        %mul3A_155 = arith.muli %scan3A_153, %mul3A_154 : i32
        %add3A_156 = arith.constant 0 : i32
        %add3A_157 = arith.addi %add3A_156, %mul3A_155 : i32
        %get3A = arith.index_cast %add3A_157 : i32 to index
        %get3A_158 = arith.constant 0 : index
        %get3A_159 = tpu.vector_load %arg9[%get3A, %get3A_158] {strides = array<i32>} : memref<80x128xf32, #tpu.memory_space<vmem>>, vector<1x16xf32>,
        %get3A_160 = vector.shape_cast %get3A_159 : vector<1x16xf32> to vector<16xf32>
        %get3A_161 = arith.index_cast %add3A_157 : i32 to index
        %get3A_162 = arith.constant 0 : index
        %get3A_163 = tpu.vector_load %arg11[%get3A_161, %get3A_162] {strides = array<i32>} : memref<80x128xf32, #tpu.memory_space<vmem>>, vector<1x16xf32>,
        %get3A_164 = vector.shape_cast %get3A_163 : vector<1x16xf32> to vector<16xf32>
        %add3A_165 = arith.addf %get3A_160, %get3A_164 : vector<16xf32>
        %max3A = arith.constant 0.000000e+00 : f32
        %max3A_166 = vector.broadcast %max3A : f32 to vector<16xf32>
        %max3A_167 = arith.maximumf %add3A_165, %max3A_166 : vector<16xf32>
        %swap3A = arith.index_cast %add3A_157 : i32 to index
        %swap3A_168 = arith.constant 0 : index
        %swap3A_169 = tpu.vector_load %arg9[%swap3A, %swap3A_168] {strides = array<i32>} : memref<80x128xf32, #tpu.memory_space<vmem>>, vector<1x16xf32>,
        %swap3A_170 = vector.shape_cast %swap3A_169 : vector<1x16xf32> to vector<16xf32>
        %swap3A_171 = vector.shape_cast %max3A_167 : vector<16xf32> to vector<1x16xf32>
        tpu.vector_store %arg9[%swap3A, %swap3A_168], %swap3A_171 {strides = array<i32>} : memref<80x128xf32, #tpu.memory_space<vmem>>, vector<1x16xf32>,
        %get3A_172 = arith.index_cast %add3A_157 : i32 to index
        %get3A_173 = arith.constant 16 : index
        %get3A_174 = tpu.vector_load %arg9[%get3A_172, %get3A_173] {strides = array<i32>} : memref<80x128xf32, #tpu.memory_space<vmem>>, vector<1x16xf32>,
        %get3A_175 = vector.shape_cast %get3A_174 : vector<1x16xf32> to vector<16xf32>
        %get3A_176 = arith.index_cast %add3A_157 : i32 to index
        %get3A_177 = arith.constant 16 : index
        %get3A_178 = tpu.vector_load %arg11[%get3A_176, %get3A_177] {strides = array<i32>} : memref<80x128xf32, #tpu.memory_space<vmem>>, vector<1x16xf32>,
        %get3A_179 = vector.shape_cast %get3A_178 : vector<1x16xf32> to vector<16xf32>
        %add3A_180 = arith.addf %get3A_175, %get3A_179 : vector<16xf32>
        %max3A_181 = arith.constant 0.000000e+00 : f32
        %max3A_182 = vector.broadcast %max3A_181 : f32 to vector<16xf32>
        %max3A_183 = arith.maximumf %add3A_180, %max3A_182 : vector<16xf32>
        %swap3A_184 = arith.index_cast %add3A_157 : i32 to index
        %swap3A_185 = arith.constant 16 : index
        %swap3A_186 = tpu.vector_load %arg9[%swap3A_184, %swap3A_185] {strides = array<i32>} : memref<80x128xf32, #tpu.memory_space<vmem>>, vector<1x16xf32>,
        %swap3A_187 = vector.shape_cast %swap3A_186 : vector<1x16xf32> to vector<16xf32>
        %swap3A_188 = vector.shape_cast %max3A_183 : vector<16xf32> to vector<1x16xf32>
        tpu.vector_store %arg9[%swap3A_184, %swap3A_185], %swap3A_188 {strides = array<i32>} : memref<80x128xf32, #tpu.memory_space<vmem>>, vector<1x16xf32>,
        %get3A_189 = arith.index_cast %add3A_157 : i32 to index
        %get3A_190 = arith.constant 32 : index
        %get3A_191 = tpu.vector_load %arg9[%get3A_189, %get3A_190] {strides = array<i32>} : memref<80x128xf32, #tpu.memory_space<vmem>>, vector<1x16xf32>,
        %get3A_192 = vector.shape_cast %get3A_191 : vector<1x16xf32> to vector<16xf32>
        %get3A_193 = arith.index_cast %add3A_157 : i32 to index
        %get3A_194 = arith.constant 32 : index
        %get3A_195 = tpu.vector_load %arg11[%get3A_193, %get3A_194] {strides = array<i32>} : memref<80x128xf32, #tpu.memory_space<vmem>>, vector<1x16xf32>,
        %get3A_196 = vector.shape_cast %get3A_195 : vector<1x16xf32> to vector<16xf32>
        %add3A_197 = arith.addf %get3A_192, %get3A_196 : vector<16xf32>
        %max3A_198 = arith.constant 0.000000e+00 : f32
        %max3A_199 = vector.broadcast %max3A_198 : f32 to vector<16xf32>
        %max3A_200 = arith.maximumf %add3A_197, %max3A_199 : vector<16xf32>
        %swap3A_201 = arith.index_cast %add3A_157 : i32 to index
        %swap3A_202 = arith.constant 32 : index
        %swap3A_203 = tpu.vector_load %arg9[%swap3A_201, %swap3A_202] {strides = array<i32>} : memref<80x128xf32, #tpu.memory_space<vmem>>, vector<1x16xf32>,
        %swap3A_204 = vector.shape_cast %swap3A_203 : vector<1x16xf32> to vector<16xf32>
        %swap3A_205 = vector.shape_cast %max3A_200 : vector<16xf32> to vector<1x16xf32>
        tpu.vector_store %arg9[%swap3A_201, %swap3A_202], %swap3A_205 {strides = array<i32>} : memref<80x128xf32, #tpu.memory_space<vmem>>, vector<1x16xf32>,
        %get3A_206 = arith.index_cast %add3A_157 : i32 to index
        %get3A_207 = arith.constant 48 : index
        %get3A_208 = tpu.vector_load %arg9[%get3A_206, %get3A_207] {strides = array<i32>} : memref<80x128xf32, #tpu.memory_space<vmem>>, vector<1x16xf32>,
        %get3A_209 = vector.shape_cast %get3A_208 : vector<1x16xf32> to vector<16xf32>
        %get3A_210 = arith.index_cast %add3A_157 : i32 to index
        %get3A_211 = arith.constant 48 : index
        %get3A_212 = tpu.vector_load %arg11[%get3A_210, %get3A_211] {strides = array<i32>} : memref<80x128xf32, #tpu.memory_space<vmem>>, vector<1x16xf32>,
        %get3A_213 = vector.shape_cast %get3A_212 : vector<1x16xf32> to vector<16xf32>
        %add3A_214 = arith.addf %get3A_209, %get3A_213 : vector<16xf32>
        %max3A_215 = arith.constant 0.000000e+00 : f32
        %max3A_216 = vector.broadcast %max3A_215 : f32 to vector<16xf32>
        %max3A_217 = arith.maximumf %add3A_214, %max3A_216 : vector<16xf32>
        %swap3A_218 = arith.index_cast %add3A_157 : i32 to index
        %swap3A_219 = arith.constant 48 : index
        %swap3A_220 = tpu.vector_load %arg9[%swap3A_218, %swap3A_219] {strides = array<i32>} : memref<80x128xf32, #tpu.memory_space<vmem>>, vector<1x16xf32>,
        %swap3A_221 = vector.shape_cast %swap3A_220 : vector<1x16xf32> to vector<16xf32>
        %swap3A_222 = vector.shape_cast %max3A_217 : vector<16xf32> to vector<1x16xf32>
        tpu.vector_store %arg9[%swap3A_218, %swap3A_219], %swap3A_222 {strides = array<i32>} : memref<80x128xf32, #tpu.memory_space<vmem>>, vector<1x16xf32>,
        %get3A_223 = arith.index_cast %add3A_157 : i32 to index
        %get3A_224 = arith.constant 64 : index
        %get3A_225 = tpu.vector_load %arg9[%get3A_223, %get3A_224] {strides = array<i32>} : memref<80x128xf32, #tpu.memory_space<vmem>>, vector<1x16xf32>,
        %get3A_226 = vector.shape_cast %get3A_225 : vector<1x16xf32> to vector<16xf32>
        %get3A_227 = arith.index_cast %add3A_157 : i32 to index
        %get3A_228 = arith.constant 64 : index
        %get3A_229 = tpu.vector_load %arg11[%get3A_227, %get3A_228] {strides = array<i32>} : memref<80x128xf32, #tpu.memory_space<vmem>>, vector<1x16xf32>,
        %get3A_230 = vector.shape_cast %get3A_229 : vector<1x16xf32> to vector<16xf32>
        %add3A_231 = arith.addf %get3A_226, %get3A_230 : vector<16xf32>
        %max3A_232 = arith.constant 0.000000e+00 : f32
        %max3A_233 = vector.broadcast %max3A_232 : f32 to vector<16xf32>
        %max3A_234 = arith.maximumf %add3A_231, %max3A_233 : vector<16xf32>
        %swap3A_235 = arith.index_cast %add3A_157 : i32 to index
        %swap3A_236 = arith.constant 64 : index
        %swap3A_237 = tpu.vector_load %arg9[%swap3A_235, %swap3A_236] {strides = array<i32>} : memref<80x128xf32, #tpu.memory_space<vmem>>, vector<1x16xf32>,
        %swap3A_238 = vector.shape_cast %swap3A_237 : vector<1x16xf32> to vector<16xf32>
        %swap3A_239 = vector.shape_cast %max3A_234 : vector<16xf32> to vector<1x16xf32>
        tpu.vector_store %arg9[%swap3A_235, %swap3A_236], %swap3A_239 {strides = array<i32>} : memref<80x128xf32, #tpu.memory_space<vmem>>, vector<1x16xf32>,
        %get3A_240 = arith.index_cast %add3A_157 : i32 to index
        %get3A_241 = arith.constant 80 : index
        %get3A_242 = tpu.vector_load %arg9[%get3A_240, %get3A_241] {strides = array<i32>} : memref<80x128xf32, #tpu.memory_space<vmem>>, vector<1x16xf32>,
        %get3A_243 = vector.shape_cast %get3A_242 : vector<1x16xf32> to vector<16xf32>
        %get3A_244 = arith.index_cast %add3A_157 : i32 to index
        %get3A_245 = arith.constant 80 : index
        %get3A_246 = tpu.vector_load %arg11[%get3A_244, %get3A_245] {strides = array<i32>} : memref<80x128xf32, #tpu.memory_space<vmem>>, vector<1x16xf32>,
        %get3A_247 = vector.shape_cast %get3A_246 : vector<1x16xf32> to vector<16xf32>
        %add3A_248 = arith.addf %get3A_243, %get3A_247 : vector<16xf32>
        %max3A_249 = arith.constant 0.000000e+00 : f32
        %max3A_250 = vector.broadcast %max3A_249 : f32 to vector<16xf32>
        %max3A_251 = arith.maximumf %add3A_248, %max3A_250 : vector<16xf32>
        %swap3A_252 = arith.index_cast %add3A_157 : i32 to index
        %swap3A_253 = arith.constant 80 : index
        %swap3A_254 = tpu.vector_load %arg9[%swap3A_252, %swap3A_253] {strides = array<i32>} : memref<80x128xf32, #tpu.memory_space<vmem>>, vector<1x16xf32>,
        %swap3A_255 = vector.shape_cast %swap3A_254 : vector<1x16xf32> to vector<16xf32>
        %swap3A_256 = vector.shape_cast %max3A_251 : vector<16xf32> to vector<1x16xf32>
        tpu.vector_store %arg9[%swap3A_252, %swap3A_253], %swap3A_256 {strides = array<i32>} : memref<80x128xf32, #tpu.memory_space<vmem>>, vector<1x16xf32>,
        %get3A_257 = arith.index_cast %add3A_157 : i32 to index
        %get3A_258 = arith.constant 96 : index
        %get3A_259 = tpu.vector_load %arg9[%get3A_257, %get3A_258] {strides = array<i32>} : memref<80x128xf32, #tpu.memory_space<vmem>>, vector<1x16xf32>,
        %get3A_260 = vector.shape_cast %get3A_259 : vector<1x16xf32> to vector<16xf32>
        %get3A_261 = arith.index_cast %add3A_157 : i32 to index
        %get3A_262 = arith.constant 96 : index
        %get3A_263 = tpu.vector_load %arg11[%get3A_261, %get3A_262] {strides = array<i32>} : memref<80x128xf32, #tpu.memory_space<vmem>>, vector<1x16xf32>,
        %get3A_264 = vector.shape_cast %get3A_263 : vector<1x16xf32> to vector<16xf32>
        %add3A_265 = arith.addf %get3A_260, %get3A_264 : vector<16xf32>
        %max3A_266 = arith.constant 0.000000e+00 : f32
        %max3A_267 = vector.broadcast %max3A_266 : f32 to vector<16xf32>
        %max3A_268 = arith.maximumf %add3A_265, %max3A_267 : vector<16xf32>
        %swap3A_269 = arith.index_cast %add3A_157 : i32 to index
        %swap3A_270 = arith.constant 96 : index
        %swap3A_271 = tpu.vector_load %arg9[%swap3A_269, %swap3A_270] {strides = array<i32>} : memref<80x128xf32, #tpu.memory_space<vmem>>, vector<1x16xf32>,
        %swap3A_272 = vector.shape_cast %swap3A_271 : vector<1x16xf32> to vector<16xf32>
        %swap3A_273 = vector.shape_cast %max3A_268 : vector<16xf32> to vector<1x16xf32>
        tpu.vector_store %arg9[%swap3A_269, %swap3A_270], %swap3A_273 {strides = array<i32>} : memref<80x128xf32, #tpu.memory_space<vmem>>, vector<1x16xf32>,
        %get3A_274 = arith.index_cast %add3A_157 : i32 to index
        %get3A_275 = arith.constant 112 : index
        %get3A_276 = tpu.vector_load %arg9[%get3A_274, %get3A_275] {strides = array<i32>} : memref<80x128xf32, #tpu.memory_space<vmem>>, vector<1x16xf32>,
        %get3A_277 = vector.shape_cast %get3A_276 : vector<1x16xf32> to vector<16xf32>
        %get3A_278 = arith.index_cast %add3A_157 : i32 to index
        %get3A_279 = arith.constant 112 : index
        %get3A_280 = tpu.vector_load %arg11[%get3A_278, %get3A_279] {strides = array<i32>} : memref<80x128xf32, #tpu.memory_space<vmem>>, vector<1x16xf32>,
        %get3A_281 = vector.shape_cast %get3A_280 : vector<1x16xf32> to vector<16xf32>
        %add3A_282 = arith.addf %get3A_277, %get3A_281 : vector<16xf32>
        %max3A_283 = arith.constant 0.000000e+00 : f32
        %max3A_284 = vector.broadcast %max3A_283 : f32 to vector<16xf32>
        %max3A_285 = arith.maximumf %add3A_282, %max3A_284 : vector<16xf32>
        %swap3A_286 = arith.index_cast %add3A_157 : i32 to index
        %swap3A_287 = arith.constant 112 : index
        %swap3A_288 = tpu.vector_load %arg9[%swap3A_286, %swap3A_287] {strides = array<i32>} : memref<80x128xf32, #tpu.memory_space<vmem>>, vector<1x16xf32>,
        %swap3A_289 = vector.shape_cast %swap3A_288 : vector<1x16xf32> to vector<16xf32>
        %swap3A_290 = vector.shape_cast %max3A_285 : vector<16xf32> to vector<1x16xf32>
        tpu.vector_store %arg9[%swap3A_286, %swap3A_287], %swap3A_290 {strides = array<i32>} : memref<80x128xf32, #tpu.memory_space<vmem>>, vector<1x16xf32>,
      }
      %scan3A_117 = arith.constant 80 : i32
      %run_scoped3A_118 = arith.constant 1 : i32
      "tpu.region"() ({
        %run_scoped3A_153 = tpu.sem_alloc : memref<!tpu.dma_semaphore, #tpu.memory_space<semaphore_mem>>
        %dma_start3A_154 = arith.constant 0 : i32
        %dma_start3A_155 = tpu.memref_slice %arg7[%run_scoped3A_118, %dma_start3A_154] : memref<2x80xi32, #tpu.memory_space<vmem>> -> memref<1x80xi32, #tpu.memory_space<vmem>>
        %dma_start3A_156 = tpu.memref_squeeze %dma_start3A_155 : memref<1x80xi32, #tpu.memory_space<vmem>> -> memref<80xi32, #tpu.memory_space<vmem>>
        %dma_start3A_157 = arith.constant 0 : i32
        %dma_start3A_158 = arith.constant 0 : i32
        %dma_start3A_159 = tpu.memref_slice %arg13[%dma_start3A_157, %dma_start3A_158] : memref<10240x128xf32, #tpu.memory_space<vmem_shared>> -> memref<10240x128xf32, #tpu.memory_space<vmem_shared>>
        tpu.enqueue_indirect_dma source(%arg9 : memref<80x128xf32, #tpu.memory_space<vmem>>) target(%dma_start3A_159 : memref<10240x128xf32, #tpu.memory_space<vmem_shared>>) offsets(%dma_start3A_156 : memref<80xi32, #tpu.memory_space<vmem>>) semaphore(%run_scoped3A_153 : memref<!tpu.dma_semaphore, #tpu.memory_space<semaphore_mem>>) {add = true}
        %dma_wait3A_160 = arith.constant 0 : i32
        %dma_wait3A_161 = tpu.memref_slice %arg7[%run_scoped3A_118, %dma_wait3A_160] : memref<2x80xi32, #tpu.memory_space<vmem>> -> memref<1x80xi32, #tpu.memory_space<vmem>>
        %dma_wait3A_162 = tpu.memref_squeeze %dma_wait3A_161 : memref<1x80xi32, #tpu.memory_space<vmem>> -> memref<80xi32, #tpu.memory_space<vmem>>
        %dma_wait3A_163 = arith.constant 0 : i32
        %dma_wait3A_164 = arith.constant 0 : i32
        %dma_wait3A_165 = tpu.memref_slice %arg13[%dma_wait3A_163, %dma_wait3A_164] : memref<10240x128xf32, #tpu.memory_space<vmem_shared>> -> memref<10240x128xf32, #tpu.memory_space<vmem_shared>>
        tpu.wait_indirect_dma semaphore(%run_scoped3A_153 : memref<!tpu.dma_semaphore, #tpu.memory_space<semaphore_mem>>) src(%arg9 : memref<80x128xf32, #tpu.memory_space<vmem>>) dst(%dma_wait3A_165 : memref<10240x128xf32, #tpu.memory_space<vmem_shared>>)
        tpu.yield
      }) : () -> ()
      %add3A_119 = arith.constant 2 : i32
      %add3A_120 = arith.addi %mul3A_99, %add3A_119 : i32
      %lt3A = arith.constant 31 : i32
      %lt3A_121 = arith.cmpi slt, %add3A_120, %lt3A : i32
      %convert_element_type3A = arith.extui %lt3A_121 : i1 to i32
      %cond3A = arith.constant 0 : i32
      %cond3A_122 = arith.cmpi ne, %convert_element_type3A, %cond3A : i32
      scf.if %cond3A_122 {
        %add3A_153 = arith.constant 2 : i32
        %add3A_154 = arith.addi %mul3A_99, %add3A_153 : i32
        %add3A_155 = arith.addi %mul3A_4, %add3A_154 : i32
        %dma_start3A_156 = arith.constant 0 : i32
        %dma_start3A_157 = arith.constant 0 : i32
        %dma_start3A_158 = tpu.memref_slice %arg4[%add3A_155, %dma_start3A_156, %dma_start3A_157] : memref<992x2x80xi32, #tpu.memory_space<hbm>> -> memref<1x2x80xi32, #tpu.memory_space<hbm>>
        %dma_start3A_159 = tpu.memref_squeeze %dma_start3A_158 : memref<1x2x80xi32, #tpu.memory_space<hbm>> -> memref<2x80xi32, #tpu.memory_space<hbm>>
        %dma_start3A_160 = arith.constant 0 : i32
        %dma_start3A_161 = arith.constant 0 : i32
        %dma_start3A_162 = tpu.memref_slice %arg4[%add3A_155, %dma_start3A_160, %dma_start3A_161] : memref<992x2x80xi32, #tpu.memory_space<hbm>> -> memref<1x2x80xi32, #tpu.memory_space<hbm>>
        %dma_start3A_163 = tpu.memref_squeeze %dma_start3A_162 : memref<1x2x80xi32, #tpu.memory_space<hbm>> -> memref<2x80xi32, #tpu.memory_space<hbm>>
        tpu.enqueue_dma source(%dma_start3A_163 : memref<2x80xi32, #tpu.memory_space<hbm>>) target(%arg7 : memref<2x80xi32, #tpu.memory_space<vmem>>) target_semaphore(%arg14 : memref<!tpu.dma_semaphore, #tpu.memory_space<semaphore_mem>>)
        %dma_wait3A_164 = arith.constant 0 : i32
        %dma_wait3A_165 = arith.constant 0 : i32
        %dma_wait3A_166 = arith.constant 0 : i32
        %dma_wait3A_167 = tpu.memref_slice %arg4[%dma_wait3A_164, %dma_wait3A_165, %dma_wait3A_166] : memref<992x2x80xi32, #tpu.memory_space<hbm>> -> memref<1x2x80xi32, #tpu.memory_space<hbm>>
        %dma_wait3A_168 = tpu.memref_squeeze %dma_wait3A_167 : memref<1x2x80xi32, #tpu.memory_space<hbm>> -> memref<2x80xi32, #tpu.memory_space<hbm>>
        %dma_wait3A_169 = arith.constant 0 : i32
        %dma_wait3A_170 = arith.constant 0 : i32
        %dma_wait3A_171 = tpu.memref_slice %arg4[%dma_wait3A_164, %dma_wait3A_169, %dma_wait3A_170] : memref<992x2x80xi32, #tpu.memory_space<hbm>> -> memref<1x2x80xi32, #tpu.memory_space<hbm>>
        %dma_wait3A_172 = tpu.memref_squeeze %dma_wait3A_171 : memref<1x2x80xi32, #tpu.memory_space<hbm>> -> memref<2x80xi32, #tpu.memory_space<hbm>>
        tpu.wait_dma2 semaphore(%arg14 : memref<!tpu.dma_semaphore, #tpu.memory_space<semaphore_mem>>) src(%dma_wait3A_172 : memref<2x80xi32, #tpu.memory_space<hbm>>) dst(%arg7 : memref<2x80xi32, #tpu.memory_space<vmem>>)
        %add3A_173 = arith.constant 2 : i32
        %add3A_174 = arith.addi %mul3A_99, %add3A_173 : i32
        %mul3A_175 = arith.constant 80 : i32
        %mul3A_176 = arith.muli %add3A_174, %mul3A_175 : i32
        %add3A_177 = arith.addi %mul3A_2, %mul3A_176 : i32
        %multiple_of3A_178 = tpu.assume_multiple %add3A_177, 8 : i32
        %dma_start3A_179 = arith.constant 0 : i32
        %dma_start3A_180 = arith.constant 0 : i32
        %dma_start3A_181 = tpu.memref_slice %arg7[%dma_start3A_179, %dma_start3A_180] : memref<2x80xi32, #tpu.memory_space<vmem>> -> memref<1x80xi32, #tpu.memory_space<vmem>>
        %dma_start3A_182 = tpu.memref_squeeze %dma_start3A_181 : memref<1x80xi32, #tpu.memory_space<vmem>> -> memref<80xi32, #tpu.memory_space<vmem>>
        %dma_start3A_183 = arith.constant 0 : i32
        %dma_start3A_184 = arith.constant 0 : i32
        %dma_start3A_185 = tpu.memref_slice %arg2[%dma_start3A_183, %dma_start3A_184] : memref<10000x128xf32, #tpu.memory_space<hbm>> -> memref<10000x128xf32, #tpu.memory_space<hbm>>
        tpu.enqueue_indirect_dma source(%dma_start3A_185 : memref<10000x128xf32, #tpu.memory_space<hbm>>) target(%arg9 : memref<80x128xf32, #tpu.memory_space<vmem>>) offsets(%dma_start3A_182 : memref<80xi32, #tpu.memory_space<vmem>>) semaphore(%arg16 : memref<!tpu.dma_semaphore, #tpu.memory_space<semaphore_mem>>)
        %dma_start3A_186 = arith.constant 0 : i32
        %dma_start3A_187 = tpu.memref_slice %arg3[%multiple_of3A_178, %dma_start3A_186] : memref<79360x128xf32, #tpu.memory_space<hbm>> -> memref<80x128xf32, #tpu.memory_space<hbm>>
        %dma_start3A_188 = arith.constant 0 : i32
        %dma_start3A_189 = tpu.memref_slice %arg3[%multiple_of3A_178, %dma_start3A_188] : memref<79360x128xf32, #tpu.memory_space<hbm>> -> memref<80x128xf32, #tpu.memory_space<hbm>>
        tpu.enqueue_dma source(%dma_start3A_189 : memref<80x128xf32, #tpu.memory_space<hbm>>) target(%arg11 : memref<80x128xf32, #tpu.memory_space<vmem>>) target_semaphore(%arg18 : memref<!tpu.dma_semaphore, #tpu.memory_space<semaphore_mem>>)
      } else {
      }
      %mul3A_123 = arith.constant 2 : i32
      %mul3A_124 = arith.muli %mul3A_123, %add3A_97 : i32
      %add3A_125 = arith.constant 1 : i32
      %add3A_126 = arith.addi %mul3A_124, %add3A_125 : i32
      %dma_wait3A_127 = arith.constant 0 : i32
      %dma_wait3A_128 = arith.constant 0 : i32
      %dma_wait3A_129 = tpu.memref_slice %arg8[%dma_wait3A_127, %dma_wait3A_128] : memref<2x80xi32, #tpu.memory_space<vmem>> -> memref<1x80xi32, #tpu.memory_space<vmem>>
      %dma_wait3A_130 = tpu.memref_squeeze %dma_wait3A_129 : memref<1x80xi32, #tpu.memory_space<vmem>> -> memref<80xi32, #tpu.memory_space<vmem>>
      %dma_wait3A_131 = arith.constant 0 : i32
      %dma_wait3A_132 = arith.constant 0 : i32
      %dma_wait3A_133 = tpu.memref_slice %arg2[%dma_wait3A_131, %dma_wait3A_132] : memref<10000x128xf32, #tpu.memory_space<hbm>> -> memref<10000x128xf32, #tpu.memory_space<hbm>>
      tpu.wait_indirect_dma semaphore(%arg17 : memref<!tpu.dma_semaphore, #tpu.memory_space<semaphore_mem>>) src(%dma_wait3A_133 : memref<10000x128xf32, #tpu.memory_space<hbm>>) dst(%arg10 : memref<80x128xf32, #tpu.memory_space<vmem>>)
      %dma_wait3A_134 = arith.constant 0 : i32
      %dma_wait3A_135 = arith.constant 0 : i32
      %dma_wait3A_136 = tpu.memref_slice %arg3[%dma_wait3A_134, %dma_wait3A_135] : memref<79360x128xf32, #tpu.memory_space<hbm>> -> memref<80x128xf32, #tpu.memory_space<hbm>>
      %dma_wait3A_137 = arith.constant 0 : i32
      %dma_wait3A_138 = arith.constant 0 : i32
      %dma_wait3A_139 = tpu.memref_slice %arg3[%dma_wait3A_137, %dma_wait3A_138] : memref<79360x128xf32, #tpu.memory_space<hbm>> -> memref<80x128xf32, #tpu.memory_space<hbm>>
      tpu.wait_dma2 semaphore(%arg19 : memref<!tpu.dma_semaphore, #tpu.memory_space<semaphore_mem>>) src(%dma_wait3A_139 : memref<80x128xf32, #tpu.memory_space<hbm>>) dst(%arg12 : memref<80x128xf32, #tpu.memory_space<vmem>>)
      %scan3A_140 = arith.constant 0 : i32
      %scan3A_141 = arith.constant 80 : i32
      %scan3A_142 = arith.addi %scan3A_140, %scan3A_141 : i32
      %scan3A_143 = arith.constant 1 : i32
      scf.for %scan3A_153 = %scan3A_140 to %scan3A_142 step %scan3A_143  : i32 {
        %mul3A_154 = arith.constant 1 : i32
        %mul3A_155 = arith.muli %scan3A_153, %mul3A_154 : i32
        %add3A_156 = arith.constant 0 : i32
        %add3A_157 = arith.addi %add3A_156, %mul3A_155 : i32
        %get3A = arith.index_cast %add3A_157 : i32 to index
        %get3A_158 = arith.constant 0 : index
        %get3A_159 = tpu.vector_load %arg10[%get3A, %get3A_158] {strides = array<i32>} : memref<80x128xf32, #tpu.memory_space<vmem>>, vector<1x16xf32>,
        %get3A_160 = vector.shape_cast %get3A_159 : vector<1x16xf32> to vector<16xf32>
        %get3A_161 = arith.index_cast %add3A_157 : i32 to index
        %get3A_162 = arith.constant 0 : index
        %get3A_163 = tpu.vector_load %arg12[%get3A_161, %get3A_162] {strides = array<i32>} : memref<80x128xf32, #tpu.memory_space<vmem>>, vector<1x16xf32>,
        %get3A_164 = vector.shape_cast %get3A_163 : vector<1x16xf32> to vector<16xf32>
        %add3A_165 = arith.addf %get3A_160, %get3A_164 : vector<16xf32>
        %max3A = arith.constant 0.000000e+00 : f32
        %max3A_166 = vector.broadcast %max3A : f32 to vector<16xf32>
        %max3A_167 = arith.maximumf %add3A_165, %max3A_166 : vector<16xf32>
        %swap3A = arith.index_cast %add3A_157 : i32 to index
        %swap3A_168 = arith.constant 0 : index
        %swap3A_169 = tpu.vector_load %arg10[%swap3A, %swap3A_168] {strides = array<i32>} : memref<80x128xf32, #tpu.memory_space<vmem>>, vector<1x16xf32>,
        %swap3A_170 = vector.shape_cast %swap3A_169 : vector<1x16xf32> to vector<16xf32>
        %swap3A_171 = vector.shape_cast %max3A_167 : vector<16xf32> to vector<1x16xf32>
        tpu.vector_store %arg10[%swap3A, %swap3A_168], %swap3A_171 {strides = array<i32>} : memref<80x128xf32, #tpu.memory_space<vmem>>, vector<1x16xf32>,
        %get3A_172 = arith.index_cast %add3A_157 : i32 to index
        %get3A_173 = arith.constant 16 : index
        %get3A_174 = tpu.vector_load %arg10[%get3A_172, %get3A_173] {strides = array<i32>} : memref<80x128xf32, #tpu.memory_space<vmem>>, vector<1x16xf32>,
        %get3A_175 = vector.shape_cast %get3A_174 : vector<1x16xf32> to vector<16xf32>
        %get3A_176 = arith.index_cast %add3A_157 : i32 to index
        %get3A_177 = arith.constant 16 : index
        %get3A_178 = tpu.vector_load %arg12[%get3A_176, %get3A_177] {strides = array<i32>} : memref<80x128xf32, #tpu.memory_space<vmem>>, vector<1x16xf32>,
        %get3A_179 = vector.shape_cast %get3A_178 : vector<1x16xf32> to vector<16xf32>
        %add3A_180 = arith.addf %get3A_175, %get3A_179 : vector<16xf32>
        %max3A_181 = arith.constant 0.000000e+00 : f32
        %max3A_182 = vector.broadcast %max3A_181 : f32 to vector<16xf32>
        %max3A_183 = arith.maximumf %add3A_180, %max3A_182 : vector<16xf32>
        %swap3A_184 = arith.index_cast %add3A_157 : i32 to index
        %swap3A_185 = arith.constant 16 : index
        %swap3A_186 = tpu.vector_load %arg10[%swap3A_184, %swap3A_185] {strides = array<i32>} : memref<80x128xf32, #tpu.memory_space<vmem>>, vector<1x16xf32>,
        %swap3A_187 = vector.shape_cast %swap3A_186 : vector<1x16xf32> to vector<16xf32>
        %swap3A_188 = vector.shape_cast %max3A_183 : vector<16xf32> to vector<1x16xf32>
        tpu.vector_store %arg10[%swap3A_184, %swap3A_185], %swap3A_188 {strides = array<i32>} : memref<80x128xf32, #tpu.memory_space<vmem>>, vector<1x16xf32>,
        %get3A_189 = arith.index_cast %add3A_157 : i32 to index
        %get3A_190 = arith.constant 32 : index
        %get3A_191 = tpu.vector_load %arg10[%get3A_189, %get3A_190] {strides = array<i32>} : memref<80x128xf32, #tpu.memory_space<vmem>>, vector<1x16xf32>,
        %get3A_192 = vector.shape_cast %get3A_191 : vector<1x16xf32> to vector<16xf32>
        %get3A_193 = arith.index_cast %add3A_157 : i32 to index
        %get3A_194 = arith.constant 32 : index
        %get3A_195 = tpu.vector_load %arg12[%get3A_193, %get3A_194] {strides = array<i32>} : memref<80x128xf32, #tpu.memory_space<vmem>>, vector<1x16xf32>,
        %get3A_196 = vector.shape_cast %get3A_195 : vector<1x16xf32> to vector<16xf32>
        %add3A_197 = arith.addf %get3A_192, %get3A_196 : vector<16xf32>
        %max3A_198 = arith.constant 0.000000e+00 : f32
        %max3A_199 = vector.broadcast %max3A_198 : f32 to vector<16xf32>
        %max3A_200 = arith.maximumf %add3A_197, %max3A_199 : vector<16xf32>
        %swap3A_201 = arith.index_cast %add3A_157 : i32 to index
        %swap3A_202 = arith.constant 32 : index
        %swap3A_203 = tpu.vector_load %arg10[%swap3A_201, %swap3A_202] {strides = array<i32>} : memref<80x128xf32, #tpu.memory_space<vmem>>, vector<1x16xf32>,
        %swap3A_204 = vector.shape_cast %swap3A_203 : vector<1x16xf32> to vector<16xf32>
        %swap3A_205 = vector.shape_cast %max3A_200 : vector<16xf32> to vector<1x16xf32>
        tpu.vector_store %arg10[%swap3A_201, %swap3A_202], %swap3A_205 {strides = array<i32>} : memref<80x128xf32, #tpu.memory_space<vmem>>, vector<1x16xf32>,
        %get3A_206 = arith.index_cast %add3A_157 : i32 to index
        %get3A_207 = arith.constant 48 : index
        %get3A_208 = tpu.vector_load %arg10[%get3A_206, %get3A_207] {strides = array<i32>} : memref<80x128xf32, #tpu.memory_space<vmem>>, vector<1x16xf32>,
        %get3A_209 = vector.shape_cast %get3A_208 : vector<1x16xf32> to vector<16xf32>
        %get3A_210 = arith.index_cast %add3A_157 : i32 to index
        %get3A_211 = arith.constant 48 : index
        %get3A_212 = tpu.vector_load %arg12[%get3A_210, %get3A_211] {strides = array<i32>} : memref<80x128xf32, #tpu.memory_space<vmem>>, vector<1x16xf32>,
        %get3A_213 = vector.shape_cast %get3A_212 : vector<1x16xf32> to vector<16xf32>
        %add3A_214 = arith.addf %get3A_209, %get3A_213 : vector<16xf32>
        %max3A_215 = arith.constant 0.000000e+00 : f32
        %max3A_216 = vector.broadcast %max3A_215 : f32 to vector<16xf32>
        %max3A_217 = arith.maximumf %add3A_214, %max3A_216 : vector<16xf32>
        %swap3A_218 = arith.index_cast %add3A_157 : i32 to index
        %swap3A_219 = arith.constant 48 : index
        %swap3A_220 = tpu.vector_load %arg10[%swap3A_218, %swap3A_219] {strides = array<i32>} : memref<80x128xf32, #tpu.memory_space<vmem>>, vector<1x16xf32>,
        %swap3A_221 = vector.shape_cast %swap3A_220 : vector<1x16xf32> to vector<16xf32>
        %swap3A_222 = vector.shape_cast %max3A_217 : vector<16xf32> to vector<1x16xf32>
        tpu.vector_store %arg10[%swap3A_218, %swap3A_219], %swap3A_222 {strides = array<i32>} : memref<80x128xf32, #tpu.memory_space<vmem>>, vector<1x16xf32>,
        %get3A_223 = arith.index_cast %add3A_157 : i32 to index
        %get3A_224 = arith.constant 64 : index
        %get3A_225 = tpu.vector_load %arg10[%get3A_223, %get3A_224] {strides = array<i32>} : memref<80x128xf32, #tpu.memory_space<vmem>>, vector<1x16xf32>,
        %get3A_226 = vector.shape_cast %get3A_225 : vector<1x16xf32> to vector<16xf32>
        %get3A_227 = arith.index_cast %add3A_157 : i32 to index
        %get3A_228 = arith.constant 64 : index
        %get3A_229 = tpu.vector_load %arg12[%get3A_227, %get3A_228] {strides = array<i32>} : memref<80x128xf32, #tpu.memory_space<vmem>>, vector<1x16xf32>,
        %get3A_230 = vector.shape_cast %get3A_229 : vector<1x16xf32> to vector<16xf32>
        %add3A_231 = arith.addf %get3A_226, %get3A_230 : vector<16xf32>
        %max3A_232 = arith.constant 0.000000e+00 : f32
        %max3A_233 = vector.broadcast %max3A_232 : f32 to vector<16xf32>
        %max3A_234 = arith.maximumf %add3A_231, %max3A_233 : vector<16xf32>
        %swap3A_235 = arith.index_cast %add3A_157 : i32 to index
        %swap3A_236 = arith.constant 64 : index
        %swap3A_237 = tpu.vector_load %arg10[%swap3A_235, %swap3A_236] {strides = array<i32>} : memref<80x128xf32, #tpu.memory_space<vmem>>, vector<1x16xf32>,
        %swap3A_238 = vector.shape_cast %swap3A_237 : vector<1x16xf32> to vector<16xf32>
        %swap3A_239 = vector.shape_cast %max3A_234 : vector<16xf32> to vector<1x16xf32>
        tpu.vector_store %arg10[%swap3A_235, %swap3A_236], %swap3A_239 {strides = array<i32>} : memref<80x128xf32, #tpu.memory_space<vmem>>, vector<1x16xf32>,
        %get3A_240 = arith.index_cast %add3A_157 : i32 to index
        %get3A_241 = arith.constant 80 : index
        %get3A_242 = tpu.vector_load %arg10[%get3A_240, %get3A_241] {strides = array<i32>} : memref<80x128xf32, #tpu.memory_space<vmem>>, vector<1x16xf32>,
        %get3A_243 = vector.shape_cast %get3A_242 : vector<1x16xf32> to vector<16xf32>
        %get3A_244 = arith.index_cast %add3A_157 : i32 to index
        %get3A_245 = arith.constant 80 : index
        %get3A_246 = tpu.vector_load %arg12[%get3A_244, %get3A_245] {strides = array<i32>} : memref<80x128xf32, #tpu.memory_space<vmem>>, vector<1x16xf32>,
        %get3A_247 = vector.shape_cast %get3A_246 : vector<1x16xf32> to vector<16xf32>
        %add3A_248 = arith.addf %get3A_243, %get3A_247 : vector<16xf32>
        %max3A_249 = arith.constant 0.000000e+00 : f32
        %max3A_250 = vector.broadcast %max3A_249 : f32 to vector<16xf32>
        %max3A_251 = arith.maximumf %add3A_248, %max3A_250 : vector<16xf32>
        %swap3A_252 = arith.index_cast %add3A_157 : i32 to index
        %swap3A_253 = arith.constant 80 : index
        %swap3A_254 = tpu.vector_load %arg10[%swap3A_252, %swap3A_253] {strides = array<i32>} : memref<80x128xf32, #tpu.memory_space<vmem>>, vector<1x16xf32>,
        %swap3A_255 = vector.shape_cast %swap3A_254 : vector<1x16xf32> to vector<16xf32>
        %swap3A_256 = vector.shape_cast %max3A_251 : vector<16xf32> to vector<1x16xf32>
        tpu.vector_store %arg10[%swap3A_252, %swap3A_253], %swap3A_256 {strides = array<i32>} : memref<80x128xf32, #tpu.memory_space<vmem>>, vector<1x16xf32>,
        %get3A_257 = arith.index_cast %add3A_157 : i32 to index
        %get3A_258 = arith.constant 96 : index
        %get3A_259 = tpu.vector_load %arg10[%get3A_257, %get3A_258] {strides = array<i32>} : memref<80x128xf32, #tpu.memory_space<vmem>>, vector<1x16xf32>,
        %get3A_260 = vector.shape_cast %get3A_259 : vector<1x16xf32> to vector<16xf32>
        %get3A_261 = arith.index_cast %add3A_157 : i32 to index
        %get3A_262 = arith.constant 96 : index
        %get3A_263 = tpu.vector_load %arg12[%get3A_261, %get3A_262] {strides = array<i32>} : memref<80x128xf32, #tpu.memory_space<vmem>>, vector<1x16xf32>,
        %get3A_264 = vector.shape_cast %get3A_263 : vector<1x16xf32> to vector<16xf32>
        %add3A_265 = arith.addf %get3A_260, %get3A_264 : vector<16xf32>
        %max3A_266 = arith.constant 0.000000e+00 : f32
        %max3A_267 = vector.broadcast %max3A_266 : f32 to vector<16xf32>
        %max3A_268 = arith.maximumf %add3A_265, %max3A_267 : vector<16xf32>
        %swap3A_269 = arith.index_cast %add3A_157 : i32 to index
        %swap3A_270 = arith.constant 96 : index
        %swap3A_271 = tpu.vector_load %arg10[%swap3A_269, %swap3A_270] {strides = array<i32>} : memref<80x128xf32, #tpu.memory_space<vmem>>, vector<1x16xf32>,
        %swap3A_272 = vector.shape_cast %swap3A_271 : vector<1x16xf32> to vector<16xf32>
        %swap3A_273 = vector.shape_cast %max3A_268 : vector<16xf32> to vector<1x16xf32>
        tpu.vector_store %arg10[%swap3A_269, %swap3A_270], %swap3A_273 {strides = array<i32>} : memref<80x128xf32, #tpu.memory_space<vmem>>, vector<1x16xf32>,
        %get3A_274 = arith.index_cast %add3A_157 : i32 to index
        %get3A_275 = arith.constant 112 : index
        %get3A_276 = tpu.vector_load %arg10[%get3A_274, %get3A_275] {strides = array<i32>} : memref<80x128xf32, #tpu.memory_space<vmem>>, vector<1x16xf32>,
        %get3A_277 = vector.shape_cast %get3A_276 : vector<1x16xf32> to vector<16xf32>
        %get3A_278 = arith.index_cast %add3A_157 : i32 to index
        %get3A_279 = arith.constant 112 : index
        %get3A_280 = tpu.vector_load %arg12[%get3A_278, %get3A_279] {strides = array<i32>} : memref<80x128xf32, #tpu.memory_space<vmem>>, vector<1x16xf32>,
        %get3A_281 = vector.shape_cast %get3A_280 : vector<1x16xf32> to vector<16xf32>
        %add3A_282 = arith.addf %get3A_277, %get3A_281 : vector<16xf32>
        %max3A_283 = arith.constant 0.000000e+00 : f32
        %max3A_284 = vector.broadcast %max3A_283 : f32 to vector<16xf32>
        %max3A_285 = arith.maximumf %add3A_282, %max3A_284 : vector<16xf32>
        %swap3A_286 = arith.index_cast %add3A_157 : i32 to index
        %swap3A_287 = arith.constant 112 : index
        %swap3A_288 = tpu.vector_load %arg10[%swap3A_286, %swap3A_287] {strides = array<i32>} : memref<80x128xf32, #tpu.memory_space<vmem>>, vector<1x16xf32>,
        %swap3A_289 = vector.shape_cast %swap3A_288 : vector<1x16xf32> to vector<16xf32>
        %swap3A_290 = vector.shape_cast %max3A_285 : vector<16xf32> to vector<1x16xf32>
        tpu.vector_store %arg10[%swap3A_286, %swap3A_287], %swap3A_290 {strides = array<i32>} : memref<80x128xf32, #tpu.memory_space<vmem>>, vector<1x16xf32>,
      }
      %scan3A_144 = arith.constant 80 : i32
      %run_scoped3A_145 = arith.constant 1 : i32
      "tpu.region"() ({
        %run_scoped3A_153 = tpu.sem_alloc : memref<!tpu.dma_semaphore, #tpu.memory_space<semaphore_mem>>
        %dma_start3A_154 = arith.constant 0 : i32
        %dma_start3A_155 = tpu.memref_slice %arg8[%run_scoped3A_145, %dma_start3A_154] : memref<2x80xi32, #tpu.memory_space<vmem>> -> memref<1x80xi32, #tpu.memory_space<vmem>>
        %dma_start3A_156 = tpu.memref_squeeze %dma_start3A_155 : memref<1x80xi32, #tpu.memory_space<vmem>> -> memref<80xi32, #tpu.memory_space<vmem>>
        %dma_start3A_157 = arith.constant 0 : i32
        %dma_start3A_158 = arith.constant 0 : i32
        %dma_start3A_159 = tpu.memref_slice %arg13[%dma_start3A_157, %dma_start3A_158] : memref<10240x128xf32, #tpu.memory_space<vmem_shared>> -> memref<10240x128xf32, #tpu.memory_space<vmem_shared>>
        tpu.enqueue_indirect_dma source(%arg10 : memref<80x128xf32, #tpu.memory_space<vmem>>) target(%dma_start3A_159 : memref<10240x128xf32, #tpu.memory_space<vmem_shared>>) offsets(%dma_start3A_156 : memref<80xi32, #tpu.memory_space<vmem>>) semaphore(%run_scoped3A_153 : memref<!tpu.dma_semaphore, #tpu.memory_space<semaphore_mem>>) {add = true}
        %dma_wait3A_160 = arith.constant 0 : i32
        %dma_wait3A_161 = tpu.memref_slice %arg8[%run_scoped3A_145, %dma_wait3A_160] : memref<2x80xi32, #tpu.memory_space<vmem>> -> memref<1x80xi32, #tpu.memory_space<vmem>>
        %dma_wait3A_162 = tpu.memref_squeeze %dma_wait3A_161 : memref<1x80xi32, #tpu.memory_space<vmem>> -> memref<80xi32, #tpu.memory_space<vmem>>
        %dma_wait3A_163 = arith.constant 0 : i32
        %dma_wait3A_164 = arith.constant 0 : i32
        %dma_wait3A_165 = tpu.memref_slice %arg13[%dma_wait3A_163, %dma_wait3A_164] : memref<10240x128xf32, #tpu.memory_space<vmem_shared>> -> memref<10240x128xf32, #tpu.memory_space<vmem_shared>>
        tpu.wait_indirect_dma semaphore(%run_scoped3A_153 : memref<!tpu.dma_semaphore, #tpu.memory_space<semaphore_mem>>) src(%arg10 : memref<80x128xf32, #tpu.memory_space<vmem>>) dst(%dma_wait3A_165 : memref<10240x128xf32, #tpu.memory_space<vmem_shared>>)
        tpu.yield
      }) : () -> ()
      %add3A_146 = arith.constant 2 : i32
      %add3A_147 = arith.addi %add3A_126, %add3A_146 : i32
      %lt3A_148 = arith.constant 31 : i32
      %lt3A_149 = arith.cmpi slt, %add3A_147, %lt3A_148 : i32
      %convert_element_type3A_150 = arith.extui %lt3A_149 : i1 to i32
      %cond3A_151 = arith.constant 0 : i32
      %cond3A_152 = arith.cmpi ne, %convert_element_type3A_150, %cond3A_151 : i32
      scf.if %cond3A_152 {
        %add3A_153 = arith.constant 2 : i32
        %add3A_154 = arith.addi %add3A_126, %add3A_153 : i32
        %add3A_155 = arith.addi %mul3A_4, %add3A_154 : i32
        %dma_start3A_156 = arith.constant 0 : i32
        %dma_start3A_157 = arith.constant 0 : i32
        %dma_start3A_158 = tpu.memref_slice %arg4[%add3A_155, %dma_start3A_156, %dma_start3A_157] : memref<992x2x80xi32, #tpu.memory_space<hbm>> -> memref<1x2x80xi32, #tpu.memory_space<hbm>>
        %dma_start3A_159 = tpu.memref_squeeze %dma_start3A_158 : memref<1x2x80xi32, #tpu.memory_space<hbm>> -> memref<2x80xi32, #tpu.memory_space<hbm>>
        %dma_start3A_160 = arith.constant 0 : i32
        %dma_start3A_161 = arith.constant 0 : i32
        %dma_start3A_162 = tpu.memref_slice %arg4[%add3A_155, %dma_start3A_160, %dma_start3A_161] : memref<992x2x80xi32, #tpu.memory_space<hbm>> -> memref<1x2x80xi32, #tpu.memory_space<hbm>>
        %dma_start3A_163 = tpu.memref_squeeze %dma_start3A_162 : memref<1x2x80xi32, #tpu.memory_space<hbm>> -> memref<2x80xi32, #tpu.memory_space<hbm>>
        tpu.enqueue_dma source(%dma_start3A_163 : memref<2x80xi32, #tpu.memory_space<hbm>>) target(%arg8 : memref<2x80xi32, #tpu.memory_space<vmem>>) target_semaphore(%arg15 : memref<!tpu.dma_semaphore, #tpu.memory_space<semaphore_mem>>)
        %dma_wait3A_164 = arith.constant 0 : i32
        %dma_wait3A_165 = arith.constant 0 : i32
        %dma_wait3A_166 = arith.constant 0 : i32
        %dma_wait3A_167 = tpu.memref_slice %arg4[%dma_wait3A_164, %dma_wait3A_165, %dma_wait3A_166] : memref<992x2x80xi32, #tpu.memory_space<hbm>> -> memref<1x2x80xi32, #tpu.memory_space<hbm>>
        %dma_wait3A_168 = tpu.memref_squeeze %dma_wait3A_167 : memref<1x2x80xi32, #tpu.memory_space<hbm>> -> memref<2x80xi32, #tpu.memory_space<hbm>>
        %dma_wait3A_169 = arith.constant 0 : i32
        %dma_wait3A_170 = arith.constant 0 : i32
        %dma_wait3A_171 = tpu.memref_slice %arg4[%dma_wait3A_164, %dma_wait3A_169, %dma_wait3A_170] : memref<992x2x80xi32, #tpu.memory_space<hbm>> -> memref<1x2x80xi32, #tpu.memory_space<hbm>>
        %dma_wait3A_172 = tpu.memref_squeeze %dma_wait3A_171 : memref<1x2x80xi32, #tpu.memory_space<hbm>> -> memref<2x80xi32, #tpu.memory_space<hbm>>
        tpu.wait_dma2 semaphore(%arg15 : memref<!tpu.dma_semaphore, #tpu.memory_space<semaphore_mem>>) src(%dma_wait3A_172 : memref<2x80xi32, #tpu.memory_space<hbm>>) dst(%arg8 : memref<2x80xi32, #tpu.memory_space<vmem>>)
        %add3A_173 = arith.constant 2 : i32
        %add3A_174 = arith.addi %add3A_126, %add3A_173 : i32
        %mul3A_175 = arith.constant 80 : i32
        %mul3A_176 = arith.muli %add3A_174, %mul3A_175 : i32
        %add3A_177 = arith.addi %mul3A_2, %mul3A_176 : i32
        %multiple_of3A_178 = tpu.assume_multiple %add3A_177, 8 : i32
        %dma_start3A_179 = arith.constant 0 : i32
        %dma_start3A_180 = arith.constant 0 : i32
        %dma_start3A_181 = tpu.memref_slice %arg8[%dma_start3A_179, %dma_start3A_180] : memref<2x80xi32, #tpu.memory_space<vmem>> -> memref<1x80xi32, #tpu.memory_space<vmem>>
        %dma_start3A_182 = tpu.memref_squeeze %dma_start3A_181 : memref<1x80xi32, #tpu.memory_space<vmem>> -> memref<80xi32, #tpu.memory_space<vmem>>
        %dma_start3A_183 = arith.constant 0 : i32
        %dma_start3A_184 = arith.constant 0 : i32
        %dma_start3A_185 = tpu.memref_slice %arg2[%dma_start3A_183, %dma_start3A_184] : memref<10000x128xf32, #tpu.memory_space<hbm>> -> memref<10000x128xf32, #tpu.memory_space<hbm>>
        tpu.enqueue_indirect_dma source(%dma_start3A_185 : memref<10000x128xf32, #tpu.memory_space<hbm>>) target(%arg10 : memref<80x128xf32, #tpu.memory_space<vmem>>) offsets(%dma_start3A_182 : memref<80xi32, #tpu.memory_space<vmem>>) semaphore(%arg17 : memref<!tpu.dma_semaphore, #tpu.memory_space<semaphore_mem>>)
        %dma_start3A_186 = arith.constant 0 : i32
        %dma_start3A_187 = tpu.memref_slice %arg3[%multiple_of3A_178, %dma_start3A_186] : memref<79360x128xf32, #tpu.memory_space<hbm>> -> memref<80x128xf32, #tpu.memory_space<hbm>>
        %dma_start3A_188 = arith.constant 0 : i32
        %dma_start3A_189 = tpu.memref_slice %arg3[%multiple_of3A_178, %dma_start3A_188] : memref<79360x128xf32, #tpu.memory_space<hbm>> -> memref<80x128xf32, #tpu.memory_space<hbm>>
        tpu.enqueue_dma source(%dma_start3A_189 : memref<80x128xf32, #tpu.memory_space<hbm>>) target(%arg12 : memref<80x128xf32, #tpu.memory_space<vmem>>) target_semaphore(%arg19 : memref<!tpu.dma_semaphore, #tpu.memory_space<semaphore_mem>>)
      } else {
      }
    }
    %scan3A_73 = arith.constant 15 : i32
    %dma_wait3A_74 = arith.constant 0 : i32
    %dma_wait3A_75 = arith.constant 0 : i32
    %dma_wait3A_76 = tpu.memref_slice %arg7[%dma_wait3A_74, %dma_wait3A_75] : memref<2x80xi32, #tpu.memory_space<vmem>> -> memref<1x80xi32, #tpu.memory_space<vmem>>
    %dma_wait3A_77 = tpu.memref_squeeze %dma_wait3A_76 : memref<1x80xi32, #tpu.memory_space<vmem>> -> memref<80xi32, #tpu.memory_space<vmem>>
    %dma_wait3A_78 = arith.constant 0 : i32
    %dma_wait3A_79 = arith.constant 0 : i32
    %dma_wait3A_80 = tpu.memref_slice %arg2[%dma_wait3A_78, %dma_wait3A_79] : memref<10000x128xf32, #tpu.memory_space<hbm>> -> memref<10000x128xf32, #tpu.memory_space<hbm>>
    tpu.wait_indirect_dma semaphore(%arg16 : memref<!tpu.dma_semaphore, #tpu.memory_space<semaphore_mem>>) src(%dma_wait3A_80 : memref<10000x128xf32, #tpu.memory_space<hbm>>) dst(%arg9 : memref<80x128xf32, #tpu.memory_space<vmem>>)
    %dma_wait3A_81 = arith.constant 0 : i32
    %dma_wait3A_82 = arith.constant 0 : i32
    %dma_wait3A_83 = tpu.memref_slice %arg3[%dma_wait3A_81, %dma_wait3A_82] : memref<79360x128xf32, #tpu.memory_space<hbm>> -> memref<80x128xf32, #tpu.memory_space<hbm>>
    %dma_wait3A_84 = arith.constant 0 : i32
    %dma_wait3A_85 = arith.constant 0 : i32
    %dma_wait3A_86 = tpu.memref_slice %arg3[%dma_wait3A_84, %dma_wait3A_85] : memref<79360x128xf32, #tpu.memory_space<hbm>> -> memref<80x128xf32, #tpu.memory_space<hbm>>
    tpu.wait_dma2 semaphore(%arg18 : memref<!tpu.dma_semaphore, #tpu.memory_space<semaphore_mem>>) src(%dma_wait3A_86 : memref<80x128xf32, #tpu.memory_space<hbm>>) dst(%arg11 : memref<80x128xf32, #tpu.memory_space<vmem>>)
    %scan3A_87 = arith.constant 0 : i32
    %scan3A_88 = arith.constant 80 : i32
    %scan3A_89 = arith.addi %scan3A_87, %scan3A_88 : i32
    %scan3A_90 = arith.constant 1 : i32
    scf.for %scan3A_93 = %scan3A_87 to %scan3A_89 step %scan3A_90  : i32 {
      %mul3A_94 = arith.constant 1 : i32
      %mul3A_95 = arith.muli %scan3A_93, %mul3A_94 : i32
      %add3A_96 = arith.constant 0 : i32
      %add3A_97 = arith.addi %add3A_96, %mul3A_95 : i32
      %get3A = arith.index_cast %add3A_97 : i32 to index
      %get3A_98 = arith.constant 0 : index
      %get3A_99 = tpu.vector_load %arg9[%get3A, %get3A_98] {strides = array<i32>} : memref<80x128xf32, #tpu.memory_space<vmem>>, vector<1x16xf32>,
      %get3A_100 = vector.shape_cast %get3A_99 : vector<1x16xf32> to vector<16xf32>
      %get3A_101 = arith.index_cast %add3A_97 : i32 to index
      %get3A_102 = arith.constant 0 : index
      %get3A_103 = tpu.vector_load %arg11[%get3A_101, %get3A_102] {strides = array<i32>} : memref<80x128xf32, #tpu.memory_space<vmem>>, vector<1x16xf32>,
      %get3A_104 = vector.shape_cast %get3A_103 : vector<1x16xf32> to vector<16xf32>
      %add3A_105 = arith.addf %get3A_100, %get3A_104 : vector<16xf32>
      %max3A = arith.constant 0.000000e+00 : f32
      %max3A_106 = vector.broadcast %max3A : f32 to vector<16xf32>
      %max3A_107 = arith.maximumf %add3A_105, %max3A_106 : vector<16xf32>
      %swap3A = arith.index_cast %add3A_97 : i32 to index
      %swap3A_108 = arith.constant 0 : index
      %swap3A_109 = tpu.vector_load %arg9[%swap3A, %swap3A_108] {strides = array<i32>} : memref<80x128xf32, #tpu.memory_space<vmem>>, vector<1x16xf32>,
      %swap3A_110 = vector.shape_cast %swap3A_109 : vector<1x16xf32> to vector<16xf32>
      %swap3A_111 = vector.shape_cast %max3A_107 : vector<16xf32> to vector<1x16xf32>
      tpu.vector_store %arg9[%swap3A, %swap3A_108], %swap3A_111 {strides = array<i32>} : memref<80x128xf32, #tpu.memory_space<vmem>>, vector<1x16xf32>,
      %get3A_112 = arith.index_cast %add3A_97 : i32 to index
      %get3A_113 = arith.constant 16 : index
      %get3A_114 = tpu.vector_load %arg9[%get3A_112, %get3A_113] {strides = array<i32>} : memref<80x128xf32, #tpu.memory_space<vmem>>, vector<1x16xf32>,
      %get3A_115 = vector.shape_cast %get3A_114 : vector<1x16xf32> to vector<16xf32>
      %get3A_116 = arith.index_cast %add3A_97 : i32 to index
      %get3A_117 = arith.constant 16 : index
      %get3A_118 = tpu.vector_load %arg11[%get3A_116, %get3A_117] {strides = array<i32>} : memref<80x128xf32, #tpu.memory_space<vmem>>, vector<1x16xf32>,
      %get3A_119 = vector.shape_cast %get3A_118 : vector<1x16xf32> to vector<16xf32>
      %add3A_120 = arith.addf %get3A_115, %get3A_119 : vector<16xf32>
      %max3A_121 = arith.constant 0.000000e+00 : f32
      %max3A_122 = vector.broadcast %max3A_121 : f32 to vector<16xf32>
      %max3A_123 = arith.maximumf %add3A_120, %max3A_122 : vector<16xf32>
      %swap3A_124 = arith.index_cast %add3A_97 : i32 to index
      %swap3A_125 = arith.constant 16 : index
      %swap3A_126 = tpu.vector_load %arg9[%swap3A_124, %swap3A_125] {strides = array<i32>} : memref<80x128xf32, #tpu.memory_space<vmem>>, vector<1x16xf32>,
      %swap3A_127 = vector.shape_cast %swap3A_126 : vector<1x16xf32> to vector<16xf32>
      %swap3A_128 = vector.shape_cast %max3A_123 : vector<16xf32> to vector<1x16xf32>
      tpu.vector_store %arg9[%swap3A_124, %swap3A_125], %swap3A_128 {strides = array<i32>} : memref<80x128xf32, #tpu.memory_space<vmem>>, vector<1x16xf32>,
      %get3A_129 = arith.index_cast %add3A_97 : i32 to index
      %get3A_130 = arith.constant 32 : index
      %get3A_131 = tpu.vector_load %arg9[%get3A_129, %get3A_130] {strides = array<i32>} : memref<80x128xf32, #tpu.memory_space<vmem>>, vector<1x16xf32>,
      %get3A_132 = vector.shape_cast %get3A_131 : vector<1x16xf32> to vector<16xf32>
      %get3A_133 = arith.index_cast %add3A_97 : i32 to index
      %get3A_134 = arith.constant 32 : index
      %get3A_135 = tpu.vector_load %arg11[%get3A_133, %get3A_134] {strides = array<i32>} : memref<80x128xf32, #tpu.memory_space<vmem>>, vector<1x16xf32>,
      %get3A_136 = vector.shape_cast %get3A_135 : vector<1x16xf32> to vector<16xf32>
      %add3A_137 = arith.addf %get3A_132, %get3A_136 : vector<16xf32>
      %max3A_138 = arith.constant 0.000000e+00 : f32
      %max3A_139 = vector.broadcast %max3A_138 : f32 to vector<16xf32>
      %max3A_140 = arith.maximumf %add3A_137, %max3A_139 : vector<16xf32>
      %swap3A_141 = arith.index_cast %add3A_97 : i32 to index
      %swap3A_142 = arith.constant 32 : index
      %swap3A_143 = tpu.vector_load %arg9[%swap3A_141, %swap3A_142] {strides = array<i32>} : memref<80x128xf32, #tpu.memory_space<vmem>>, vector<1x16xf32>,
      %swap3A_144 = vector.shape_cast %swap3A_143 : vector<1x16xf32> to vector<16xf32>
      %swap3A_145 = vector.shape_cast %max3A_140 : vector<16xf32> to vector<1x16xf32>
      tpu.vector_store %arg9[%swap3A_141, %swap3A_142], %swap3A_145 {strides = array<i32>} : memref<80x128xf32, #tpu.memory_space<vmem>>, vector<1x16xf32>,
      %get3A_146 = arith.index_cast %add3A_97 : i32 to index
      %get3A_147 = arith.constant 48 : index
      %get3A_148 = tpu.vector_load %arg9[%get3A_146, %get3A_147] {strides = array<i32>} : memref<80x128xf32, #tpu.memory_space<vmem>>, vector<1x16xf32>,
      %get3A_149 = vector.shape_cast %get3A_148 : vector<1x16xf32> to vector<16xf32>
      %get3A_150 = arith.index_cast %add3A_97 : i32 to index
      %get3A_151 = arith.constant 48 : index
      %get3A_152 = tpu.vector_load %arg11[%get3A_150, %get3A_151] {strides = array<i32>} : memref<80x128xf32, #tpu.memory_space<vmem>>, vector<1x16xf32>,
      %get3A_153 = vector.shape_cast %get3A_152 : vector<1x16xf32> to vector<16xf32>
      %add3A_154 = arith.addf %get3A_149, %get3A_153 : vector<16xf32>
      %max3A_155 = arith.constant 0.000000e+00 : f32
      %max3A_156 = vector.broadcast %max3A_155 : f32 to vector<16xf32>
      %max3A_157 = arith.maximumf %add3A_154, %max3A_156 : vector<16xf32>
      %swap3A_158 = arith.index_cast %add3A_97 : i32 to index
      %swap3A_159 = arith.constant 48 : index
      %swap3A_160 = tpu.vector_load %arg9[%swap3A_158, %swap3A_159] {strides = array<i32>} : memref<80x128xf32, #tpu.memory_space<vmem>>, vector<1x16xf32>,
      %swap3A_161 = vector.shape_cast %swap3A_160 : vector<1x16xf32> to vector<16xf32>
      %swap3A_162 = vector.shape_cast %max3A_157 : vector<16xf32> to vector<1x16xf32>
      tpu.vector_store %arg9[%swap3A_158, %swap3A_159], %swap3A_162 {strides = array<i32>} : memref<80x128xf32, #tpu.memory_space<vmem>>, vector<1x16xf32>,
      %get3A_163 = arith.index_cast %add3A_97 : i32 to index
      %get3A_164 = arith.constant 64 : index
      %get3A_165 = tpu.vector_load %arg9[%get3A_163, %get3A_164] {strides = array<i32>} : memref<80x128xf32, #tpu.memory_space<vmem>>, vector<1x16xf32>,
      %get3A_166 = vector.shape_cast %get3A_165 : vector<1x16xf32> to vector<16xf32>
      %get3A_167 = arith.index_cast %add3A_97 : i32 to index
      %get3A_168 = arith.constant 64 : index
      %get3A_169 = tpu.vector_load %arg11[%get3A_167, %get3A_168] {strides = array<i32>} : memref<80x128xf32, #tpu.memory_space<vmem>>, vector<1x16xf32>,
      %get3A_170 = vector.shape_cast %get3A_169 : vector<1x16xf32> to vector<16xf32>
      %add3A_171 = arith.addf %get3A_166, %get3A_170 : vector<16xf32>
      %max3A_172 = arith.constant 0.000000e+00 : f32
      %max3A_173 = vector.broadcast %max3A_172 : f32 to vector<16xf32>
      %max3A_174 = arith.maximumf %add3A_171, %max3A_173 : vector<16xf32>
      %swap3A_175 = arith.index_cast %add3A_97 : i32 to index
      %swap3A_176 = arith.constant 64 : index
      %swap3A_177 = tpu.vector_load %arg9[%swap3A_175, %swap3A_176] {strides = array<i32>} : memref<80x128xf32, #tpu.memory_space<vmem>>, vector<1x16xf32>,
      %swap3A_178 = vector.shape_cast %swap3A_177 : vector<1x16xf32> to vector<16xf32>
      %swap3A_179 = vector.shape_cast %max3A_174 : vector<16xf32> to vector<1x16xf32>
      tpu.vector_store %arg9[%swap3A_175, %swap3A_176], %swap3A_179 {strides = array<i32>} : memref<80x128xf32, #tpu.memory_space<vmem>>, vector<1x16xf32>,
      %get3A_180 = arith.index_cast %add3A_97 : i32 to index
      %get3A_181 = arith.constant 80 : index
      %get3A_182 = tpu.vector_load %arg9[%get3A_180, %get3A_181] {strides = array<i32>} : memref<80x128xf32, #tpu.memory_space<vmem>>, vector<1x16xf32>,
      %get3A_183 = vector.shape_cast %get3A_182 : vector<1x16xf32> to vector<16xf32>
      %get3A_184 = arith.index_cast %add3A_97 : i32 to index
      %get3A_185 = arith.constant 80 : index
      %get3A_186 = tpu.vector_load %arg11[%get3A_184, %get3A_185] {strides = array<i32>} : memref<80x128xf32, #tpu.memory_space<vmem>>, vector<1x16xf32>,
      %get3A_187 = vector.shape_cast %get3A_186 : vector<1x16xf32> to vector<16xf32>
      %add3A_188 = arith.addf %get3A_183, %get3A_187 : vector<16xf32>
      %max3A_189 = arith.constant 0.000000e+00 : f32
      %max3A_190 = vector.broadcast %max3A_189 : f32 to vector<16xf32>
      %max3A_191 = arith.maximumf %add3A_188, %max3A_190 : vector<16xf32>
      %swap3A_192 = arith.index_cast %add3A_97 : i32 to index
      %swap3A_193 = arith.constant 80 : index
      %swap3A_194 = tpu.vector_load %arg9[%swap3A_192, %swap3A_193] {strides = array<i32>} : memref<80x128xf32, #tpu.memory_space<vmem>>, vector<1x16xf32>,
      %swap3A_195 = vector.shape_cast %swap3A_194 : vector<1x16xf32> to vector<16xf32>
      %swap3A_196 = vector.shape_cast %max3A_191 : vector<16xf32> to vector<1x16xf32>
      tpu.vector_store %arg9[%swap3A_192, %swap3A_193], %swap3A_196 {strides = array<i32>} : memref<80x128xf32, #tpu.memory_space<vmem>>, vector<1x16xf32>,
      %get3A_197 = arith.index_cast %add3A_97 : i32 to index
      %get3A_198 = arith.constant 96 : index
      %get3A_199 = tpu.vector_load %arg9[%get3A_197, %get3A_198] {strides = array<i32>} : memref<80x128xf32, #tpu.memory_space<vmem>>, vector<1x16xf32>,
      %get3A_200 = vector.shape_cast %get3A_199 : vector<1x16xf32> to vector<16xf32>
      %get3A_201 = arith.index_cast %add3A_97 : i32 to index
      %get3A_202 = arith.constant 96 : index
      %get3A_203 = tpu.vector_load %arg11[%get3A_201, %get3A_202] {strides = array<i32>} : memref<80x128xf32, #tpu.memory_space<vmem>>, vector<1x16xf32>,
      %get3A_204 = vector.shape_cast %get3A_203 : vector<1x16xf32> to vector<16xf32>
      %add3A_205 = arith.addf %get3A_200, %get3A_204 : vector<16xf32>
      %max3A_206 = arith.constant 0.000000e+00 : f32
      %max3A_207 = vector.broadcast %max3A_206 : f32 to vector<16xf32>
      %max3A_208 = arith.maximumf %add3A_205, %max3A_207 : vector<16xf32>
      %swap3A_209 = arith.index_cast %add3A_97 : i32 to index
      %swap3A_210 = arith.constant 96 : index
      %swap3A_211 = tpu.vector_load %arg9[%swap3A_209, %swap3A_210] {strides = array<i32>} : memref<80x128xf32, #tpu.memory_space<vmem>>, vector<1x16xf32>,
      %swap3A_212 = vector.shape_cast %swap3A_211 : vector<1x16xf32> to vector<16xf32>
      %swap3A_213 = vector.shape_cast %max3A_208 : vector<16xf32> to vector<1x16xf32>
      tpu.vector_store %arg9[%swap3A_209, %swap3A_210], %swap3A_213 {strides = array<i32>} : memref<80x128xf32, #tpu.memory_space<vmem>>, vector<1x16xf32>,
      %get3A_214 = arith.index_cast %add3A_97 : i32 to index
      %get3A_215 = arith.constant 112 : index
      %get3A_216 = tpu.vector_load %arg9[%get3A_214, %get3A_215] {strides = array<i32>} : memref<80x128xf32, #tpu.memory_space<vmem>>, vector<1x16xf32>,
      %get3A_217 = vector.shape_cast %get3A_216 : vector<1x16xf32> to vector<16xf32>
      %get3A_218 = arith.index_cast %add3A_97 : i32 to index
      %get3A_219 = arith.constant 112 : index
      %get3A_220 = tpu.vector_load %arg11[%get3A_218, %get3A_219] {strides = array<i32>} : memref<80x128xf32, #tpu.memory_space<vmem>>, vector<1x16xf32>,
      %get3A_221 = vector.shape_cast %get3A_220 : vector<1x16xf32> to vector<16xf32>
      %add3A_222 = arith.addf %get3A_217, %get3A_221 : vector<16xf32>
      %max3A_223 = arith.constant 0.000000e+00 : f32
      %max3A_224 = vector.broadcast %max3A_223 : f32 to vector<16xf32>
      %max3A_225 = arith.maximumf %add3A_222, %max3A_224 : vector<16xf32>
      %swap3A_226 = arith.index_cast %add3A_97 : i32 to index
      %swap3A_227 = arith.constant 112 : index
      %swap3A_228 = tpu.vector_load %arg9[%swap3A_226, %swap3A_227] {strides = array<i32>} : memref<80x128xf32, #tpu.memory_space<vmem>>, vector<1x16xf32>,
      %swap3A_229 = vector.shape_cast %swap3A_228 : vector<1x16xf32> to vector<16xf32>
      %swap3A_230 = vector.shape_cast %max3A_225 : vector<16xf32> to vector<1x16xf32>
      tpu.vector_store %arg9[%swap3A_226, %swap3A_227], %swap3A_230 {strides = array<i32>} : memref<80x128xf32, #tpu.memory_space<vmem>>, vector<1x16xf32>,
    }
    %scan3A_91 = arith.constant 80 : i32
    %run_scoped3A = arith.constant 1 : i32
    "tpu.region"() ({
      %run_scoped3A_93 = tpu.sem_alloc : memref<!tpu.dma_semaphore, #tpu.memory_space<semaphore_mem>>
      %dma_start3A_94 = arith.constant 0 : i32
      %dma_start3A_95 = tpu.memref_slice %arg7[%run_scoped3A, %dma_start3A_94] : memref<2x80xi32, #tpu.memory_space<vmem>> -> memref<1x80xi32, #tpu.memory_space<vmem>>
      %dma_start3A_96 = tpu.memref_squeeze %dma_start3A_95 : memref<1x80xi32, #tpu.memory_space<vmem>> -> memref<80xi32, #tpu.memory_space<vmem>>
      %dma_start3A_97 = arith.constant 0 : i32
      %dma_start3A_98 = arith.constant 0 : i32
      %dma_start3A_99 = tpu.memref_slice %arg13[%dma_start3A_97, %dma_start3A_98] : memref<10240x128xf32, #tpu.memory_space<vmem_shared>> -> memref<10240x128xf32, #tpu.memory_space<vmem_shared>>
      tpu.enqueue_indirect_dma source(%arg9 : memref<80x128xf32, #tpu.memory_space<vmem>>) target(%dma_start3A_99 : memref<10240x128xf32, #tpu.memory_space<vmem_shared>>) offsets(%dma_start3A_96 : memref<80xi32, #tpu.memory_space<vmem>>) semaphore(%run_scoped3A_93 : memref<!tpu.dma_semaphore, #tpu.memory_space<semaphore_mem>>) {add = true}
      %dma_wait3A_100 = arith.constant 0 : i32
      %dma_wait3A_101 = tpu.memref_slice %arg7[%run_scoped3A, %dma_wait3A_100] : memref<2x80xi32, #tpu.memory_space<vmem>> -> memref<1x80xi32, #tpu.memory_space<vmem>>
      %dma_wait3A_102 = tpu.memref_squeeze %dma_wait3A_101 : memref<1x80xi32, #tpu.memory_space<vmem>> -> memref<80xi32, #tpu.memory_space<vmem>>
      %dma_wait3A_103 = arith.constant 0 : i32
      %dma_wait3A_104 = arith.constant 0 : i32
      %dma_wait3A_105 = tpu.memref_slice %arg13[%dma_wait3A_103, %dma_wait3A_104] : memref<10240x128xf32, #tpu.memory_space<vmem_shared>> -> memref<10240x128xf32, #tpu.memory_space<vmem_shared>>
      tpu.wait_indirect_dma semaphore(%run_scoped3A_93 : memref<!tpu.dma_semaphore, #tpu.memory_space<semaphore_mem>>) src(%arg9 : memref<80x128xf32, #tpu.memory_space<vmem>>) dst(%dma_wait3A_105 : memref<10240x128xf32, #tpu.memory_space<vmem_shared>>)
      tpu.yield
    }) : () -> ()
    %barrier3A_92 = arith.constant 0 : index
    tpu.barrier barrier_id(%barrier3A_92)
    "tpu.region"() ({
      %run_scoped3A_93 = tpu.sem_alloc : memref<!tpu.dma_semaphore, #tpu.memory_space<semaphore_mem>>
      %dma_start3A_94 = arith.constant 0 : i32
      %dma_start3A_95 = tpu.memref_slice %arg6[%arg0, %mul3A_25, %dma_start3A_94] : memref<2x10240x128xf32, #tpu.memory_space<hbm>> -> memref<1x640x128xf32, #tpu.memory_space<hbm>>
      %dma_start3A_96 = tpu.memref_squeeze %dma_start3A_95 : memref<1x640x128xf32, #tpu.memory_space<hbm>> -> memref<640x128xf32, #tpu.memory_space<hbm>>
      %dma_start3A_97 = arith.constant 0 : i32
      %dma_start3A_98 = tpu.memref_slice %arg13[%mul3A_25, %dma_start3A_97] : memref<10240x128xf32, #tpu.memory_space<vmem_shared>> -> memref<640x128xf32, #tpu.memory_space<vmem_shared>>
      tpu.enqueue_dma source(%dma_start3A_98 : memref<640x128xf32, #tpu.memory_space<vmem_shared>>) target(%dma_start3A_96 : memref<640x128xf32, #tpu.memory_space<hbm>>) target_semaphore(%run_scoped3A_93 : memref<!tpu.dma_semaphore, #tpu.memory_space<semaphore_mem>>)
      %dma_wait3A_99 = arith.constant 0 : i32
      %dma_wait3A_100 = tpu.memref_slice %arg6[%arg0, %mul3A_25, %dma_wait3A_99] : memref<2x10240x128xf32, #tpu.memory_space<hbm>> -> memref<1x640x128xf32, #tpu.memory_space<hbm>>
      %dma_wait3A_101 = tpu.memref_squeeze %dma_wait3A_100 : memref<1x640x128xf32, #tpu.memory_space<hbm>> -> memref<640x128xf32, #tpu.memory_space<hbm>>
      %dma_wait3A_102 = arith.constant 0 : i32
      %dma_wait3A_103 = tpu.memref_slice %arg13[%mul3A_25, %dma_wait3A_102] : memref<10240x128xf32, #tpu.memory_space<vmem_shared>> -> memref<640x128xf32, #tpu.memory_space<vmem_shared>>
      tpu.wait_dma2 semaphore(%run_scoped3A_93 : memref<!tpu.dma_semaphore, #tpu.memory_space<semaphore_mem>>) src(%dma_wait3A_103 : memref<640x128xf32, #tpu.memory_space<vmem_shared>>) dst(%dma_wait3A_101 : memref<640x128xf32, #tpu.memory_space<hbm>>)
      tpu.yield
    }) : () -> ()
    return
  }
}

module attributes {stable_mosaic.version = 14 : i64} {
  func.func @_p_matmul_body(%arg0: i32, %arg1: memref<2000x128xf32, #tpu.memory_space<vmem>>, %arg2: memref<128x128xf32, #tpu.memory_space<vmem>>, %arg3: memref<2000x128xf32, #tpu.memory_space<vmem>>) attributes {dimension_semantics = [#tpu.dimension_semantics<arbitrary>], iteration_bounds = array<i64: 5>, scalar_prefetch = 0 : i64, scratch_operands = 0 : i64, tpu.core_type = #tpu.core_type<tc>, window_params = [{transform_indices = @transform_0, window_bounds = array<i64: 2000, 128>}, {pipeline_mode = #tpu.pipeline_mode<synchronous>, transform_indices = @transform_1, window_bounds = array<i64: 128, 128>}, {transform_indices = @transform_2, window_bounds = array<i64: 2000, 128>}]} {
    %get3A = arith.constant 0 : index
    %get3A_0 = arith.constant 0 : index
    %get3A_1 = vector.load %arg1[%get3A, %get3A_0] : memref<2000x128xf32, #tpu.memory_space<vmem>>, vector<2000x128xf32>
    %get3A_2 = arith.constant 0 : index
    %get3A_3 = arith.constant 0 : index
    %get3A_4 = vector.load %arg2[%get3A_2, %get3A_3] : memref<128x128xf32, #tpu.memory_space<vmem>>, vector<128x128xf32>
    %dot_general3A = arith.constant dense<0.000000e+00> : vector<2000x128xf32>
    %dot_general3A_5 = tpu.matmul %get3A_1, %get3A_4, %dot_general3A {dimension_numbers = #tpu.dot_dimension_numbers<[1], [0], [0], [1], [0, 0, 1, 1], [], []>, transpose_lhs_hint = false} : vector<2000x128xf32>, vector<128x128xf32>, vector<2000x128xf32> -> vector<2000x128xf32>
    %swap3A = arith.constant 0 : index
    %swap3A_6 = arith.constant 0 : index
    %swap3A_7 = vector.load %arg3[%swap3A, %swap3A_6] : memref<2000x128xf32, #tpu.memory_space<vmem>>, vector<2000x128xf32>
    tpu.vector_store %arg3[%swap3A, %swap3A_6], %dot_general3A_5 {strides = array<i32>} : memref<2000x128xf32, #tpu.memory_space<vmem>>, vector<2000x128xf32>,
    return
  }
  func.func @transform_0(%arg0: i32) -> (i32, i32) {
    %c0_i32 = arith.constant 0 : i32
    %c0_i32_0 = arith.constant 0 : i32
    return %arg0, %c0_i32 : i32, i32
  }
  func.func @transform_1(%arg0: i32) -> (i32, i32) {
    %c0_i32 = arith.constant 0 : i32
    %c0_i32_0 = arith.constant 0 : i32
    %c0_i32_1 = arith.constant 0 : i32
    return %c0_i32, %c0_i32_0 : i32, i32
  }
  func.func @transform_2(%arg0: i32) -> (i32, i32) {
    %c0_i32 = arith.constant 0 : i32
    %c0_i32_0 = arith.constant 0 : i32
    return %arg0, %c0_i32 : i32, i32
  }
}

module attributes {stable_mosaic.version = 14 : i64} {
  func.func @_e_matmul_body(%arg0: i32, %arg1: memref<7936x16xf32, #tpu.memory_space<vmem>>, %arg2: memref<7936x16xf32, #tpu.memory_space<vmem>>, %arg3: memref<16x128xf32, #tpu.memory_space<vmem>>, %arg4: memref<16x128xf32, #tpu.memory_space<vmem>>, %arg5: memref<1x128xf32, #tpu.memory_space<vmem>>, %arg6: memref<7936x128xf32, #tpu.memory_space<vmem>>) attributes {dimension_semantics = [#tpu.dimension_semantics<arbitrary>], iteration_bounds = array<i64: 10>, scalar_prefetch = 0 : i64, scratch_operands = 0 : i64, tpu.core_type = #tpu.core_type<tc>, window_params = [{transform_indices = @transform_0, window_bounds = array<i64: 7936, 16>}, {transform_indices = @transform_1, window_bounds = array<i64: 7936, 16>}, {pipeline_mode = #tpu.pipeline_mode<synchronous>, transform_indices = @transform_2, window_bounds = array<i64: 16, 128>}, {pipeline_mode = #tpu.pipeline_mode<synchronous>, transform_indices = @transform_3, window_bounds = array<i64: 16, 128>}, {pipeline_mode = #tpu.pipeline_mode<synchronous>, transform_indices = @transform_4, window_bounds = array<i64: 1, 128>}, {transform_indices = @transform_5, window_bounds = array<i64: 7936, 128>}]} {
    %get3A = arith.constant 0 : index
    %get3A_0 = arith.constant 0 : index
    %get3A_1 = vector.load %arg1[%get3A, %get3A_0] : memref<7936x16xf32, #tpu.memory_space<vmem>>, vector<7936x16xf32>
    %get3A_2 = arith.constant 0 : index
    %get3A_3 = arith.constant 0 : index
    %get3A_4 = vector.load %arg3[%get3A_2, %get3A_3] : memref<16x128xf32, #tpu.memory_space<vmem>>, vector<16x128xf32>
    %dot_general3A = arith.constant dense<0.000000e+00> : vector<7936x128xf32>
    %dot_general3A_5 = tpu.matmul %get3A_1, %get3A_4, %dot_general3A {dimension_numbers = #tpu.dot_dimension_numbers<[1], [0], [0], [1], [0, 0, 1, 1], [], []>, transpose_lhs_hint = false} : vector<7936x16xf32>, vector<16x128xf32>, vector<7936x128xf32> -> vector<7936x128xf32>
    %get3A_6 = arith.constant 0 : index
    %get3A_7 = arith.constant 0 : index
    %get3A_8 = vector.load %arg2[%get3A_6, %get3A_7] : memref<7936x16xf32, #tpu.memory_space<vmem>>, vector<7936x16xf32>
    %get3A_9 = arith.constant 0 : index
    %get3A_10 = arith.constant 0 : index
    %get3A_11 = vector.load %arg4[%get3A_9, %get3A_10] : memref<16x128xf32, #tpu.memory_space<vmem>>, vector<16x128xf32>
    %dot_general3A_12 = arith.constant dense<0.000000e+00> : vector<7936x128xf32>
    %dot_general3A_13 = tpu.matmul %get3A_8, %get3A_11, %dot_general3A_12 {dimension_numbers = #tpu.dot_dimension_numbers<[1], [0], [0], [1], [0, 0, 1, 1], [], []>, transpose_lhs_hint = false} : vector<7936x16xf32>, vector<16x128xf32>, vector<7936x128xf32> -> vector<7936x128xf32>
    %add3A = arith.addf %dot_general3A_5, %dot_general3A_13 : vector<7936x128xf32>
    %get3A_14 = arith.constant 0 : index
    %get3A_15 = arith.constant 0 : index
    %get3A_16 = vector.load %arg5[%get3A_14, %get3A_15] : memref<1x128xf32, #tpu.memory_space<vmem>>, vector<1x128xf32>
    %add3A_17 = vector.broadcast %get3A_16 : vector<1x128xf32> to vector<7936x128xf32>
    %add3A_18 = arith.addf %add3A, %add3A_17 : vector<7936x128xf32>
    %swap3A = arith.constant 0 : index
    %swap3A_19 = arith.constant 0 : index
    %swap3A_20 = vector.load %arg6[%swap3A, %swap3A_19] : memref<7936x128xf32, #tpu.memory_space<vmem>>, vector<7936x128xf32>
    tpu.vector_store %arg6[%swap3A, %swap3A_19], %add3A_18 {strides = array<i32>} : memref<7936x128xf32, #tpu.memory_space<vmem>>, vector<7936x128xf32>,
    return
  }
  func.func @transform_0(%arg0: i32) -> (i32, i32) {
    %c0_i32 = arith.constant 0 : i32
    %c0_i32_0 = arith.constant 0 : i32
    return %arg0, %c0_i32 : i32, i32
  }
  func.func @transform_1(%arg0: i32) -> (i32, i32) {
    %c0_i32 = arith.constant 0 : i32
    %c0_i32_0 = arith.constant 0 : i32
    return %arg0, %c0_i32 : i32, i32
  }
  func.func @transform_2(%arg0: i32) -> (i32, i32) {
    %c0_i32 = arith.constant 0 : i32
    %c0_i32_0 = arith.constant 0 : i32
    %c0_i32_1 = arith.constant 0 : i32
    return %c0_i32, %c0_i32_0 : i32, i32
  }
  func.func @transform_3(%arg0: i32) -> (i32, i32) {
    %c0_i32 = arith.constant 0 : i32
    %c0_i32_0 = arith.constant 0 : i32
    %c0_i32_1 = arith.constant 0 : i32
    return %c0_i32, %c0_i32_0 : i32, i32
  }
  func.func @transform_4(%arg0: i32) -> (i32, i32) {
    %c0_i32 = arith.constant 0 : i32
    %c0_i32_0 = arith.constant 0 : i32
    %c0_i32_1 = arith.constant 0 : i32
    return %c0_i32, %c0_i32_0 : i32, i32
  }
  func.func @transform_5(%arg0: i32) -> (i32, i32) {
    %c0_i32 = arith.constant 0 : i32
    %c0_i32_0 = arith.constant 0 : i32
    return %arg0, %c0_i32 : i32, i32
  }
}

module attributes {stable_mosaic.version = 14 : i64} {
  func.func @_e_matmul_body(%arg0: i32, %arg1: memref<8192x16xf32, #tpu.memory_space<vmem>>, %arg2: memref<8192x16xf32, #tpu.memory_space<vmem>>, %arg3: memref<16x128xf32, #tpu.memory_space<vmem>>, %arg4: memref<16x128xf32, #tpu.memory_space<vmem>>, %arg5: memref<1x128xf32, #tpu.memory_space<vmem>>, %arg6: memref<8192x128xf32, #tpu.memory_space<vmem>>) attributes {dimension_semantics = [#tpu.dimension_semantics<arbitrary>], iteration_bounds = array<i64: 10>, scalar_prefetch = 0 : i64, scratch_operands = 0 : i64, tpu.core_type = #tpu.core_type<tc>, window_params = [{transform_indices = @transform_0, window_bounds = array<i64: 8192, 16>}, {transform_indices = @transform_1, window_bounds = array<i64: 8192, 16>}, {pipeline_mode = #tpu.pipeline_mode<synchronous>, transform_indices = @transform_2, window_bounds = array<i64: 16, 128>}, {pipeline_mode = #tpu.pipeline_mode<synchronous>, transform_indices = @transform_3, window_bounds = array<i64: 16, 128>}, {pipeline_mode = #tpu.pipeline_mode<synchronous>, transform_indices = @transform_4, window_bounds = array<i64: 1, 128>}, {transform_indices = @transform_5, window_bounds = array<i64: 8192, 128>}]} {
    %get3A = arith.constant 0 : index
    %get3A_0 = arith.constant 0 : index
    %get3A_1 = vector.load %arg1[%get3A, %get3A_0] : memref<8192x16xf32, #tpu.memory_space<vmem>>, vector<8192x16xf32>
    %get3A_2 = arith.constant 0 : index
    %get3A_3 = arith.constant 0 : index
    %get3A_4 = vector.load %arg3[%get3A_2, %get3A_3] : memref<16x128xf32, #tpu.memory_space<vmem>>, vector<16x128xf32>
    %dot_general3A = arith.constant dense<0.000000e+00> : vector<8192x128xf32>
    %dot_general3A_5 = tpu.matmul %get3A_1, %get3A_4, %dot_general3A {dimension_numbers = #tpu.dot_dimension_numbers<[1], [0], [0], [1], [0, 0, 1, 1], [], []>, transpose_lhs_hint = false} : vector<8192x16xf32>, vector<16x128xf32>, vector<8192x128xf32> -> vector<8192x128xf32>
    %get3A_6 = arith.constant 0 : index
    %get3A_7 = arith.constant 0 : index
    %get3A_8 = vector.load %arg2[%get3A_6, %get3A_7] : memref<8192x16xf32, #tpu.memory_space<vmem>>, vector<8192x16xf32>
    %get3A_9 = arith.constant 0 : index
    %get3A_10 = arith.constant 0 : index
    %get3A_11 = vector.load %arg4[%get3A_9, %get3A_10] : memref<16x128xf32, #tpu.memory_space<vmem>>, vector<16x128xf32>
    %dot_general3A_12 = arith.constant dense<0.000000e+00> : vector<8192x128xf32>
    %dot_general3A_13 = tpu.matmul %get3A_8, %get3A_11, %dot_general3A_12 {dimension_numbers = #tpu.dot_dimension_numbers<[1], [0], [0], [1], [0, 0, 1, 1], [], []>, transpose_lhs_hint = false} : vector<8192x16xf32>, vector<16x128xf32>, vector<8192x128xf32> -> vector<8192x128xf32>
    %add3A = arith.addf %dot_general3A_5, %dot_general3A_13 : vector<8192x128xf32>
    %get3A_14 = arith.constant 0 : index
    %get3A_15 = arith.constant 0 : index
    %get3A_16 = vector.load %arg5[%get3A_14, %get3A_15] : memref<1x128xf32, #tpu.memory_space<vmem>>, vector<1x128xf32>
    %add3A_17 = vector.broadcast %get3A_16 : vector<1x128xf32> to vector<8192x128xf32>
    %add3A_18 = arith.addf %add3A, %add3A_17 : vector<8192x128xf32>
    %swap3A = arith.constant 0 : index
    %swap3A_19 = arith.constant 0 : index
    %swap3A_20 = vector.load %arg6[%swap3A, %swap3A_19] : memref<8192x128xf32, #tpu.memory_space<vmem>>, vector<8192x128xf32>
    tpu.vector_store %arg6[%swap3A, %swap3A_19], %add3A_18 {strides = array<i32>} : memref<8192x128xf32, #tpu.memory_space<vmem>>, vector<8192x128xf32>,
    return
  }
  func.func @transform_0(%arg0: i32) -> (i32, i32) {
    %c0_i32 = arith.constant 0 : i32
    %c0_i32_0 = arith.constant 0 : i32
    return %arg0, %c0_i32 : i32, i32
  }
  func.func @transform_1(%arg0: i32) -> (i32, i32) {
    %c0_i32 = arith.constant 0 : i32
    %c0_i32_0 = arith.constant 0 : i32
    return %arg0, %c0_i32 : i32, i32
  }
  func.func @transform_2(%arg0: i32) -> (i32, i32) {
    %c0_i32 = arith.constant 0 : i32
    %c0_i32_0 = arith.constant 0 : i32
    %c0_i32_1 = arith.constant 0 : i32
    return %c0_i32, %c0_i32_0 : i32, i32
  }
  func.func @transform_3(%arg0: i32) -> (i32, i32) {
    %c0_i32 = arith.constant 0 : i32
    %c0_i32_0 = arith.constant 0 : i32
    %c0_i32_1 = arith.constant 0 : i32
    return %c0_i32, %c0_i32_0 : i32, i32
  }
  func.func @transform_4(%arg0: i32) -> (i32, i32) {
    %c0_i32 = arith.constant 0 : i32
    %c0_i32_0 = arith.constant 0 : i32
    %c0_i32_1 = arith.constant 0 : i32
    return %c0_i32, %c0_i32_0 : i32, i32
  }
  func.func @transform_5(%arg0: i32) -> (i32, i32) {
    %c0_i32 = arith.constant 0 : i32
    %c0_i32_0 = arith.constant 0 : i32
    return %arg0, %c0_i32 : i32, i32
  }
}

module attributes {stable_mosaic.version = 14 : i64} {
  func.func @_finish_body(%arg0: i32, %arg1: memref<2x2000x128xf32, #tpu.memory_space<vmem>>, %arg2: memref<2x2000x128xf32, #tpu.memory_space<vmem>>, %arg3: memref<2x2000x128xf32, #tpu.memory_space<vmem>>, %arg4: memref<2x2000x128xf32, #tpu.memory_space<vmem>>, %arg5: memref<2000x128xf32, #tpu.memory_space<vmem>>, %arg6: memref<128x128xf32, #tpu.memory_space<vmem>>, %arg7: memref<1x128xf32, #tpu.memory_space<vmem>>, %arg8: memref<1x128xf32, #tpu.memory_space<vmem>>, %arg9: memref<1x128xf32, #tpu.memory_space<vmem>>, %arg10: memref<2000x128xf32, #tpu.memory_space<vmem>>, %arg11: memref<2000x128xf32, #tpu.memory_space<vmem>>) attributes {dimension_semantics = [#tpu.dimension_semantics<arbitrary>], iteration_bounds = array<i64: 5>, scalar_prefetch = 0 : i64, scratch_operands = 0 : i64, tpu.core_type = #tpu.core_type<tc>, window_params = [{transform_indices = @transform_0, window_bounds = array<i64: 2, 2000, 128>}, {transform_indices = @transform_1, window_bounds = array<i64: 2, 2000, 128>}, {transform_indices = @transform_2, window_bounds = array<i64: 2, 2000, 128>}, {transform_indices = @transform_3, window_bounds = array<i64: 2, 2000, 128>}, {transform_indices = @transform_4, window_bounds = array<i64: 2000, 128>}, {pipeline_mode = #tpu.pipeline_mode<synchronous>, transform_indices = @transform_5, window_bounds = array<i64: 128, 128>}, {pipeline_mode = #tpu.pipeline_mode<synchronous>, transform_indices = @transform_6, window_bounds = array<i64: 1, 128>}, {pipeline_mode = #tpu.pipeline_mode<synchronous>, transform_indices = @transform_7, window_bounds = array<i64: 1, 128>}, {pipeline_mode = #tpu.pipeline_mode<synchronous>, transform_indices = @transform_8, window_bounds = array<i64: 1, 128>}, {transform_indices = @transform_9, window_bounds = array<i64: 2000, 128>}, {transform_indices = @transform_10, window_bounds = array<i64: 2000, 128>}]} {
    %get3A = arith.constant 0 : index
    %get3A_0 = arith.constant 0 : index
    %get3A_1 = arith.constant 0 : index
    %get3A_2 = vector.load %arg1[%get3A, %get3A_0, %get3A_1] : memref<2x2000x128xf32, #tpu.memory_space<vmem>>, vector<1x2000x128xf32>
    %get3A_3 = vector.shape_cast %get3A_2 : vector<1x2000x128xf32> to vector<2000x128xf32>
    %get3A_4 = arith.constant 1 : index
    %get3A_5 = arith.constant 0 : index
    %get3A_6 = arith.constant 0 : index
    %get3A_7 = vector.load %arg1[%get3A_4, %get3A_5, %get3A_6] : memref<2x2000x128xf32, #tpu.memory_space<vmem>>, vector<1x2000x128xf32>
    %get3A_8 = vector.shape_cast %get3A_7 : vector<1x2000x128xf32> to vector<2000x128xf32>
    %add3A = arith.addf %get3A_3, %get3A_8 : vector<2000x128xf32>
    %get3A_9 = arith.constant 0 : index
    %get3A_10 = arith.constant 0 : index
    %get3A_11 = arith.constant 0 : index
    %get3A_12 = vector.load %arg2[%get3A_9, %get3A_10, %get3A_11] : memref<2x2000x128xf32, #tpu.memory_space<vmem>>, vector<1x2000x128xf32>
    %get3A_13 = vector.shape_cast %get3A_12 : vector<1x2000x128xf32> to vector<2000x128xf32>
    %add3A_14 = arith.addf %add3A, %get3A_13 : vector<2000x128xf32>
    %get3A_15 = arith.constant 1 : index
    %get3A_16 = arith.constant 0 : index
    %get3A_17 = arith.constant 0 : index
    %get3A_18 = vector.load %arg2[%get3A_15, %get3A_16, %get3A_17] : memref<2x2000x128xf32, #tpu.memory_space<vmem>>, vector<1x2000x128xf32>
    %get3A_19 = vector.shape_cast %get3A_18 : vector<1x2000x128xf32> to vector<2000x128xf32>
    %add3A_20 = arith.addf %add3A_14, %get3A_19 : vector<2000x128xf32>
    %get3A_21 = arith.constant 0 : index
    %get3A_22 = arith.constant 0 : index
    %get3A_23 = arith.constant 0 : index
    %get3A_24 = vector.load %arg3[%get3A_21, %get3A_22, %get3A_23] : memref<2x2000x128xf32, #tpu.memory_space<vmem>>, vector<1x2000x128xf32>
    %get3A_25 = vector.shape_cast %get3A_24 : vector<1x2000x128xf32> to vector<2000x128xf32>
    %add3A_26 = arith.addf %add3A_20, %get3A_25 : vector<2000x128xf32>
    %get3A_27 = arith.constant 1 : index
    %get3A_28 = arith.constant 0 : index
    %get3A_29 = arith.constant 0 : index
    %get3A_30 = vector.load %arg3[%get3A_27, %get3A_28, %get3A_29] : memref<2x2000x128xf32, #tpu.memory_space<vmem>>, vector<1x2000x128xf32>
    %get3A_31 = vector.shape_cast %get3A_30 : vector<1x2000x128xf32> to vector<2000x128xf32>
    %add3A_32 = arith.addf %add3A_26, %get3A_31 : vector<2000x128xf32>
    %get3A_33 = arith.constant 0 : index
    %get3A_34 = arith.constant 0 : index
    %get3A_35 = arith.constant 0 : index
    %get3A_36 = vector.load %arg4[%get3A_33, %get3A_34, %get3A_35] : memref<2x2000x128xf32, #tpu.memory_space<vmem>>, vector<1x2000x128xf32>
    %get3A_37 = vector.shape_cast %get3A_36 : vector<1x2000x128xf32> to vector<2000x128xf32>
    %add3A_38 = arith.addf %add3A_32, %get3A_37 : vector<2000x128xf32>
    %get3A_39 = arith.constant 1 : index
    %get3A_40 = arith.constant 0 : index
    %get3A_41 = arith.constant 0 : index
    %get3A_42 = vector.load %arg4[%get3A_39, %get3A_40, %get3A_41] : memref<2x2000x128xf32, #tpu.memory_space<vmem>>, vector<1x2000x128xf32>
    %get3A_43 = vector.shape_cast %get3A_42 : vector<1x2000x128xf32> to vector<2000x128xf32>
    %add3A_44 = arith.addf %add3A_38, %get3A_43 : vector<2000x128xf32>
    %get3A_45 = arith.constant 0 : index
    %get3A_46 = arith.constant 0 : index
    %get3A_47 = vector.load %arg5[%get3A_45, %get3A_46] : memref<2000x128xf32, #tpu.memory_space<vmem>>, vector<2000x128xf32>
    %add3A_48 = arith.addf %add3A_44, %get3A_47 : vector<2000x128xf32>
    %get3A_49 = arith.constant 0 : index
    %get3A_50 = arith.constant 0 : index
    %get3A_51 = vector.load %arg6[%get3A_49, %get3A_50] : memref<128x128xf32, #tpu.memory_space<vmem>>, vector<128x128xf32>
    %dot_general3A = arith.constant dense<0.000000e+00> : vector<2000x128xf32>
    %dot_general3A_52 = tpu.matmul %add3A_48, %get3A_51, %dot_general3A {dimension_numbers = #tpu.dot_dimension_numbers<[1], [0], [0], [1], [0, 0, 1, 1], [], []>, transpose_lhs_hint = false} : vector<2000x128xf32>, vector<128x128xf32>, vector<2000x128xf32> -> vector<2000x128xf32>
    %get3A_53 = arith.constant 0 : index
    %get3A_54 = arith.constant 0 : index
    %get3A_55 = vector.load %arg7[%get3A_53, %get3A_54] : memref<1x128xf32, #tpu.memory_space<vmem>>, vector<1x128xf32>
    %add3A_56 = vector.broadcast %get3A_55 : vector<1x128xf32> to vector<2000x128xf32>
    %add3A_57 = arith.addf %dot_general3A_52, %add3A_56 : vector<2000x128xf32>
    %reduce_sum3A = arith.constant dense<0.000000e+00> : vector<2000xf32>
    %reduce_sum3A_58 = vector.multi_reduction <add>, %add3A_57, %reduce_sum3A [1] : vector<2000x128xf32> to vector<2000xf32>
    %broadcast_in_dim3A = vector.shape_cast %reduce_sum3A_58 : vector<2000xf32> to vector<2000x1xf32>
    %div3A = arith.constant 1.280000e+02 : f32
    %div3A_59 = vector.broadcast %div3A : f32 to vector<2000x1xf32>
    %div3A_60 = arith.divf %broadcast_in_dim3A, %div3A_59 : vector<2000x1xf32>
    %sub3A = vector.broadcast %div3A_60 : vector<2000x1xf32> to vector<2000x128xf32>
    %sub3A_61 = arith.subf %add3A_57, %sub3A : vector<2000x128xf32>
    %integer_pow3A = arith.mulf %sub3A_61, %sub3A_61 : vector<2000x128xf32>
    %reduce_sum3A_62 = arith.constant dense<0.000000e+00> : vector<2000xf32>
    %reduce_sum3A_63 = vector.multi_reduction <add>, %integer_pow3A, %reduce_sum3A_62 [1] : vector<2000x128xf32> to vector<2000xf32>
    %broadcast_in_dim3A_64 = vector.shape_cast %reduce_sum3A_63 : vector<2000xf32> to vector<2000x1xf32>
    %div3A_65 = arith.constant 1.280000e+02 : f32
    %div3A_66 = vector.broadcast %div3A_65 : f32 to vector<2000x1xf32>
    %div3A_67 = arith.divf %broadcast_in_dim3A_64, %div3A_66 : vector<2000x1xf32>
    %sub3A_68 = vector.broadcast %div3A_60 : vector<2000x1xf32> to vector<2000x128xf32>
    %sub3A_69 = arith.subf %add3A_57, %sub3A_68 : vector<2000x128xf32>
    %add3A_70 = arith.constant 9.99999974E-6 : f32
    %add3A_71 = vector.broadcast %add3A_70 : f32 to vector<2000x1xf32>
    %add3A_72 = arith.addf %div3A_67, %add3A_71 : vector<2000x1xf32>
    %sqrt3A = math.sqrt %add3A_72 : vector<2000x1xf32>
    %div3A_73 = vector.broadcast %sqrt3A : vector<2000x1xf32> to vector<2000x128xf32>
    %div3A_74 = arith.divf %sub3A_69, %div3A_73 : vector<2000x128xf32>
    %get3A_75 = arith.constant 0 : index
    %get3A_76 = arith.constant 0 : index
    %get3A_77 = vector.load %arg8[%get3A_75, %get3A_76] : memref<1x128xf32, #tpu.memory_space<vmem>>, vector<1x128xf32>
    %mul3A = vector.broadcast %get3A_77 : vector<1x128xf32> to vector<2000x128xf32>
    %mul3A_78 = arith.mulf %div3A_74, %mul3A : vector<2000x128xf32>
    %get3A_79 = arith.constant 0 : index
    %get3A_80 = arith.constant 0 : index
    %get3A_81 = vector.load %arg9[%get3A_79, %get3A_80] : memref<1x128xf32, #tpu.memory_space<vmem>>, vector<1x128xf32>
    %add3A_82 = vector.broadcast %get3A_81 : vector<1x128xf32> to vector<2000x128xf32>
    %add3A_83 = arith.addf %mul3A_78, %add3A_82 : vector<2000x128xf32>
    %max3A = arith.constant 0.000000e+00 : f32
    %max3A_84 = vector.broadcast %max3A : f32 to vector<2000x128xf32>
    %max3A_85 = arith.maximumf %add3A_83, %max3A_84 : vector<2000x128xf32>
    %get3A_86 = arith.constant 0 : index
    %get3A_87 = arith.constant 0 : index
    %get3A_88 = vector.load %arg10[%get3A_86, %get3A_87] : memref<2000x128xf32, #tpu.memory_space<vmem>>, vector<2000x128xf32>
    %mul3A_89 = arith.mulf %max3A_85, %get3A_88 : vector<2000x128xf32>
    %mul3A_90 = arith.constant 1.11111116 : f32
    %mul3A_91 = vector.broadcast %mul3A_90 : f32 to vector<2000x128xf32>
    %mul3A_92 = arith.mulf %mul3A_89, %mul3A_91 : vector<2000x128xf32>
    %swap3A = arith.constant 0 : index
    %swap3A_93 = arith.constant 0 : index
    %swap3A_94 = vector.load %arg11[%swap3A, %swap3A_93] : memref<2000x128xf32, #tpu.memory_space<vmem>>, vector<2000x128xf32>
    tpu.vector_store %arg11[%swap3A, %swap3A_93], %mul3A_92 {strides = array<i32>} : memref<2000x128xf32, #tpu.memory_space<vmem>>, vector<2000x128xf32>,
    return
  }
  func.func @transform_0(%arg0: i32) -> (i32, i32, i32) {
    %c0_i32 = arith.constant 0 : i32
    %c0_i32_0 = arith.constant 0 : i32
    %c0_i32_1 = arith.constant 0 : i32
    return %c0_i32, %arg0, %c0_i32_0 : i32, i32, i32
  }
  func.func @transform_1(%arg0: i32) -> (i32, i32, i32) {
    %c0_i32 = arith.constant 0 : i32
    %c0_i32_0 = arith.constant 0 : i32
    %c0_i32_1 = arith.constant 0 : i32
    return %c0_i32, %arg0, %c0_i32_0 : i32, i32, i32
  }
  func.func @transform_2(%arg0: i32) -> (i32, i32, i32) {
    %c0_i32 = arith.constant 0 : i32
    %c0_i32_0 = arith.constant 0 : i32
    %c0_i32_1 = arith.constant 0 : i32
    return %c0_i32, %arg0, %c0_i32_0 : i32, i32, i32
  }
  func.func @transform_3(%arg0: i32) -> (i32, i32, i32) {
    %c0_i32 = arith.constant 0 : i32
    %c0_i32_0 = arith.constant 0 : i32
    %c0_i32_1 = arith.constant 0 : i32
    return %c0_i32, %arg0, %c0_i32_0 : i32, i32, i32
  }
  func.func @transform_4(%arg0: i32) -> (i32, i32) {
    %c0_i32 = arith.constant 0 : i32
    %c0_i32_0 = arith.constant 0 : i32
    return %arg0, %c0_i32 : i32, i32
  }
  func.func @transform_5(%arg0: i32) -> (i32, i32) {
    %c0_i32 = arith.constant 0 : i32
    %c0_i32_0 = arith.constant 0 : i32
    %c0_i32_1 = arith.constant 0 : i32
    return %c0_i32, %c0_i32_0 : i32, i32
  }
  func.func @transform_6(%arg0: i32) -> (i32, i32) {
    %c0_i32 = arith.constant 0 : i32
    %c0_i32_0 = arith.constant 0 : i32
    %c0_i32_1 = arith.constant 0 : i32
    return %c0_i32, %c0_i32_0 : i32, i32
  }
  func.func @transform_7(%arg0: i32) -> (i32, i32) {
    %c0_i32 = arith.constant 0 : i32
    %c0_i32_0 = arith.constant 0 : i32
    %c0_i32_1 = arith.constant 0 : i32
    return %c0_i32, %c0_i32_0 : i32, i32
  }
  func.func @transform_8(%arg0: i32) -> (i32, i32) {
    %c0_i32 = arith.constant 0 : i32
    %c0_i32_0 = arith.constant 0 : i32
    %c0_i32_1 = arith.constant 0 : i32
    return %c0_i32, %c0_i32_0 : i32, i32
  }
  func.func @transform_9(%arg0: i32) -> (i32, i32) {
    %c0_i32 = arith.constant 0 : i32
    %c0_i32_0 = arith.constant 0 : i32
    return %arg0, %c0_i32 : i32, i32
  }
  func.func @transform_10(%arg0: i32) -> (i32, i32) {
    %c0_i32 = arith.constant 0 : i32
    %c0_i32_0 = arith.constant 0 : i32
    return %arg0, %c0_i32 : i32, i32
  }
}

</mosaic_0001>

<sc_bundles>
// kernel: kernel.12.cloned.1.call-start
scs
__scs_entry_jumppad:
0x0: {  	(pc) =	sbr.rel $0x88, $3  }
0x1: {  	(tag) =	ssettag $0x0;
	lr =	simm.s32 $0x1  }
0x2: {  	[smem:$0x3F96] =	sst lr;
	_ =	strace $0xD0000000  }
0x3: {  	_ = 	snop  }
0x4: {  	_ = 	snop  }
0x5: {  	_ = 	snop  }
0x6: {  	_ = 	snop  }
0x7: {  	_ = 	snop  }
__scs_overlays_trampoline_lowered:
0x8: {  	[smem:$0x3FA5] =	sst s0  }
0x9: {  	[smem:$0x3FA6] =	sst s1  }
0xa: {  	[smem:$0x3FA7] =	sst s2  }
0xb: {  	[smem:$0x3FA8] =	sst s3  }
0xc: {  	[smem:$0x3FA9] =	sst s4  }
0xd: {  	[smem:$0x3FAA] =	sst s5  }
0xe: {  	[smem:$0x3FAB] =	sst s6  }
0xf: {  	[smem:$0x3FAC] =	sst s7  }
0x10: {  	[smem:$0x3FAD] =	sst s8  }
0x11: {  	[smem:$0x3FAE] =	sst s9;
	s0 =	simm.s32 @!p0 $0x0  }
0x12: {  	s1 =	sld [smem:$0x3F94];
	s0 =	simm.s32 @p0 $0x1  }
0x13: {  	[smem:$0x3FAF] =	sst s0;
	s0 =	simm.s32 @!p1 $0x0  }
0x14: {  	s2 =	sld [smem:$0x3F93];
	s0 =	simm.s32 @p1 $0x1  }
0x15: {  	[smem:$0x3FB0] =	sst s0;
	s0 =	simm.s32 @!p2 $0x0  }
0x16: {  	s3 =	sld [smem:$0x3FDB];
	s0 =	simm.s32 @p2 $0x1  }
0x17: {  	s4 =	simm.s32 $0x1BF5;
	[smem:$0x3FB2] =	sst s0  }
0x18: {  	s0 =	sld [smem:$0x3F95];
	_ =	swait.ge [sflag:s4], $0x0  }
0x19: {  	s7 =	sld [smem:$0x3F96]  }
0x1a: {  	s8 =	sadd.s32 $0xFFFFE003, lr  }
0x1b: {  	s9 =	sadd.s32 $0xFFFFFEF7, lr;
	s5 =	simm.s32 $0xFFFFFFFF;
	p2 =	slt.u32 s8, $0xFFFFF086  }
0x1c: {  	p1 =	slt.u32 s9, $0xF7A;
	s5 =	simm.s32 @!p2 $0x0  }
0x1d: {  	s5 =	simm.s32 @p1 $0x1;
	p0 =	seq.s32 s7, s2  }
0x1e: {  	s7 =	smul.u32 @!p0 $0xF7A, s2;
	p2 =	seq.s32 @!p0 s5, $0x0  }
0x1f: {  	s9 =	smul.u32 $0xF7A, s1;
	s8 =	simm.s32 @!p0 $0x1BF5;
	p2 =	por !p2, p0  }
0x20: {  	[sflag:s8] =	ssyncset.s32 @!p0 $0xFFFFF086;
	s6 =	sadd.s32 @!p0 s3, s7;
	s7 =	simm.s32 @!p0 $0x108  }
0x21: {  	s3 =	sadd.s32 s3, s9;
	s6 =	sadd.s32 @!p0 $0x88, s6;
	s7 =	simm.s32 @p2 $0x1082  }
0x22: {  	[simem:s7], [sflag:s8] =	dma.local @!p0 [hbm:s6], $0xF7A  }
0x23: {  	s9 =	sor.u32 $0xD0000000, s2;
	s6 =	simm.s32 $0x108;
	_ =	swait.ge @!p0 [sflag:s8], $0x0  }
0x24: {  	s3 =	sadd.s32 $0x88, s3;
	s6 =	simm.s32 @!p1 $0x1082;
	[sflag:s4] =	ssyncset.s32 $0xFFFFF086  }
0x25: {  	[simem:s6], [sflag:s4] =	dma.local [hbm:s3], $0xF7A  }
0x26: {  	[smem:$0x3F96] =	sst s1;
	(tag) =	ssettag s2;
	_ =	strace s9  }
0x27: {  	s1 =	sld [smem:$0x3FA6]  }
0x28: {  	s2 =	sld [smem:$0x3FA7]  }
0x29: {  	s4 =	sld [smem:$0x3FA9]  }
0x2a: {  	p0 =	seq.s32 s5, $0x0;
	s5 =	sld [smem:$0x3FAA]  }
0x2b: {  	s6 =	sld [smem:$0x3FAB]  }
0x2c: {  	s7 =	sld [smem:$0x3FAC]  }
0x2d: {  	s3 =	simm.s32 $0x108;
	s8 =	sld [smem:$0x3FAD]  }
0x2e: {  	s3 =	simm.s32 @!p0 $0x1082;
	s9 =	sld [smem:$0x3FAE]  }
0x2f: {  	lr =	sadd.s32 s0, s3;
	s0 =	sld [smem:$0x3FA5]  }
0x30: {  	s3 =	sld [smem:$0x3FA8]  }
0x31: {  	[smem:$0x3FB1] =	sst s10  }
0x32: {  	s10 =	sld [smem:$0x3FAF];
	_ =	sdelay $0x3  }
0x33: {  	p0 =	seq.s32 s10, $0x1;
	s10 =	sld [smem:$0x3FB1];
	_ =	sdelay $0x3  }
0x34: {  	[smem:$0x3FB1] =	sst s10  }
0x35: {  	s10 =	sld [smem:$0x3FB0];
	_ =	sdelay $0x3  }
0x36: {  	p1 =	seq.s32 s10, $0x1;
	s10 =	sld [smem:$0x3FB1];
	_ =	sdelay $0x3  }
0x37: {  	[smem:$0x3FB1] =	sst s10  }
0x38: {  	s10 =	sld [smem:$0x3FB2]  }
0x39: {  	_ = 	snop;
	(pc) =	sbr.ind lr, $3  }
0x3a: {  	_ = 	snop  }
0x3b: {  	_ = 	snop  }
0x3c: {  	p2 =	seq.s32 s10, $0x1;
	s10 =	sld [smem:$0x3FB1]  }
0x3d: {  	_ =	shalt  }
0x3e: {  	_ =	shalt  }
0x3f: {  	_ =	shalt  }
0x40: {  	_ =	shalt  }
0x41: {  	_ =	shalt  }
0x42: {  	_ =	shalt  }
0x43: {  	_ =	shalt  }
0x44: {  	_ =	shalt  }
0x45: {  	_ =	shalt  }
0x46: {  	_ =	shalt  }
0x47: {  	_ =	shalt  }
0x48: {  	_ =	shalt  }
0x49: {  	_ =	shalt  }
0x4a: {  	_ =	shalt  }
0x4b: {  	_ =	shalt  }
0x4c: {  	_ =	shalt  }
0x4d: {  	_ =	shalt  }
0x4e: {  	_ =	shalt  }
0x4f: {  	_ =	shalt  }
0x50: {  	_ =	shalt  }
0x51: {  	_ =	shalt  }
0x52: {  	_ =	shalt  }
0x53: {  	_ =	shalt  }
0x54: {  	_ =	shalt  }
0x55: {  	_ =	shalt  }
0x56: {  	_ =	shalt  }
0x57: {  	_ =	shalt  }
0x58: {  	_ =	shalt  }
0x59: {  	_ =	shalt  }
0x5a: {  	_ =	shalt  }
0x5b: {  	_ =	shalt  }
0x5c: {  	_ =	shalt  }
0x5d: {  	_ =	shalt  }
0x5e: {  	_ =	shalt  }
0x5f: {  	_ =	shalt  }
0x60: {  	_ =	shalt  }
0x61: {  	_ =	shalt  }
0x62: {  	_ =	shalt  }
0x63: {  	_ =	shalt  }
0x64: {  	_ =	shalt  }
0x65: {  	_ =	shalt  }
0x66: {  	_ =	shalt  }
0x67: {  	_ =	shalt  }
0x68: {  	_ =	shalt  }
0x69: {  	_ =	shalt  }
0x6a: {  	_ =	shalt  }
0x6b: {  	_ =	shalt  }
0x6c: {  	_ =	shalt  }
0x6d: {  	_ =	shalt  }
0x6e: {  	_ =	shalt  }
0x6f: {  	_ =	shalt  }
0x70: {  	_ =	shalt  }
0x71: {  	_ =	shalt  }
0x72: {  	_ =	shalt  }
0x73: {  	_ =	shalt  }
0x74: {  	_ =	shalt  }
0x75: {  	_ =	shalt  }
0x76: {  	_ =	shalt  }
0x77: {  	_ =	shalt  }
0x78: {  	_ =	shalt  }
0x79: {  	_ =	shalt  }
0x7a: {  	_ =	shalt  }
0x7b: {  	_ =	shalt  }
0x7c: {  	_ =	shalt  }
0x7d: {  	_ =	shalt  }
0x7e: {  	_ =	shalt  }
0x7f: {  	_ =	shalt  }
0x80: {  	_ =	shalt  }
0x81: {  	_ =	shalt  }
0x82: {  	_ =	shalt  }
0x83: {  	_ =	shalt  }
0x84: {  	_ =	shalt  }
0x85: {  	_ =	shalt  }
0x86: {  	_ =	shalt  }
0x87: {  	_ =	shalt  }
.Lfunc_end0:
.L_simem_size_0:
called_computation_lowered:
.L_overlay_start_0:
0x88: {  	s2 =	sld [smem:$0x3FD9]  }
0x89: {  	s3 =	sld [smem:$0x3FFE];
	_ =	sdelay $0x1  }
0x8a: {  	s1 =	srdreg.scid  }
0x8b: {  	s0 =	sand.u32 $0x1, s1  }
0x8c: {  	s17 =	sshll.u32 s0, $0xA;
	s2 =	sadd.s32 s3, s2  }
0x8d: {  	s2 =	sadd.s32 s2, s17  }
0x8e: {  	[smem:$0x3FBD] =	sst s2  }
0x8f: {  	_ = 	snop  }
0x90: {  	s18 =	sld [smem:$0x3FD0];
	(tm) =	ssettm $0x1  }
0x91: {  	s19 =	sld [smem:$0x3FFB];
	_ =	sdelay $0x3  }
0x92: {  	_ =	strace s19  }
0x93: {  	s2 =	sld [smem:$0x3FFC];
	_ =	sdelay $0x3  }
0x94: {  	_ =	strace s2  }
0x95: {  	s2 =	sld [smem:$0x3FFD];
	_ =	sdelay $0x3  }
0x96: {  	_ =	strace s2  }
0x97: {  	_ =	strace $0x8FFFFFFF  }
0x98: {  	s20 =	sld [smem:$0x3FDB];
	_ =	sdelay $0x1  }
0x99: {  	s4 =	simm.s32 $_scs_section_size  }
0x9a: {  	s5 =	simm.s32 $_size__tile_overlayer_lowered;
	s6 =	simm.s32 $_tile_overlayer_lowered  }
0x9b: {  	s7 =	simm.s32 $0x1BFF;
	s21 =	sshll.u32 s6, $0x1;
	s4 =	sadd.s32 s4, s20  }
0x9c: {  	s22 =	simm.s32 $0x0;
	s5 =	sshll.u32 s5, $0x1;
	s6 =	sadd.s32 s21, s4  }
0x9d: {  	[timem:s22], [sflag:s7] =	dma.local [hbm:s6], s5  }
0x9e: {  	_ =	swait.ge [sflag:s7], s5  }
0x9f: {  	s5 =	ssub.s32 $0x0, s5;
	[sflag:s7] =	ssyncset.done $0x0  }
0xa0: {  	[sflag:s7] =	ssyncadd.s32 s5;
	_ =	sdelay $0x1  }
0xa1: {  	s23 =	simm.s32 $0x1B8B  }
0xa2: {  	_ =	swait.ge [sflag:s23], $0x1  }
0xa3: {  	[sflag:s23] =	ssyncset.done $0x0  }
0xa4: {  	[sflag:s23] =	ssyncadd.s32 $0xFFFFFFFF  }
0xa5: {  	s5 =	sld [smem:$0x0]  }
0xa6: {  	s6 =	sand.u32 $0xFFFFFFFE, s1  }
0xa7: {  	p0 =	sne.s32 s1, s6  }
0xa8: {  	s6 =	sshll.u32 @p0 s6, $0xE  }
0xa9: {  	s6 =	sadd.s32 @p0 $0x11B8D, s6;
	s7 =	sshll.u32 @p0 s5, $0x11  }
0xaa: {  	s6 =	sor.u32 @p0 s7, s6  }
0xab: {  	[sflag:s6] =	ssyncadd.remote.s32 @p0 $0x1;
	_ =	sdelay $0x1  }
0xac: {  	s6 =	simm.s32 @p0 $0x1B8D  }
0xad: {  	_ =	swait.eq @p0 [sflag:s6], $0x1  }
0xae: {  	[sflag:s6] =	ssyncadd.s32 @p0 $0xFFFFFFFF  }
0xaf: {  	s7 =	sshll.u32 @!p0 s1, $0xE  }
0xb0: {  	s7 =	sor.u32 @!p0 $0x4000, s7;
	s6 =	simm.s32 @!p0 $0x1B8D  }
0xb1: {  	s5 =	sshll.u32 @!p0 s5, $0x11;
	s7 =	sadd.s32 @!p0 $0x11B8D, s7;
	_ =	swait.eq @!p0 [sflag:s6], $0x1  }
0xb2: {  	s5 =	sor.u32 @!p0 s5, s7;
	[sflag:s6] =	ssyncadd.s32 @!p0 $0xFFFFFFFF  }
0xb3: {  	s25 =	simm.s32 $0x1B8E;
	s24 =	sld [smem:$0x3FFE];
	[sflag:s5] =	ssyncadd.remote.s32 @!p0 $0x1  }
0xb4: {  	s26 =	simm.s32 $execute0_lowered;
	[smem:$0x3FD2] =	sst s25  }
0xb5: {  	s6 =	sshll.u32 s26, $0x1;
	_ =	strace $0x8000004C;
	[dreg:$0x1] =	wrdreg $0xFFFFFFFF  }
0xb6: {  	s28 =	simm.s32 $_size_execute0_lowered;
	s4 =	sadd.s32 s4, s6;
	[dreg:$0x0] =	wrdreg $0x0  }
0xb7: {  	s6 =	sshll.u32 s28, $0x1;
	[dreg:$0x2] =	wrdreg s4  }
0xb8: {  	[dreg:$0x3] =	wrdreg s6  }
0xb9: {  	[dreg:$0x4] =	wrdreg $0xC0  }
0xba: {  	_ =	task [dreg:s22], $0x5FFFF  }
0xbb: {  	[dreg:$0x1] =	wrdreg $0xFFFFFFFF  }
0xbc: {  	[dreg:$0x0] =	wrdreg $0x60  }
0xbd: {  	[dreg:$0x2] =	wrdreg s18  }
0xbe: {  	[dreg:$0x3] =	wrdreg s24  }
0xbf: {  	[dreg:$0x4] =	wrdreg $0xA2000  }
0xc0: {  	[dreg:$0x5] =	wrdreg $0x9  }
0xc1: {  	_ =	task.clear_ibuf [dreg:s22], $0x6FFFF;
	_ =	strace $0x9000004C  }
0xc2: {  	s29 =	simm.s32 $0x9;
	_ =	strace $0x8000004E  }
0xc3: {  	_ =	swait.ge [sflag:s29], $0x1  }
0xc4: {  	[sflag:s29] =	ssyncadd.s32 $0xFFFFFFFF  }
0xc5: {  	_ =	strace $0x9000004E  }
0xc6: {  	_ =	sfence  }
0xc7: {  	s30 =	sld [smem:$0x0];
	_ =	sdelay $0x2  }
0xc8: {  	s31 =	sshll.u32 s1, $0xD;
	s1 =	sshrl.u32 s1, $0x2  }
0xc9: {  	s4 =	sand.u32 $0x4000, s31;
	s1 =	sadd.s32 s1, s30  }
0xca: {  	s0 =	sor.u32 s4, s0;
	s1 =	sshll.u32 s1, $0x11  }
0xcb: {  	s0 =	sor.u32 s1, s0  }
0xcc: {  	s0 =	sadd.s32 $0x8F2B, s0  }
0xcd: {  	[sflag:s0] =	ssyncadd.remote.s32 $0x1  }
0xce: {  	_ =	sfence.sel $0xFFFF  }
0xcf: {  	[dreg:$0x0] =	wrdreg $0xFFFFFFFF;
	(pc) =	sbr.abs _section_cstart, $3  }
0xd0: {  	[dreg:$0x1] =	wrdreg $0xFFFFFFFF  }
0xd1: {  	_ =	task.clear_ibuf [dreg:s22], $0x2FFFF;
	_ =	strace $0x9FFFFFFF  }
0xd2: {  	(tm) =	ssettm $0x7FFFFFFF  }
0xd3: {  	_ =	shalt  }
tec
execute0_lowered:
.L_overlay_start_1:
0x0: {  	(tag) =	ssettag $0x1  }
0x1: {  	s1 =	rddreg [dreg:$0x0]  }
0x2: {  	s0 =	rddreg [dreg:$0x1]  }
0x3: {  	s2 =	rddreg [dreg:$0x2];
	s4 =	simm.s32 $0x0;
	s3 =	srdreg.scid  }
0x4: {  	s15 =	stileid.u32;
	s17 =	simm.s32 $0x100;
	s28 =	simm.s32 $0x3  }
0x5: {  	s29 =	simm.s32 $0x5;
	s30 =	simm.s32 $0x80;
	s31 =	simm.s32 $0x4  }
0x6: {  	[smem:$0x7FF] =	sst s4;
	s3 =	sand.u32 $0x1, s3;
	s8 =	smul.u32 $0x14000, s15  }
0x7: {  	s5 =	sadd.s32 $0x6E7000, s0;
	s13 =	smul.u32 $0x50000, s15;
	s6 =	sshll.u32 s3, $0x4  }
0x8: {  	s23 =	sshll.u32 s15, $0x6;
	s9 =	smul.u32 $0x140000, s3;
	s10 =	sor.u32 s15, s6  }
0x9: {  	_ =	strace $0x8000004D;
	s3 =	ssub.s32 $0x2, s3;
	s7 =	smul.u32 $0x9B0, s10  }
0xa: {  	s11 =	sshrl.u32 s8, $0x3;
	s9 =	sadd.s32 s8, s9;
	s8 =	smul.u32 $0x1F, s10  }
0xb: {  	s6 =	sadd.s32 $0x33D400, s0;
	s19 =	sshrl.u32 s3, $0x1;
	s12 =	smul.u32 $0x1F00, s10  }
0xc: {  	s13 =	sshrl.u32 s13, $0x2;
	s11 =	sadd.s32 s11, s0;
	s20 =	smul.u32 $0x3E0, s10  }
0xd: {  	s3 =	ssub.s32 s3, s19;
	s14 =	smul.u32 $0x4D800, s10;
	s22 =	sadd.s32 s13, s2  }
0xe: {  	s10 =	smul.u32 $0x9B00, s10;
	s19 =	simm.s32 $0x7;
	s9 =	sshrl.u32 s9, $0x3  }
0xf: {  	s11 =	sadd.s32 $0x55000, s11;
	s16 =	smax.u32 s3, $0x1;
	s18 =	sshrl.u32 s22, $0x3  }
0x10: {  	s22 =	simm.s32 $0x200;
	s3 =	simm.s32 $0x180;
	s0 =	sadd.s32 s9, s0  }
0x11: {  	s12 =	sshrl.u32 s12, $0x3;
	s9 =	sadd.s32 s6, s20;
	s24 =	sshrl.u32 s14, $0x3  }
0x12: {  	[dreg:$0x6] =	wrdreg s11;
	s10 =	sadd.s32 s5, s10;
	s20 =	simm.s32 $0x1  }
0x13: {  	s12 =	sadd.s32 s6, s12;
	[dreg:$0x4] =	wrdreg s9;
	s25 =	sadd.s32 s5, s24  }
0x14: {  	[dreg:$0x7] =	wrdreg s10;
	s0 =	sadd.s32 $0x47B000, s0;
	s24 =	simm.s32 $0x2  }
0x15: {  	s9 =	simm.s32 $0x0;
	s21 =	sadd.s32 $0x20, s12;
	s12 =	sor.u32 $0x1C07, s23  }
0x16: {  	s26 =	sadd.s32 $0x500, s25;
	[dreg:$0x9] =	wrdreg s0;
	s23 =	simm.s32 $0x5200  }
0x17: {  	s25 =	simm.s32 $0x2A00;
	s0 =	simm.s32 $0x6;
	[dreg:$0x5] =	wrdreg s21  }
0x18: {  	[dreg:$0x8] =	wrdreg s26;
	s21 =	simm.s32 $0x50;
	s26 =	simm.s32 $0x7A00  }
.LBB2_1:
0x19: {  	s10 =	rddreg [dreg:$0x4]  }
0x1a: {  	s11 =	rddreg [dreg:$0x5]  }
0x1b: {  	[tilespmem:s4], [sflag:$0x1] =	stream.linear.gather [hbm4b:s10+s4], $0x100, $0x38;
	[tilespmem:$0x1E200] =	vst v63  }
0x1c: {  	s13 =	rddreg [dreg:$0x6]  }
0x1d: {  	[tilespmem:s17], [sflag:$0x2] =	stream.linear.gather [hbm4b:s11+s4], $0x100, $0x38;
	[tilespmem:$0x1E200] =	vst v63  }
0x1e: {  	[spmem:s18], [sflag:s12] =	dma.local [hbm:s13], $0x2800  }
0x1f: {  	_ =	swait.ge [sflag:s19], $0x2800  }
0x20: {  	[sflag:s19] =	ssyncset.done $0x0  }
0x21: {  	[sflag:s19] =	ssyncadd.s32 $0xFFFFD800  }
0x22: {  	_ =	swait.ge [sflag:s20], $0x100  }
0x23: {  	[sflag:s20] =	ssyncset.done $0x0  }
0x24: {  	[sflag:s20] =	ssyncadd.s32 $0xFFFFFF00  }
0x25: {  	[tilespmem:s22], [sflag:$0x3] =	stream.indirect.gather [hbm4b:s1+s21], $0x80, s4, s21, $0xb8;
	[tilespmem:$0x1E200] =	vst v63  }
0x26: {  	s14 =	rddreg [dreg:$0x7]  }
0x27: {  	[tilespmem:s23], [sflag:$0x5] =	stream.linear.gather [hbm4b:s14+s4], $0x2800, $0x38;
	[tilespmem:$0x1E200] =	vst v63  }
0x28: {  	_ =	swait.ge [sflag:s24], $0x100  }
0x29: {  	[sflag:s24] =	ssyncset.done $0x0  }
0x2a: {  	[sflag:s24] =	ssyncadd.s32 $0xFFFFFF00  }
0x2b: {  	[tilespmem:s25], [sflag:$0x4] =	stream.indirect.gather [hbm4b:s1+s21], $0x80, s17, s21, $0xb8;
	[tilespmem:$0x1E200] =	vst v63  }
0x2c: {  	s15 =	rddreg [dreg:$0x8]  }
0x2d: {  	[tilespmem:s26], [sflag:$0x6] =	stream.linear.gather [hbm4b:s15+s4], $0x2800, $0x38;
	[tilespmem:$0x1E200] =	vst v63  }
0x2e: {  	s10 =	simm.s32 $0x0;
	[bflag:$0x0] =	sbarrier.arrive $0xFFFF  }
.LBB2_2:
0x2f: {  	_ =	swait.ge [sflag:s28], $0x2800  }
0x30: {  	[sflag:s28] =	ssyncset.done $0x0  }
0x31: {  	[sflag:s28] =	ssyncadd.s32 $0xFFFFD800  }
0x32: {  	_ =	swait.ge [sflag:s29], $0x2800  }
0x33: {  	[sflag:s29] =	ssyncset.done $0x0  }
0x34: {  	s11 =	simm.s32 $0x0;
	[sflag:s29] =	ssyncadd.s32 $0xFFFFD800  }
0x35: {  	v6 =	vld [tilespmem:s11+$0x5200]  }
0x36: {  	v11 =	vld [tilespmem:s11+$0x5210]  }
0x37: {  	v5 =	vld [tilespmem:s11+$0x5220]  }
0x38: {  	v4 =	vld [tilespmem:s11+$0x5230]  }
0x39: {  	v3 =	vld [tilespmem:s11+$0x5240]  }
0x3a: {  	v2 =	vld [tilespmem:s11+$0x5250]  }
0x3b: {  	v1 =	vld [tilespmem:s11+$0x5260]  }
0x3c: {  	v0 =	vld [tilespmem:s11+$0x5270]  }
0x3d: {  	v12 =	vld [tilespmem:s11+$0x200]  }
0x3e: {  	v13 =	vld [tilespmem:s11+$0x210]  }
0x3f: {  	v10 =	vld [tilespmem:s11+$0x220]  }
0x40: {  	v9 =	vld [tilespmem:s11+$0x230]  }
0x41: {  	v8 =	vld [tilespmem:s11+$0x240]  }
0x42: {  	v7 =	vld [tilespmem:s11+$0x250];
	v12 =	vadd.f32 v6, v12  }
0x43: {  	s13 =	simm.s32 $0x200;
	v11 =	vadd.f32 v11, v13;
	v6 =	vld [tilespmem:s11+$0x260]  }
.LBB2_3:
0x44: {  	s14 =	sshra.s32 s13, $0x2;
	p0 =	sne.s32 s13, $0x9E00;
	v12 =	vmax.f32 v12, $0.0e+00;
	v5 =	vadd.f32 v5, v10;
	v10 =	vld [tilespmem:s11+$0x270]  }
0x45: {  	v13 =	vld [tilespmem:s14+$0x5200];
	[tilespmem:s11+$0x200] =	vst v12;
	v11 =	vmax.f32 v11, $0.0e+00;
	v4 =	vadd.f32 v4, v9  }
0x46: {  	v14 =	vld [tilespmem:s14+$0x5210];
	[tilespmem:s11+$0x210] =	vst v11;
	v9 =	vmax.f32 v5, $0.0e+00;
	v3 =	vadd.f32 v3, v8  }
0x47: {  	v5 =	vld [tilespmem:s14+$0x5220];
	[tilespmem:s11+$0x220] =	vst v9;
	v8 =	vmax.f32 v4, $0.0e+00;
	v2 =	vadd.f32 v2, v7  }
0x48: {  	v4 =	vld [tilespmem:s14+$0x5230];
	[tilespmem:s11+$0x230] =	vst v8;
	v7 =	vmax.f32 v3, $0.0e+00;
	v1 =	vadd.f32 v1, v6  }
0x49: {  	v3 =	vld [tilespmem:s14+$0x5240];
	[tilespmem:s11+$0x240] =	vst v7;
	v6 =	vmax.f32 v2, $0.0e+00;
	v0 =	vadd.f32 v0, v10  }
0x4a: {  	v2 =	vld [tilespmem:s14+$0x5250];
	[tilespmem:s11+$0x250] =	vst v6;
	v6 =	vmax.f32 v1, $0.0e+00  }
0x4b: {  	v1 =	vld [tilespmem:s14+$0x5260];
	[tilespmem:s11+$0x260] =	vst v6;
	v6 =	vmax.f32 v0, $0.0e+00  }
0x4c: {  	v0 =	vld [tilespmem:s14+$0x5270];
	[tilespmem:s11+$0x270] =	vst v6;
	s11 =	smov.u32 s14  }
0x4d: {  	v6 =	vld [tilespmem:s11+$0x200]  }
0x4e: {  	v11 =	vld [tilespmem:s11+$0x210]  }
.Ltmp0:
0x4f: {  	v10 =	vld [tilespmem:s11+$0x220];
	(pc) =	sbr.rel @p0 .LBB2_3-.Ltmp0, $4  }
0x50: {  	v9 =	vld [tilespmem:s11+$0x230]  }
0x51: {  	v8 =	vld [tilespmem:s11+$0x240]  }
0x52: {  	v12 =	vadd.f32 v13, v6;
	v7 =	vld [tilespmem:s11+$0x250]  }
0x53: {  	s13 =	sadd.s32 $0x200, s13;
	v11 =	vadd.f32 v14, v11;
	v6 =	vld [tilespmem:s11+$0x260]  }
0x54: {  	v12 =	vmax.f32 v12, $0.0e+00;
	v5 =	vadd.f32 v5, v10;
	v10 =	vld [tilespmem:s11+$0x270]  }
0x55: {  	[tilespmem:s11+$0x200] =	vst v12;
	v11 =	vmax.f32 v11, $0.0e+00;
	v4 =	vadd.f32 v4, v9  }
0x56: {  	[tilespmem:s11+$0x210] =	vst v11;
	v5 =	vmax.f32 v5, $0.0e+00;
	v3 =	vadd.f32 v3, v8  }
0x57: {  	[tilespmem:s11+$0x220] =	vst v5;
	v4 =	vmax.f32 v4, $0.0e+00;
	v2 =	vadd.f32 v2, v7  }
0x58: {  	[tilespmem:s11+$0x230] =	vst v4;
	v3 =	vmax.f32 v3, $0.0e+00;
	v1 =	vadd.f32 v1, v6  }
0x59: {  	[tilespmem:s11+$0x240] =	vst v3;
	v2 =	vmax.f32 v2, $0.0e+00;
	v0 =	vadd.f32 v0, v10  }
0x5a: {  	[tilespmem:s11+$0x250] =	vst v2;
	v1 =	vmax.f32 v1, $0.0e+00  }
0x5b: {  	[tilespmem:s11+$0x260] =	vst v1;
	v0 =	vmax.f32 v0, $0.0e+00  }
0x5c: {  	[tilespmem:s11+$0x270] =	vst v0;
	s11 =	sshll.u32 s10, $0x1  }
0x5d: {  	[spmem:s2] =	stream.indirect.scatter.add.f32 [tilespmem:s22], [sflag:$0x7], $0x80, s30, s21, $0xb8;
	[tilespmem:$0x1E200] =	vst v63  }
0x5e: {  	s13 =	sadd.s32 $0x2, s11  }
0x5f: {  	s14 =	sadd.s32 s8, s13  }
0x60: {  	_ =	swait.ge [sflag:s19], $0x2800;
	s14 =	sshll.u32 s14, $0x5  }
0x61: {  	s15 =	simm.s32 $0x0;
	[sflag:s19] =	ssyncset.done $0x0;
	s14 =	sand.u32 $0x1FFFFFE0, s14  }
0x62: {  	s13 =	smul.u32 $0x50, s13;
	[sflag:s19] =	ssyncadd.s32 $0xFFFFD800;
	s14 =	sadd.s32 s6, s14  }
0x63: {  	[tilespmem:s15], [sflag:$0x1] =	stream.linear.gather [hbm4b:s14+s15], $0x100, $0x38;
	[tilespmem:$0x1E200] =	vst v63  }
0x64: {  	_ =	swait.ge [sflag:s20], $0x100  }
0x65: {  	s13 =	sadd.s32 s7, s13;
	[sflag:s20] =	ssyncset.done $0x0  }
0x66: {  	s13 =	sshll.u32 s13, $0x4;
	[sflag:s20] =	ssyncadd.s32 $0xFFFFFF00  }
0x67: {  	[tilespmem:s22], [sflag:$0x3] =	stream.indirect.gather [hbm4b:s1+s21], $0x80, s15, s21, $0xb8;
	[tilespmem:$0x1E200] =	vst v63  }
0x68: {  	s13 =	sadd.s32 s5, s13  }
0x69: {  	[tilespmem:s23], [sflag:$0x5] =	stream.linear.gather [hbm4b:s13+s15], $0x2800, $0x38;
	[tilespmem:$0x1E200] =	vst v63  }
0x6a: {  	_ =	swait.ge [sflag:s31], $0x2800  }
0x6b: {  	[sflag:s31] =	ssyncset.done $0x0  }
0x6c: {  	[sflag:s31] =	ssyncadd.s32 $0xFFFFD800  }
0x6d: {  	_ =	swait.ge [sflag:s0], $0x2800  }
0x6e: {  	[sflag:s0] =	ssyncset.done $0x0  }
0x6f: {  	s13 =	simm.s32 $0x0;
	[sflag:s0] =	ssyncadd.s32 $0xFFFFD800  }
0x70: {  	v6 =	vld [tilespmem:s13+$0x7A00]  }
0x71: {  	v11 =	vld [tilespmem:s13+$0x7A10]  }
0x72: {  	v5 =	vld [tilespmem:s13+$0x7A20]  }
0x73: {  	v4 =	vld [tilespmem:s13+$0x7A30]  }
0x74: {  	v3 =	vld [tilespmem:s13+$0x7A40]  }
0x75: {  	v2 =	vld [tilespmem:s13+$0x7A50]  }
0x76: {  	v1 =	vld [tilespmem:s13+$0x7A60]  }
0x77: {  	v0 =	vld [tilespmem:s13+$0x7A70]  }
0x78: {  	v12 =	vld [tilespmem:s13+$0x2A00]  }
0x79: {  	v13 =	vld [tilespmem:s13+$0x2A10]  }
0x7a: {  	v10 =	vld [tilespmem:s13+$0x2A20]  }
0x7b: {  	v9 =	vld [tilespmem:s13+$0x2A30]  }
0x7c: {  	v8 =	vld [tilespmem:s13+$0x2A40]  }
0x7d: {  	v7 =	vld [tilespmem:s13+$0x2A50];
	v12 =	vadd.f32 v6, v12  }
0x7e: {  	s14 =	simm.s32 $0x200;
	v11 =	vadd.f32 v11, v13;
	v6 =	vld [tilespmem:s13+$0x2A60]  }
.LBB2_5:
0x7f: {  	s15 =	sshra.s32 s14, $0x2;
	p0 =	sne.s32 s14, $0x9E00;
	v12 =	vmax.f32 v12, $0.0e+00;
	v5 =	vadd.f32 v5, v10;
	v10 =	vld [tilespmem:s13+$0x2A70]  }
0x80: {  	v13 =	vld [tilespmem:s15+$0x7A00];
	[tilespmem:s13+$0x2A00] =	vst v12;
	v11 =	vmax.f32 v11, $0.0e+00;
	v4 =	vadd.f32 v4, v9  }
0x81: {  	v14 =	vld [tilespmem:s15+$0x7A10];
	[tilespmem:s13+$0x2A10] =	vst v11;
	v9 =	vmax.f32 v5, $0.0e+00;
	v3 =	vadd.f32 v3, v8  }
0x82: {  	v5 =	vld [tilespmem:s15+$0x7A20];
	[tilespmem:s13+$0x2A20] =	vst v9;
	v8 =	vmax.f32 v4, $0.0e+00;
	v2 =	vadd.f32 v2, v7  }
0x83: {  	v4 =	vld [tilespmem:s15+$0x7A30];
	[tilespmem:s13+$0x2A30] =	vst v8;
	v7 =	vmax.f32 v3, $0.0e+00;
	v1 =	vadd.f32 v1, v6  }
0x84: {  	v3 =	vld [tilespmem:s15+$0x7A40];
	[tilespmem:s13+$0x2A40] =	vst v7;
	v6 =	vmax.f32 v2, $0.0e+00;
	v0 =	vadd.f32 v0, v10  }
0x85: {  	v2 =	vld [tilespmem:s15+$0x7A50];
	[tilespmem:s13+$0x2A50] =	vst v6;
	v6 =	vmax.f32 v1, $0.0e+00  }
0x86: {  	v1 =	vld [tilespmem:s15+$0x7A60];
	[tilespmem:s13+$0x2A60] =	vst v6;
	v6 =	vmax.f32 v0, $0.0e+00  }
0x87: {  	v0 =	vld [tilespmem:s15+$0x7A70];
	[tilespmem:s13+$0x2A70] =	vst v6;
	s13 =	smov.u32 s15  }
0x88: {  	v6 =	vld [tilespmem:s13+$0x2A00]  }
0x89: {  	v11 =	vld [tilespmem:s13+$0x2A10]  }
.Ltmp1:
0x8a: {  	v10 =	vld [tilespmem:s13+$0x2A20];
	(pc) =	sbr.rel @p0 .LBB2_5-.Ltmp1, $4  }
0x8b: {  	v9 =	vld [tilespmem:s13+$0x2A30]  }
0x8c: {  	v8 =	vld [tilespmem:s13+$0x2A40]  }
0x8d: {  	v12 =	vadd.f32 v13, v6;
	v7 =	vld [tilespmem:s13+$0x2A50]  }
0x8e: {  	s14 =	sadd.s32 $0x200, s14;
	v11 =	vadd.f32 v14, v11;
	v6 =	vld [tilespmem:s13+$0x2A60]  }
0x8f: {  	v12 =	vmax.f32 v12, $0.0e+00;
	v5 =	vadd.f32 v5, v10;
	v63 =	vld [tilespmem:s13+$0x2A70]  }
0x90: {  	[tilespmem:s13+$0x2A00] =	vst v12;
	v11 =	vmax.f32 v11, $0.0e+00;
	v4 =	vadd.f32 v4, v9  }
0x91: {  	[tilespmem:s13+$0x2A10] =	vst v11;
	v5 =	vmax.f32 v5, $0.0e+00;
	v3 =	vadd.f32 v3, v8  }
0x92: {  	[tilespmem:s13+$0x2A20] =	vst v5;
	v4 =	vmax.f32 v4, $0.0e+00;
	v2 =	vadd.f32 v2, v7  }
0x93: {  	[tilespmem:s13+$0x2A30] =	vst v4;
	v3 =	vmax.f32 v3, $0.0e+00;
	v1 =	vadd.f32 v1, v6  }
0x94: {  	[tilespmem:s13+$0x2A40] =	vst v3;
	v2 =	vmax.f32 v2, $0.0e+00;
	v0 =	vadd.f32 v0, v63  }
0x95: {  	[tilespmem:s13+$0x2A50] =	vst v2;
	v1 =	vmax.f32 v1, $0.0e+00  }
0x96: {  	p0 =	seq.s32 s10, $0xE;
	[tilespmem:s13+$0x2A60] =	vst v1;
	v0 =	vmax.f32 v0, $0.0e+00  }
.Ltmp2:
0x97: {  	[tilespmem:s13+$0x2A70] =	vst v0;
	(pc) =	sbr.rel @p0 .LBB2_8-.Ltmp2, $4  }
0x98: {  	[spmem:s2] =	stream.indirect.scatter.add.f32 [tilespmem:s25], [sflag:$0x7], $0x80, s3, s21, $0xb8;
	[tilespmem:$0x1E200] =	vst v63  }
0x99: {  	_ =	swait.ge [sflag:s19], $0x2800  }
0x9a: {  	[sflag:s19] =	ssyncset.done $0x0  }
0x9b: {  	[sflag:s19] =	ssyncadd.s32 $0xFFFFD800  }
0x9c: {  	s11 =	sadd.s32 $0x3, s11  }
0x9d: {  	s13 =	sadd.s32 s8, s11  }
0x9e: {  	s13 =	sshll.u32 s13, $0x5  }
0x9f: {  	s13 =	sand.u32 $0x1FFFFFE0, s13  }
0xa0: {  	s11 =	smul.u32 $0x50, s11;
	s13 =	sadd.s32 s6, s13  }
0xa1: {  	[tilespmem:s17], [sflag:$0x2] =	stream.linear.gather [hbm4b:s13+s4], $0x100, $0x38;
	[tilespmem:$0x1E200] =	vst v63  }
0xa2: {  	_ =	swait.ge [sflag:s24], $0x100  }
.Ltmp3:
0xa3: {  	s11 =	sadd.s32 s7, s11;
	[sflag:s24] =	ssyncset.done $0x0;
	(pc) =	sbr.rel .LBB2_2-.Ltmp3, $4  }
0xa4: {  	s11 =	sshll.u32 s11, $0x4;
	[sflag:s24] =	ssyncadd.s32 $0xFFFFFF00  }
0xa5: {  	[tilespmem:s25], [sflag:$0x4] =	stream.indirect.gather [hbm4b:s1+s21], $0x80, s17, s21, $0xb8;
	[tilespmem:$0x1E200] =	vst v63  }
0xa6: {  	s10 =	sadd.s32 $0x1, s10;
	s11 =	sadd.s32 s5, s11  }
0xa7: {  	[tilespmem:s26], [sflag:$0x6] =	stream.linear.gather [hbm4b:s11+s4], $0x2800, $0x38;
	[tilespmem:$0x1E200] =	vst v63  }
.LBB2_8:
0xa8: {  	_ =	swait.ge [sflag:s28], $0x2800  }
0xa9: {  	[sflag:s28] =	ssyncset.done $0x0  }
0xaa: {  	[sflag:s28] =	ssyncadd.s32 $0xFFFFD800  }
0xab: {  	_ =	swait.ge [sflag:s29], $0x2800  }
0xac: {  	[sflag:s29] =	ssyncset.done $0x0  }
0xad: {  	s10 =	simm.s32 $0x0;
	[sflag:s29] =	ssyncadd.s32 $0xFFFFD800  }
0xae: {  	v6 =	vld [tilespmem:s10+$0x5200]  }
0xaf: {  	v11 =	vld [tilespmem:s10+$0x5210]  }
0xb0: {  	v5 =	vld [tilespmem:s10+$0x5220]  }
0xb1: {  	v4 =	vld [tilespmem:s10+$0x5230]  }
0xb2: {  	v3 =	vld [tilespmem:s10+$0x5240]  }
0xb3: {  	v2 =	vld [tilespmem:s10+$0x5250]  }
0xb4: {  	v1 =	vld [tilespmem:s10+$0x5260]  }
0xb5: {  	v0 =	vld [tilespmem:s10+$0x5270]  }
0xb6: {  	v12 =	vld [tilespmem:s10+$0x200]  }
0xb7: {  	v13 =	vld [tilespmem:s10+$0x210]  }
0xb8: {  	v10 =	vld [tilespmem:s10+$0x220]  }
0xb9: {  	v9 =	vld [tilespmem:s10+$0x230]  }
0xba: {  	v8 =	vld [tilespmem:s10+$0x240]  }
0xbb: {  	v7 =	vld [tilespmem:s10+$0x250];
	v12 =	vadd.f32 v6, v12  }
0xbc: {  	s11 =	simm.s32 $0x200;
	v11 =	vadd.f32 v11, v13;
	v6 =	vld [tilespmem:s10+$0x260]  }
.LBB2_9:
0xbd: {  	s13 =	sshra.s32 s11, $0x2;
	p0 =	sne.s32 s11, $0x9E00;
	v12 =	vmax.f32 v12, $0.0e+00;
	v5 =	vadd.f32 v5, v10;
	v10 =	vld [tilespmem:s10+$0x270]  }
0xbe: {  	v13 =	vld [tilespmem:s13+$0x5200];
	[tilespmem:s10+$0x200] =	vst v12;
	v11 =	vmax.f32 v11, $0.0e+00;
	v4 =	vadd.f32 v4, v9  }
0xbf: {  	v14 =	vld [tilespmem:s13+$0x5210];
	[tilespmem:s10+$0x210] =	vst v11;
	v9 =	vmax.f32 v5, $0.0e+00;
	v3 =	vadd.f32 v3, v8  }
0xc0: {  	v5 =	vld [tilespmem:s13+$0x5220];
	[tilespmem:s10+$0x220] =	vst v9;
	v8 =	vmax.f32 v4, $0.0e+00;
	v2 =	vadd.f32 v2, v7  }
0xc1: {  	v4 =	vld [tilespmem:s13+$0x5230];
	[tilespmem:s10+$0x230] =	vst v8;
	v7 =	vmax.f32 v3, $0.0e+00;
	v1 =	vadd.f32 v1, v6  }
0xc2: {  	v3 =	vld [tilespmem:s13+$0x5240];
	[tilespmem:s10+$0x240] =	vst v7;
	v6 =	vmax.f32 v2, $0.0e+00;
	v0 =	vadd.f32 v0, v10  }
0xc3: {  	v2 =	vld [tilespmem:s13+$0x5250];
	[tilespmem:s10+$0x250] =	vst v6;
	v6 =	vmax.f32 v1, $0.0e+00  }
0xc4: {  	v1 =	vld [tilespmem:s13+$0x5260];
	[tilespmem:s10+$0x260] =	vst v6;
	v6 =	vmax.f32 v0, $0.0e+00  }
0xc5: {  	v0 =	vld [tilespmem:s13+$0x5270];
	[tilespmem:s10+$0x270] =	vst v6;
	s10 =	smov.u32 s13  }
0xc6: {  	v6 =	vld [tilespmem:s10+$0x200]  }
0xc7: {  	v11 =	vld [tilespmem:s10+$0x210]  }
.Ltmp4:
0xc8: {  	v10 =	vld [tilespmem:s10+$0x220];
	(pc) =	sbr.rel @p0 .LBB2_9-.Ltmp4, $4  }
0xc9: {  	v9 =	vld [tilespmem:s10+$0x230]  }
0xca: {  	v8 =	vld [tilespmem:s10+$0x240]  }
0xcb: {  	v12 =	vadd.f32 v13, v6;
	v7 =	vld [tilespmem:s10+$0x250]  }
0xcc: {  	s11 =	sadd.s32 $0x200, s11;
	v11 =	vadd.f32 v14, v11;
	v6 =	vld [tilespmem:s10+$0x260]  }
0xcd: {  	v12 =	vmax.f32 v12, $0.0e+00;
	v5 =	vadd.f32 v5, v10;
	v63 =	vld [tilespmem:s10+$0x270]  }
0xce: {  	[tilespmem:s10+$0x200] =	vst v12;
	v11 =	vmax.f32 v11, $0.0e+00;
	v4 =	vadd.f32 v4, v9  }
0xcf: {  	[tilespmem:s10+$0x210] =	vst v11;
	v5 =	vmax.f32 v5, $0.0e+00;
	v3 =	vadd.f32 v3, v8  }
0xd0: {  	[tilespmem:s10+$0x220] =	vst v5;
	v4 =	vmax.f32 v4, $0.0e+00;
	v2 =	vadd.f32 v2, v7  }
0xd1: {  	[tilespmem:s10+$0x230] =	vst v4;
	v3 =	vmax.f32 v3, $0.0e+00;
	v1 =	vadd.f32 v1, v6  }
0xd2: {  	[tilespmem:s10+$0x240] =	vst v3;
	v2 =	vmax.f32 v2, $0.0e+00;
	v0 =	vadd.f32 v0, v63  }
0xd3: {  	[tilespmem:s10+$0x250] =	vst v2;
	v1 =	vmax.f32 v1, $0.0e+00  }
0xd4: {  	[tilespmem:s10+$0x260] =	vst v1;
	v0 =	vmax.f32 v0, $0.0e+00  }
0xd5: {  	[tilespmem:s10+$0x270] =	vst v0  }
0xd6: {  	[spmem:s2] =	stream.indirect.scatter.add.f32 [tilespmem:s22], [sflag:$0x7], $0x80, s30, s21, $0xb8;
	[tilespmem:$0x1E200] =	vst v63  }
0xd7: {  	_ =	swait.ge [sflag:s19], $0x2800  }
0xd8: {  	[sflag:s19] =	ssyncset.done $0x0  }
0xd9: {  	s9 =	sadd.s32 $0x1, s9;
	[sflag:s19] =	ssyncadd.s32 $0xFFFFD800  }
0xda: {  	p0 =	sne.s32 s9, s16;
	[bflag:$0x0] =	sbarrier.arrive $0xFFFF  }
.Ltmp5:
0xdb: {  	s15 =	rddreg [dreg:$0x9];
	(pc) =	sbr.rel @p0 .LBB2_1-.Ltmp5, $4  }
0xdc: {  	[hbm:s15], [sflag:s12] =	dma.local [spmem:s18], $0x2800  }
0xdd: {  	_ =	swait.ge [sflag:s19], $0x2800  }
0xde: {  	[sflag:s19] =	ssyncset.done $0x0  }
0xdf: {  	[sflag:s19] =	ssyncadd.s32 $0xFFFFD800  }
0xe0: {  	_ =	sfence.sel $0x180000  }
0xe1: {  	[bflag:$0x0] =	sbarrier.arrive $0xFFFF  }
0xe2: {  	_ =	strace $0x9000004D  }
0xe3: {  	s0 =	stileid.u32;
	[bflag:$0x2] =	sbarrier.arrive $0xFFFF  }
0xe4: {  	p0 =	sne.s32 s0, $0x0;
	s0 =	rddreg [dreg:$0x3]  }
0xe5: {  	s0 =	sadd.s32 @!p0 $0x100000, s0  }
0xe6: {  	[sflag:s0] =	ssyncadd.tile.s32 @!p0 $0x1;
	_ =	shalt  }
.Lfunc_end2:
_tile_overlayer_lowered:
.L_overlay_start_2:
0xe7: {  	(tag) =	ssettag $0x2  }
0xe8: {  	s0 =	rddreg [dreg:$0x0];
	s2 =	stileid.u32  }
0xe9: {  	s1 =	rddreg [dreg:$0x1];
	p0 =	sne.s32 s2, $0x0  }
0xea: {  	s3 =	rddreg [dreg:$0x2];
	[bflag:$0x3] =	sbarrier.arrive $0xFFFF;
	s2 =	simm.s32 @!p0 $0x1C07  }
0xeb: {  	[timem:s3], [sflag:s2] =	dma.local @!p0 [hbm:s0], s1  }
0xec: {  	s0 =	simm.s32 @!p0 $0x7  }
0xed: {  	_ =	swait.ge @!p0 [sflag:s0], s1  }
0xee: {  	s1 =	ssub.s32 @!p0 $0x0, s1;
	[sflag:s0] =	ssyncset.done @!p0 $0x0  }
0xef: {  	[sflag:s0] =	ssyncadd.s32 @!p0 s1  }
0xf0: {  	[bflag:$0x3] =	sbarrier.arrive $0xFFFF  }
0xf1: {  	_ =	shalt  }

// kernel: kernel.15.cloned.1.call-start
scs
__scs_entry_jumppad:
0x0: {  	(pc) =	sbr.rel $0x88, $3  }
0x1: {  	(tag) =	ssettag $0x0;
	lr =	simm.s32 $0x1  }
0x2: {  	[smem:$0x3F96] =	sst lr;
	_ =	strace $0xD0000000  }
0x3: {  	_ = 	snop  }
0x4: {  	_ = 	snop  }
0x5: {  	_ = 	snop  }
0x6: {  	_ = 	snop  }
0x7: {  	_ = 	snop  }
__scs_overlays_trampoline_lowered:
0x8: {  	[smem:$0x3FA5] =	sst s0  }
0x9: {  	[smem:$0x3FA6] =	sst s1  }
0xa: {  	[smem:$0x3FA7] =	sst s2  }
0xb: {  	[smem:$0x3FA8] =	sst s3  }
0xc: {  	[smem:$0x3FA9] =	sst s4  }
0xd: {  	[smem:$0x3FAA] =	sst s5  }
0xe: {  	[smem:$0x3FAB] =	sst s6  }
0xf: {  	[smem:$0x3FAC] =	sst s7  }
0x10: {  	[smem:$0x3FAD] =	sst s8  }
0x11: {  	[smem:$0x3FAE] =	sst s9;
	s0 =	simm.s32 @!p0 $0x0  }
0x12: {  	s1 =	sld [smem:$0x3F94];
	s0 =	simm.s32 @p0 $0x1  }
0x13: {  	[smem:$0x3FAF] =	sst s0;
	s0 =	simm.s32 @!p1 $0x0  }
0x14: {  	s2 =	sld [smem:$0x3F93];
	s0 =	simm.s32 @p1 $0x1  }
0x15: {  	[smem:$0x3FB0] =	sst s0;
	s0 =	simm.s32 @!p2 $0x0  }
0x16: {  	s3 =	sld [smem:$0x3FDB];
	s0 =	simm.s32 @p2 $0x1  }
0x17: {  	s4 =	simm.s32 $0x1BF5;
	[smem:$0x3FB2] =	sst s0  }
0x18: {  	s0 =	sld [smem:$0x3F95];
	_ =	swait.ge [sflag:s4], $0x0  }
0x19: {  	s7 =	sld [smem:$0x3F96]  }
0x1a: {  	s8 =	sadd.s32 $0xFFFFE003, lr  }
0x1b: {  	s9 =	sadd.s32 $0xFFFFFEF7, lr;
	s5 =	simm.s32 $0xFFFFFFFF;
	p2 =	slt.u32 s8, $0xFFFFF086  }
0x1c: {  	p1 =	slt.u32 s9, $0xF7A;
	s5 =	simm.s32 @!p2 $0x0  }
0x1d: {  	s5 =	simm.s32 @p1 $0x1;
	p0 =	seq.s32 s7, s2  }
0x1e: {  	s7 =	smul.u32 @!p0 $0xF7A, s2;
	p2 =	seq.s32 @!p0 s5, $0x0  }
0x1f: {  	s9 =	smul.u32 $0xF7A, s1;
	s8 =	simm.s32 @!p0 $0x1BF5;
	p2 =	por !p2, p0  }
0x20: {  	[sflag:s8] =	ssyncset.s32 @!p0 $0xFFFFF086;
	s6 =	sadd.s32 @!p0 s3, s7;
	s7 =	simm.s32 @!p0 $0x108  }
0x21: {  	s3 =	sadd.s32 s3, s9;
	s6 =	sadd.s32 @!p0 $0x88, s6;
	s7 =	simm.s32 @p2 $0x1082  }
0x22: {  	[simem:s7], [sflag:s8] =	dma.local @!p0 [hbm:s6], $0xF7A  }
0x23: {  	s9 =	sor.u32 $0xD0000000, s2;
	s6 =	simm.s32 $0x108;
	_ =	swait.ge @!p0 [sflag:s8], $0x0  }
0x24: {  	s3 =	sadd.s32 $0x88, s3;
	s6 =	simm.s32 @!p1 $0x1082;
	[sflag:s4] =	ssyncset.s32 $0xFFFFF086  }
0x25: {  	[simem:s6], [sflag:s4] =	dma.local [hbm:s3], $0xF7A  }
0x26: {  	[smem:$0x3F96] =	sst s1;
	(tag) =	ssettag s2;
	_ =	strace s9  }
0x27: {  	s1 =	sld [smem:$0x3FA6]  }
0x28: {  	s2 =	sld [smem:$0x3FA7]  }
0x29: {  	s4 =	sld [smem:$0x3FA9]  }
0x2a: {  	p0 =	seq.s32 s5, $0x0;
	s5 =	sld [smem:$0x3FAA]  }
0x2b: {  	s6 =	sld [smem:$0x3FAB]  }
0x2c: {  	s7 =	sld [smem:$0x3FAC]  }
0x2d: {  	s3 =	simm.s32 $0x108;
	s8 =	sld [smem:$0x3FAD]  }
0x2e: {  	s3 =	simm.s32 @!p0 $0x1082;
	s9 =	sld [smem:$0x3FAE]  }
0x2f: {  	lr =	sadd.s32 s0, s3;
	s0 =	sld [smem:$0x3FA5]  }
0x30: {  	s3 =	sld [smem:$0x3FA8]  }
0x31: {  	[smem:$0x3FB1] =	sst s10  }
0x32: {  	s10 =	sld [smem:$0x3FAF];
	_ =	sdelay $0x3  }
0x33: {  	p0 =	seq.s32 s10, $0x1;
	s10 =	sld [smem:$0x3FB1];
	_ =	sdelay $0x3  }
0x34: {  	[smem:$0x3FB1] =	sst s10  }
0x35: {  	s10 =	sld [smem:$0x3FB0];
	_ =	sdelay $0x3  }
0x36: {  	p1 =	seq.s32 s10, $0x1;
	s10 =	sld [smem:$0x3FB1];
	_ =	sdelay $0x3  }
0x37: {  	[smem:$0x3FB1] =	sst s10  }
0x38: {  	s10 =	sld [smem:$0x3FB2]  }
0x39: {  	_ = 	snop;
	(pc) =	sbr.ind lr, $3  }
0x3a: {  	_ = 	snop  }
0x3b: {  	_ = 	snop  }
0x3c: {  	p2 =	seq.s32 s10, $0x1;
	s10 =	sld [smem:$0x3FB1]  }
0x3d: {  	_ =	shalt  }
0x3e: {  	_ =	shalt  }
0x3f: {  	_ =	shalt  }
0x40: {  	_ =	shalt  }
0x41: {  	_ =	shalt  }
0x42: {  	_ =	shalt  }
0x43: {  	_ =	shalt  }
0x44: {  	_ =	shalt  }
0x45: {  	_ =	shalt  }
0x46: {  	_ =	shalt  }
0x47: {  	_ =	shalt  }
0x48: {  	_ =	shalt  }
0x49: {  	_ =	shalt  }
0x4a: {  	_ =	shalt  }
0x4b: {  	_ =	shalt  }
0x4c: {  	_ =	shalt  }
0x4d: {  	_ =	shalt  }
0x4e: {  	_ =	shalt  }
0x4f: {  	_ =	shalt  }
0x50: {  	_ =	shalt  }
0x51: {  	_ =	shalt  }
0x52: {  	_ =	shalt  }
0x53: {  	_ =	shalt  }
0x54: {  	_ =	shalt  }
0x55: {  	_ =	shalt  }
0x56: {  	_ =	shalt  }
0x57: {  	_ =	shalt  }
0x58: {  	_ =	shalt  }
0x59: {  	_ =	shalt  }
0x5a: {  	_ =	shalt  }
0x5b: {  	_ =	shalt  }
0x5c: {  	_ =	shalt  }
0x5d: {  	_ =	shalt  }
0x5e: {  	_ =	shalt  }
0x5f: {  	_ =	shalt  }
0x60: {  	_ =	shalt  }
0x61: {  	_ =	shalt  }
0x62: {  	_ =	shalt  }
0x63: {  	_ =	shalt  }
0x64: {  	_ =	shalt  }
0x65: {  	_ =	shalt  }
0x66: {  	_ =	shalt  }
0x67: {  	_ =	shalt  }
0x68: {  	_ =	shalt  }
0x69: {  	_ =	shalt  }
0x6a: {  	_ =	shalt  }
0x6b: {  	_ =	shalt  }
0x6c: {  	_ =	shalt  }
0x6d: {  	_ =	shalt  }
0x6e: {  	_ =	shalt  }
0x6f: {  	_ =	shalt  }
0x70: {  	_ =	shalt  }
0x71: {  	_ =	shalt  }
0x72: {  	_ =	shalt  }
0x73: {  	_ =	shalt  }
0x74: {  	_ =	shalt  }
0x75: {  	_ =	shalt  }
0x76: {  	_ =	shalt  }
0x77: {  	_ =	shalt  }
0x78: {  	_ =	shalt  }
0x79: {  	_ =	shalt  }
0x7a: {  	_ =	shalt  }
0x7b: {  	_ =	shalt  }
0x7c: {  	_ =	shalt  }
0x7d: {  	_ =	shalt  }
0x7e: {  	_ =	shalt  }
0x7f: {  	_ =	shalt  }
0x80: {  	_ =	shalt  }
0x81: {  	_ =	shalt  }
0x82: {  	_ =	shalt  }
0x83: {  	_ =	shalt  }
0x84: {  	_ =	shalt  }
0x85: {  	_ =	shalt  }
0x86: {  	_ =	shalt  }
0x87: {  	_ =	shalt  }
.Lfunc_end0:
.L_simem_size_0:
called_computation.1_lowered:
.L_overlay_start_0:
0x88: {  	s2 =	sld [smem:$0x3FD9]  }
0x89: {  	s3 =	sld [smem:$0x3FFE];
	_ =	sdelay $0x1  }
0x8a: {  	s1 =	srdreg.scid  }
0x8b: {  	s0 =	sand.u32 $0x1, s1  }
0x8c: {  	s17 =	sshll.u32 s0, $0xA;
	s2 =	sadd.s32 s3, s2  }
0x8d: {  	s2 =	sadd.s32 s2, s17  }
0x8e: {  	[smem:$0x3FBD] =	sst s2  }
0x8f: {  	_ = 	snop  }
0x90: {  	s18 =	sld [smem:$0x3FD0];
	(tm) =	ssettm $0x1  }
0x91: {  	s19 =	sld [smem:$0x3FFB];
	_ =	sdelay $0x3  }
0x92: {  	_ =	strace s19  }
0x93: {  	s2 =	sld [smem:$0x3FFC];
	_ =	sdelay $0x3  }
0x94: {  	_ =	strace s2  }
0x95: {  	s2 =	sld [smem:$0x3FFD];
	_ =	sdelay $0x3  }
0x96: {  	_ =	strace s2  }
0x97: {  	_ =	strace $0x8FFFFFFF  }
0x98: {  	s20 =	sld [smem:$0x3FDB];
	_ =	sdelay $0x1  }
0x99: {  	s4 =	simm.s32 $_scs_section_size  }
0x9a: {  	s5 =	simm.s32 $_size__tile_overlayer_lowered;
	s6 =	simm.s32 $_tile_overlayer_lowered  }
0x9b: {  	s7 =	simm.s32 $0x1BFF;
	s21 =	sshll.u32 s6, $0x1;
	s4 =	sadd.s32 s4, s20  }
0x9c: {  	s22 =	simm.s32 $0x0;
	s5 =	sshll.u32 s5, $0x1;
	s6 =	sadd.s32 s21, s4  }
0x9d: {  	[timem:s22], [sflag:s7] =	dma.local [hbm:s6], s5  }
0x9e: {  	_ =	swait.ge [sflag:s7], s5  }
0x9f: {  	s5 =	ssub.s32 $0x0, s5;
	[sflag:s7] =	ssyncset.done $0x0  }
0xa0: {  	[sflag:s7] =	ssyncadd.s32 s5;
	_ =	sdelay $0x1  }
0xa1: {  	s23 =	simm.s32 $0x1B8B  }
0xa2: {  	_ =	swait.ge [sflag:s23], $0x1  }
0xa3: {  	[sflag:s23] =	ssyncset.done $0x0  }
0xa4: {  	[sflag:s23] =	ssyncadd.s32 $0xFFFFFFFF  }
0xa5: {  	s5 =	sld [smem:$0x0]  }
0xa6: {  	s6 =	sand.u32 $0xFFFFFFFE, s1  }
0xa7: {  	p0 =	sne.s32 s1, s6  }
0xa8: {  	s6 =	sshll.u32 @p0 s6, $0xE  }
0xa9: {  	s6 =	sadd.s32 @p0 $0x11B8D, s6;
	s7 =	sshll.u32 @p0 s5, $0x11  }
0xaa: {  	s6 =	sor.u32 @p0 s7, s6  }
0xab: {  	[sflag:s6] =	ssyncadd.remote.s32 @p0 $0x1;
	_ =	sdelay $0x1  }
0xac: {  	s6 =	simm.s32 @p0 $0x1B8D  }
0xad: {  	_ =	swait.eq @p0 [sflag:s6], $0x1  }
0xae: {  	[sflag:s6] =	ssyncadd.s32 @p0 $0xFFFFFFFF  }
0xaf: {  	s7 =	sshll.u32 @!p0 s1, $0xE  }
0xb0: {  	s7 =	sor.u32 @!p0 $0x4000, s7;
	s6 =	simm.s32 @!p0 $0x1B8D  }
0xb1: {  	s5 =	sshll.u32 @!p0 s5, $0x11;
	s7 =	sadd.s32 @!p0 $0x11B8D, s7;
	_ =	swait.eq @!p0 [sflag:s6], $0x1  }
0xb2: {  	s5 =	sor.u32 @!p0 s5, s7;
	[sflag:s6] =	ssyncadd.s32 @!p0 $0xFFFFFFFF  }
0xb3: {  	s25 =	simm.s32 $0x1B8E;
	s24 =	sld [smem:$0x3FFE];
	[sflag:s5] =	ssyncadd.remote.s32 @!p0 $0x1  }
0xb4: {  	s26 =	simm.s32 $execute0_lowered;
	[smem:$0x3FD2] =	sst s25  }
0xb5: {  	s6 =	sshll.u32 s26, $0x1;
	_ =	strace $0x8000004F;
	[dreg:$0x1] =	wrdreg $0xFFFFFFFF  }
0xb6: {  	s28 =	simm.s32 $_size_execute0_lowered;
	s4 =	sadd.s32 s4, s6;
	[dreg:$0x0] =	wrdreg $0x0  }
0xb7: {  	s6 =	sshll.u32 s28, $0x1;
	[dreg:$0x2] =	wrdreg s4  }
0xb8: {  	[dreg:$0x3] =	wrdreg s6  }
0xb9: {  	[dreg:$0x4] =	wrdreg $0xC0  }
0xba: {  	_ =	task [dreg:s22], $0x5FFFF  }
0xbb: {  	[dreg:$0x1] =	wrdreg $0xFFFFFFFF  }
0xbc: {  	[dreg:$0x0] =	wrdreg $0x60  }
0xbd: {  	[dreg:$0x2] =	wrdreg s18  }
0xbe: {  	[dreg:$0x3] =	wrdreg s24  }
0xbf: {  	[dreg:$0x4] =	wrdreg $0xA2000  }
0xc0: {  	[dreg:$0x5] =	wrdreg $0xA  }
0xc1: {  	_ =	task.clear_ibuf [dreg:s22], $0x6FFFF;
	_ =	strace $0x9000004F  }
0xc2: {  	s29 =	simm.s32 $0xA;
	_ =	strace $0x80000051  }
0xc3: {  	_ =	swait.ge [sflag:s29], $0x1  }
0xc4: {  	[sflag:s29] =	ssyncadd.s32 $0xFFFFFFFF  }
0xc5: {  	_ =	strace $0x90000051  }
0xc6: {  	_ =	sfence  }
0xc7: {  	s30 =	sld [smem:$0x0];
	_ =	sdelay $0x2  }
0xc8: {  	s31 =	sshll.u32 s1, $0xD;
	s1 =	sshrl.u32 s1, $0x2  }
0xc9: {  	s4 =	sand.u32 $0x4000, s31;
	s1 =	sadd.s32 s1, s30  }
0xca: {  	s0 =	sor.u32 s4, s0;
	s1 =	sshll.u32 s1, $0x11  }
0xcb: {  	s0 =	sor.u32 s1, s0  }
0xcc: {  	s0 =	sadd.s32 $0x8F2B, s0  }
0xcd: {  	[sflag:s0] =	ssyncadd.remote.s32 $0x1  }
0xce: {  	_ =	sfence.sel $0xFFFF  }
0xcf: {  	[dreg:$0x0] =	wrdreg $0xFFFFFFFF;
	(pc) =	sbr.abs _section_cstart, $3  }
0xd0: {  	[dreg:$0x1] =	wrdreg $0xFFFFFFFF  }
0xd1: {  	_ =	task.clear_ibuf [dreg:s22], $0x2FFFF;
	_ =	strace $0x9FFFFFFF  }
0xd2: {  	(tm) =	ssettm $0x7FFFFFFF  }
0xd3: {  	_ =	shalt  }
tec
execute0_lowered:
.L_overlay_start_1:
0x0: {  	(tag) =	ssettag $0x1  }
0x1: {  	s2 =	rddreg [dreg:$0x0]  }
0x2: {  	s0 =	rddreg [dreg:$0x1]  }
0x3: {  	s3 =	rddreg [dreg:$0x2]  }
0x4: {  	s13 =	stileid.u32;
	s1 =	srdreg.scid  }
0x5: {  	s4 =	simm.s32 $0x0;
	s17 =	simm.s32 $0x100;
	s19 =	simm.s32 $0x7  }
0x6: {  	s28 =	simm.s32 $0x3;
	s29 =	simm.s32 $0x5;
	s30 =	simm.s32 $0x80  }
0x7: {  	s31 =	simm.s32 $0x4;
	s6 =	smul.u32 $0x14000, s13;
	s1 =	sand.u32 $0x1, s1  }
0x8: {  	[smem:$0x7FF] =	sst s4;
	s5 =	sadd.s32 $0x95D000, s0;
	s10 =	smul.u32 $0x50000, s13  }
0x9: {  	s24 =	sshll.u32 s13, $0x6;
	s7 =	smul.u32 $0x140000, s1;
	_ =	strace $0x80000050  }
0xa: {  	s20 =	ssub.s32 $0x2, s1;
	s1 =	sshll.u32 s1, $0x4;
	s8 =	sshrl.u32 s6, $0x3  }
0xb: {  	s9 =	sshrl.u32 s20, $0x1;
	s1 =	sor.u32 s13, s1;
	s10 =	sshrl.u32 s10, $0x2  }
0xc: {  	s13 =	sor.u32 $0x1C07, s24;
	s24 =	simm.s32 $0x2;
	s7 =	sadd.s32 s6, s7  }
0xd: {  	s6 =	sadd.s32 $0x7800, s0;
	s8 =	sadd.s32 s8, s0;
	s11 =	ssub.s32 s20, s9  }
0xe: {  	s21 =	sshll.u32 s1, $0xA;
	s12 =	smul.u32 $0xA000, s1;
	s9 =	sshll.u32 s1, $0x5  }
0xf: {  	s23 =	sadd.s32 s10, s3;
	s20 =	simm.s32 $0x1;
	s7 =	sshrl.u32 s7, $0x3  }
0x10: {  	s14 =	sadd.s32 s6, s21;
	s8 =	sadd.s32 $0x55000, s8;
	s26 =	smax.u32 s11, $0x1  }
0x11: {  	s18 =	sshrl.u32 s23, $0x3;
	s21 =	simm.s32 $0x50;
	s23 =	simm.s32 $0x0  }
0x12: {  	s0 =	sadd.s32 s7, s0;
	s7 =	smul.u32 $0xA00, s1;
	[dreg:$0x4] =	wrdreg s14  }
.Ltmp0:
0x13: {  	s22 =	sadd.s32 $0x20, s14;
	[dreg:$0x6] =	wrdreg s8;
	(pc) =	sbr.rel .LBB2_1-.Ltmp0, $4  }
0x14: {  	s12 =	sadd.s32 s5, s12;
	[dreg:$0x9] =	wrdreg s26;
	s26 =	simm.s32 $0x7A00  }
0x15: {  	s1 =	simm.s32 $0x180;
	[dreg:$0x5] =	wrdreg s22;
	s25 =	sadd.s32 $0x500, s12  }
0x16: {  	s0 =	sadd.s32 $0x4CB000, s0;
	s22 =	simm.s32 $0x200;
	[dreg:$0x7] =	wrdreg s25  }
0x17: {  	[dreg:$0x8] =	wrdreg s0;
	s25 =	simm.s32 $0x2A00;
	s0 =	simm.s32 $0x6  }
.LBB2_8:
0x18: {  	[bflag:$0x0] =	sbarrier.arrive $0xFFFF  }
0x19: {  	s8 =	rddreg [dreg:$0x8]  }
0x1a: {  	[hbm:s8], [sflag:s13] =	dma.local [spmem:s18], $0x2800  }
0x1b: {  	_ =	swait.ge [sflag:s19], $0x2800  }
0x1c: {  	s23 =	sadd.s32 $0x1, s23;
	s16 =	rddreg [dreg:$0x9]  }
0x1d: {  	p0 =	sne.s32 s23, s16  }
.Ltmp1:
0x1e: {  	_ = 	snop;
	(pc) =	sbr.rel @!p0 .LBB2_9-.Ltmp1, $3  }
0x1f: {  	_ =	sdelay $0x1  }
0x20: {  	[sflag:s19] =	ssyncset.done $0x0  }
0x21: {  	[sflag:s19] =	ssyncadd.s32 $0xFFFFD800  }
.LBB2_1:
0x22: {  	s8 =	rddreg [dreg:$0x4]  }
0x23: {  	s11 =	rddreg [dreg:$0x5]  }
0x24: {  	[tilespmem:s4], [sflag:$0x1] =	stream.linear.gather [hbm4b:s8+s4], $0x100, $0x38;
	[tilespmem:$0x1E200] =	vst v63  }
0x25: {  	s14 =	rddreg [dreg:$0x6]  }
0x26: {  	[tilespmem:s17], [sflag:$0x2] =	stream.linear.gather [hbm4b:s11+s4], $0x100, $0x38;
	[tilespmem:$0x1E200] =	vst v63  }
0x27: {  	[spmem:s18], [sflag:s13] =	dma.local [hbm:s14], $0x2800  }
0x28: {  	_ =	swait.ge [sflag:s19], $0x2800  }
0x29: {  	[sflag:s19] =	ssyncset.done $0x0  }
0x2a: {  	[sflag:s19] =	ssyncadd.s32 $0xFFFFD800  }
0x2b: {  	_ =	swait.ge [sflag:s20], $0x100  }
0x2c: {  	[sflag:s20] =	ssyncset.done $0x0  }
0x2d: {  	[sflag:s20] =	ssyncadd.s32 $0xFFFFFF00  }
0x2e: {  	[tilespmem:s22], [sflag:$0x3] =	stream.indirect.gather [hbm4b:s2+s21], $0x80, s4, s21, $0xb8;
	[tilespmem:$0x1E200] =	vst v63  }
0x2f: {  	s15 =	simm.s32 $0x5200  }
0x30: {  	[tilespmem:s15], [sflag:$0x5] =	stream.linear.gather [hbm4b:s12+s4], $0x2800, $0x38;
	[tilespmem:$0x1E200] =	vst v63  }
0x31: {  	_ =	swait.ge [sflag:s24], $0x100  }
0x32: {  	[sflag:s24] =	ssyncset.done $0x0  }
0x33: {  	[sflag:s24] =	ssyncadd.s32 $0xFFFFFF00  }
0x34: {  	[tilespmem:s25], [sflag:$0x4] =	stream.indirect.gather [hbm4b:s2+s21], $0x80, s17, s21, $0xb8;
	[tilespmem:$0x1E200] =	vst v63  }
0x35: {  	s16 =	rddreg [dreg:$0x7]  }
0x36: {  	[tilespmem:s26], [sflag:$0x6] =	stream.linear.gather [hbm4b:s16+s4], $0x2800, $0x38;
	[tilespmem:$0x1E200] =	vst v63  }
0x37: {  	s10 =	simm.s32 $0x0;
	[bflag:$0x0] =	sbarrier.arrive $0xFFFF  }
.LBB2_2:
0x38: {  	_ =	swait.ge [sflag:s28], $0x2800  }
0x39: {  	[sflag:s28] =	ssyncset.done $0x0  }
0x3a: {  	[sflag:s28] =	ssyncadd.s32 $0xFFFFD800  }
0x3b: {  	_ =	swait.ge [sflag:s29], $0x2800  }
0x3c: {  	[sflag:s29] =	ssyncset.done $0x0  }
0x3d: {  	s11 =	simm.s32 $0x0;
	[sflag:s29] =	ssyncadd.s32 $0xFFFFD800  }
0x3e: {  	v6 =	vld [tilespmem:s11+$0x5200]  }
0x3f: {  	v11 =	vld [tilespmem:s11+$0x5210]  }
0x40: {  	v5 =	vld [tilespmem:s11+$0x5220]  }
0x41: {  	v4 =	vld [tilespmem:s11+$0x5230]  }
0x42: {  	v3 =	vld [tilespmem:s11+$0x5240]  }
0x43: {  	v2 =	vld [tilespmem:s11+$0x5250]  }
0x44: {  	v1 =	vld [tilespmem:s11+$0x5260]  }
0x45: {  	v0 =	vld [tilespmem:s11+$0x5270]  }
0x46: {  	v12 =	vld [tilespmem:s11+$0x200]  }
0x47: {  	v13 =	vld [tilespmem:s11+$0x210]  }
0x48: {  	v10 =	vld [tilespmem:s11+$0x220]  }
0x49: {  	v9 =	vld [tilespmem:s11+$0x230]  }
0x4a: {  	v8 =	vld [tilespmem:s11+$0x240]  }
0x4b: {  	v7 =	vld [tilespmem:s11+$0x250];
	v12 =	vadd.f32 v6, v12  }
0x4c: {  	s14 =	simm.s32 $0x200;
	v11 =	vadd.f32 v11, v13;
	v6 =	vld [tilespmem:s11+$0x260]  }
.LBB2_3:
0x4d: {  	s8 =	sshra.s32 s14, $0x2;
	p0 =	sne.s32 s14, $0x9E00;
	v12 =	vmax.f32 v12, $0.0e+00;
	v5 =	vadd.f32 v5, v10;
	v10 =	vld [tilespmem:s11+$0x270]  }
0x4e: {  	v13 =	vld [tilespmem:s8+$0x5200];
	[tilespmem:s11+$0x200] =	vst v12;
	v11 =	vmax.f32 v11, $0.0e+00;
	v4 =	vadd.f32 v4, v9  }
0x4f: {  	v14 =	vld [tilespmem:s8+$0x5210];
	[tilespmem:s11+$0x210] =	vst v11;
	v9 =	vmax.f32 v5, $0.0e+00;
	v3 =	vadd.f32 v3, v8  }
0x50: {  	v5 =	vld [tilespmem:s8+$0x5220];
	[tilespmem:s11+$0x220] =	vst v9;
	v8 =	vmax.f32 v4, $0.0e+00;
	v2 =	vadd.f32 v2, v7  }
0x51: {  	v4 =	vld [tilespmem:s8+$0x5230];
	[tilespmem:s11+$0x230] =	vst v8;
	v7 =	vmax.f32 v3, $0.0e+00;
	v1 =	vadd.f32 v1, v6  }
0x52: {  	v3 =	vld [tilespmem:s8+$0x5240];
	[tilespmem:s11+$0x240] =	vst v7;
	v6 =	vmax.f32 v2, $0.0e+00;
	v0 =	vadd.f32 v0, v10  }
0x53: {  	v2 =	vld [tilespmem:s8+$0x5250];
	[tilespmem:s11+$0x250] =	vst v6;
	v6 =	vmax.f32 v1, $0.0e+00  }
0x54: {  	v1 =	vld [tilespmem:s8+$0x5260];
	[tilespmem:s11+$0x260] =	vst v6;
	v6 =	vmax.f32 v0, $0.0e+00  }
0x55: {  	v0 =	vld [tilespmem:s8+$0x5270];
	[tilespmem:s11+$0x270] =	vst v6;
	s11 =	smov.u32 s8  }
0x56: {  	v6 =	vld [tilespmem:s11+$0x200]  }
0x57: {  	v11 =	vld [tilespmem:s11+$0x210]  }
.Ltmp2:
0x58: {  	v10 =	vld [tilespmem:s11+$0x220];
	(pc) =	sbr.rel @p0 .LBB2_3-.Ltmp2, $4  }
0x59: {  	v9 =	vld [tilespmem:s11+$0x230]  }
0x5a: {  	v8 =	vld [tilespmem:s11+$0x240]  }
0x5b: {  	v12 =	vadd.f32 v13, v6;
	v7 =	vld [tilespmem:s11+$0x250]  }
0x5c: {  	s14 =	sadd.s32 $0x200, s14;
	v11 =	vadd.f32 v14, v11;
	v6 =	vld [tilespmem:s11+$0x260]  }
0x5d: {  	v12 =	vmax.f32 v12, $0.0e+00;
	v5 =	vadd.f32 v5, v10;
	v10 =	vld [tilespmem:s11+$0x270]  }
0x5e: {  	[tilespmem:s11+$0x200] =	vst v12;
	v11 =	vmax.f32 v11, $0.0e+00;
	v4 =	vadd.f32 v4, v9  }
0x5f: {  	[tilespmem:s11+$0x210] =	vst v11;
	v5 =	vmax.f32 v5, $0.0e+00;
	v3 =	vadd.f32 v3, v8  }
0x60: {  	[tilespmem:s11+$0x220] =	vst v5;
	v4 =	vmax.f32 v4, $0.0e+00;
	v2 =	vadd.f32 v2, v7  }
0x61: {  	[tilespmem:s11+$0x230] =	vst v4;
	v3 =	vmax.f32 v3, $0.0e+00;
	v1 =	vadd.f32 v1, v6  }
0x62: {  	[tilespmem:s11+$0x240] =	vst v3;
	v2 =	vmax.f32 v2, $0.0e+00;
	v0 =	vadd.f32 v0, v10  }
0x63: {  	[tilespmem:s11+$0x250] =	vst v2;
	v1 =	vmax.f32 v1, $0.0e+00  }
0x64: {  	[tilespmem:s11+$0x260] =	vst v1;
	v0 =	vmax.f32 v0, $0.0e+00  }
0x65: {  	p0 =	seq.s32 s10, $0xF;
	[tilespmem:s11+$0x270] =	vst v0;
	s11 =	sshll.u32 s10, $0x1  }
0x66: {  	[spmem:s3] =	stream.indirect.scatter.add.f32 [tilespmem:s22], [sflag:$0x7], $0x80, s30, s21, $0xb8;
	[tilespmem:$0x1E200] =	vst v63  }
0x67: {  	s8 =	sadd.s32 @!p0 $0x2, s11  }
0x68: {  	s14 =	sadd.s32 @!p0 s9, s8  }
0x69: {  	_ =	swait.ge [sflag:s19], $0x2800;
	s14 =	sshll.u32 @!p0 s14, $0x5  }
0x6a: {  	[sflag:s19] =	ssyncset.done $0x0;
	s14 =	sand.u32 @!p0 $0x1FFFFFC0, s14  }
0x6b: {  	s15 =	simm.s32 @!p0 $0x0;
	[sflag:s19] =	ssyncadd.s32 $0xFFFFD800;
	s14 =	sadd.s32 @!p0 s6, s14  }
0x6c: {  	[tilespmem:s15], [sflag:$0x1] =	stream.linear.gather @!p0 [hbm4b:s14+s15], $0x100, $0x38;
	[tilespmem:$0x1E200] =	vst v63  }
0x6d: {  	s8 =	smul.u32 @!p0 $0x50, s8;
	s14 =	simm.s32 @!p0 $0x1  }
0x6e: {  	_ =	swait.ge @!p0 [sflag:s14], $0x100  }
0x6f: {  	s16 =	simm.s32 @!p0 $0x200;
	s8 =	sadd.s32 @!p0 s7, s8;
	[sflag:s14] =	ssyncset.done @!p0 $0x0  }
0x70: {  	s8 =	sshll.u32 @!p0 s8, $0x4;
	[sflag:s14] =	ssyncadd.s32 @!p0 $0xFFFFFF00;
	s14 =	simm.s32 @!p0 $0x50  }
0x71: {  	[tilespmem:s16], [sflag:$0x3] =	stream.indirect.gather @!p0 [hbm4b:s2+s14], $0x80, s15, s14, $0xb8;
	[tilespmem:$0x1E200] =	vst v63  }
0x72: {  	s8 =	sadd.s32 @!p0 s5, s8;
	s14 =	simm.s32 @!p0 $0x5200  }
0x73: {  	[tilespmem:s14], [sflag:$0x5] =	stream.linear.gather @!p0 [hbm4b:s8+s15], $0x2800, $0x38;
	[tilespmem:$0x1E200] =	vst v63  }
0x74: {  	_ =	swait.ge [sflag:s31], $0x2800  }
0x75: {  	[sflag:s31] =	ssyncset.done $0x0  }
0x76: {  	[sflag:s31] =	ssyncadd.s32 $0xFFFFD800  }
0x77: {  	_ =	swait.ge [sflag:s0], $0x2800  }
0x78: {  	[sflag:s0] =	ssyncset.done $0x0  }
0x79: {  	s14 =	simm.s32 $0x0;
	[sflag:s0] =	ssyncadd.s32 $0xFFFFD800  }
0x7a: {  	v6 =	vld [tilespmem:s14+$0x7A00]  }
0x7b: {  	v11 =	vld [tilespmem:s14+$0x7A10]  }
0x7c: {  	v5 =	vld [tilespmem:s14+$0x7A20]  }
0x7d: {  	v4 =	vld [tilespmem:s14+$0x7A30]  }
0x7e: {  	v3 =	vld [tilespmem:s14+$0x7A40]  }
0x7f: {  	v2 =	vld [tilespmem:s14+$0x7A50]  }
0x80: {  	v1 =	vld [tilespmem:s14+$0x7A60]  }
0x81: {  	v0 =	vld [tilespmem:s14+$0x7A70]  }
0x82: {  	v12 =	vld [tilespmem:s14+$0x2A00]  }
0x83: {  	v13 =	vld [tilespmem:s14+$0x2A10]  }
0x84: {  	v10 =	vld [tilespmem:s14+$0x2A20]  }
0x85: {  	v9 =	vld [tilespmem:s14+$0x2A30]  }
0x86: {  	v8 =	vld [tilespmem:s14+$0x2A40]  }
0x87: {  	v7 =	vld [tilespmem:s14+$0x2A50];
	v12 =	vadd.f32 v6, v12  }
0x88: {  	s8 =	simm.s32 $0x200;
	v11 =	vadd.f32 v11, v13;
	v6 =	vld [tilespmem:s14+$0x2A60]  }
.LBB2_5:
0x89: {  	s15 =	sshra.s32 s8, $0x2;
	p1 =	sne.s32 s8, $0x9E00;
	v12 =	vmax.f32 v12, $0.0e+00;
	v5 =	vadd.f32 v5, v10;
	v10 =	vld [tilespmem:s14+$0x2A70]  }
0x8a: {  	v13 =	vld [tilespmem:s15+$0x7A00];
	[tilespmem:s14+$0x2A00] =	vst v12;
	v11 =	vmax.f32 v11, $0.0e+00;
	v4 =	vadd.f32 v4, v9  }
0x8b: {  	v14 =	vld [tilespmem:s15+$0x7A10];
	[tilespmem:s14+$0x2A10] =	vst v11;
	v9 =	vmax.f32 v5, $0.0e+00;
	v3 =	vadd.f32 v3, v8  }
0x8c: {  	v5 =	vld [tilespmem:s15+$0x7A20];
	[tilespmem:s14+$0x2A20] =	vst v9;
	v8 =	vmax.f32 v4, $0.0e+00;
	v2 =	vadd.f32 v2, v7  }
0x8d: {  	v4 =	vld [tilespmem:s15+$0x7A30];
	[tilespmem:s14+$0x2A30] =	vst v8;
	v7 =	vmax.f32 v3, $0.0e+00;
	v1 =	vadd.f32 v1, v6  }
0x8e: {  	v3 =	vld [tilespmem:s15+$0x7A40];
	[tilespmem:s14+$0x2A40] =	vst v7;
	v6 =	vmax.f32 v2, $0.0e+00;
	v0 =	vadd.f32 v0, v10  }
0x8f: {  	v2 =	vld [tilespmem:s15+$0x7A50];
	[tilespmem:s14+$0x2A50] =	vst v6;
	v6 =	vmax.f32 v1, $0.0e+00  }
0x90: {  	v1 =	vld [tilespmem:s15+$0x7A60];
	[tilespmem:s14+$0x2A60] =	vst v6;
	v6 =	vmax.f32 v0, $0.0e+00  }
0x91: {  	v0 =	vld [tilespmem:s15+$0x7A70];
	[tilespmem:s14+$0x2A70] =	vst v6;
	s14 =	smov.u32 s15  }
0x92: {  	v6 =	vld [tilespmem:s14+$0x2A00]  }
0x93: {  	v11 =	vld [tilespmem:s14+$0x2A10]  }
.Ltmp3:
0x94: {  	v10 =	vld [tilespmem:s14+$0x2A20];
	(pc) =	sbr.rel @p1 .LBB2_5-.Ltmp3, $4  }
0x95: {  	v9 =	vld [tilespmem:s14+$0x2A30]  }
0x96: {  	v8 =	vld [tilespmem:s14+$0x2A40]  }
0x97: {  	v12 =	vadd.f32 v13, v6;
	v7 =	vld [tilespmem:s14+$0x2A50]  }
0x98: {  	s8 =	sadd.s32 $0x200, s8;
	v11 =	vadd.f32 v14, v11;
	v6 =	vld [tilespmem:s14+$0x2A60]  }
0x99: {  	v12 =	vmax.f32 v12, $0.0e+00;
	v5 =	vadd.f32 v5, v10;
	v63 =	vld [tilespmem:s14+$0x2A70]  }
0x9a: {  	[tilespmem:s14+$0x2A00] =	vst v12;
	v11 =	vmax.f32 v11, $0.0e+00;
	v4 =	vadd.f32 v4, v9  }
0x9b: {  	[tilespmem:s14+$0x2A10] =	vst v11;
	v5 =	vmax.f32 v5, $0.0e+00;
	v3 =	vadd.f32 v3, v8  }
0x9c: {  	[tilespmem:s14+$0x2A20] =	vst v5;
	v4 =	vmax.f32 v4, $0.0e+00;
	v2 =	vadd.f32 v2, v7  }
0x9d: {  	[tilespmem:s14+$0x2A30] =	vst v4;
	v3 =	vmax.f32 v3, $0.0e+00;
	v1 =	vadd.f32 v1, v6  }
0x9e: {  	[tilespmem:s14+$0x2A40] =	vst v3;
	v2 =	vmax.f32 v2, $0.0e+00;
	v0 =	vadd.f32 v0, v63  }
0x9f: {  	[tilespmem:s14+$0x2A50] =	vst v2;
	v1 =	vmax.f32 v1, $0.0e+00  }
0xa0: {  	[tilespmem:s14+$0x2A60] =	vst v1;
	v0 =	vmax.f32 v0, $0.0e+00  }
.Ltmp4:
0xa1: {  	[tilespmem:s14+$0x2A70] =	vst v0;
	(pc) =	sbr.rel @p0 .LBB2_8-.Ltmp4, $4  }
0xa2: {  	[spmem:s3] =	stream.indirect.scatter.add.f32 [tilespmem:s25], [sflag:$0x7], $0x80, s1, s21, $0xb8;
	[tilespmem:$0x1E200] =	vst v63  }
0xa3: {  	_ =	swait.ge [sflag:s19], $0x2800  }
0xa4: {  	[sflag:s19] =	ssyncset.done $0x0  }
0xa5: {  	[sflag:s19] =	ssyncadd.s32 $0xFFFFD800  }
0xa6: {  	s8 =	sadd.s32 $0x3, s11  }
0xa7: {  	s11 =	sadd.s32 s9, s8  }
0xa8: {  	s11 =	sshll.u32 s11, $0x5  }
0xa9: {  	s11 =	sand.u32 $0x1FFFFFE0, s11  }
0xaa: {  	s8 =	smul.u32 $0x50, s8;
	s11 =	sadd.s32 s6, s11  }
0xab: {  	[tilespmem:s17], [sflag:$0x2] =	stream.linear.gather [hbm4b:s11+s4], $0x100, $0x38;
	[tilespmem:$0x1E200] =	vst v63  }
0xac: {  	_ =	swait.ge [sflag:s24], $0x100  }
.Ltmp5:
0xad: {  	s8 =	sadd.s32 s7, s8;
	[sflag:s24] =	ssyncset.done $0x0;
	(pc) =	sbr.rel .LBB2_2-.Ltmp5, $4  }
0xae: {  	s8 =	sshll.u32 s8, $0x4;
	[sflag:s24] =	ssyncadd.s32 $0xFFFFFF00  }
0xaf: {  	[tilespmem:s25], [sflag:$0x4] =	stream.indirect.gather [hbm4b:s2+s21], $0x80, s17, s21, $0xb8;
	[tilespmem:$0x1E200] =	vst v63  }
0xb0: {  	s10 =	sadd.s32 $0x1, s10;
	s8 =	sadd.s32 s5, s8  }
0xb1: {  	[tilespmem:s26], [sflag:$0x6] =	stream.linear.gather [hbm4b:s8+s4], $0x2800, $0x38;
	[tilespmem:$0x1E200] =	vst v63  }
.LBB2_9:
0xb2: {  	_ =	sfence.sel $0x180000  }
0xb3: {  	[bflag:$0x0] =	sbarrier.arrive $0xFFFF  }
0xb4: {  	_ =	strace $0x90000050  }
0xb5: {  	s0 =	stileid.u32;
	[bflag:$0x2] =	sbarrier.arrive $0xFFFF  }
0xb6: {  	p0 =	sne.s32 s0, $0x0;
	s0 =	rddreg [dreg:$0x3]  }
0xb7: {  	s0 =	sadd.s32 @!p0 $0x100000, s0  }
0xb8: {  	[sflag:s0] =	ssyncadd.tile.s32 @!p0 $0x1;
	_ =	shalt  }
.Lfunc_end2:
_tile_overlayer_lowered:
.L_overlay_start_2:
0xb9: {  	(tag) =	ssettag $0x2  }
0xba: {  	s0 =	rddreg [dreg:$0x0];
	s2 =	stileid.u32  }
0xbb: {  	s1 =	rddreg [dreg:$0x1];
	p0 =	sne.s32 s2, $0x0  }
0xbc: {  	s3 =	rddreg [dreg:$0x2];
	[bflag:$0x3] =	sbarrier.arrive $0xFFFF;
	s2 =	simm.s32 @!p0 $0x1C07  }
0xbd: {  	[timem:s3], [sflag:s2] =	dma.local @!p0 [hbm:s0], s1  }
0xbe: {  	s0 =	simm.s32 @!p0 $0x7  }
0xbf: {  	_ =	swait.ge @!p0 [sflag:s0], s1  }
0xc0: {  	s1 =	ssub.s32 @!p0 $0x0, s1;
	[sflag:s0] =	ssyncset.done @!p0 $0x0  }
0xc1: {  	[sflag:s0] =	ssyncadd.s32 @!p0 s1  }
0xc2: {  	[bflag:$0x3] =	sbarrier.arrive $0xFFFF  }
0xc3: {  	_ =	shalt  }

// kernel: kernel.18.cloned.1.call-start
scs
__scs_entry_jumppad:
0x0: {  	(pc) =	sbr.rel $0x88, $3  }
0x1: {  	(tag) =	ssettag $0x0;
	lr =	simm.s32 $0x1  }
0x2: {  	[smem:$0x3F96] =	sst lr;
	_ =	strace $0xD0000000  }
0x3: {  	_ = 	snop  }
0x4: {  	_ = 	snop  }
0x5: {  	_ = 	snop  }
0x6: {  	_ = 	snop  }
0x7: {  	_ = 	snop  }
__scs_overlays_trampoline_lowered:
0x8: {  	[smem:$0x3FA5] =	sst s0  }
0x9: {  	[smem:$0x3FA6] =	sst s1  }
0xa: {  	[smem:$0x3FA7] =	sst s2  }
0xb: {  	[smem:$0x3FA8] =	sst s3  }
0xc: {  	[smem:$0x3FA9] =	sst s4  }
0xd: {  	[smem:$0x3FAA] =	sst s5  }
0xe: {  	[smem:$0x3FAB] =	sst s6  }
0xf: {  	[smem:$0x3FAC] =	sst s7  }
0x10: {  	[smem:$0x3FAD] =	sst s8  }
0x11: {  	[smem:$0x3FAE] =	sst s9;
	s0 =	simm.s32 @!p0 $0x0  }
0x12: {  	s1 =	sld [smem:$0x3F94];
	s0 =	simm.s32 @p0 $0x1  }
0x13: {  	[smem:$0x3FAF] =	sst s0;
	s0 =	simm.s32 @!p1 $0x0  }
0x14: {  	s2 =	sld [smem:$0x3F93];
	s0 =	simm.s32 @p1 $0x1  }
0x15: {  	[smem:$0x3FB0] =	sst s0;
	s0 =	simm.s32 @!p2 $0x0  }
0x16: {  	s3 =	sld [smem:$0x3FDB];
	s0 =	simm.s32 @p2 $0x1  }
0x17: {  	s4 =	simm.s32 $0x1BF5;
	[smem:$0x3FB2] =	sst s0  }
0x18: {  	s0 =	sld [smem:$0x3F95];
	_ =	swait.ge [sflag:s4], $0x0  }
0x19: {  	s7 =	sld [smem:$0x3F96]  }
0x1a: {  	s8 =	sadd.s32 $0xFFFFE003, lr  }
0x1b: {  	s9 =	sadd.s32 $0xFFFFFEF7, lr;
	s5 =	simm.s32 $0xFFFFFFFF;
	p2 =	slt.u32 s8, $0xFFFFF086  }
0x1c: {  	p1 =	slt.u32 s9, $0xF7A;
	s5 =	simm.s32 @!p2 $0x0  }
0x1d: {  	s5 =	simm.s32 @p1 $0x1;
	p0 =	seq.s32 s7, s2  }
0x1e: {  	s7 =	smul.u32 @!p0 $0xF7A, s2;
	p2 =	seq.s32 @!p0 s5, $0x0  }
0x1f: {  	s9 =	smul.u32 $0xF7A, s1;
	s8 =	simm.s32 @!p0 $0x1BF5;
	p2 =	por !p2, p0  }
0x20: {  	[sflag:s8] =	ssyncset.s32 @!p0 $0xFFFFF086;
	s6 =	sadd.s32 @!p0 s3, s7;
	s7 =	simm.s32 @!p0 $0x108  }
0x21: {  	s3 =	sadd.s32 s3, s9;
	s6 =	sadd.s32 @!p0 $0x88, s6;
	s7 =	simm.s32 @p2 $0x1082  }
0x22: {  	[simem:s7], [sflag:s8] =	dma.local @!p0 [hbm:s6], $0xF7A  }
0x23: {  	s9 =	sor.u32 $0xD0000000, s2;
	s6 =	simm.s32 $0x108;
	_ =	swait.ge @!p0 [sflag:s8], $0x0  }
0x24: {  	s3 =	sadd.s32 $0x88, s3;
	s6 =	simm.s32 @!p1 $0x1082;
	[sflag:s4] =	ssyncset.s32 $0xFFFFF086  }
0x25: {  	[simem:s6], [sflag:s4] =	dma.local [hbm:s3], $0xF7A  }
0x26: {  	[smem:$0x3F96] =	sst s1;
	(tag) =	ssettag s2;
	_ =	strace s9  }
0x27: {  	s1 =	sld [smem:$0x3FA6]  }
0x28: {  	s2 =	sld [smem:$0x3FA7]  }
0x29: {  	s4 =	sld [smem:$0x3FA9]  }
0x2a: {  	p0 =	seq.s32 s5, $0x0;
	s5 =	sld [smem:$0x3FAA]  }
0x2b: {  	s6 =	sld [smem:$0x3FAB]  }
0x2c: {  	s7 =	sld [smem:$0x3FAC]  }
0x2d: {  	s3 =	simm.s32 $0x108;
	s8 =	sld [smem:$0x3FAD]  }
0x2e: {  	s3 =	simm.s32 @!p0 $0x1082;
	s9 =	sld [smem:$0x3FAE]  }
0x2f: {  	lr =	sadd.s32 s0, s3;
	s0 =	sld [smem:$0x3FA5]  }
0x30: {  	s3 =	sld [smem:$0x3FA8]  }
0x31: {  	[smem:$0x3FB1] =	sst s10  }
0x32: {  	s10 =	sld [smem:$0x3FAF];
	_ =	sdelay $0x3  }
0x33: {  	p0 =	seq.s32 s10, $0x1;
	s10 =	sld [smem:$0x3FB1];
	_ =	sdelay $0x3  }
0x34: {  	[smem:$0x3FB1] =	sst s10  }
0x35: {  	s10 =	sld [smem:$0x3FB0];
	_ =	sdelay $0x3  }
0x36: {  	p1 =	seq.s32 s10, $0x1;
	s10 =	sld [smem:$0x3FB1];
	_ =	sdelay $0x3  }
0x37: {  	[smem:$0x3FB1] =	sst s10  }
0x38: {  	s10 =	sld [smem:$0x3FB2]  }
0x39: {  	_ = 	snop;
	(pc) =	sbr.ind lr, $3  }
0x3a: {  	_ = 	snop  }
0x3b: {  	_ = 	snop  }
0x3c: {  	p2 =	seq.s32 s10, $0x1;
	s10 =	sld [smem:$0x3FB1]  }
0x3d: {  	_ =	shalt  }
0x3e: {  	_ =	shalt  }
0x3f: {  	_ =	shalt  }
0x40: {  	_ =	shalt  }
0x41: {  	_ =	shalt  }
0x42: {  	_ =	shalt  }
0x43: {  	_ =	shalt  }
0x44: {  	_ =	shalt  }
0x45: {  	_ =	shalt  }
0x46: {  	_ =	shalt  }
0x47: {  	_ =	shalt  }
0x48: {  	_ =	shalt  }
0x49: {  	_ =	shalt  }
0x4a: {  	_ =	shalt  }
0x4b: {  	_ =	shalt  }
0x4c: {  	_ =	shalt  }
0x4d: {  	_ =	shalt  }
0x4e: {  	_ =	shalt  }
0x4f: {  	_ =	shalt  }
0x50: {  	_ =	shalt  }
0x51: {  	_ =	shalt  }
0x52: {  	_ =	shalt  }
0x53: {  	_ =	shalt  }
0x54: {  	_ =	shalt  }
0x55: {  	_ =	shalt  }
0x56: {  	_ =	shalt  }
0x57: {  	_ =	shalt  }
0x58: {  	_ =	shalt  }
0x59: {  	_ =	shalt  }
0x5a: {  	_ =	shalt  }
0x5b: {  	_ =	shalt  }
0x5c: {  	_ =	shalt  }
0x5d: {  	_ =	shalt  }
0x5e: {  	_ =	shalt  }
0x5f: {  	_ =	shalt  }
0x60: {  	_ =	shalt  }
0x61: {  	_ =	shalt  }
0x62: {  	_ =	shalt  }
0x63: {  	_ =	shalt  }
0x64: {  	_ =	shalt  }
0x65: {  	_ =	shalt  }
0x66: {  	_ =	shalt  }
0x67: {  	_ =	shalt  }
0x68: {  	_ =	shalt  }
0x69: {  	_ =	shalt  }
0x6a: {  	_ =	shalt  }
0x6b: {  	_ =	shalt  }
0x6c: {  	_ =	shalt  }
0x6d: {  	_ =	shalt  }
0x6e: {  	_ =	shalt  }
0x6f: {  	_ =	shalt  }
0x70: {  	_ =	shalt  }
0x71: {  	_ =	shalt  }
0x72: {  	_ =	shalt  }
0x73: {  	_ =	shalt  }
0x74: {  	_ =	shalt  }
0x75: {  	_ =	shalt  }
0x76: {  	_ =	shalt  }
0x77: {  	_ =	shalt  }
0x78: {  	_ =	shalt  }
0x79: {  	_ =	shalt  }
0x7a: {  	_ =	shalt  }
0x7b: {  	_ =	shalt  }
0x7c: {  	_ =	shalt  }
0x7d: {  	_ =	shalt  }
0x7e: {  	_ =	shalt  }
0x7f: {  	_ =	shalt  }
0x80: {  	_ =	shalt  }
0x81: {  	_ =	shalt  }
0x82: {  	_ =	shalt  }
0x83: {  	_ =	shalt  }
0x84: {  	_ =	shalt  }
0x85: {  	_ =	shalt  }
0x86: {  	_ =	shalt  }
0x87: {  	_ =	shalt  }
.Lfunc_end0:
.L_simem_size_0:
called_computation.2_lowered:
.L_overlay_start_0:
0x88: {  	s2 =	sld [smem:$0x3FD9]  }
0x89: {  	s3 =	sld [smem:$0x3FFE];
	_ =	sdelay $0x1  }
0x8a: {  	s1 =	srdreg.scid  }
0x8b: {  	s0 =	sand.u32 $0x1, s1  }
0x8c: {  	s17 =	sshll.u32 s0, $0xA;
	s2 =	sadd.s32 s3, s2  }
0x8d: {  	s2 =	sadd.s32 s2, s17  }
0x8e: {  	[smem:$0x3FBD] =	sst s2  }
0x8f: {  	_ = 	snop  }
0x90: {  	s2 =	sld [smem:$0x3FD0];
	(tm) =	ssettm $0x1  }
0x91: {  	s18 =	sld [smem:$0x3FFB];
	_ =	sdelay $0x3  }
0x92: {  	_ =	strace s18  }
0x93: {  	s3 =	sld [smem:$0x3FFC];
	_ =	sdelay $0x3  }
0x94: {  	_ =	strace s3  }
0x95: {  	s3 =	sld [smem:$0x3FFD];
	_ =	sdelay $0x3  }
0x96: {  	_ =	strace s3  }
0x97: {  	_ =	strace $0x8FFFFFFF  }
0x98: {  	s19 =	sld [smem:$0x3FDB];
	_ =	sdelay $0x1  }
0x99: {  	s4 =	simm.s32 $_scs_section_size  }
0x9a: {  	s5 =	simm.s32 $_size__tile_overlayer_lowered;
	s6 =	simm.s32 $_tile_overlayer_lowered  }
0x9b: {  	s22 =	simm.s32 $0x1BFF;
	s21 =	sshll.u32 s6, $0x1;
	s3 =	sadd.s32 s4, s19  }
0x9c: {  	s7 =	simm.s32 $0x0;
	s20 =	sshll.u32 s5, $0x1;
	s5 =	sadd.s32 s21, s3  }
0x9d: {  	[timem:s7], [sflag:s22] =	dma.local [hbm:s5], s20  }
0x9e: {  	_ =	swait.ge [sflag:s22], s20  }
0x9f: {  	s4 =	ssub.s32 $0x0, s20;
	[sflag:s22] =	ssyncset.done $0x0  }
0xa0: {  	[sflag:s22] =	ssyncadd.s32 s4;
	_ =	sdelay $0x1  }
0xa1: {  	s23 =	simm.s32 $0x1B8B  }
0xa2: {  	_ =	swait.ge [sflag:s23], $0x1  }
0xa3: {  	[sflag:s23] =	ssyncset.done $0x0  }
0xa4: {  	s25 =	simm.s32 $0x1B8E;
	s24 =	sld [smem:$0x3FFE];
	[sflag:s23] =	ssyncadd.s32 $0xFFFFFFFF  }
0xa5: {  	s26 =	simm.s32 $execute0_lowered;
	[smem:$0x3FD2] =	sst s25  }
0xa6: {  	s5 =	sshll.u32 s26, $0x1;
	_ =	strace $0x80000046;
	[dreg:$0x1] =	wrdreg $0xFFFFFFFF  }
0xa7: {  	s28 =	simm.s32 $_size_execute0_lowered;
	s3 =	sadd.s32 s3, s5;
	[dreg:$0x0] =	wrdreg $0x0  }
0xa8: {  	s5 =	sshll.u32 s28, $0x1;
	[dreg:$0x2] =	wrdreg s3  }
0xa9: {  	[dreg:$0x3] =	wrdreg s5  }
0xaa: {  	[dreg:$0x4] =	wrdreg $0xC0  }
0xab: {  	_ =	task [dreg:s7], $0x5FFFF  }
0xac: {  	[dreg:$0x1] =	wrdreg $0xFFFFFFFF  }
0xad: {  	[dreg:$0x0] =	wrdreg $0x60  }
0xae: {  	[dreg:$0x2] =	wrdreg s2  }
0xaf: {  	[dreg:$0x3] =	wrdreg s24  }
0xb0: {  	[dreg:$0x4] =	wrdreg $0xA2000  }
0xb1: {  	[dreg:$0x5] =	wrdreg $0xB  }
0xb2: {  	_ =	task.clear_ibuf [dreg:s7], $0x6FFFF;
	_ =	strace $0x90000046  }
0xb3: {  	s29 =	simm.s32 $0xB;
	_ =	strace $0x80000048  }
0xb4: {  	_ =	swait.ge [sflag:s29], $0x1  }
0xb5: {  	[sflag:s29] =	ssyncadd.s32 $0xFFFFFFFF  }
0xb6: {  	_ =	strace $0x90000048  }
0xb7: {  	_ =	sfence  }
0xb8: {  	s30 =	sld [smem:$0x0];
	_ =	sdelay $0x2  }
0xb9: {  	s31 =	sshll.u32 s1, $0xD;
	s1 =	sshrl.u32 s1, $0x2  }
0xba: {  	s3 =	sand.u32 $0x4000, s31;
	s1 =	sadd.s32 s1, s30  }
0xbb: {  	s0 =	sor.u32 s3, s0;
	s1 =	sshll.u32 s1, $0x11  }
0xbc: {  	s0 =	sor.u32 s1, s0  }
0xbd: {  	s0 =	sadd.s32 $0x8F2B, s0  }
0xbe: {  	[sflag:s0] =	ssyncadd.remote.s32 $0x1  }
0xbf: {  	_ =	sfence.sel $0xFFFF  }
0xc0: {  	[dreg:$0x0] =	wrdreg $0xFFFFFFFF;
	(pc) =	sbr.abs _section_cstart, $3  }
0xc1: {  	[dreg:$0x1] =	wrdreg $0xFFFFFFFF  }
0xc2: {  	_ =	task.clear_ibuf [dreg:s7], $0x2FFFF;
	_ =	strace $0x9FFFFFFF  }
0xc3: {  	(tm) =	ssettm $0x7FFFFFFF  }
tec
execute0_lowered:
.L_overlay_start_1:
0x0: {  	(tag) =	ssettag $0x1  }
0x1: {  	s1 =	rddreg [dreg:$0x0]  }
0x2: {  	s0 =	rddreg [dreg:$0x1]  }
0x3: {  	s2 =	rddreg [dreg:$0x2];
	s4 =	simm.s32 $0x0;
	s3 =	srdreg.scid  }
0x4: {  	s15 =	stileid.u32;
	s17 =	simm.s32 $0x100;
	s28 =	simm.s32 $0x3  }
0x5: {  	s29 =	simm.s32 $0x5;
	s30 =	simm.s32 $0x80;
	s31 =	simm.s32 $0x4  }
0x6: {  	[smem:$0x7FF] =	sst s4;
	s3 =	sand.u32 $0x1, s3;
	s8 =	smul.u32 $0x14000, s15  }
0x7: {  	s5 =	sadd.s32 $0x345000, s0;
	s13 =	smul.u32 $0x50000, s15;
	s6 =	sshll.u32 s3, $0x4  }
0x8: {  	s23 =	sshll.u32 s15, $0x6;
	s9 =	smul.u32 $0x140000, s3;
	s10 =	sor.u32 s15, s6  }
0x9: {  	_ =	strace $0x80000047;
	s3 =	ssub.s32 $0x2, s3;
	s7 =	smul.u32 $0x9B0, s10  }
0xa: {  	s11 =	sshrl.u32 s8, $0x3;
	s9 =	sadd.s32 s8, s9;
	s8 =	smul.u32 $0x1F, s10  }
0xb: {  	s6 =	sadd.s32 $0x32DC00, s0;
	s19 =	sshrl.u32 s3, $0x1;
	s12 =	smul.u32 $0x1F00, s10  }
0xc: {  	s13 =	sshrl.u32 s13, $0x2;
	s11 =	sadd.s32 s11, s0;
	s20 =	smul.u32 $0x3E0, s10  }
0xd: {  	s3 =	ssub.s32 s3, s19;
	s14 =	smul.u32 $0x4D800, s10;
	s22 =	sadd.s32 s13, s2  }
0xe: {  	s10 =	smul.u32 $0x9B00, s10;
	s19 =	simm.s32 $0x7;
	s9 =	sshrl.u32 s9, $0x3  }
0xf: {  	s11 =	sadd.s32 $0x55000, s11;
	s16 =	smax.u32 s3, $0x1;
	s18 =	sshrl.u32 s22, $0x3  }
0x10: {  	s22 =	simm.s32 $0x200;
	s3 =	simm.s32 $0x180;
	s0 =	sadd.s32 s9, s0  }
0x11: {  	s12 =	sshrl.u32 s12, $0x3;
	s9 =	sadd.s32 s6, s20;
	s24 =	sshrl.u32 s14, $0x3  }
0x12: {  	[dreg:$0x6] =	wrdreg s11;
	s10 =	sadd.s32 s5, s10;
	s20 =	simm.s32 $0x1  }
0x13: {  	s12 =	sadd.s32 s6, s12;
	[dreg:$0x4] =	wrdreg s9;
	s25 =	sadd.s32 s5, s24  }
0x14: {  	[dreg:$0x7] =	wrdreg s10;
	s0 =	sadd.s32 $0x7D000, s0;
	s24 =	simm.s32 $0x2  }
0x15: {  	s9 =	simm.s32 $0x0;
	s21 =	sadd.s32 $0x20, s12;
	s12 =	sor.u32 $0x1C07, s23  }
0x16: {  	s26 =	sadd.s32 $0x500, s25;
	[dreg:$0x9] =	wrdreg s0;
	s23 =	simm.s32 $0x5200  }
0x17: {  	s25 =	simm.s32 $0x2A00;
	s0 =	simm.s32 $0x6;
	[dreg:$0x5] =	wrdreg s21  }
0x18: {  	[dreg:$0x8] =	wrdreg s26;
	s21 =	simm.s32 $0x50;
	s26 =	simm.s32 $0x7A00  }
.LBB2_1:
0x19: {  	s10 =	rddreg [dreg:$0x4]  }
0x1a: {  	s11 =	rddreg [dreg:$0x5]  }
0x1b: {  	[tilespmem:s4], [sflag:$0x1] =	stream.linear.gather [hbm4b:s10+s4], $0x100, $0x38;
	[tilespmem:$0x1E200] =	vst v63  }
0x1c: {  	s13 =	rddreg [dreg:$0x6]  }
0x1d: {  	[tilespmem:s17], [sflag:$0x2] =	stream.linear.gather [hbm4b:s11+s4], $0x100, $0x38;
	[tilespmem:$0x1E200] =	vst v63  }
0x1e: {  	[spmem:s18], [sflag:s12] =	dma.local [hbm:s13], $0x2800  }
0x1f: {  	_ =	swait.ge [sflag:s19], $0x2800  }
0x20: {  	[sflag:s19] =	ssyncset.done $0x0  }
0x21: {  	[sflag:s19] =	ssyncadd.s32 $0xFFFFD800  }
0x22: {  	_ =	swait.ge [sflag:s20], $0x100  }
0x23: {  	[sflag:s20] =	ssyncset.done $0x0  }
0x24: {  	[sflag:s20] =	ssyncadd.s32 $0xFFFFFF00  }
0x25: {  	[tilespmem:s22], [sflag:$0x3] =	stream.indirect.gather [hbm4b:s1+s21], $0x80, s4, s21, $0xb8;
	[tilespmem:$0x1E200] =	vst v63  }
0x26: {  	s14 =	rddreg [dreg:$0x7]  }
0x27: {  	[tilespmem:s23], [sflag:$0x5] =	stream.linear.gather [hbm4b:s14+s4], $0x2800, $0x38;
	[tilespmem:$0x1E200] =	vst v63  }
0x28: {  	_ =	swait.ge [sflag:s24], $0x100  }
0x29: {  	[sflag:s24] =	ssyncset.done $0x0  }
0x2a: {  	[sflag:s24] =	ssyncadd.s32 $0xFFFFFF00  }
0x2b: {  	[tilespmem:s25], [sflag:$0x4] =	stream.indirect.gather [hbm4b:s1+s21], $0x80, s17, s21, $0xb8;
	[tilespmem:$0x1E200] =	vst v63  }
0x2c: {  	s15 =	rddreg [dreg:$0x8]  }
0x2d: {  	[tilespmem:s26], [sflag:$0x6] =	stream.linear.gather [hbm4b:s15+s4], $0x2800, $0x38;
	[tilespmem:$0x1E200] =	vst v63  }
0x2e: {  	s10 =	simm.s32 $0x0;
	[bflag:$0x0] =	sbarrier.arrive $0xFFFF  }
.LBB2_2:
0x2f: {  	_ =	swait.ge [sflag:s28], $0x2800  }
0x30: {  	[sflag:s28] =	ssyncset.done $0x0  }
0x31: {  	[sflag:s28] =	ssyncadd.s32 $0xFFFFD800  }
0x32: {  	_ =	swait.ge [sflag:s29], $0x2800  }
0x33: {  	[sflag:s29] =	ssyncset.done $0x0  }
0x34: {  	s11 =	simm.s32 $0x0;
	[sflag:s29] =	ssyncadd.s32 $0xFFFFD800  }
0x35: {  	v6 =	vld [tilespmem:s11+$0x5200]  }
0x36: {  	v11 =	vld [tilespmem:s11+$0x5210]  }
0x37: {  	v5 =	vld [tilespmem:s11+$0x5220]  }
0x38: {  	v4 =	vld [tilespmem:s11+$0x5230]  }
0x39: {  	v3 =	vld [tilespmem:s11+$0x5240]  }
0x3a: {  	v2 =	vld [tilespmem:s11+$0x5250]  }
0x3b: {  	v1 =	vld [tilespmem:s11+$0x5260]  }
0x3c: {  	v0 =	vld [tilespmem:s11+$0x5270]  }
0x3d: {  	v12 =	vld [tilespmem:s11+$0x200]  }
0x3e: {  	v13 =	vld [tilespmem:s11+$0x210]  }
0x3f: {  	v10 =	vld [tilespmem:s11+$0x220]  }
0x40: {  	v9 =	vld [tilespmem:s11+$0x230]  }
0x41: {  	v8 =	vld [tilespmem:s11+$0x240]  }
0x42: {  	v7 =	vld [tilespmem:s11+$0x250];
	v12 =	vadd.f32 v6, v12  }
0x43: {  	s13 =	simm.s32 $0x200;
	v11 =	vadd.f32 v11, v13;
	v6 =	vld [tilespmem:s11+$0x260]  }
.LBB2_3:
0x44: {  	s14 =	sshra.s32 s13, $0x2;
	p0 =	sne.s32 s13, $0x9E00;
	v12 =	vmax.f32 v12, $0.0e+00;
	v5 =	vadd.f32 v5, v10;
	v10 =	vld [tilespmem:s11+$0x270]  }
0x45: {  	v13 =	vld [tilespmem:s14+$0x5200];
	[tilespmem:s11+$0x200] =	vst v12;
	v11 =	vmax.f32 v11, $0.0e+00;
	v4 =	vadd.f32 v4, v9  }
0x46: {  	v14 =	vld [tilespmem:s14+$0x5210];
	[tilespmem:s11+$0x210] =	vst v11;
	v9 =	vmax.f32 v5, $0.0e+00;
	v3 =	vadd.f32 v3, v8  }
0x47: {  	v5 =	vld [tilespmem:s14+$0x5220];
	[tilespmem:s11+$0x220] =	vst v9;
	v8 =	vmax.f32 v4, $0.0e+00;
	v2 =	vadd.f32 v2, v7  }
0x48: {  	v4 =	vld [tilespmem:s14+$0x5230];
	[tilespmem:s11+$0x230] =	vst v8;
	v7 =	vmax.f32 v3, $0.0e+00;
	v1 =	vadd.f32 v1, v6  }
0x49: {  	v3 =	vld [tilespmem:s14+$0x5240];
	[tilespmem:s11+$0x240] =	vst v7;
	v6 =	vmax.f32 v2, $0.0e+00;
	v0 =	vadd.f32 v0, v10  }
0x4a: {  	v2 =	vld [tilespmem:s14+$0x5250];
	[tilespmem:s11+$0x250] =	vst v6;
	v6 =	vmax.f32 v1, $0.0e+00  }
0x4b: {  	v1 =	vld [tilespmem:s14+$0x5260];
	[tilespmem:s11+$0x260] =	vst v6;
	v6 =	vmax.f32 v0, $0.0e+00  }
0x4c: {  	v0 =	vld [tilespmem:s14+$0x5270];
	[tilespmem:s11+$0x270] =	vst v6;
	s11 =	smov.u32 s14  }
0x4d: {  	v6 =	vld [tilespmem:s11+$0x200]  }
0x4e: {  	v11 =	vld [tilespmem:s11+$0x210]  }
.Ltmp0:
0x4f: {  	v10 =	vld [tilespmem:s11+$0x220];
	(pc) =	sbr.rel @p0 .LBB2_3-.Ltmp0, $4  }
0x50: {  	v9 =	vld [tilespmem:s11+$0x230]  }
0x51: {  	v8 =	vld [tilespmem:s11+$0x240]  }
0x52: {  	v12 =	vadd.f32 v13, v6;
	v7 =	vld [tilespmem:s11+$0x250]  }
0x53: {  	s13 =	sadd.s32 $0x200, s13;
	v11 =	vadd.f32 v14, v11;
	v6 =	vld [tilespmem:s11+$0x260]  }
0x54: {  	v12 =	vmax.f32 v12, $0.0e+00;
	v5 =	vadd.f32 v5, v10;
	v10 =	vld [tilespmem:s11+$0x270]  }
0x55: {  	[tilespmem:s11+$0x200] =	vst v12;
	v11 =	vmax.f32 v11, $0.0e+00;
	v4 =	vadd.f32 v4, v9  }
0x56: {  	[tilespmem:s11+$0x210] =	vst v11;
	v5 =	vmax.f32 v5, $0.0e+00;
	v3 =	vadd.f32 v3, v8  }
0x57: {  	[tilespmem:s11+$0x220] =	vst v5;
	v4 =	vmax.f32 v4, $0.0e+00;
	v2 =	vadd.f32 v2, v7  }
0x58: {  	[tilespmem:s11+$0x230] =	vst v4;
	v3 =	vmax.f32 v3, $0.0e+00;
	v1 =	vadd.f32 v1, v6  }
0x59: {  	[tilespmem:s11+$0x240] =	vst v3;
	v2 =	vmax.f32 v2, $0.0e+00;
	v0 =	vadd.f32 v0, v10  }
0x5a: {  	[tilespmem:s11+$0x250] =	vst v2;
	v1 =	vmax.f32 v1, $0.0e+00  }
0x5b: {  	[tilespmem:s11+$0x260] =	vst v1;
	v0 =	vmax.f32 v0, $0.0e+00  }
0x5c: {  	[tilespmem:s11+$0x270] =	vst v0;
	s11 =	sshll.u32 s10, $0x1  }
0x5d: {  	[spmem:s2] =	stream.indirect.scatter.add.f32 [tilespmem:s22], [sflag:$0x7], $0x80, s30, s21, $0xb8;
	[tilespmem:$0x1E200] =	vst v63  }
0x5e: {  	s13 =	sadd.s32 $0x2, s11  }
0x5f: {  	s14 =	sadd.s32 s8, s13  }
0x60: {  	_ =	swait.ge [sflag:s19], $0x2800;
	s14 =	sshll.u32 s14, $0x5  }
0x61: {  	s15 =	simm.s32 $0x0;
	[sflag:s19] =	ssyncset.done $0x0;
	s14 =	sand.u32 $0x1FFFFFE0, s14  }
0x62: {  	s13 =	smul.u32 $0x50, s13;
	[sflag:s19] =	ssyncadd.s32 $0xFFFFD800;
	s14 =	sadd.s32 s6, s14  }
0x63: {  	[tilespmem:s15], [sflag:$0x1] =	stream.linear.gather [hbm4b:s14+s15], $0x100, $0x38;
	[tilespmem:$0x1E200] =	vst v63  }
0x64: {  	_ =	swait.ge [sflag:s20], $0x100  }
0x65: {  	s13 =	sadd.s32 s7, s13;
	[sflag:s20] =	ssyncset.done $0x0  }
0x66: {  	s13 =	sshll.u32 s13, $0x4;
	[sflag:s20] =	ssyncadd.s32 $0xFFFFFF00  }
0x67: {  	[tilespmem:s22], [sflag:$0x3] =	stream.indirect.gather [hbm4b:s1+s21], $0x80, s15, s21, $0xb8;
	[tilespmem:$0x1E200] =	vst v63  }
0x68: {  	s13 =	sadd.s32 s5, s13  }
0x69: {  	[tilespmem:s23], [sflag:$0x5] =	stream.linear.gather [hbm4b:s13+s15], $0x2800, $0x38;
	[tilespmem:$0x1E200] =	vst v63  }
0x6a: {  	_ =	swait.ge [sflag:s31], $0x2800  }
0x6b: {  	[sflag:s31] =	ssyncset.done $0x0  }
0x6c: {  	[sflag:s31] =	ssyncadd.s32 $0xFFFFD800  }
0x6d: {  	_ =	swait.ge [sflag:s0], $0x2800  }
0x6e: {  	[sflag:s0] =	ssyncset.done $0x0  }
0x6f: {  	s13 =	simm.s32 $0x0;
	[sflag:s0] =	ssyncadd.s32 $0xFFFFD800  }
0x70: {  	v6 =	vld [tilespmem:s13+$0x7A00]  }
0x71: {  	v11 =	vld [tilespmem:s13+$0x7A10]  }
0x72: {  	v5 =	vld [tilespmem:s13+$0x7A20]  }
0x73: {  	v4 =	vld [tilespmem:s13+$0x7A30]  }
0x74: {  	v3 =	vld [tilespmem:s13+$0x7A40]  }
0x75: {  	v2 =	vld [tilespmem:s13+$0x7A50]  }
0x76: {  	v1 =	vld [tilespmem:s13+$0x7A60]  }
0x77: {  	v0 =	vld [tilespmem:s13+$0x7A70]  }
0x78: {  	v12 =	vld [tilespmem:s13+$0x2A00]  }
0x79: {  	v13 =	vld [tilespmem:s13+$0x2A10]  }
0x7a: {  	v10 =	vld [tilespmem:s13+$0x2A20]  }
0x7b: {  	v9 =	vld [tilespmem:s13+$0x2A30]  }
0x7c: {  	v8 =	vld [tilespmem:s13+$0x2A40]  }
0x7d: {  	v7 =	vld [tilespmem:s13+$0x2A50];
	v12 =	vadd.f32 v6, v12  }
0x7e: {  	s14 =	simm.s32 $0x200;
	v11 =	vadd.f32 v11, v13;
	v6 =	vld [tilespmem:s13+$0x2A60]  }
.LBB2_5:
0x7f: {  	s15 =	sshra.s32 s14, $0x2;
	p0 =	sne.s32 s14, $0x9E00;
	v12 =	vmax.f32 v12, $0.0e+00;
	v5 =	vadd.f32 v5, v10;
	v10 =	vld [tilespmem:s13+$0x2A70]  }
0x80: {  	v13 =	vld [tilespmem:s15+$0x7A00];
	[tilespmem:s13+$0x2A00] =	vst v12;
	v11 =	vmax.f32 v11, $0.0e+00;
	v4 =	vadd.f32 v4, v9  }
0x81: {  	v14 =	vld [tilespmem:s15+$0x7A10];
	[tilespmem:s13+$0x2A10] =	vst v11;
	v9 =	vmax.f32 v5, $0.0e+00;
	v3 =	vadd.f32 v3, v8  }
0x82: {  	v5 =	vld [tilespmem:s15+$0x7A20];
	[tilespmem:s13+$0x2A20] =	vst v9;
	v8 =	vmax.f32 v4, $0.0e+00;
	v2 =	vadd.f32 v2, v7  }
0x83: {  	v4 =	vld [tilespmem:s15+$0x7A30];
	[tilespmem:s13+$0x2A30] =	vst v8;
	v7 =	vmax.f32 v3, $0.0e+00;
	v1 =	vadd.f32 v1, v6  }
0x84: {  	v3 =	vld [tilespmem:s15+$0x7A40];
	[tilespmem:s13+$0x2A40] =	vst v7;
	v6 =	vmax.f32 v2, $0.0e+00;
	v0 =	vadd.f32 v0, v10  }
0x85: {  	v2 =	vld [tilespmem:s15+$0x7A50];
	[tilespmem:s13+$0x2A50] =	vst v6;
	v6 =	vmax.f32 v1, $0.0e+00  }
0x86: {  	v1 =	vld [tilespmem:s15+$0x7A60];
	[tilespmem:s13+$0x2A60] =	vst v6;
	v6 =	vmax.f32 v0, $0.0e+00  }
0x87: {  	v0 =	vld [tilespmem:s15+$0x7A70];
	[tilespmem:s13+$0x2A70] =	vst v6;
	s13 =	smov.u32 s15  }
0x88: {  	v6 =	vld [tilespmem:s13+$0x2A00]  }
0x89: {  	v11 =	vld [tilespmem:s13+$0x2A10]  }
.Ltmp1:
0x8a: {  	v10 =	vld [tilespmem:s13+$0x2A20];
	(pc) =	sbr.rel @p0 .LBB2_5-.Ltmp1, $4  }
0x8b: {  	v9 =	vld [tilespmem:s13+$0x2A30]  }
0x8c: {  	v8 =	vld [tilespmem:s13+$0x2A40]  }
0x8d: {  	v12 =	vadd.f32 v13, v6;
	v7 =	vld [tilespmem:s13+$0x2A50]  }
0x8e: {  	s14 =	sadd.s32 $0x200, s14;
	v11 =	vadd.f32 v14, v11;
	v6 =	vld [tilespmem:s13+$0x2A60]  }
0x8f: {  	v12 =	vmax.f32 v12, $0.0e+00;
	v5 =	vadd.f32 v5, v10;
	v63 =	vld [tilespmem:s13+$0x2A70]  }
0x90: {  	[tilespmem:s13+$0x2A00] =	vst v12;
	v11 =	vmax.f32 v11, $0.0e+00;
	v4 =	vadd.f32 v4, v9  }
0x91: {  	[tilespmem:s13+$0x2A10] =	vst v11;
	v5 =	vmax.f32 v5, $0.0e+00;
	v3 =	vadd.f32 v3, v8  }
0x92: {  	[tilespmem:s13+$0x2A20] =	vst v5;
	v4 =	vmax.f32 v4, $0.0e+00;
	v2 =	vadd.f32 v2, v7  }
0x93: {  	[tilespmem:s13+$0x2A30] =	vst v4;
	v3 =	vmax.f32 v3, $0.0e+00;
	v1 =	vadd.f32 v1, v6  }
0x94: {  	[tilespmem:s13+$0x2A40] =	vst v3;
	v2 =	vmax.f32 v2, $0.0e+00;
	v0 =	vadd.f32 v0, v63  }
0x95: {  	[tilespmem:s13+$0x2A50] =	vst v2;
	v1 =	vmax.f32 v1, $0.0e+00  }
0x96: {  	p0 =	seq.s32 s10, $0xE;
	[tilespmem:s13+$0x2A60] =	vst v1;
	v0 =	vmax.f32 v0, $0.0e+00  }
.Ltmp2:
0x97: {  	[tilespmem:s13+$0x2A70] =	vst v0;
	(pc) =	sbr.rel @p0 .LBB2_8-.Ltmp2, $4  }
0x98: {  	[spmem:s2] =	stream.indirect.scatter.add.f32 [tilespmem:s25], [sflag:$0x7], $0x80, s3, s21, $0xb8;
	[tilespmem:$0x1E200] =	vst v63  }
0x99: {  	_ =	swait.ge [sflag:s19], $0x2800  }
0x9a: {  	[sflag:s19] =	ssyncset.done $0x0  }
0x9b: {  	[sflag:s19] =	ssyncadd.s32 $0xFFFFD800  }
0x9c: {  	s11 =	sadd.s32 $0x3, s11  }
0x9d: {  	s13 =	sadd.s32 s8, s11  }
0x9e: {  	s13 =	sshll.u32 s13, $0x5  }
0x9f: {  	s13 =	sand.u32 $0x1FFFFFE0, s13  }
0xa0: {  	s11 =	smul.u32 $0x50, s11;
	s13 =	sadd.s32 s6, s13  }
0xa1: {  	[tilespmem:s17], [sflag:$0x2] =	stream.linear.gather [hbm4b:s13+s4], $0x100, $0x38;
	[tilespmem:$0x1E200] =	vst v63  }
0xa2: {  	_ =	swait.ge [sflag:s24], $0x100  }
.Ltmp3:
0xa3: {  	s11 =	sadd.s32 s7, s11;
	[sflag:s24] =	ssyncset.done $0x0;
	(pc) =	sbr.rel .LBB2_2-.Ltmp3, $4  }
0xa4: {  	s11 =	sshll.u32 s11, $0x4;
	[sflag:s24] =	ssyncadd.s32 $0xFFFFFF00  }
0xa5: {  	[tilespmem:s25], [sflag:$0x4] =	stream.indirect.gather [hbm4b:s1+s21], $0x80, s17, s21, $0xb8;
	[tilespmem:$0x1E200] =	vst v63  }
0xa6: {  	s10 =	sadd.s32 $0x1, s10;
	s11 =	sadd.s32 s5, s11  }
0xa7: {  	[tilespmem:s26], [sflag:$0x6] =	stream.linear.gather [hbm4b:s11+s4], $0x2800, $0x38;
	[tilespmem:$0x1E200] =	vst v63  }
.LBB2_8:
0xa8: {  	_ =	swait.ge [sflag:s28], $0x2800  }
0xa9: {  	[sflag:s28] =	ssyncset.done $0x0  }
0xaa: {  	[sflag:s28] =	ssyncadd.s32 $0xFFFFD800  }
0xab: {  	_ =	swait.ge [sflag:s29], $0x2800  }
0xac: {  	[sflag:s29] =	ssyncset.done $0x0  }
0xad: {  	s10 =	simm.s32 $0x0;
	[sflag:s29] =	ssyncadd.s32 $0xFFFFD800  }
0xae: {  	v6 =	vld [tilespmem:s10+$0x5200]  }
0xaf: {  	v11 =	vld [tilespmem:s10+$0x5210]  }
0xb0: {  	v5 =	vld [tilespmem:s10+$0x5220]  }
0xb1: {  	v4 =	vld [tilespmem:s10+$0x5230]  }
0xb2: {  	v3 =	vld [tilespmem:s10+$0x5240]  }
0xb3: {  	v2 =	vld [tilespmem:s10+$0x5250]  }
0xb4: {  	v1 =	vld [tilespmem:s10+$0x5260]  }
0xb5: {  	v0 =	vld [tilespmem:s10+$0x5270]  }
0xb6: {  	v12 =	vld [tilespmem:s10+$0x200]  }
0xb7: {  	v13 =	vld [tilespmem:s10+$0x210]  }
0xb8: {  	v10 =	vld [tilespmem:s10+$0x220]  }
0xb9: {  	v9 =	vld [tilespmem:s10+$0x230]  }
0xba: {  	v8 =	vld [tilespmem:s10+$0x240]  }
0xbb: {  	v7 =	vld [tilespmem:s10+$0x250];
	v12 =	vadd.f32 v6, v12  }
0xbc: {  	s11 =	simm.s32 $0x200;
	v11 =	vadd.f32 v11, v13;
	v6 =	vld [tilespmem:s10+$0x260]  }
.LBB2_9:
0xbd: {  	s13 =	sshra.s32 s11, $0x2;
	p0 =	sne.s32 s11, $0x9E00;
	v12 =	vmax.f32 v12, $0.0e+00;
	v5 =	vadd.f32 v5, v10;
	v10 =	vld [tilespmem:s10+$0x270]  }
0xbe: {  	v13 =	vld [tilespmem:s13+$0x5200];
	[tilespmem:s10+$0x200] =	vst v12;
	v11 =	vmax.f32 v11, $0.0e+00;
	v4 =	vadd.f32 v4, v9  }
0xbf: {  	v14 =	vld [tilespmem:s13+$0x5210];
	[tilespmem:s10+$0x210] =	vst v11;
	v9 =	vmax.f32 v5, $0.0e+00;
	v3 =	vadd.f32 v3, v8  }
0xc0: {  	v5 =	vld [tilespmem:s13+$0x5220];
	[tilespmem:s10+$0x220] =	vst v9;
	v8 =	vmax.f32 v4, $0.0e+00;
	v2 =	vadd.f32 v2, v7  }
0xc1: {  	v4 =	vld [tilespmem:s13+$0x5230];
	[tilespmem:s10+$0x230] =	vst v8;
	v7 =	vmax.f32 v3, $0.0e+00;
	v1 =	vadd.f32 v1, v6  }
0xc2: {  	v3 =	vld [tilespmem:s13+$0x5240];
	[tilespmem:s10+$0x240] =	vst v7;
	v6 =	vmax.f32 v2, $0.0e+00;
	v0 =	vadd.f32 v0, v10  }
0xc3: {  	v2 =	vld [tilespmem:s13+$0x5250];
	[tilespmem:s10+$0x250] =	vst v6;
	v6 =	vmax.f32 v1, $0.0e+00  }
0xc4: {  	v1 =	vld [tilespmem:s13+$0x5260];
	[tilespmem:s10+$0x260] =	vst v6;
	v6 =	vmax.f32 v0, $0.0e+00  }
0xc5: {  	v0 =	vld [tilespmem:s13+$0x5270];
	[tilespmem:s10+$0x270] =	vst v6;
	s10 =	smov.u32 s13  }
0xc6: {  	v6 =	vld [tilespmem:s10+$0x200]  }
0xc7: {  	v11 =	vld [tilespmem:s10+$0x210]  }
.Ltmp4:
0xc8: {  	v10 =	vld [tilespmem:s10+$0x220];
	(pc) =	sbr.rel @p0 .LBB2_9-.Ltmp4, $4  }
0xc9: {  	v9 =	vld [tilespmem:s10+$0x230]  }
0xca: {  	v8 =	vld [tilespmem:s10+$0x240]  }
0xcb: {  	v12 =	vadd.f32 v13, v6;
	v7 =	vld [tilespmem:s10+$0x250]  }
0xcc: {  	s11 =	sadd.s32 $0x200, s11;
	v11 =	vadd.f32 v14, v11;
	v6 =	vld [tilespmem:s10+$0x260]  }
0xcd: {  	v12 =	vmax.f32 v12, $0.0e+00;
	v5 =	vadd.f32 v5, v10;
	v63 =	vld [tilespmem:s10+$0x270]  }
0xce: {  	[tilespmem:s10+$0x200] =	vst v12;
	v11 =	vmax.f32 v11, $0.0e+00;
	v4 =	vadd.f32 v4, v9  }
0xcf: {  	[tilespmem:s10+$0x210] =	vst v11;
	v5 =	vmax.f32 v5, $0.0e+00;
	v3 =	vadd.f32 v3, v8  }
0xd0: {  	[tilespmem:s10+$0x220] =	vst v5;
	v4 =	vmax.f32 v4, $0.0e+00;
	v2 =	vadd.f32 v2, v7  }
0xd1: {  	[tilespmem:s10+$0x230] =	vst v4;
	v3 =	vmax.f32 v3, $0.0e+00;
	v1 =	vadd.f32 v1, v6  }
0xd2: {  	[tilespmem:s10+$0x240] =	vst v3;
	v2 =	vmax.f32 v2, $0.0e+00;
	v0 =	vadd.f32 v0, v63  }
0xd3: {  	[tilespmem:s10+$0x250] =	vst v2;
	v1 =	vmax.f32 v1, $0.0e+00  }
0xd4: {  	[tilespmem:s10+$0x260] =	vst v1;
	v0 =	vmax.f32 v0, $0.0e+00  }
0xd5: {  	[tilespmem:s10+$0x270] =	vst v0  }
0xd6: {  	[spmem:s2] =	stream.indirect.scatter.add.f32 [tilespmem:s22], [sflag:$0x7], $0x80, s30, s21, $0xb8;
	[tilespmem:$0x1E200] =	vst v63  }
0xd7: {  	_ =	swait.ge [sflag:s19], $0x2800  }
0xd8: {  	[sflag:s19] =	ssyncset.done $0x0  }
0xd9: {  	s9 =	sadd.s32 $0x1, s9;
	[sflag:s19] =	ssyncadd.s32 $0xFFFFD800  }
0xda: {  	p0 =	sne.s32 s9, s16;
	[bflag:$0x0] =	sbarrier.arrive $0xFFFF  }
.Ltmp5:
0xdb: {  	s15 =	rddreg [dreg:$0x9];
	(pc) =	sbr.rel @p0 .LBB2_1-.Ltmp5, $4  }
0xdc: {  	[hbm:s15], [sflag:s12] =	dma.local [spmem:s18], $0x2800  }
0xdd: {  	_ =	swait.ge [sflag:s19], $0x2800  }
0xde: {  	[sflag:s19] =	ssyncset.done $0x0  }
0xdf: {  	[sflag:s19] =	ssyncadd.s32 $0xFFFFD800  }
0xe0: {  	_ =	sfence.sel $0x180000  }
0xe1: {  	[bflag:$0x0] =	sbarrier.arrive $0xFFFF  }
0xe2: {  	_ =	strace $0x90000047  }
0xe3: {  	s0 =	stileid.u32;
	[bflag:$0x2] =	sbarrier.arrive $0xFFFF  }
0xe4: {  	p0 =	sne.s32 s0, $0x0;
	s0 =	rddreg [dreg:$0x3]  }
0xe5: {  	s0 =	sadd.s32 @!p0 $0x100000, s0  }
0xe6: {  	[sflag:s0] =	ssyncadd.tile.s32 @!p0 $0x1;
	_ =	shalt  }
.Lfunc_end2:
_tile_overlayer_lowered:
.L_overlay_start_2:
0xe7: {  	(tag) =	ssettag $0x2  }
0xe8: {  	s0 =	rddreg [dreg:$0x0];
	s2 =	stileid.u32  }
0xe9: {  	s1 =	rddreg [dreg:$0x1];
	p0 =	sne.s32 s2, $0x0  }
0xea: {  	s3 =	rddreg [dreg:$0x2];
	[bflag:$0x3] =	sbarrier.arrive $0xFFFF;
	s2 =	simm.s32 @!p0 $0x1C07  }
0xeb: {  	[timem:s3], [sflag:s2] =	dma.local @!p0 [hbm:s0], s1  }
0xec: {  	s0 =	simm.s32 @!p0 $0x7  }
0xed: {  	_ =	swait.ge @!p0 [sflag:s0], s1  }
0xee: {  	s1 =	ssub.s32 @!p0 $0x0, s1;
	[sflag:s0] =	ssyncset.done @!p0 $0x0  }
0xef: {  	[sflag:s0] =	ssyncadd.s32 @!p0 s1  }
0xf0: {  	[bflag:$0x3] =	sbarrier.arrive $0xFFFF  }
0xf1: {  	_ =	shalt  }

// kernel: kernel.21.cloned.1.call-start
scs
__scs_entry_jumppad:
0x0: {  	(pc) =	sbr.rel $0x88, $3  }
0x1: {  	(tag) =	ssettag $0x0;
	lr =	simm.s32 $0x1  }
0x2: {  	[smem:$0x3F96] =	sst lr;
	_ =	strace $0xD0000000  }
0x3: {  	_ = 	snop  }
0x4: {  	_ = 	snop  }
0x5: {  	_ = 	snop  }
0x6: {  	_ = 	snop  }
0x7: {  	_ = 	snop  }
__scs_overlays_trampoline_lowered:
0x8: {  	[smem:$0x3FA5] =	sst s0  }
0x9: {  	[smem:$0x3FA6] =	sst s1  }
0xa: {  	[smem:$0x3FA7] =	sst s2  }
0xb: {  	[smem:$0x3FA8] =	sst s3  }
0xc: {  	[smem:$0x3FA9] =	sst s4  }
0xd: {  	[smem:$0x3FAA] =	sst s5  }
0xe: {  	[smem:$0x3FAB] =	sst s6  }
0xf: {  	[smem:$0x3FAC] =	sst s7  }
0x10: {  	[smem:$0x3FAD] =	sst s8  }
0x11: {  	[smem:$0x3FAE] =	sst s9;
	s0 =	simm.s32 @!p0 $0x0  }
0x12: {  	s1 =	sld [smem:$0x3F94];
	s0 =	simm.s32 @p0 $0x1  }
0x13: {  	[smem:$0x3FAF] =	sst s0;
	s0 =	simm.s32 @!p1 $0x0  }
0x14: {  	s2 =	sld [smem:$0x3F93];
	s0 =	simm.s32 @p1 $0x1  }
0x15: {  	[smem:$0x3FB0] =	sst s0;
	s0 =	simm.s32 @!p2 $0x0  }
0x16: {  	s3 =	sld [smem:$0x3FDB];
	s0 =	simm.s32 @p2 $0x1  }
0x17: {  	s4 =	simm.s32 $0x1BF5;
	[smem:$0x3FB2] =	sst s0  }
0x18: {  	s0 =	sld [smem:$0x3F95];
	_ =	swait.ge [sflag:s4], $0x0  }
0x19: {  	s7 =	sld [smem:$0x3F96]  }
0x1a: {  	s8 =	sadd.s32 $0xFFFFE003, lr  }
0x1b: {  	s9 =	sadd.s32 $0xFFFFFEF7, lr;
	s5 =	simm.s32 $0xFFFFFFFF;
	p2 =	slt.u32 s8, $0xFFFFF086  }
0x1c: {  	p1 =	slt.u32 s9, $0xF7A;
	s5 =	simm.s32 @!p2 $0x0  }
0x1d: {  	s5 =	simm.s32 @p1 $0x1;
	p0 =	seq.s32 s7, s2  }
0x1e: {  	s7 =	smul.u32 @!p0 $0xF7A, s2;
	p2 =	seq.s32 @!p0 s5, $0x0  }
0x1f: {  	s9 =	smul.u32 $0xF7A, s1;
	s8 =	simm.s32 @!p0 $0x1BF5;
	p2 =	por !p2, p0  }
0x20: {  	[sflag:s8] =	ssyncset.s32 @!p0 $0xFFFFF086;
	s6 =	sadd.s32 @!p0 s3, s7;
	s7 =	simm.s32 @!p0 $0x108  }
0x21: {  	s3 =	sadd.s32 s3, s9;
	s6 =	sadd.s32 @!p0 $0x88, s6;
	s7 =	simm.s32 @p2 $0x1082  }
0x22: {  	[simem:s7], [sflag:s8] =	dma.local @!p0 [hbm:s6], $0xF7A  }
0x23: {  	s9 =	sor.u32 $0xD0000000, s2;
	s6 =	simm.s32 $0x108;
	_ =	swait.ge @!p0 [sflag:s8], $0x0  }
0x24: {  	s3 =	sadd.s32 $0x88, s3;
	s6 =	simm.s32 @!p1 $0x1082;
	[sflag:s4] =	ssyncset.s32 $0xFFFFF086  }
0x25: {  	[simem:s6], [sflag:s4] =	dma.local [hbm:s3], $0xF7A  }
0x26: {  	[smem:$0x3F96] =	sst s1;
	(tag) =	ssettag s2;
	_ =	strace s9  }
0x27: {  	s1 =	sld [smem:$0x3FA6]  }
0x28: {  	s2 =	sld [smem:$0x3FA7]  }
0x29: {  	s4 =	sld [smem:$0x3FA9]  }
0x2a: {  	p0 =	seq.s32 s5, $0x0;
	s5 =	sld [smem:$0x3FAA]  }
0x2b: {  	s6 =	sld [smem:$0x3FAB]  }
0x2c: {  	s7 =	sld [smem:$0x3FAC]  }
0x2d: {  	s3 =	simm.s32 $0x108;
	s8 =	sld [smem:$0x3FAD]  }
0x2e: {  	s3 =	simm.s32 @!p0 $0x1082;
	s9 =	sld [smem:$0x3FAE]  }
0x2f: {  	lr =	sadd.s32 s0, s3;
	s0 =	sld [smem:$0x3FA5]  }
0x30: {  	s3 =	sld [smem:$0x3FA8]  }
0x31: {  	[smem:$0x3FB1] =	sst s10  }
0x32: {  	s10 =	sld [smem:$0x3FAF];
	_ =	sdelay $0x3  }
0x33: {  	p0 =	seq.s32 s10, $0x1;
	s10 =	sld [smem:$0x3FB1];
	_ =	sdelay $0x3  }
0x34: {  	[smem:$0x3FB1] =	sst s10  }
0x35: {  	s10 =	sld [smem:$0x3FB0];
	_ =	sdelay $0x3  }
0x36: {  	p1 =	seq.s32 s10, $0x1;
	s10 =	sld [smem:$0x3FB1];
	_ =	sdelay $0x3  }
0x37: {  	[smem:$0x3FB1] =	sst s10  }
0x38: {  	s10 =	sld [smem:$0x3FB2]  }
0x39: {  	_ = 	snop;
	(pc) =	sbr.ind lr, $3  }
0x3a: {  	_ = 	snop  }
0x3b: {  	_ = 	snop  }
0x3c: {  	p2 =	seq.s32 s10, $0x1;
	s10 =	sld [smem:$0x3FB1]  }
0x3d: {  	_ =	shalt  }
0x3e: {  	_ =	shalt  }
0x3f: {  	_ =	shalt  }
0x40: {  	_ =	shalt  }
0x41: {  	_ =	shalt  }
0x42: {  	_ =	shalt  }
0x43: {  	_ =	shalt  }
0x44: {  	_ =	shalt  }
0x45: {  	_ =	shalt  }
0x46: {  	_ =	shalt  }
0x47: {  	_ =	shalt  }
0x48: {  	_ =	shalt  }
0x49: {  	_ =	shalt  }
0x4a: {  	_ =	shalt  }
0x4b: {  	_ =	shalt  }
0x4c: {  	_ =	shalt  }
0x4d: {  	_ =	shalt  }
0x4e: {  	_ =	shalt  }
0x4f: {  	_ =	shalt  }
0x50: {  	_ =	shalt  }
0x51: {  	_ =	shalt  }
0x52: {  	_ =	shalt  }
0x53: {  	_ =	shalt  }
0x54: {  	_ =	shalt  }
0x55: {  	_ =	shalt  }
0x56: {  	_ =	shalt  }
0x57: {  	_ =	shalt  }
0x58: {  	_ =	shalt  }
0x59: {  	_ =	shalt  }
0x5a: {  	_ =	shalt  }
0x5b: {  	_ =	shalt  }
0x5c: {  	_ =	shalt  }
0x5d: {  	_ =	shalt  }
0x5e: {  	_ =	shalt  }
0x5f: {  	_ =	shalt  }
0x60: {  	_ =	shalt  }
0x61: {  	_ =	shalt  }
0x62: {  	_ =	shalt  }
0x63: {  	_ =	shalt  }
0x64: {  	_ =	shalt  }
0x65: {  	_ =	shalt  }
0x66: {  	_ =	shalt  }
0x67: {  	_ =	shalt  }
0x68: {  	_ =	shalt  }
0x69: {  	_ =	shalt  }
0x6a: {  	_ =	shalt  }
0x6b: {  	_ =	shalt  }
0x6c: {  	_ =	shalt  }
0x6d: {  	_ =	shalt  }
0x6e: {  	_ =	shalt  }
0x6f: {  	_ =	shalt  }
0x70: {  	_ =	shalt  }
0x71: {  	_ =	shalt  }
0x72: {  	_ =	shalt  }
0x73: {  	_ =	shalt  }
0x74: {  	_ =	shalt  }
0x75: {  	_ =	shalt  }
0x76: {  	_ =	shalt  }
0x77: {  	_ =	shalt  }
0x78: {  	_ =	shalt  }
0x79: {  	_ =	shalt  }
0x7a: {  	_ =	shalt  }
0x7b: {  	_ =	shalt  }
0x7c: {  	_ =	shalt  }
0x7d: {  	_ =	shalt  }
0x7e: {  	_ =	shalt  }
0x7f: {  	_ =	shalt  }
0x80: {  	_ =	shalt  }
0x81: {  	_ =	shalt  }
0x82: {  	_ =	shalt  }
0x83: {  	_ =	shalt  }
0x84: {  	_ =	shalt  }
0x85: {  	_ =	shalt  }
0x86: {  	_ =	shalt  }
0x87: {  	_ =	shalt  }
.Lfunc_end0:
.L_simem_size_0:
called_computation.3_lowered:
.L_overlay_start_0:
0x88: {  	s2 =	sld [smem:$0x3FD9]  }
0x89: {  	s3 =	sld [smem:$0x3FFE];
	_ =	sdelay $0x1  }
0x8a: {  	s1 =	srdreg.scid  }
0x8b: {  	s0 =	sand.u32 $0x1, s1  }
0x8c: {  	s17 =	sshll.u32 s0, $0xA;
	s2 =	sadd.s32 s3, s2  }
0x8d: {  	s2 =	sadd.s32 s2, s17  }
0x8e: {  	[smem:$0x3FBD] =	sst s2  }
0x8f: {  	_ = 	snop  }
0x90: {  	s18 =	sld [smem:$0x3FD0];
	(tm) =	ssettm $0x1  }
0x91: {  	s19 =	sld [smem:$0x3FFB];
	_ =	sdelay $0x3  }
0x92: {  	_ =	strace s19  }
0x93: {  	s2 =	sld [smem:$0x3FFC];
	_ =	sdelay $0x3  }
0x94: {  	_ =	strace s2  }
0x95: {  	s2 =	sld [smem:$0x3FFD];
	_ =	sdelay $0x3  }
0x96: {  	_ =	strace s2  }
0x97: {  	_ =	strace $0x8FFFFFFF  }
0x98: {  	s20 =	sld [smem:$0x3FDB];
	_ =	sdelay $0x1  }
0x99: {  	s4 =	simm.s32 $_scs_section_size  }
0x9a: {  	s5 =	simm.s32 $_size__tile_overlayer_lowered;
	s6 =	simm.s32 $_tile_overlayer_lowered  }
0x9b: {  	s7 =	simm.s32 $0x1BFF;
	s21 =	sshll.u32 s6, $0x1;
	s4 =	sadd.s32 s4, s20  }
0x9c: {  	s22 =	simm.s32 $0x0;
	s5 =	sshll.u32 s5, $0x1;
	s6 =	sadd.s32 s21, s4  }
0x9d: {  	[timem:s22], [sflag:s7] =	dma.local [hbm:s6], s5  }
0x9e: {  	_ =	swait.ge [sflag:s7], s5  }
0x9f: {  	s5 =	ssub.s32 $0x0, s5;
	[sflag:s7] =	ssyncset.done $0x0  }
0xa0: {  	[sflag:s7] =	ssyncadd.s32 s5;
	_ =	sdelay $0x1  }
0xa1: {  	s23 =	simm.s32 $0x1B8B  }
0xa2: {  	_ =	swait.ge [sflag:s23], $0x1  }
0xa3: {  	[sflag:s23] =	ssyncset.done $0x0  }
0xa4: {  	[sflag:s23] =	ssyncadd.s32 $0xFFFFFFFF  }
0xa5: {  	s5 =	sld [smem:$0x0]  }
0xa6: {  	s6 =	sand.u32 $0xFFFFFFFE, s1  }
0xa7: {  	p0 =	sne.s32 s1, s6  }
0xa8: {  	s6 =	sshll.u32 @p0 s6, $0xE  }
0xa9: {  	s6 =	sadd.s32 @p0 $0x11B8D, s6;
	s7 =	sshll.u32 @p0 s5, $0x11  }
0xaa: {  	s6 =	sor.u32 @p0 s7, s6  }
0xab: {  	[sflag:s6] =	ssyncadd.remote.s32 @p0 $0x1;
	_ =	sdelay $0x1  }
0xac: {  	s6 =	simm.s32 @p0 $0x1B8D  }
0xad: {  	_ =	swait.eq @p0 [sflag:s6], $0x1  }
0xae: {  	[sflag:s6] =	ssyncadd.s32 @p0 $0xFFFFFFFF  }
0xaf: {  	s7 =	sshll.u32 @!p0 s1, $0xE  }
0xb0: {  	s7 =	sor.u32 @!p0 $0x4000, s7;
	s6 =	simm.s32 @!p0 $0x1B8D  }
0xb1: {  	s5 =	sshll.u32 @!p0 s5, $0x11;
	s7 =	sadd.s32 @!p0 $0x11B8D, s7;
	_ =	swait.eq @!p0 [sflag:s6], $0x1  }
0xb2: {  	s5 =	sor.u32 @!p0 s5, s7;
	[sflag:s6] =	ssyncadd.s32 @!p0 $0xFFFFFFFF  }
0xb3: {  	s25 =	simm.s32 $0x1B8E;
	s24 =	sld [smem:$0x3FFE];
	[sflag:s5] =	ssyncadd.remote.s32 @!p0 $0x1  }
0xb4: {  	s26 =	simm.s32 $execute0_lowered;
	[smem:$0x3FD2] =	sst s25  }
0xb5: {  	s6 =	sshll.u32 s26, $0x1;
	_ =	strace $0x80000049;
	[dreg:$0x1] =	wrdreg $0xFFFFFFFF  }
0xb6: {  	s28 =	simm.s32 $_size_execute0_lowered;
	s4 =	sadd.s32 s4, s6;
	[dreg:$0x0] =	wrdreg $0x0  }
0xb7: {  	s6 =	sshll.u32 s28, $0x1;
	[dreg:$0x2] =	wrdreg s4  }
0xb8: {  	[dreg:$0x3] =	wrdreg s6  }
0xb9: {  	[dreg:$0x4] =	wrdreg $0xC0  }
0xba: {  	_ =	task [dreg:s22], $0x5FFFF  }
0xbb: {  	[dreg:$0x1] =	wrdreg $0xFFFFFFFF  }
0xbc: {  	[dreg:$0x0] =	wrdreg $0x60  }
0xbd: {  	[dreg:$0x2] =	wrdreg s18  }
0xbe: {  	[dreg:$0x3] =	wrdreg s24  }
0xbf: {  	[dreg:$0x4] =	wrdreg $0xA2000  }
0xc0: {  	[dreg:$0x5] =	wrdreg $0xC  }
0xc1: {  	_ =	task.clear_ibuf [dreg:s22], $0x6FFFF;
	_ =	strace $0x90000049  }
0xc2: {  	s29 =	simm.s32 $0xC;
	_ =	strace $0x8000004B  }
0xc3: {  	_ =	swait.ge [sflag:s29], $0x1  }
0xc4: {  	[sflag:s29] =	ssyncadd.s32 $0xFFFFFFFF  }
0xc5: {  	_ =	strace $0x9000004B  }
0xc6: {  	_ =	sfence  }
0xc7: {  	s30 =	sld [smem:$0x0];
	_ =	sdelay $0x2  }
0xc8: {  	s31 =	sshll.u32 s1, $0xD;
	s1 =	sshrl.u32 s1, $0x2  }
0xc9: {  	s4 =	sand.u32 $0x4000, s31;
	s1 =	sadd.s32 s1, s30  }
0xca: {  	s0 =	sor.u32 s4, s0;
	s1 =	sshll.u32 s1, $0x11  }
0xcb: {  	s0 =	sor.u32 s1, s0  }
0xcc: {  	s0 =	sadd.s32 $0x8F2B, s0  }
0xcd: {  	[sflag:s0] =	ssyncadd.remote.s32 $0x1  }
0xce: {  	_ =	sfence.sel $0xFFFF  }
0xcf: {  	[dreg:$0x0] =	wrdreg $0xFFFFFFFF;
	(pc) =	sbr.abs _section_cstart, $3  }
0xd0: {  	[dreg:$0x1] =	wrdreg $0xFFFFFFFF  }
0xd1: {  	_ =	task.clear_ibuf [dreg:s22], $0x2FFFF;
	_ =	strace $0x9FFFFFFF  }
0xd2: {  	(tm) =	ssettm $0x7FFFFFFF  }
0xd3: {  	_ =	shalt  }
tec
execute0_lowered:
.L_overlay_start_1:
0x0: {  	(tag) =	ssettag $0x1  }
0x1: {  	s1 =	rddreg [dreg:$0x0]  }
0x2: {  	s0 =	rddreg [dreg:$0x1]  }
0x3: {  	s2 =	rddreg [dreg:$0x2];
	s4 =	simm.s32 $0x0;
	s3 =	srdreg.scid  }
0x4: {  	s15 =	stileid.u32;
	s17 =	simm.s32 $0x100;
	s28 =	simm.s32 $0x3  }
0x5: {  	s29 =	simm.s32 $0x5;
	s30 =	simm.s32 $0x80;
	s31 =	simm.s32 $0x4  }
0x6: {  	[smem:$0x7FF] =	sst s4;
	s3 =	sand.u32 $0x1, s3;
	s8 =	smul.u32 $0x14000, s15  }
0x7: {  	s5 =	sadd.s32 $0x5B1000, s0;
	s13 =	smul.u32 $0x50000, s15;
	s6 =	sshll.u32 s3, $0x4  }
0x8: {  	s23 =	sshll.u32 s15, $0x6;
	s9 =	smul.u32 $0x140000, s3;
	s10 =	sor.u32 s15, s6  }
0x9: {  	_ =	strace $0x8000004A;
	s3 =	ssub.s32 $0x2, s3;
	s7 =	smul.u32 $0x9B0, s10  }
0xa: {  	s11 =	sshrl.u32 s8, $0x3;
	s9 =	sadd.s32 s8, s9;
	s8 =	smul.u32 $0x1F, s10  }
0xb: {  	s6 =	sadd.s32 $0x335800, s0;
	s19 =	sshrl.u32 s3, $0x1;
	s12 =	smul.u32 $0x1F00, s10  }
0xc: {  	s13 =	sshrl.u32 s13, $0x2;
	s11 =	sadd.s32 s11, s0;
	s20 =	smul.u32 $0x3E0, s10  }
0xd: {  	s3 =	ssub.s32 s3, s19;
	s14 =	smul.u32 $0x4D800, s10;
	s22 =	sadd.s32 s13, s2  }
0xe: {  	s10 =	smul.u32 $0x9B00, s10;
	s19 =	simm.s32 $0x7;
	s9 =	sshrl.u32 s9, $0x3  }
0xf: {  	s11 =	sadd.s32 $0x55000, s11;
	s16 =	smax.u32 s3, $0x1;
	s18 =	sshrl.u32 s22, $0x3  }
0x10: {  	s22 =	simm.s32 $0x200;
	s3 =	simm.s32 $0x180;
	s0 =	sadd.s32 s9, s0  }
0x11: {  	s12 =	sshrl.u32 s12, $0x3;
	s9 =	sadd.s32 s6, s20;
	s24 =	sshrl.u32 s14, $0x3  }
0x12: {  	[dreg:$0x6] =	wrdreg s11;
	s10 =	sadd.s32 s5, s10;
	s20 =	simm.s32 $0x1  }
0x13: {  	s12 =	sadd.s32 s6, s12;
	[dreg:$0x4] =	wrdreg s9;
	s25 =	sadd.s32 s5, s24  }
0x14: {  	[dreg:$0x7] =	wrdreg s10;
	s0 =	sadd.s32 $0xCD000, s0;
	s24 =	simm.s32 $0x2  }
0x15: {  	s9 =	simm.s32 $0x0;
	s21 =	sadd.s32 $0x20, s12;
	s12 =	sor.u32 $0x1C07, s23  }
0x16: {  	s26 =	sadd.s32 $0x500, s25;
	[dreg:$0x9] =	wrdreg s0;
	s23 =	simm.s32 $0x5200  }
0x17: {  	s25 =	simm.s32 $0x2A00;
	s0 =	simm.s32 $0x6;
	[dreg:$0x5] =	wrdreg s21  }
0x18: {  	[dreg:$0x8] =	wrdreg s26;
	s21 =	simm.s32 $0x50;
	s26 =	simm.s32 $0x7A00  }
.LBB2_1:
0x19: {  	s10 =	rddreg [dreg:$0x4]  }
0x1a: {  	s11 =	rddreg [dreg:$0x5]  }
0x1b: {  	[tilespmem:s4], [sflag:$0x1] =	stream.linear.gather [hbm4b:s10+s4], $0x100, $0x38;
	[tilespmem:$0x1E200] =	vst v63  }
0x1c: {  	s13 =	rddreg [dreg:$0x6]  }
0x1d: {  	[tilespmem:s17], [sflag:$0x2] =	stream.linear.gather [hbm4b:s11+s4], $0x100, $0x38;
	[tilespmem:$0x1E200] =	vst v63  }
0x1e: {  	[spmem:s18], [sflag:s12] =	dma.local [hbm:s13], $0x2800  }
0x1f: {  	_ =	swait.ge [sflag:s19], $0x2800  }
0x20: {  	[sflag:s19] =	ssyncset.done $0x0  }
0x21: {  	[sflag:s19] =	ssyncadd.s32 $0xFFFFD800  }
0x22: {  	_ =	swait.ge [sflag:s20], $0x100  }
0x23: {  	[sflag:s20] =	ssyncset.done $0x0  }
0x24: {  	[sflag:s20] =	ssyncadd.s32 $0xFFFFFF00  }
0x25: {  	[tilespmem:s22], [sflag:$0x3] =	stream.indirect.gather [hbm4b:s1+s21], $0x80, s4, s21, $0xb8;
	[tilespmem:$0x1E200] =	vst v63  }
0x26: {  	s14 =	rddreg [dreg:$0x7]  }
0x27: {  	[tilespmem:s23], [sflag:$0x5] =	stream.linear.gather [hbm4b:s14+s4], $0x2800, $0x38;
	[tilespmem:$0x1E200] =	vst v63  }
0x28: {  	_ =	swait.ge [sflag:s24], $0x100  }
0x29: {  	[sflag:s24] =	ssyncset.done $0x0  }
0x2a: {  	[sflag:s24] =	ssyncadd.s32 $0xFFFFFF00  }
0x2b: {  	[tilespmem:s25], [sflag:$0x4] =	stream.indirect.gather [hbm4b:s1+s21], $0x80, s17, s21, $0xb8;
	[tilespmem:$0x1E200] =	vst v63  }
0x2c: {  	s15 =	rddreg [dreg:$0x8]  }
0x2d: {  	[tilespmem:s26], [sflag:$0x6] =	stream.linear.gather [hbm4b:s15+s4], $0x2800, $0x38;
	[tilespmem:$0x1E200] =	vst v63  }
0x2e: {  	s10 =	simm.s32 $0x0;
	[bflag:$0x0] =	sbarrier.arrive $0xFFFF  }
.LBB2_2:
0x2f: {  	_ =	swait.ge [sflag:s28], $0x2800  }
0x30: {  	[sflag:s28] =	ssyncset.done $0x0  }
0x31: {  	[sflag:s28] =	ssyncadd.s32 $0xFFFFD800  }
0x32: {  	_ =	swait.ge [sflag:s29], $0x2800  }
0x33: {  	[sflag:s29] =	ssyncset.done $0x0  }
0x34: {  	s11 =	simm.s32 $0x0;
	[sflag:s29] =	ssyncadd.s32 $0xFFFFD800  }
0x35: {  	v6 =	vld [tilespmem:s11+$0x5200]  }
0x36: {  	v11 =	vld [tilespmem:s11+$0x5210]  }
0x37: {  	v5 =	vld [tilespmem:s11+$0x5220]  }
0x38: {  	v4 =	vld [tilespmem:s11+$0x5230]  }
0x39: {  	v3 =	vld [tilespmem:s11+$0x5240]  }
0x3a: {  	v2 =	vld [tilespmem:s11+$0x5250]  }
0x3b: {  	v1 =	vld [tilespmem:s11+$0x5260]  }
0x3c: {  	v0 =	vld [tilespmem:s11+$0x5270]  }
0x3d: {  	v12 =	vld [tilespmem:s11+$0x200]  }
0x3e: {  	v13 =	vld [tilespmem:s11+$0x210]  }
0x3f: {  	v10 =	vld [tilespmem:s11+$0x220]  }
0x40: {  	v9 =	vld [tilespmem:s11+$0x230]  }
0x41: {  	v8 =	vld [tilespmem:s11+$0x240]  }
0x42: {  	v7 =	vld [tilespmem:s11+$0x250];
	v12 =	vadd.f32 v6, v12  }
0x43: {  	s13 =	simm.s32 $0x200;
	v11 =	vadd.f32 v11, v13;
	v6 =	vld [tilespmem:s11+$0x260]  }
.LBB2_3:
0x44: {  	s14 =	sshra.s32 s13, $0x2;
	p0 =	sne.s32 s13, $0x9E00;
	v12 =	vmax.f32 v12, $0.0e+00;
	v5 =	vadd.f32 v5, v10;
	v10 =	vld [tilespmem:s11+$0x270]  }
0x45: {  	v13 =	vld [tilespmem:s14+$0x5200];
	[tilespmem:s11+$0x200] =	vst v12;
	v11 =	vmax.f32 v11, $0.0e+00;
	v4 =	vadd.f32 v4, v9  }
0x46: {  	v14 =	vld [tilespmem:s14+$0x5210];
	[tilespmem:s11+$0x210] =	vst v11;
	v9 =	vmax.f32 v5, $0.0e+00;
	v3 =	vadd.f32 v3, v8  }
0x47: {  	v5 =	vld [tilespmem:s14+$0x5220];
	[tilespmem:s11+$0x220] =	vst v9;
	v8 =	vmax.f32 v4, $0.0e+00;
	v2 =	vadd.f32 v2, v7  }
0x48: {  	v4 =	vld [tilespmem:s14+$0x5230];
	[tilespmem:s11+$0x230] =	vst v8;
	v7 =	vmax.f32 v3, $0.0e+00;
	v1 =	vadd.f32 v1, v6  }
0x49: {  	v3 =	vld [tilespmem:s14+$0x5240];
	[tilespmem:s11+$0x240] =	vst v7;
	v6 =	vmax.f32 v2, $0.0e+00;
	v0 =	vadd.f32 v0, v10  }
0x4a: {  	v2 =	vld [tilespmem:s14+$0x5250];
	[tilespmem:s11+$0x250] =	vst v6;
	v6 =	vmax.f32 v1, $0.0e+00  }
0x4b: {  	v1 =	vld [tilespmem:s14+$0x5260];
	[tilespmem:s11+$0x260] =	vst v6;
	v6 =	vmax.f32 v0, $0.0e+00  }
0x4c: {  	v0 =	vld [tilespmem:s14+$0x5270];
	[tilespmem:s11+$0x270] =	vst v6;
	s11 =	smov.u32 s14  }
0x4d: {  	v6 =	vld [tilespmem:s11+$0x200]  }
0x4e: {  	v11 =	vld [tilespmem:s11+$0x210]  }
.Ltmp0:
0x4f: {  	v10 =	vld [tilespmem:s11+$0x220];
	(pc) =	sbr.rel @p0 .LBB2_3-.Ltmp0, $4  }
0x50: {  	v9 =	vld [tilespmem:s11+$0x230]  }
0x51: {  	v8 =	vld [tilespmem:s11+$0x240]  }
0x52: {  	v12 =	vadd.f32 v13, v6;
	v7 =	vld [tilespmem:s11+$0x250]  }
0x53: {  	s13 =	sadd.s32 $0x200, s13;
	v11 =	vadd.f32 v14, v11;
	v6 =	vld [tilespmem:s11+$0x260]  }
0x54: {  	v12 =	vmax.f32 v12, $0.0e+00;
	v5 =	vadd.f32 v5, v10;
	v10 =	vld [tilespmem:s11+$0x270]  }
0x55: {  	[tilespmem:s11+$0x200] =	vst v12;
	v11 =	vmax.f32 v11, $0.0e+00;
	v4 =	vadd.f32 v4, v9  }
0x56: {  	[tilespmem:s11+$0x210] =	vst v11;
	v5 =	vmax.f32 v5, $0.0e+00;
	v3 =	vadd.f32 v3, v8  }
0x57: {  	[tilespmem:s11+$0x220] =	vst v5;
	v4 =	vmax.f32 v4, $0.0e+00;
	v2 =	vadd.f32 v2, v7  }
0x58: {  	[tilespmem:s11+$0x230] =	vst v4;
	v3 =	vmax.f32 v3, $0.0e+00;
	v1 =	vadd.f32 v1, v6  }
0x59: {  	[tilespmem:s11+$0x240] =	vst v3;
	v2 =	vmax.f32 v2, $0.0e+00;
	v0 =	vadd.f32 v0, v10  }
0x5a: {  	[tilespmem:s11+$0x250] =	vst v2;
	v1 =	vmax.f32 v1, $0.0e+00  }
0x5b: {  	[tilespmem:s11+$0x260] =	vst v1;
	v0 =	vmax.f32 v0, $0.0e+00  }
0x5c: {  	[tilespmem:s11+$0x270] =	vst v0;
	s11 =	sshll.u32 s10, $0x1  }
0x5d: {  	[spmem:s2] =	stream.indirect.scatter.add.f32 [tilespmem:s22], [sflag:$0x7], $0x80, s30, s21, $0xb8;
	[tilespmem:$0x1E200] =	vst v63  }
0x5e: {  	s13 =	sadd.s32 $0x2, s11  }
0x5f: {  	s14 =	sadd.s32 s8, s13  }
0x60: {  	_ =	swait.ge [sflag:s19], $0x2800;
	s14 =	sshll.u32 s14, $0x5  }
0x61: {  	s15 =	simm.s32 $0x0;
	[sflag:s19] =	ssyncset.done $0x0;
	s14 =	sand.u32 $0x1FFFFFE0, s14  }
0x62: {  	s13 =	smul.u32 $0x50, s13;
	[sflag:s19] =	ssyncadd.s32 $0xFFFFD800;
	s14 =	sadd.s32 s6, s14  }
0x63: {  	[tilespmem:s15], [sflag:$0x1] =	stream.linear.gather [hbm4b:s14+s15], $0x100, $0x38;
	[tilespmem:$0x1E200] =	vst v63  }
0x64: {  	_ =	swait.ge [sflag:s20], $0x100  }
0x65: {  	s13 =	sadd.s32 s7, s13;
	[sflag:s20] =	ssyncset.done $0x0  }
0x66: {  	s13 =	sshll.u32 s13, $0x4;
	[sflag:s20] =	ssyncadd.s32 $0xFFFFFF00  }
0x67: {  	[tilespmem:s22], [sflag:$0x3] =	stream.indirect.gather [hbm4b:s1+s21], $0x80, s15, s21, $0xb8;
	[tilespmem:$0x1E200] =	vst v63  }
0x68: {  	s13 =	sadd.s32 s5, s13  }
0x69: {  	[tilespmem:s23], [sflag:$0x5] =	stream.linear.gather [hbm4b:s13+s15], $0x2800, $0x38;
	[tilespmem:$0x1E200] =	vst v63  }
0x6a: {  	_ =	swait.ge [sflag:s31], $0x2800  }
0x6b: {  	[sflag:s31] =	ssyncset.done $0x0  }
0x6c: {  	[sflag:s31] =	ssyncadd.s32 $0xFFFFD800  }
0x6d: {  	_ =	swait.ge [sflag:s0], $0x2800  }
0x6e: {  	[sflag:s0] =	ssyncset.done $0x0  }
0x6f: {  	s13 =	simm.s32 $0x0;
	[sflag:s0] =	ssyncadd.s32 $0xFFFFD800  }
0x70: {  	v6 =	vld [tilespmem:s13+$0x7A00]  }
0x71: {  	v11 =	vld [tilespmem:s13+$0x7A10]  }
0x72: {  	v5 =	vld [tilespmem:s13+$0x7A20]  }
0x73: {  	v4 =	vld [tilespmem:s13+$0x7A30]  }
0x74: {  	v3 =	vld [tilespmem:s13+$0x7A40]  }
0x75: {  	v2 =	vld [tilespmem:s13+$0x7A50]  }
0x76: {  	v1 =	vld [tilespmem:s13+$0x7A60]  }
0x77: {  	v0 =	vld [tilespmem:s13+$0x7A70]  }
0x78: {  	v12 =	vld [tilespmem:s13+$0x2A00]  }
0x79: {  	v13 =	vld [tilespmem:s13+$0x2A10]  }
0x7a: {  	v10 =	vld [tilespmem:s13+$0x2A20]  }
0x7b: {  	v9 =	vld [tilespmem:s13+$0x2A30]  }
0x7c: {  	v8 =	vld [tilespmem:s13+$0x2A40]  }
0x7d: {  	v7 =	vld [tilespmem:s13+$0x2A50];
	v12 =	vadd.f32 v6, v12  }
0x7e: {  	s14 =	simm.s32 $0x200;
	v11 =	vadd.f32 v11, v13;
	v6 =	vld [tilespmem:s13+$0x2A60]  }
.LBB2_5:
0x7f: {  	s15 =	sshra.s32 s14, $0x2;
	p0 =	sne.s32 s14, $0x9E00;
	v12 =	vmax.f32 v12, $0.0e+00;
	v5 =	vadd.f32 v5, v10;
	v10 =	vld [tilespmem:s13+$0x2A70]  }
0x80: {  	v13 =	vld [tilespmem:s15+$0x7A00];
	[tilespmem:s13+$0x2A00] =	vst v12;
	v11 =	vmax.f32 v11, $0.0e+00;
	v4 =	vadd.f32 v4, v9  }
0x81: {  	v14 =	vld [tilespmem:s15+$0x7A10];
	[tilespmem:s13+$0x2A10] =	vst v11;
	v9 =	vmax.f32 v5, $0.0e+00;
	v3 =	vadd.f32 v3, v8  }
0x82: {  	v5 =	vld [tilespmem:s15+$0x7A20];
	[tilespmem:s13+$0x2A20] =	vst v9;
	v8 =	vmax.f32 v4, $0.0e+00;
	v2 =	vadd.f32 v2, v7  }
0x83: {  	v4 =	vld [tilespmem:s15+$0x7A30];
	[tilespmem:s13+$0x2A30] =	vst v8;
	v7 =	vmax.f32 v3, $0.0e+00;
	v1 =	vadd.f32 v1, v6  }
0x84: {  	v3 =	vld [tilespmem:s15+$0x7A40];
	[tilespmem:s13+$0x2A40] =	vst v7;
	v6 =	vmax.f32 v2, $0.0e+00;
	v0 =	vadd.f32 v0, v10  }
0x85: {  	v2 =	vld [tilespmem:s15+$0x7A50];
	[tilespmem:s13+$0x2A50] =	vst v6;
	v6 =	vmax.f32 v1, $0.0e+00  }
0x86: {  	v1 =	vld [tilespmem:s15+$0x7A60];
	[tilespmem:s13+$0x2A60] =	vst v6;
	v6 =	vmax.f32 v0, $0.0e+00  }
0x87: {  	v0 =	vld [tilespmem:s15+$0x7A70];
	[tilespmem:s13+$0x2A70] =	vst v6;
	s13 =	smov.u32 s15  }
0x88: {  	v6 =	vld [tilespmem:s13+$0x2A00]  }
0x89: {  	v11 =	vld [tilespmem:s13+$0x2A10]  }
.Ltmp1:
0x8a: {  	v10 =	vld [tilespmem:s13+$0x2A20];
	(pc) =	sbr.rel @p0 .LBB2_5-.Ltmp1, $4  }
0x8b: {  	v9 =	vld [tilespmem:s13+$0x2A30]  }
0x8c: {  	v8 =	vld [tilespmem:s13+$0x2A40]  }
0x8d: {  	v12 =	vadd.f32 v13, v6;
	v7 =	vld [tilespmem:s13+$0x2A50]  }
0x8e: {  	s14 =	sadd.s32 $0x200, s14;
	v11 =	vadd.f32 v14, v11;
	v6 =	vld [tilespmem:s13+$0x2A60]  }
0x8f: {  	v12 =	vmax.f32 v12, $0.0e+00;
	v5 =	vadd.f32 v5, v10;
	v63 =	vld [tilespmem:s13+$0x2A70]  }
0x90: {  	[tilespmem:s13+$0x2A00] =	vst v12;
	v11 =	vmax.f32 v11, $0.0e+00;
	v4 =	vadd.f32 v4, v9  }
0x91: {  	[tilespmem:s13+$0x2A10] =	vst v11;
	v5 =	vmax.f32 v5, $0.0e+00;
	v3 =	vadd.f32 v3, v8  }
0x92: {  	[tilespmem:s13+$0x2A20] =	vst v5;
	v4 =	vmax.f32 v4, $0.0e+00;
	v2 =	vadd.f32 v2, v7  }
0x93: {  	[tilespmem:s13+$0x2A30] =	vst v4;
	v3 =	vmax.f32 v3, $0.0e+00;
	v1 =	vadd.f32 v1, v6  }
0x94: {  	[tilespmem:s13+$0x2A40] =	vst v3;
	v2 =	vmax.f32 v2, $0.0e+00;
	v0 =	vadd.f32 v0, v63  }
0x95: {  	[tilespmem:s13+$0x2A50] =	vst v2;
	v1 =	vmax.f32 v1, $0.0e+00  }
0x96: {  	p0 =	seq.s32 s10, $0xE;
	[tilespmem:s13+$0x2A60] =	vst v1;
	v0 =	vmax.f32 v0, $0.0e+00  }
.Ltmp2:
0x97: {  	[tilespmem:s13+$0x2A70] =	vst v0;
	(pc) =	sbr.rel @p0 .LBB2_8-.Ltmp2, $4  }
0x98: {  	[spmem:s2] =	stream.indirect.scatter.add.f32 [tilespmem:s25], [sflag:$0x7], $0x80, s3, s21, $0xb8;
	[tilespmem:$0x1E200] =	vst v63  }
0x99: {  	_ =	swait.ge [sflag:s19], $0x2800  }
0x9a: {  	[sflag:s19] =	ssyncset.done $0x0  }
0x9b: {  	[sflag:s19] =	ssyncadd.s32 $0xFFFFD800  }
0x9c: {  	s11 =	sadd.s32 $0x3, s11  }
0x9d: {  	s13 =	sadd.s32 s8, s11  }
0x9e: {  	s13 =	sshll.u32 s13, $0x5  }
0x9f: {  	s13 =	sand.u32 $0x1FFFFFE0, s13  }
0xa0: {  	s11 =	smul.u32 $0x50, s11;
	s13 =	sadd.s32 s6, s13  }
0xa1: {  	[tilespmem:s17], [sflag:$0x2] =	stream.linear.gather [hbm4b:s13+s4], $0x100, $0x38;
	[tilespmem:$0x1E200] =	vst v63  }
0xa2: {  	_ =	swait.ge [sflag:s24], $0x100  }
.Ltmp3:
0xa3: {  	s11 =	sadd.s32 s7, s11;
	[sflag:s24] =	ssyncset.done $0x0;
	(pc) =	sbr.rel .LBB2_2-.Ltmp3, $4  }
0xa4: {  	s11 =	sshll.u32 s11, $0x4;
	[sflag:s24] =	ssyncadd.s32 $0xFFFFFF00  }
0xa5: {  	[tilespmem:s25], [sflag:$0x4] =	stream.indirect.gather [hbm4b:s1+s21], $0x80, s17, s21, $0xb8;
	[tilespmem:$0x1E200] =	vst v63  }
0xa6: {  	s10 =	sadd.s32 $0x1, s10;
	s11 =	sadd.s32 s5, s11  }
0xa7: {  	[tilespmem:s26], [sflag:$0x6] =	stream.linear.gather [hbm4b:s11+s4], $0x2800, $0x38;
	[tilespmem:$0x1E200] =	vst v63  }
.LBB2_8:
0xa8: {  	_ =	swait.ge [sflag:s28], $0x2800  }
0xa9: {  	[sflag:s28] =	ssyncset.done $0x0  }
0xaa: {  	[sflag:s28] =	ssyncadd.s32 $0xFFFFD800  }
0xab: {  	_ =	swait.ge [sflag:s29], $0x2800  }
0xac: {  	[sflag:s29] =	ssyncset.done $0x0  }
0xad: {  	s10 =	simm.s32 $0x0;
	[sflag:s29] =	ssyncadd.s32 $0xFFFFD800  }
0xae: {  	v6 =	vld [tilespmem:s10+$0x5200]  }
0xaf: {  	v11 =	vld [tilespmem:s10+$0x5210]  }
0xb0: {  	v5 =	vld [tilespmem:s10+$0x5220]  }
0xb1: {  	v4 =	vld [tilespmem:s10+$0x5230]  }
0xb2: {  	v3 =	vld [tilespmem:s10+$0x5240]  }
0xb3: {  	v2 =	vld [tilespmem:s10+$0x5250]  }
0xb4: {  	v1 =	vld [tilespmem:s10+$0x5260]  }
0xb5: {  	v0 =	vld [tilespmem:s10+$0x5270]  }
0xb6: {  	v12 =	vld [tilespmem:s10+$0x200]  }
0xb7: {  	v13 =	vld [tilespmem:s10+$0x210]  }
0xb8: {  	v10 =	vld [tilespmem:s10+$0x220]  }
0xb9: {  	v9 =	vld [tilespmem:s10+$0x230]  }
0xba: {  	v8 =	vld [tilespmem:s10+$0x240]  }
0xbb: {  	v7 =	vld [tilespmem:s10+$0x250];
	v12 =	vadd.f32 v6, v12  }
0xbc: {  	s11 =	simm.s32 $0x200;
	v11 =	vadd.f32 v11, v13;
	v6 =	vld [tilespmem:s10+$0x260]  }
.LBB2_9:
0xbd: {  	s13 =	sshra.s32 s11, $0x2;
	p0 =	sne.s32 s11, $0x9E00;
	v12 =	vmax.f32 v12, $0.0e+00;
	v5 =	vadd.f32 v5, v10;
	v10 =	vld [tilespmem:s10+$0x270]  }
0xbe: {  	v13 =	vld [tilespmem:s13+$0x5200];
	[tilespmem:s10+$0x200] =	vst v12;
	v11 =	vmax.f32 v11, $0.0e+00;
	v4 =	vadd.f32 v4, v9  }
0xbf: {  	v14 =	vld [tilespmem:s13+$0x5210];
	[tilespmem:s10+$0x210] =	vst v11;
	v9 =	vmax.f32 v5, $0.0e+00;
	v3 =	vadd.f32 v3, v8  }
0xc0: {  	v5 =	vld [tilespmem:s13+$0x5220];
	[tilespmem:s10+$0x220] =	vst v9;
	v8 =	vmax.f32 v4, $0.0e+00;
	v2 =	vadd.f32 v2, v7  }
0xc1: {  	v4 =	vld [tilespmem:s13+$0x5230];
	[tilespmem:s10+$0x230] =	vst v8;
	v7 =	vmax.f32 v3, $0.0e+00;
	v1 =	vadd.f32 v1, v6  }
0xc2: {  	v3 =	vld [tilespmem:s13+$0x5240];
	[tilespmem:s10+$0x240] =	vst v7;
	v6 =	vmax.f32 v2, $0.0e+00;
	v0 =	vadd.f32 v0, v10  }
0xc3: {  	v2 =	vld [tilespmem:s13+$0x5250];
	[tilespmem:s10+$0x250] =	vst v6;
	v6 =	vmax.f32 v1, $0.0e+00  }
0xc4: {  	v1 =	vld [tilespmem:s13+$0x5260];
	[tilespmem:s10+$0x260] =	vst v6;
	v6 =	vmax.f32 v0, $0.0e+00  }
0xc5: {  	v0 =	vld [tilespmem:s13+$0x5270];
	[tilespmem:s10+$0x270] =	vst v6;
	s10 =	smov.u32 s13  }
0xc6: {  	v6 =	vld [tilespmem:s10+$0x200]  }
0xc7: {  	v11 =	vld [tilespmem:s10+$0x210]  }
.Ltmp4:
0xc8: {  	v10 =	vld [tilespmem:s10+$0x220];
	(pc) =	sbr.rel @p0 .LBB2_9-.Ltmp4, $4  }
0xc9: {  	v9 =	vld [tilespmem:s10+$0x230]  }
0xca: {  	v8 =	vld [tilespmem:s10+$0x240]  }
0xcb: {  	v12 =	vadd.f32 v13, v6;
	v7 =	vld [tilespmem:s10+$0x250]  }
0xcc: {  	s11 =	sadd.s32 $0x200, s11;
	v11 =	vadd.f32 v14, v11;
	v6 =	vld [tilespmem:s10+$0x260]  }
0xcd: {  	v12 =	vmax.f32 v12, $0.0e+00;
	v5 =	vadd.f32 v5, v10;
	v63 =	vld [tilespmem:s10+$0x270]  }
0xce: {  	[tilespmem:s10+$0x200] =	vst v12;
	v11 =	vmax.f32 v11, $0.0e+00;
	v4 =	vadd.f32 v4, v9  }
0xcf: {  	[tilespmem:s10+$0x210] =	vst v11;
	v5 =	vmax.f32 v5, $0.0e+00;
	v3 =	vadd.f32 v3, v8  }
0xd0: {  	[tilespmem:s10+$0x220] =	vst v5;
	v4 =	vmax.f32 v4, $0.0e+00;
	v2 =	vadd.f32 v2, v7  }
0xd1: {  	[tilespmem:s10+$0x230] =	vst v4;
	v3 =	vmax.f32 v3, $0.0e+00;
	v1 =	vadd.f32 v1, v6  }
0xd2: {  	[tilespmem:s10+$0x240] =	vst v3;
	v2 =	vmax.f32 v2, $0.0e+00;
	v0 =	vadd.f32 v0, v63  }
0xd3: {  	[tilespmem:s10+$0x250] =	vst v2;
	v1 =	vmax.f32 v1, $0.0e+00  }
0xd4: {  	[tilespmem:s10+$0x260] =	vst v1;
	v0 =	vmax.f32 v0, $0.0e+00  }
0xd5: {  	[tilespmem:s10+$0x270] =	vst v0  }
0xd6: {  	[spmem:s2] =	stream.indirect.scatter.add.f32 [tilespmem:s22], [sflag:$0x7], $0x80, s30, s21, $0xb8;
	[tilespmem:$0x1E200] =	vst v63  }
0xd7: {  	_ =	swait.ge [sflag:s19], $0x2800  }
0xd8: {  	[sflag:s19] =	ssyncset.done $0x0  }
0xd9: {  	s9 =	sadd.s32 $0x1, s9;
	[sflag:s19] =	ssyncadd.s32 $0xFFFFD800  }
0xda: {  	p0 =	sne.s32 s9, s16;
	[bflag:$0x0] =	sbarrier.arrive $0xFFFF  }
.Ltmp5:
0xdb: {  	s15 =	rddreg [dreg:$0x9];
	(pc) =	sbr.rel @p0 .LBB2_1-.Ltmp5, $4  }
0xdc: {  	[hbm:s15], [sflag:s12] =	dma.local [spmem:s18], $0x2800  }
0xdd: {  	_ =	swait.ge [sflag:s19], $0x2800  }
0xde: {  	[sflag:s19] =	ssyncset.done $0x0  }
0xdf: {  	[sflag:s19] =	ssyncadd.s32 $0xFFFFD800  }
0xe0: {  	_ =	sfence.sel $0x180000  }
0xe1: {  	[bflag:$0x0] =	sbarrier.arrive $0xFFFF  }
0xe2: {  	_ =	strace $0x9000004A  }
0xe3: {  	s0 =	stileid.u32;
	[bflag:$0x2] =	sbarrier.arrive $0xFFFF  }
0xe4: {  	p0 =	sne.s32 s0, $0x0;
	s0 =	rddreg [dreg:$0x3]  }
0xe5: {  	s0 =	sadd.s32 @!p0 $0x100000, s0  }
0xe6: {  	[sflag:s0] =	ssyncadd.tile.s32 @!p0 $0x1;
	_ =	shalt  }
.Lfunc_end2:
_tile_overlayer_lowered:
.L_overlay_start_2:
0xe7: {  	(tag) =	ssettag $0x2  }
0xe8: {  	s0 =	rddreg [dreg:$0x0];
	s2 =	stileid.u32  }
0xe9: {  	s1 =	rddreg [dreg:$0x1];
	p0 =	sne.s32 s2, $0x0  }
0xea: {  	s3 =	rddreg [dreg:$0x2];
	[bflag:$0x3] =	sbarrier.arrive $0xFFFF;
	s2 =	simm.s32 @!p0 $0x1C07  }
0xeb: {  	[timem:s3], [sflag:s2] =	dma.local @!p0 [hbm:s0], s1  }
0xec: {  	s0 =	simm.s32 @!p0 $0x7  }
0xed: {  	_ =	swait.ge @!p0 [sflag:s0], s1  }
0xee: {  	s1 =	ssub.s32 @!p0 $0x0, s1;
	[sflag:s0] =	ssyncset.done @!p0 $0x0  }
0xef: {  	[sflag:s0] =	ssyncadd.s32 @!p0 s1  }
0xf0: {  	[bflag:$0x3] =	sbarrier.arrive $0xFFFF  }
0xf1: {  	_ =	shalt  }

</sc_bundles>
